<compile_context>
chip_gen: v7x
topology: tpu7x:2x2x1
jax: 0.10.2.dev20260603
libtpu: 0.0.44.dev20260713+nightly
codegen_flags: <defaults>
</compile_context>

<pallas_src>
import functools

import jax
import jax.numpy as jnp
from jax import lax
from jax.experimental import pallas as pl
from jax.experimental.pallas import tpu as pltpu
from jax.experimental.pallas import tpu_sc as plsc

N = 10000
E = 320000
F_IN = 128
HID = 64

BLK = 2000
NSTEP = N // BLK
NP = 10240

K_E = 48
NWORK = 32
NCHUNK = 2 * (-(-(E + N) // (2 * NWORK * K_E)))
EPAD = NWORK * K_E * NCHUNK
ROWS_PER_SUB = NP // 16

_INTERPRET = False
_f32 = jnp.float32
_i32 = jnp.int32


def _pc(body, grid, in_specs, out_specs, out_shape, scratch_shapes=()):
    return pl.pallas_call(
        body,
        grid=grid,
        in_specs=in_specs,
        out_specs=out_specs,
        out_shape=out_shape,
        scratch_shapes=list(scratch_shapes),
        interpret=_INTERPRET,
    )


def _attn_tail(hp, att, i, ta_ref, m_ref, mx_ref):
    ta_ref[:, 0:64] = hp
    ta_ref[:, 64:72] = att[:, 0:8]
    ta_ref[:, 72:80] = att[:, 8:16]
    ta_ref[:, 80:128] = jnp.zeros((BLK, 48), _f32)
    bmax = jnp.max(att, axis=0, keepdims=True)

    @pl.when(i == 0)
    def _():
        mx_ref[...] = bmax

    @pl.when(i > 0)
    def _():
        mx_ref[...] = jnp.maximum(mx_ref[...], bmax)

    @pl.when(i == NSTEP - 1)
    def _():
        s = mx_ref[0, 0:8] + mx_ref[0, 8:16]
        m_ref[0, 0:8] = jnp.maximum(s, 0.2 * s)
        m_ref[0, 8:16] = jnp.full((8,), 1e30, _f32)


def _prelude_body(x_ref, w_ref, b_ref, wg_ref, asd_ref, ta_ref, m_ref,
                  mx_ref):
    i = pl.program_id(0)
    h = jnp.dot(x_ref[...], w_ref[...], preferred_element_type=_f32)
    h = jnp.maximum(h + b_ref[...], 0.0)
    hp = jnp.dot(h, wg_ref[...], preferred_element_type=_f32)
    att = jnp.dot(hp, asd_ref[...], preferred_element_type=_f32)
    _attn_tail(hp, att, i, ta_ref, m_ref, mx_ref)


def _merge_body(a0_ref, a1_ref, bg_ref, r_ref, x1_ref, st_ref, s1_ref, s2_ref):
    i = pl.program_id(0)
    s = a0_ref[...] + a1_ref[...]
    inv = 1.0 / jnp.maximum(s[:, 64:72], 1e-30)
    invb = jnp.dot(inv, r_ref[...], preferred_element_type=_f32)
    x1 = s[:, 0:64] * invb + bg_ref[...]
    x1_ref[...] = x1
    ps = jnp.sum(x1, axis=0, keepdims=True)
    ps2 = jnp.sum(x1 * x1, axis=0, keepdims=True)

    @pl.when(i == 0)
    def _():
        s1_ref[...] = ps
        s2_ref[...] = ps2

    @pl.when(i > 0)
    def _():
        s1_ref[...] += ps
        s2_ref[...] += ps2

    @pl.when(i == NSTEP - 1)
    def _():
        mean = s1_ref[...] / N
        st_ref[0:1, :] = mean
        st_ref[1:2, :] = s2_ref[...] / N - mean * mean


def _bn_relu(x1, st_ref, g_ref, be_ref):
    xn = (x1 - st_ref[0:1, :]) * lax.rsqrt(st_ref[1:2, :] + 1e-5)
    return jnp.maximum(xn * g_ref[...] + be_ref[...], 0.0)


def _transform_body(x1_ref, st_ref, g_ref, be_ref, wg_ref, asd_ref, ta_ref,
                    m_ref, mx_ref):
    i = pl.program_id(0)
    h = _bn_relu(x1_ref[...], st_ref, g_ref, be_ref)
    hp = jnp.dot(h, wg_ref[...], preferred_element_type=_f32)
    att = jnp.dot(hp, asd_ref[...], preferred_element_type=_f32)
    _attn_tail(hp, att, i, ta_ref, m_ref, mx_ref)


def _final_body(x1_ref, st_ref, g_ref, be_ref, w1_ref, b1_ref, w2_ref, b2_ref,
                o_ref, ps_ref):
    i = pl.program_id(0)
    h = _bn_relu(x1_ref[...], st_ref, g_ref, be_ref)
    ps = jnp.sum(h, axis=0, keepdims=True)

    @pl.when(i == 0)
    def _():
        ps_ref[...] = ps

    @pl.when(i > 0)
    def _():
        ps_ref[...] += ps

    @pl.when(i == NSTEP - 1)
    def _():
        pooled = ps_ref[...] / N
        z = jnp.dot(pooled, w1_ref[...], preferred_element_type=_f32)
        z = jnp.maximum(z + b1_ref[...], 0.0)
        o = jnp.dot(z, w2_ref[...], preferred_element_type=_f32)
        o_ref[...] = o + b2_ref[...]


_TAB_SPECS = [
    pl.BlockSpec((BLK, 128), lambda i: (i, 0)),
    pl.BlockSpec((1, 16), lambda i: (0, 0)),
]
_TAB_SHAPES = [
    jax.ShapeDtypeStruct((N, 128), _f32),
    jax.ShapeDtypeStruct((1, 16), _f32),
]


def _prelude(x, w_in_t, b_in, wg_t, asd):
    return _pc(
        _prelude_body,
        grid=(NSTEP,),
        in_specs=[
            pl.BlockSpec((BLK, F_IN), lambda i: (i, 0)),
            pl.BlockSpec((F_IN, HID), lambda i: (0, 0)),
            pl.BlockSpec((1, HID), lambda i: (0, 0)),
            pl.BlockSpec((HID, HID), lambda i: (0, 0)),
            pl.BlockSpec((HID, 16), lambda i: (0, 0)),
        ],
        out_specs=_TAB_SPECS,
        out_shape=_TAB_SHAPES,
        scratch_shapes=[pltpu.VMEM((1, 16), _f32)],
    )(x, w_in_t, b_in, wg_t, asd)


def _merge(acc0, acc1, bg, rmat):
    return _pc(
        _merge_body,
        grid=(NSTEP,),
        in_specs=[
            pl.BlockSpec((BLK, 128), lambda i: (i, 0)),
            pl.BlockSpec((BLK, 128), lambda i: (i, 0)),
            pl.BlockSpec((1, HID), lambda i: (0, 0)),
            pl.BlockSpec((8, HID), lambda i: (0, 0)),
        ],
        out_specs=[
            pl.BlockSpec((BLK, HID), lambda i: (i, 0)),
            pl.BlockSpec((2, HID), lambda i: (0, 0)),
        ],
        out_shape=[
            jax.ShapeDtypeStruct((N, HID), _f32),
            jax.ShapeDtypeStruct((2, HID), _f32),
        ],
        scratch_shapes=[pltpu.VMEM((1, HID), _f32), pltpu.VMEM((1, HID), _f32)],
    )(acc0, acc1, bg, rmat)


def _transform(x1, st, g, be, wg_t, asd):
    return _pc(
        _transform_body,
        grid=(NSTEP,),
        in_specs=[
            pl.BlockSpec((BLK, HID), lambda i: (i, 0)),
            pl.BlockSpec((2, HID), lambda i: (0, 0)),
            pl.BlockSpec((1, HID), lambda i: (0, 0)),
            pl.BlockSpec((1, HID), lambda i: (0, 0)),
            pl.BlockSpec((HID, HID), lambda i: (0, 0)),
            pl.BlockSpec((HID, 16), lambda i: (0, 0)),
        ],
        out_specs=_TAB_SPECS,
        out_shape=_TAB_SHAPES,
        scratch_shapes=[pltpu.VMEM((1, 16), _f32)],
    )(x1, st, g, be, wg_t, asd)


def _final(x1, st, g, be, w1_t, b1, w2_t, b2):
    return _pc(
        _final_body,
        grid=(NSTEP,),
        in_specs=[
            pl.BlockSpec((BLK, HID), lambda i: (i, 0)),
            pl.BlockSpec((2, HID), lambda i: (0, 0)),
            pl.BlockSpec((1, HID), lambda i: (0, 0)),
            pl.BlockSpec((1, HID), lambda i: (0, 0)),
            pl.BlockSpec((HID, HID // 2), lambda i: (0, 0)),
            pl.BlockSpec((1, HID // 2), lambda i: (0, 0)),
            pl.BlockSpec((HID // 2, 2), lambda i: (0, 0)),
            pl.BlockSpec((1, 2), lambda i: (0, 0)),
        ],
        out_specs=pl.BlockSpec((1, 2), lambda i: (0, 0)),
        out_shape=jax.ShapeDtypeStruct((1, 2), _f32),
        scratch_shapes=[pltpu.VMEM((1, HID), _f32)],
    )(x1, st, g, be, w1_t, b1, w2_t, b2)


def _dyn_gather16(x, idx):
    dn = lax.GatherDimensionNumbers(offset_dims=(), collapsed_slice_dims=(0,),
                                    start_index_map=(0,))
    return lax.gather(x, idx.reshape(16, 1), dn, (1,),
                      mode=lax.GatherScatterMode.PROMISE_IN_BOUNDS)


def _edge_sc(t_all, m16, csd, dsts):
    mesh = plsc.VectorSubcoreMesh(core_axis_name="c", subcore_axis_name="s")

    @functools.partial(
        pl.kernel,
        out_type=jax.ShapeDtypeStruct((2 * NP, 128), _f32),
        mesh=mesh,
        scratch_types=[
            pltpu.VMEM((2 * K_E,), _i32),
            pltpu.VMEM((2 * K_E,), _i32),
            pltpu.VMEM((K_E,), _i32),
            pltpu.VMEM((2 * K_E, 128), _f32),
            pltpu.VMEM((2 * K_E, 128), _f32),
            pltpu.VMEM((K_E, 128), _f32),
            pltpu.VMEM((16,), _f32),
            pltpu.VMEM_SHARED((NP, 128), _f32),
            pltpu.SemaphoreType.DMA,
            pltpu.SemaphoreType.DMA,
        ],
    )
    def k(ta_hbm, m_hbm, csd_hbm, dsts_hbm, out_hbm,
          cidxa, cidxb, didxs, rowsa, rowsb, stage, m_v, acc, sema, semb):
        cid = lax.axis_index("c")
        sid = lax.axis_index("s")
        wid = sid * 2 + cid
        row0 = sid * ROWS_PER_SUB

        @pl.loop(0, K_E)
        def _(r):
            @pl.loop(0, 128, step=16)
            def _(cc):
                stage[r, pl.ds(cc, 16)] = jnp.zeros((16,), _f32)

        @pl.loop(0, ROWS_PER_SUB, step=K_E)
        def _(rr):
            pltpu.sync_copy(stage, acc.at[pl.ds(row0 + rr, K_E)])

        pltpu.sync_copy(m_hbm, m_v)
        plsc.subcore_barrier()

        iota = lax.iota(_i32, 16)
        ib = lax.shift_right_logical(iota, 3)
        rot8 = lax.bitwise_and(iota + 8, 15)

        def fetch_idx(ck, cidx_b):
            k2 = wid * NCHUNK + ck
            pltpu.sync_copy(csd_hbm.at[pl.ds(k2 * 2 * K_E, 2 * K_E)], cidx_b)

        def compute_scatter(ck, rows_b):
            k2 = wid * NCHUNK + ck
            pltpu.sync_copy(dsts_hbm.at[pl.ds(k2 * K_E, K_E)], didxs)
            mv = m_v[...]

            @plsc.parallel_loop(0, K_E, unroll=4)
            def _(e):
                asr = rows_b[e, pl.ds(64, 16)]
                ads = _dyn_gather16(rows_b[K_E + e, pl.ds(64, 16)], rot8)
                a = asr + ads
                a = jnp.maximum(a, 0.2 * a)
                ex = jnp.exp(a - mv)
                stage[e, pl.ds(64, 16)] = ex
                for g in range(4):
                    exb = _dyn_gather16(ex, ib + (2 * g))
                    stage[e, pl.ds(16 * g, 16)] = (
                        exb * rows_b[e, pl.ds(16 * g, 16)])

            pltpu.sync_copy(stage, acc.at[didxs], add=True)

        fetch_idx(0, cidxa)
        pltpu.async_copy(ta_hbm.at[cidxa], rowsa, sema)

        @pl.loop(0, NCHUNK, step=2)
        def _(ck):
            pltpu.make_async_copy(ta_hbm.at[cidxa], rowsa, sema).wait()
            fetch_idx(ck + 1, cidxb)
            pltpu.async_copy(ta_hbm.at[cidxb], rowsb, semb)
            compute_scatter(ck, rowsa)
            pltpu.make_async_copy(ta_hbm.at[cidxb], rowsb, semb).wait()

            @pl.when(ck + 2 < NCHUNK)
            def _():
                fetch_idx(ck + 2, cidxa)
                pltpu.async_copy(ta_hbm.at[cidxa], rowsa, sema)

            compute_scatter(ck + 1, rowsb)

        plsc.subcore_barrier()
        pltpu.sync_copy(acc.at[pl.ds(row0, ROWS_PER_SUB)],
                        out_hbm.at[pl.ds(cid * NP + row0, ROWS_PER_SUB)])

    accs = k(t_all, m16, csd, dsts)
    return accs[:NP], accs[NP:]


def _asd(a_s, a_d):
    rows = jnp.arange(64)
    heads = rows // 8
    a = jnp.zeros((64, 16), _f32)
    a = a.at[rows, heads].set(a_s.reshape(64).astype(_f32))
    a = a.at[rows, 8 + heads].set(a_d.reshape(64).astype(_f32))
    return a


def kernel(x, edge_index, W_in, b_in, Wg0, as0, ad0, bg0, g0, be0, Wg1, as1,
           ad1, bg1, g1, be1, Wg2, as2, ad2, bg2, g2, be2, W_fc1, b_fc1,
           W_fc2, b_fc2):
    loop = jnp.arange(N, dtype=edge_index.dtype)
    npad = EPAD - (E + N)
    src = jnp.concatenate(
        [edge_index[0], loop, jnp.zeros((npad,), edge_index.dtype)])
    dstg = jnp.concatenate(
        [edge_index[1], loop, jnp.zeros((npad,), edge_index.dtype)])
    dsts = jnp.concatenate(
        [edge_index[1], loop, jnp.full((npad,), N, edge_index.dtype)])
    csd = jnp.concatenate(
        [src.reshape(-1, K_E), dstg.reshape(-1, K_E)], axis=1).reshape(-1)

    rmat = jnp.repeat(jnp.eye(8, dtype=_f32), 8, axis=1)
    asds = [_asd(as0, ad0), _asd(as1, ad1), _asd(as2, ad2)]
    wgs = [Wg0.T, Wg1.T, Wg2.T]
    bgs = [bg0[None, :], bg1[None, :], bg2[None, :]]
    gs = [g0[None, :], g1[None, :], g2[None, :]]
    bes = [be0[None, :], be1[None, :], be2[None, :]]

    ta, m16 = _prelude(x, W_in.T, b_in[None, :], wgs[0], asds[0])
    for layer in range(3):
        acc0, acc1 = _edge_sc(ta, m16.reshape(16), csd, dsts)
        x1, st = _merge(acc0, acc1, bgs[layer], rmat)
        if layer < 2:
            ta, m16 = _transform(x1, st, gs[layer], bes[layer],
                                 wgs[layer + 1], asds[layer + 1])
        else:
            out = _final(x1, st, gs[layer], bes[layer], W_fc1.T,
                         b_fc1[None, :], W_fc2.T, b_fc2[None, :])
    return out

# --- scband reference (transcript-rebuilt; emitter-appended) ---
"""Pipeline reference for scband-gatvulnerability-detector-8443905704439 (READ-ONLY COPY).

The authoritative reference and input builder live on the scoring server;
editing this copy changes nothing except your own understanding.
"""

import jax, jax.numpy as jnp
import numpy as np

N = 10000
E = 320000
F_IN = 128
HID = 64
H = 8
C = 8

def setup_inputs(seed: int = 0):
    key = jax.random.key(seed)
    ks = jax.random.split(key, 32)
    s = 0.05
    inp = {}
    inp["x"] = jax.random.normal(ks[0], (N, F_IN), dtype=jnp.float32)
    inp["edge_index"] = jax.random.randint(ks[1], (2, E), 0, N, dtype=jnp.int32)
    inp["W_in"] = jax.random.normal(ks[2], (HID, F_IN), dtype=jnp.float32) * s
    inp["b_in"] = jnp.zeros((HID,), dtype=jnp.float32)
    for i in range(3):
        inp["Wg%d" % i] = jax.random.normal(ks[3 + 4 * i], (H * C, HID), dtype=jnp.float32) * s
        inp["as%d" % i] = jax.random.normal(ks[4 + 4 * i], (1, H, C), dtype=jnp.float32) * s
        inp["ad%d" % i] = jax.random.normal(ks[5 + 4 * i], (1, H, C), dtype=jnp.float32) * s
        inp["bg%d" % i] = jnp.zeros((H * C,), dtype=jnp.float32)
        inp["g%d" % i] = jnp.ones((HID,), dtype=jnp.float32)
        inp["be%d" % i] = jnp.zeros((HID,), dtype=jnp.float32)
    inp["W_fc1"] = jax.random.normal(ks[16], (HID // 2, HID), dtype=jnp.float32) * s
    inp["b_fc1"] = jnp.zeros((HID // 2,), dtype=jnp.float32)
    inp["W_fc2"] = jax.random.normal(ks[17], (2, HID // 2), dtype=jnp.float32) * s
    inp["b_fc2"] = jnp.zeros((2,), dtype=jnp.float32)
    return inp

def _gat_layer(x, src, dst, W, a_s, a_d, b):
    h = (x @ W.T).reshape(N, H, C)
    asrc = (h * a_s[0]).sum(-1)
    adst = (h * a_d[0]).sum(-1)
    alpha = jax.nn.leaky_relu(asrc[src] + adst[dst], 0.2)
    amax = jax.lax.stop_gradient(jax.ops.segment_max(alpha, dst, num_segments=N))
    ex = jnp.exp(alpha - amax[dst])
    den = jax.ops.segment_sum(ex, dst, num_segments=N)
    coef = ex / den[dst]
    out = jax.ops.segment_sum(h[src] * coef[:, :, None], dst, num_segments=N)
    return out.reshape(N, H * C) + b

def _bn(x, g, be):
    m = jnp.mean(x, axis=0)
    v = jnp.var(x, axis=0)
    return (x - m) / jnp.sqrt(v + 1e-5) * g + be

def _forward(x, edge_index, W_in, b_in, gat_params, bn_params, W_fc1, b_fc1, W_fc2, b_fc2):
    loop = jnp.arange(N, dtype=edge_index.dtype)
    src = jnp.concatenate([edge_index[0], loop])
    dst = jnp.concatenate([edge_index[1], loop])
    h = jax.nn.relu(x @ W_in.T + b_in)
    for (W, a_s, a_d, b), (g, be) in zip(gat_params, bn_params):
        h = _gat_layer(h, src, dst, W, a_s, a_d, b)
        h = jax.nn.relu(_bn(h, g, be))
    pooled = jnp.mean(h, axis=0, keepdims=True)
    z = jax.nn.relu(pooled @ W_fc1.T + b_fc1)
    return z @ W_fc2.T + b_fc2

def reference(x, edge_index, W_in, b_in, Wg0, as0, ad0, bg0, g0, be0, Wg1, as1, ad1, bg1, g1, be1, Wg2, as2, ad2, bg2, g2, be2, W_fc1, b_fc1, W_fc2, b_fc2):
    gat_params = [(Wg0, as0, ad0, bg0), (Wg1, as1, ad1, bg1), (Wg2, as2, ad2, bg2)]
    bn_params = [(g0, be0), (g1, be1), (g2, be2)]
    return _forward(x, edge_index, W_in, b_in, gat_params, bn_params, W_fc1, b_fc1, W_fc2, b_fc2)

if __name__ == "__main__":
    import jax
    _d = setup_inputs()
    print(jax.jit(kernel)(*tuple(_d.values())))

</pallas_src>

<mosaic_0001>
#map = affine_map<(d0, d1) -> (0, 0)>
#map1 = affine_map<(d0, d1) -> (0)>
module attributes {stable_mosaic.version = 14 : i64} {
  func.func @k(%arg0: i32, %arg1: i32, %arg2: memref<10000x128xf32, #tpu.memory_space<hbm>>, %arg3: memref<16xf32, #tpu.memory_space<hbm>>, %arg4: memref<663552xi32, #tpu.memory_space<hbm>>, %arg5: memref<331776xi32, #tpu.memory_space<hbm>>, %arg6: memref<20480x128xf32, #tpu.memory_space<hbm>>, %arg7: memref<96xi32, #tpu.memory_space<vmem>>, %arg8: memref<96xi32, #tpu.memory_space<vmem>>, %arg9: memref<48xi32, #tpu.memory_space<vmem>>, %arg10: memref<96x128xf32, #tpu.memory_space<vmem>>, %arg11: memref<96x128xf32, #tpu.memory_space<vmem>>, %arg12: memref<48x128xf32, #tpu.memory_space<vmem>>, %arg13: memref<16xf32, #tpu.memory_space<vmem>>, %arg14: memref<10240x128xf32, #tpu.memory_space<vmem_shared>>, %arg15: memref<!tpu.dma_semaphore, #tpu.memory_space<semaphore_mem>>, %arg16: memref<!tpu.dma_semaphore, #tpu.memory_space<semaphore_mem>>) attributes {dimension_semantics = [#tpu.dimension_semantics<core_parallel>, #tpu.dimension_semantics<subcore_parallel>], iteration_bounds = array<i64: 2, 16>, scalar_prefetch = 0 : i64, scratch_operands = 10 : i64, tpu.core_type = #tpu.core_type<sc_vector_subcore>, window_params = [{transform_indices = #map}, {transform_indices = #map1}, {transform_indices = #map1}, {transform_indices = #map1}, {transform_indices = #map}]} {
    %mul3A = arith.constant 2 : i32
    %mul3A_0 = arith.muli %arg1, %mul3A : i32
    %add3A = arith.addi %mul3A_0, %arg0 : i32
    %mul3A_1 = arith.constant 640 : i32
    %mul3A_2 = arith.muli %arg1, %mul3A_1 : i32
    %scan3A = arith.constant 0 : i32
    %scan3A_3 = arith.constant 48 : i32
    %scan3A_4 = arith.addi %scan3A, %scan3A_3 : i32
    %scan3A_5 = arith.constant 1 : i32
    scf.for %scan3A_38 = %scan3A to %scan3A_4 step %scan3A_5  : i32 {
      %mul3A_39 = arith.constant 1 : i32
      %mul3A_40 = arith.muli %scan3A_38, %mul3A_39 : i32
      %add3A_41 = arith.constant 0 : i32
      %add3A_42 = arith.addi %add3A_41, %mul3A_40 : i32
      %scan3A_43 = arith.constant 0 : i32
      %scan3A_44 = arith.constant 8 : i32
      %scan3A_45 = arith.addi %scan3A_43, %scan3A_44 : i32
      %scan3A_46 = arith.constant 1 : i32
      scf.for %scan3A_48 = %scan3A_43 to %scan3A_45 step %scan3A_46  : i32 {
        %mul3A_49 = arith.constant 16 : i32
        %mul3A_50 = arith.muli %scan3A_48, %mul3A_49 : i32
        %add3A_51 = arith.constant 0 : i32
        %add3A_52 = arith.addi %add3A_51, %mul3A_50 : i32
        %broadcast_in_dim3A = arith.constant 0.000000e+00 : f32
        %broadcast_in_dim3A_53 = vector.broadcast %broadcast_in_dim3A : f32 to vector<16xf32>
        %swap3A = arith.index_cast %add3A_42 : i32 to index
        %swap3A_54 = arith.index_cast %add3A_52 : i32 to index
        %swap3A_55 = tpu.vector_load %arg12[%swap3A, %swap3A_54] {strides = array<i32>} : memref<48x128xf32, #tpu.memory_space<vmem>>, vector<1x16xf32>,
        %swap3A_56 = vector.shape_cast %swap3A_55 : vector<1x16xf32> to vector<16xf32>
        %swap3A_57 = vector.shape_cast %broadcast_in_dim3A_53 : vector<16xf32> to vector<1x16xf32>
        tpu.vector_store %arg12[%swap3A, %swap3A_54], %swap3A_57 {strides = array<i32>} : memref<48x128xf32, #tpu.memory_space<vmem>>, vector<1x16xf32>,
      }
      %scan3A_47 = arith.constant 8 : i32
    }
    %scan3A_6 = arith.constant 48 : i32
    %scan3A_7 = arith.constant 0 : i32
    %scan3A_8 = arith.constant 14 : i32
    %scan3A_9 = arith.addi %scan3A_7, %scan3A_8 : i32
    %scan3A_10 = arith.constant 1 : i32
    scf.for %scan3A_38 = %scan3A_7 to %scan3A_9 step %scan3A_10  : i32 {
      %mul3A_39 = arith.constant 48 : i32
      %mul3A_40 = arith.muli %scan3A_38, %mul3A_39 : i32
      %add3A_41 = arith.constant 0 : i32
      %add3A_42 = arith.addi %add3A_41, %mul3A_40 : i32
      %add3A_43 = arith.addi %mul3A_2, %add3A_42 : i32
      "tpu.region"() ({
        %run_scoped3A = tpu.sem_alloc : memref<!tpu.dma_semaphore, #tpu.memory_space<semaphore_mem>>
        %dma_start3A_44 = arith.constant 0 : i32
        %dma_start3A_45 = tpu.memref_slice %arg14[%add3A_43, %dma_start3A_44] : memref<10240x128xf32, #tpu.memory_space<vmem_shared>> -> memref<48x128xf32, #tpu.memory_space<vmem_shared>>
        %dma_start3A_46 = arith.constant 0 : i32
        %dma_start3A_47 = tpu.memref_slice %arg14[%add3A_43, %dma_start3A_46] : memref<10240x128xf32, #tpu.memory_space<vmem_shared>> -> memref<48x128xf32, #tpu.memory_space<vmem_shared>>
        tpu.enqueue_dma source(%arg12 : memref<48x128xf32, #tpu.memory_space<vmem>>) target(%dma_start3A_47 : memref<48x128xf32, #tpu.memory_space<vmem_shared>>) target_semaphore(%run_scoped3A : memref<!tpu.dma_semaphore, #tpu.memory_space<semaphore_mem>>)
        %dma_wait3A = arith.constant 0 : i32
        %dma_wait3A_48 = tpu.memref_slice %arg14[%add3A_43, %dma_wait3A] : memref<10240x128xf32, #tpu.memory_space<vmem_shared>> -> memref<48x128xf32, #tpu.memory_space<vmem_shared>>
        %dma_wait3A_49 = arith.constant 0 : i32
        %dma_wait3A_50 = tpu.memref_slice %arg14[%add3A_43, %dma_wait3A_49] : memref<10240x128xf32, #tpu.memory_space<vmem_shared>> -> memref<48x128xf32, #tpu.memory_space<vmem_shared>>
        tpu.wait_dma2 semaphore(%run_scoped3A : memref<!tpu.dma_semaphore, #tpu.memory_space<semaphore_mem>>) src(%arg12 : memref<48x128xf32, #tpu.memory_space<vmem>>) dst(%dma_wait3A_50 : memref<48x128xf32, #tpu.memory_space<vmem_shared>>)
        tpu.yield
      }) : () -> ()
    }
    %scan3A_11 = arith.constant 14 : i32
    "tpu.region"() ({
      %run_scoped3A = tpu.sem_alloc : memref<!tpu.dma_semaphore, #tpu.memory_space<semaphore_mem>>
      tpu.enqueue_dma source(%arg3 : memref<16xf32, #tpu.memory_space<hbm>>) target(%arg13 : memref<16xf32, #tpu.memory_space<vmem>>) target_semaphore(%run_scoped3A : memref<!tpu.dma_semaphore, #tpu.memory_space<semaphore_mem>>)
      tpu.wait_dma2 semaphore(%run_scoped3A : memref<!tpu.dma_semaphore, #tpu.memory_space<semaphore_mem>>) src(%arg3 : memref<16xf32, #tpu.memory_space<hbm>>) dst(%arg13 : memref<16xf32, #tpu.memory_space<vmem>>)
      tpu.yield
    }) : () -> ()
    %barrier3A = arith.constant 0 : index
    tpu.barrier barrier_id(%barrier3A)
    %iota3A = tpu.iota {dimensions = array<i32: 0>} : vector<16xi32>
    %shift_right_logical3A = arith.constant 3 : i32
    %shift_right_logical3A_12 = vector.broadcast %shift_right_logical3A : i32 to vector<16xi32>
    %shift_right_logical3A_13 = arith.shrui %iota3A, %shift_right_logical3A_12 : vector<16xi32>
    %add3A_14 = arith.constant 8 : i32
    %add3A_15 = vector.broadcast %add3A_14 : i32 to vector<16xi32>
    %add3A_16 = arith.addi %iota3A, %add3A_15 : vector<16xi32>
    %and3A = arith.constant 15 : i32
    %and3A_17 = vector.broadcast %and3A : i32 to vector<16xi32>
    %and3A_18 = arith.andi %add3A_16, %and3A_17 : vector<16xi32>
    %mul3A_19 = arith.constant 216 : i32
    %mul3A_20 = arith.muli %add3A, %mul3A_19 : i32
    %add3A_21 = arith.constant 0 : i32
    %add3A_22 = arith.addi %mul3A_20, %add3A_21 : i32
    %mul3A_23 = arith.constant 2 : i32
    %mul3A_24 = arith.muli %add3A_22, %mul3A_23 : i32
    %mul3A_25 = arith.constant 48 : i32
    %mul3A_26 = arith.muli %mul3A_24, %mul3A_25 : i32
    "tpu.region"() ({
      %run_scoped3A = tpu.sem_alloc : memref<!tpu.dma_semaphore, #tpu.memory_space<semaphore_mem>>
      %dma_start3A_38 = tpu.memref_slice %arg4[%mul3A_26] : memref<663552xi32, #tpu.memory_space<hbm>> -> memref<96xi32, #tpu.memory_space<hbm>>
      %dma_start3A_39 = tpu.memref_slice %arg4[%mul3A_26] : memref<663552xi32, #tpu.memory_space<hbm>> -> memref<96xi32, #tpu.memory_space<hbm>>
      tpu.enqueue_dma source(%dma_start3A_39 : memref<96xi32, #tpu.memory_space<hbm>>) target(%arg7 : memref<96xi32, #tpu.memory_space<vmem>>) target_semaphore(%run_scoped3A : memref<!tpu.dma_semaphore, #tpu.memory_space<semaphore_mem>>)
      %dma_wait3A = tpu.memref_slice %arg4[%mul3A_26] : memref<663552xi32, #tpu.memory_space<hbm>> -> memref<96xi32, #tpu.memory_space<hbm>>
      %dma_wait3A_40 = tpu.memref_slice %arg4[%mul3A_26] : memref<663552xi32, #tpu.memory_space<hbm>> -> memref<96xi32, #tpu.memory_space<hbm>>
      tpu.wait_dma2 semaphore(%run_scoped3A : memref<!tpu.dma_semaphore, #tpu.memory_space<semaphore_mem>>) src(%dma_wait3A_40 : memref<96xi32, #tpu.memory_space<hbm>>) dst(%arg7 : memref<96xi32, #tpu.memory_space<vmem>>)
      tpu.yield
    }) : () -> ()
    %dma_start3A = arith.constant 0 : i32
    %dma_start3A_27 = arith.constant 0 : i32
    %dma_start3A_28 = tpu.memref_slice %arg2[%dma_start3A, %dma_start3A_27] : memref<10000x128xf32, #tpu.memory_space<hbm>> -> memref<10000x128xf32, #tpu.memory_space<hbm>>
    tpu.enqueue_indirect_dma source(%dma_start3A_28 : memref<10000x128xf32, #tpu.memory_space<hbm>>) target(%arg10 : memref<96x128xf32, #tpu.memory_space<vmem>>) offsets(%arg7 : memref<96xi32, #tpu.memory_space<vmem>>) semaphore(%arg15 : memref<!tpu.dma_semaphore, #tpu.memory_space<semaphore_mem>>)
    %scan3A_29 = arith.constant 0 : i32
    %scan3A_30 = arith.constant 108 : i32
    %scan3A_31 = arith.addi %scan3A_29, %scan3A_30 : i32
    %scan3A_32 = arith.constant 1 : i32
    scf.for %scan3A_38 = %scan3A_29 to %scan3A_31 step %scan3A_32  : i32 {
      %mul3A_39 = arith.constant 2 : i32
      %mul3A_40 = arith.muli %scan3A_38, %mul3A_39 : i32
      %add3A_41 = arith.constant 0 : i32
      %add3A_42 = arith.addi %add3A_41, %mul3A_40 : i32
      %dma_wait3A = arith.constant 0 : i32
      %dma_wait3A_43 = arith.constant 0 : i32
      %dma_wait3A_44 = tpu.memref_slice %arg2[%dma_wait3A, %dma_wait3A_43] : memref<10000x128xf32, #tpu.memory_space<hbm>> -> memref<10000x128xf32, #tpu.memory_space<hbm>>
      tpu.wait_indirect_dma semaphore(%arg15 : memref<!tpu.dma_semaphore, #tpu.memory_space<semaphore_mem>>) src(%dma_wait3A_44 : memref<10000x128xf32, #tpu.memory_space<hbm>>) dst(%arg10 : memref<96x128xf32, #tpu.memory_space<vmem>>)
      %add3A_45 = arith.constant 1 : i32
      %add3A_46 = arith.addi %add3A_42, %add3A_45 : i32
      %mul3A_47 = arith.constant 216 : i32
      %mul3A_48 = arith.muli %add3A, %mul3A_47 : i32
      %add3A_49 = arith.addi %mul3A_48, %add3A_46 : i32
      %mul3A_50 = arith.constant 2 : i32
      %mul3A_51 = arith.muli %add3A_49, %mul3A_50 : i32
      %mul3A_52 = arith.constant 48 : i32
      %mul3A_53 = arith.muli %mul3A_51, %mul3A_52 : i32
      "tpu.region"() ({
        %run_scoped3A = tpu.sem_alloc : memref<!tpu.dma_semaphore, #tpu.memory_space<semaphore_mem>>
        %dma_start3A_86 = tpu.memref_slice %arg4[%mul3A_53] : memref<663552xi32, #tpu.memory_space<hbm>> -> memref<96xi32, #tpu.memory_space<hbm>>
        %dma_start3A_87 = tpu.memref_slice %arg4[%mul3A_53] : memref<663552xi32, #tpu.memory_space<hbm>> -> memref<96xi32, #tpu.memory_space<hbm>>
        tpu.enqueue_dma source(%dma_start3A_87 : memref<96xi32, #tpu.memory_space<hbm>>) target(%arg8 : memref<96xi32, #tpu.memory_space<vmem>>) target_semaphore(%run_scoped3A : memref<!tpu.dma_semaphore, #tpu.memory_space<semaphore_mem>>)
        %dma_wait3A_88 = tpu.memref_slice %arg4[%mul3A_53] : memref<663552xi32, #tpu.memory_space<hbm>> -> memref<96xi32, #tpu.memory_space<hbm>>
        %dma_wait3A_89 = tpu.memref_slice %arg4[%mul3A_53] : memref<663552xi32, #tpu.memory_space<hbm>> -> memref<96xi32, #tpu.memory_space<hbm>>
        tpu.wait_dma2 semaphore(%run_scoped3A : memref<!tpu.dma_semaphore, #tpu.memory_space<semaphore_mem>>) src(%dma_wait3A_89 : memref<96xi32, #tpu.memory_space<hbm>>) dst(%arg8 : memref<96xi32, #tpu.memory_space<vmem>>)
        tpu.yield
      }) : () -> ()
      %dma_start3A_54 = arith.constant 0 : i32
      %dma_start3A_55 = arith.constant 0 : i32
      %dma_start3A_56 = tpu.memref_slice %arg2[%dma_start3A_54, %dma_start3A_55] : memref<10000x128xf32, #tpu.memory_space<hbm>> -> memref<10000x128xf32, #tpu.memory_space<hbm>>
      tpu.enqueue_indirect_dma source(%dma_start3A_56 : memref<10000x128xf32, #tpu.memory_space<hbm>>) target(%arg11 : memref<96x128xf32, #tpu.memory_space<vmem>>) offsets(%arg8 : memref<96xi32, #tpu.memory_space<vmem>>) semaphore(%arg16 : memref<!tpu.dma_semaphore, #tpu.memory_space<semaphore_mem>>)
      %mul3A_57 = arith.constant 216 : i32
      %mul3A_58 = arith.muli %add3A, %mul3A_57 : i32
      %add3A_59 = arith.addi %mul3A_58, %add3A_42 : i32
      %mul3A_60 = arith.constant 48 : i32
      %mul3A_61 = arith.muli %add3A_59, %mul3A_60 : i32
      "tpu.region"() ({
        %run_scoped3A = tpu.sem_alloc : memref<!tpu.dma_semaphore, #tpu.memory_space<semaphore_mem>>
        %dma_start3A_86 = tpu.memref_slice %arg5[%mul3A_61] : memref<331776xi32, #tpu.memory_space<hbm>> -> memref<48xi32, #tpu.memory_space<hbm>>
        %dma_start3A_87 = tpu.memref_slice %arg5[%mul3A_61] : memref<331776xi32, #tpu.memory_space<hbm>> -> memref<48xi32, #tpu.memory_space<hbm>>
        tpu.enqueue_dma source(%dma_start3A_87 : memref<48xi32, #tpu.memory_space<hbm>>) target(%arg9 : memref<48xi32, #tpu.memory_space<vmem>>) target_semaphore(%run_scoped3A : memref<!tpu.dma_semaphore, #tpu.memory_space<semaphore_mem>>)
        %dma_wait3A_88 = tpu.memref_slice %arg5[%mul3A_61] : memref<331776xi32, #tpu.memory_space<hbm>> -> memref<48xi32, #tpu.memory_space<hbm>>
        %dma_wait3A_89 = tpu.memref_slice %arg5[%mul3A_61] : memref<331776xi32, #tpu.memory_space<hbm>> -> memref<48xi32, #tpu.memory_space<hbm>>
        tpu.wait_dma2 semaphore(%run_scoped3A : memref<!tpu.dma_semaphore, #tpu.memory_space<semaphore_mem>>) src(%dma_wait3A_89 : memref<48xi32, #tpu.memory_space<hbm>>) dst(%arg9 : memref<48xi32, #tpu.memory_space<vmem>>)
        tpu.yield
      }) : () -> ()
      %get3A = arith.constant 0 : index
      %get3A_62 = tpu.vector_load %arg13[%get3A] {strides = array<i32>} : memref<16xf32, #tpu.memory_space<vmem>>, vector<16xf32>,
      %get3A_63 = vector.shape_cast %get3A_62 : vector<16xf32> to vector<16xf32>
      %parallel_loop3A = arith.constant 0 : i32
      %parallel_loop3A_64 = arith.constant 48 : i32
      %parallel_loop3A_65 = arith.constant 1 : i32
      scf.for %parallel_loop3A_86 = %parallel_loop3A to %parallel_loop3A_64 step %parallel_loop3A_65  : i32 {
        %parallel_loop3A_87 = arith.index_cast %parallel_loop3A_86 : i32 to index
        %parallel_loop3A_88 = arith.constant 64 : index
        %parallel_loop3A_89 = tpu.vector_load %arg10[%parallel_loop3A_87, %parallel_loop3A_88] {strides = array<i32>} : memref<96x128xf32, #tpu.memory_space<vmem>>, vector<1x16xf32>,
        %parallel_loop3A_90 = vector.shape_cast %parallel_loop3A_89 : vector<1x16xf32> to vector<16xf32>
        %parallel_loop3A_91 = arith.constant 48 : i32
        %parallel_loop3A_92 = arith.addi %parallel_loop3A_91, %parallel_loop3A_86 : i32
        %parallel_loop3A_93 = arith.index_cast %parallel_loop3A_92 : i32 to index
        %parallel_loop3A_94 = arith.constant 64 : index
        %parallel_loop3A_95 = tpu.vector_load %arg10[%parallel_loop3A_93, %parallel_loop3A_94] {strides = array<i32>} : memref<96x128xf32, #tpu.memory_space<vmem>>, vector<1x16xf32>,
        %parallel_loop3A_96 = vector.shape_cast %parallel_loop3A_95 : vector<1x16xf32> to vector<16xf32>
        %parallel_loop3A_97 = vector.shape_cast %and3A_18 : vector<16xi32> to vector<16x1xi32>
        %parallel_loop3A_98 = vector.shape_cast %parallel_loop3A_97 : vector<16x1xi32> to vector<16xi32>
        %parallel_loop3A_99 = tpu.dynamic_gather %parallel_loop3A_96[%parallel_loop3A_98] in [0] : vector<16xf32>, vector<16xi32> -> vector<16xf32>
        %parallel_loop3A_100 = arith.addf %parallel_loop3A_90, %parallel_loop3A_99 : vector<16xf32>
        %parallel_loop3A_101 = arith.constant 2.000000e-01 : f32
        %parallel_loop3A_102 = vector.broadcast %parallel_loop3A_101 : f32 to vector<16xf32>
        %parallel_loop3A_103 = arith.mulf %parallel_loop3A_102, %parallel_loop3A_100 : vector<16xf32>
        %parallel_loop3A_104 = arith.maximumf %parallel_loop3A_100, %parallel_loop3A_103 : vector<16xf32>
        %parallel_loop3A_105 = arith.subf %parallel_loop3A_104, %get3A_63 : vector<16xf32>
        %parallel_loop3A_106 = math.exp %parallel_loop3A_105 : vector<16xf32>
        %parallel_loop3A_107 = arith.index_cast %parallel_loop3A_86 : i32 to index
        %parallel_loop3A_108 = arith.constant 64 : index
        %parallel_loop3A_109 = tpu.vector_load %arg12[%parallel_loop3A_107, %parallel_loop3A_108] {strides = array<i32>} : memref<48x128xf32, #tpu.memory_space<vmem>>, vector<1x16xf32>,
        %parallel_loop3A_110 = vector.shape_cast %parallel_loop3A_109 : vector<1x16xf32> to vector<16xf32>
        %parallel_loop3A_111 = vector.shape_cast %parallel_loop3A_106 : vector<16xf32> to vector<1x16xf32>
        tpu.vector_store %arg12[%parallel_loop3A_107, %parallel_loop3A_108], %parallel_loop3A_111 {strides = array<i32>} : memref<48x128xf32, #tpu.memory_space<vmem>>, vector<1x16xf32>,
        %parallel_loop3A_112 = arith.constant 0 : i32
        %parallel_loop3A_113 = vector.broadcast %parallel_loop3A_112 : i32 to vector<16xi32>
        %parallel_loop3A_114 = arith.addi %shift_right_logical3A_13, %parallel_loop3A_113 : vector<16xi32>
        %parallel_loop3A_115 = vector.shape_cast %parallel_loop3A_114 : vector<16xi32> to vector<16x1xi32>
        %parallel_loop3A_116 = vector.shape_cast %parallel_loop3A_115 : vector<16x1xi32> to vector<16xi32>
        %parallel_loop3A_117 = tpu.dynamic_gather %parallel_loop3A_106[%parallel_loop3A_116] in [0] : vector<16xf32>, vector<16xi32> -> vector<16xf32>
        %parallel_loop3A_118 = arith.index_cast %parallel_loop3A_86 : i32 to index
        %parallel_loop3A_119 = arith.constant 0 : index
        %parallel_loop3A_120 = tpu.vector_load %arg10[%parallel_loop3A_118, %parallel_loop3A_119] {strides = array<i32>} : memref<96x128xf32, #tpu.memory_space<vmem>>, vector<1x16xf32>,
        %parallel_loop3A_121 = vector.shape_cast %parallel_loop3A_120 : vector<1x16xf32> to vector<16xf32>
        %parallel_loop3A_122 = arith.mulf %parallel_loop3A_117, %parallel_loop3A_121 : vector<16xf32>
        %parallel_loop3A_123 = arith.index_cast %parallel_loop3A_86 : i32 to index
        %parallel_loop3A_124 = arith.constant 0 : index
        %parallel_loop3A_125 = tpu.vector_load %arg12[%parallel_loop3A_123, %parallel_loop3A_124] {strides = array<i32>} : memref<48x128xf32, #tpu.memory_space<vmem>>, vector<1x16xf32>,
        %parallel_loop3A_126 = vector.shape_cast %parallel_loop3A_125 : vector<1x16xf32> to vector<16xf32>
        %parallel_loop3A_127 = vector.shape_cast %parallel_loop3A_122 : vector<16xf32> to vector<1x16xf32>
        tpu.vector_store %arg12[%parallel_loop3A_123, %parallel_loop3A_124], %parallel_loop3A_127 {strides = array<i32>} : memref<48x128xf32, #tpu.memory_space<vmem>>, vector<1x16xf32>,
        %parallel_loop3A_128 = arith.constant 2 : i32
        %parallel_loop3A_129 = vector.broadcast %parallel_loop3A_128 : i32 to vector<16xi32>
        %parallel_loop3A_130 = arith.addi %shift_right_logical3A_13, %parallel_loop3A_129 : vector<16xi32>
        %parallel_loop3A_131 = vector.shape_cast %parallel_loop3A_130 : vector<16xi32> to vector<16x1xi32>
        %parallel_loop3A_132 = vector.shape_cast %parallel_loop3A_131 : vector<16x1xi32> to vector<16xi32>
        %parallel_loop3A_133 = tpu.dynamic_gather %parallel_loop3A_106[%parallel_loop3A_132] in [0] : vector<16xf32>, vector<16xi32> -> vector<16xf32>
        %parallel_loop3A_134 = arith.index_cast %parallel_loop3A_86 : i32 to index
        %parallel_loop3A_135 = arith.constant 16 : index
        %parallel_loop3A_136 = tpu.vector_load %arg10[%parallel_loop3A_134, %parallel_loop3A_135] {strides = array<i32>} : memref<96x128xf32, #tpu.memory_space<vmem>>, vector<1x16xf32>,
        %parallel_loop3A_137 = vector.shape_cast %parallel_loop3A_136 : vector<1x16xf32> to vector<16xf32>
        %parallel_loop3A_138 = arith.mulf %parallel_loop3A_133, %parallel_loop3A_137 : vector<16xf32>
        %parallel_loop3A_139 = arith.index_cast %parallel_loop3A_86 : i32 to index
        %parallel_loop3A_140 = arith.constant 16 : index
        %parallel_loop3A_141 = tpu.vector_load %arg12[%parallel_loop3A_139, %parallel_loop3A_140] {strides = array<i32>} : memref<48x128xf32, #tpu.memory_space<vmem>>, vector<1x16xf32>,
        %parallel_loop3A_142 = vector.shape_cast %parallel_loop3A_141 : vector<1x16xf32> to vector<16xf32>
        %parallel_loop3A_143 = vector.shape_cast %parallel_loop3A_138 : vector<16xf32> to vector<1x16xf32>
        tpu.vector_store %arg12[%parallel_loop3A_139, %parallel_loop3A_140], %parallel_loop3A_143 {strides = array<i32>} : memref<48x128xf32, #tpu.memory_space<vmem>>, vector<1x16xf32>,
        %parallel_loop3A_144 = arith.constant 4 : i32
        %parallel_loop3A_145 = vector.broadcast %parallel_loop3A_144 : i32 to vector<16xi32>
        %parallel_loop3A_146 = arith.addi %shift_right_logical3A_13, %parallel_loop3A_145 : vector<16xi32>
        %parallel_loop3A_147 = vector.shape_cast %parallel_loop3A_146 : vector<16xi32> to vector<16x1xi32>
        %parallel_loop3A_148 = vector.shape_cast %parallel_loop3A_147 : vector<16x1xi32> to vector<16xi32>
        %parallel_loop3A_149 = tpu.dynamic_gather %parallel_loop3A_106[%parallel_loop3A_148] in [0] : vector<16xf32>, vector<16xi32> -> vector<16xf32>
        %parallel_loop3A_150 = arith.index_cast %parallel_loop3A_86 : i32 to index
        %parallel_loop3A_151 = arith.constant 32 : index
        %parallel_loop3A_152 = tpu.vector_load %arg10[%parallel_loop3A_150, %parallel_loop3A_151] {strides = array<i32>} : memref<96x128xf32, #tpu.memory_space<vmem>>, vector<1x16xf32>,
        %parallel_loop3A_153 = vector.shape_cast %parallel_loop3A_152 : vector<1x16xf32> to vector<16xf32>
        %parallel_loop3A_154 = arith.mulf %parallel_loop3A_149, %parallel_loop3A_153 : vector<16xf32>
        %parallel_loop3A_155 = arith.index_cast %parallel_loop3A_86 : i32 to index
        %parallel_loop3A_156 = arith.constant 32 : index
        %parallel_loop3A_157 = tpu.vector_load %arg12[%parallel_loop3A_155, %parallel_loop3A_156] {strides = array<i32>} : memref<48x128xf32, #tpu.memory_space<vmem>>, vector<1x16xf32>,
        %parallel_loop3A_158 = vector.shape_cast %parallel_loop3A_157 : vector<1x16xf32> to vector<16xf32>
        %parallel_loop3A_159 = vector.shape_cast %parallel_loop3A_154 : vector<16xf32> to vector<1x16xf32>
        tpu.vector_store %arg12[%parallel_loop3A_155, %parallel_loop3A_156], %parallel_loop3A_159 {strides = array<i32>} : memref<48x128xf32, #tpu.memory_space<vmem>>, vector<1x16xf32>,
        %parallel_loop3A_160 = arith.constant 6 : i32
        %parallel_loop3A_161 = vector.broadcast %parallel_loop3A_160 : i32 to vector<16xi32>
        %parallel_loop3A_162 = arith.addi %shift_right_logical3A_13, %parallel_loop3A_161 : vector<16xi32>
        %parallel_loop3A_163 = vector.shape_cast %parallel_loop3A_162 : vector<16xi32> to vector<16x1xi32>
        %parallel_loop3A_164 = vector.shape_cast %parallel_loop3A_163 : vector<16x1xi32> to vector<16xi32>
        %parallel_loop3A_165 = tpu.dynamic_gather %parallel_loop3A_106[%parallel_loop3A_164] in [0] : vector<16xf32>, vector<16xi32> -> vector<16xf32>
        %parallel_loop3A_166 = arith.index_cast %parallel_loop3A_86 : i32 to index
        %parallel_loop3A_167 = arith.constant 48 : index
        %parallel_loop3A_168 = tpu.vector_load %arg10[%parallel_loop3A_166, %parallel_loop3A_167] {strides = array<i32>} : memref<96x128xf32, #tpu.memory_space<vmem>>, vector<1x16xf32>,
        %parallel_loop3A_169 = vector.shape_cast %parallel_loop3A_168 : vector<1x16xf32> to vector<16xf32>
        %parallel_loop3A_170 = arith.mulf %parallel_loop3A_165, %parallel_loop3A_169 : vector<16xf32>
        %parallel_loop3A_171 = arith.index_cast %parallel_loop3A_86 : i32 to index
        %parallel_loop3A_172 = arith.constant 48 : index
        %parallel_loop3A_173 = tpu.vector_load %arg12[%parallel_loop3A_171, %parallel_loop3A_172] {strides = array<i32>} : memref<48x128xf32, #tpu.memory_space<vmem>>, vector<1x16xf32>,
        %parallel_loop3A_174 = vector.shape_cast %parallel_loop3A_173 : vector<1x16xf32> to vector<16xf32>
        %parallel_loop3A_175 = vector.shape_cast %parallel_loop3A_170 : vector<16xf32> to vector<1x16xf32>
        tpu.vector_store %arg12[%parallel_loop3A_171, %parallel_loop3A_172], %parallel_loop3A_175 {strides = array<i32>} : memref<48x128xf32, #tpu.memory_space<vmem>>, vector<1x16xf32>,
      } {sc.loop_unroll_factor = 4 : i64, sc.parallel_access}
      "tpu.region"() ({
        %run_scoped3A = tpu.sem_alloc : memref<!tpu.dma_semaphore, #tpu.memory_space<semaphore_mem>>
        %dma_start3A_86 = arith.constant 0 : i32
        %dma_start3A_87 = arith.constant 0 : i32
        %dma_start3A_88 = tpu.memref_slice %arg14[%dma_start3A_86, %dma_start3A_87] : memref<10240x128xf32, #tpu.memory_space<vmem_shared>> -> memref<10240x128xf32, #tpu.memory_space<vmem_shared>>
        tpu.enqueue_indirect_dma source(%arg12 : memref<48x128xf32, #tpu.memory_space<vmem>>) target(%dma_start3A_88 : memref<10240x128xf32, #tpu.memory_space<vmem_shared>>) offsets(%arg9 : memref<48xi32, #tpu.memory_space<vmem>>) semaphore(%run_scoped3A : memref<!tpu.dma_semaphore, #tpu.memory_space<semaphore_mem>>) {add = true}
        %dma_wait3A_89 = arith.constant 0 : i32
        %dma_wait3A_90 = arith.constant 0 : i32
        %dma_wait3A_91 = tpu.memref_slice %arg14[%dma_wait3A_89, %dma_wait3A_90] : memref<10240x128xf32, #tpu.memory_space<vmem_shared>> -> memref<10240x128xf32, #tpu.memory_space<vmem_shared>>
        tpu.wait_indirect_dma semaphore(%run_scoped3A : memref<!tpu.dma_semaphore, #tpu.memory_space<semaphore_mem>>) src(%arg12 : memref<48x128xf32, #tpu.memory_space<vmem>>) dst(%dma_wait3A_91 : memref<10240x128xf32, #tpu.memory_space<vmem_shared>>)
        tpu.yield
      }) : () -> ()
      %dma_wait3A_66 = arith.constant 0 : i32
      %dma_wait3A_67 = arith.constant 0 : i32
      %dma_wait3A_68 = tpu.memref_slice %arg2[%dma_wait3A_66, %dma_wait3A_67] : memref<10000x128xf32, #tpu.memory_space<hbm>> -> memref<10000x128xf32, #tpu.memory_space<hbm>>
      tpu.wait_indirect_dma semaphore(%arg16 : memref<!tpu.dma_semaphore, #tpu.memory_space<semaphore_mem>>) src(%dma_wait3A_68 : memref<10000x128xf32, #tpu.memory_space<hbm>>) dst(%arg11 : memref<96x128xf32, #tpu.memory_space<vmem>>)
      %add3A_69 = arith.constant 2 : i32
      %add3A_70 = arith.addi %add3A_42, %add3A_69 : i32
      %lt3A = arith.constant 216 : i32
      %lt3A_71 = arith.cmpi slt, %add3A_70, %lt3A : i32
      %convert_element_type3A = arith.extui %lt3A_71 : i1 to i32
      %cond3A = arith.constant 0 : i32
      %cond3A_72 = arith.cmpi ne, %convert_element_type3A, %cond3A : i32
      scf.if %cond3A_72 {
        %add3A_86 = arith.constant 2 : i32
        %add3A_87 = arith.addi %add3A_42, %add3A_86 : i32
        %mul3A_88 = arith.constant 216 : i32
        %mul3A_89 = arith.muli %add3A, %mul3A_88 : i32
        %add3A_90 = arith.addi %mul3A_89, %add3A_87 : i32
        %mul3A_91 = arith.constant 2 : i32
        %mul3A_92 = arith.muli %add3A_90, %mul3A_91 : i32
        %mul3A_93 = arith.constant 48 : i32
        %mul3A_94 = arith.muli %mul3A_92, %mul3A_93 : i32
        "tpu.region"() ({
          %run_scoped3A = tpu.sem_alloc : memref<!tpu.dma_semaphore, #tpu.memory_space<semaphore_mem>>
          %dma_start3A_98 = tpu.memref_slice %arg4[%mul3A_94] : memref<663552xi32, #tpu.memory_space<hbm>> -> memref<96xi32, #tpu.memory_space<hbm>>
          %dma_start3A_99 = tpu.memref_slice %arg4[%mul3A_94] : memref<663552xi32, #tpu.memory_space<hbm>> -> memref<96xi32, #tpu.memory_space<hbm>>
          tpu.enqueue_dma source(%dma_start3A_99 : memref<96xi32, #tpu.memory_space<hbm>>) target(%arg7 : memref<96xi32, #tpu.memory_space<vmem>>) target_semaphore(%run_scoped3A : memref<!tpu.dma_semaphore, #tpu.memory_space<semaphore_mem>>)
          %dma_wait3A_100 = tpu.memref_slice %arg4[%mul3A_94] : memref<663552xi32, #tpu.memory_space<hbm>> -> memref<96xi32, #tpu.memory_space<hbm>>
          %dma_wait3A_101 = tpu.memref_slice %arg4[%mul3A_94] : memref<663552xi32, #tpu.memory_space<hbm>> -> memref<96xi32, #tpu.memory_space<hbm>>
          tpu.wait_dma2 semaphore(%run_scoped3A : memref<!tpu.dma_semaphore, #tpu.memory_space<semaphore_mem>>) src(%dma_wait3A_101 : memref<96xi32, #tpu.memory_space<hbm>>) dst(%arg7 : memref<96xi32, #tpu.memory_space<vmem>>)
          tpu.yield
        }) : () -> ()
        %dma_start3A_95 = arith.constant 0 : i32
        %dma_start3A_96 = arith.constant 0 : i32
        %dma_start3A_97 = tpu.memref_slice %arg2[%dma_start3A_95, %dma_start3A_96] : memref<10000x128xf32, #tpu.memory_space<hbm>> -> memref<10000x128xf32, #tpu.memory_space<hbm>>
        tpu.enqueue_indirect_dma source(%dma_start3A_97 : memref<10000x128xf32, #tpu.memory_space<hbm>>) target(%arg10 : memref<96x128xf32, #tpu.memory_space<vmem>>) offsets(%arg7 : memref<96xi32, #tpu.memory_space<vmem>>) semaphore(%arg15 : memref<!tpu.dma_semaphore, #tpu.memory_space<semaphore_mem>>)
      } else {
      }
      %add3A_73 = arith.constant 1 : i32
      %add3A_74 = arith.addi %add3A_42, %add3A_73 : i32
      %mul3A_75 = arith.constant 216 : i32
      %mul3A_76 = arith.muli %add3A, %mul3A_75 : i32
      %add3A_77 = arith.addi %mul3A_76, %add3A_74 : i32
      %mul3A_78 = arith.constant 48 : i32
      %mul3A_79 = arith.muli %add3A_77, %mul3A_78 : i32
      "tpu.region"() ({
        %run_scoped3A = tpu.sem_alloc : memref<!tpu.dma_semaphore, #tpu.memory_space<semaphore_mem>>
        %dma_start3A_86 = tpu.memref_slice %arg5[%mul3A_79] : memref<331776xi32, #tpu.memory_space<hbm>> -> memref<48xi32, #tpu.memory_space<hbm>>
        %dma_start3A_87 = tpu.memref_slice %arg5[%mul3A_79] : memref<331776xi32, #tpu.memory_space<hbm>> -> memref<48xi32, #tpu.memory_space<hbm>>
        tpu.enqueue_dma source(%dma_start3A_87 : memref<48xi32, #tpu.memory_space<hbm>>) target(%arg9 : memref<48xi32, #tpu.memory_space<vmem>>) target_semaphore(%run_scoped3A : memref<!tpu.dma_semaphore, #tpu.memory_space<semaphore_mem>>)
        %dma_wait3A_88 = tpu.memref_slice %arg5[%mul3A_79] : memref<331776xi32, #tpu.memory_space<hbm>> -> memref<48xi32, #tpu.memory_space<hbm>>
        %dma_wait3A_89 = tpu.memref_slice %arg5[%mul3A_79] : memref<331776xi32, #tpu.memory_space<hbm>> -> memref<48xi32, #tpu.memory_space<hbm>>
        tpu.wait_dma2 semaphore(%run_scoped3A : memref<!tpu.dma_semaphore, #tpu.memory_space<semaphore_mem>>) src(%dma_wait3A_89 : memref<48xi32, #tpu.memory_space<hbm>>) dst(%arg9 : memref<48xi32, #tpu.memory_space<vmem>>)
        tpu.yield
      }) : () -> ()
      %get3A_80 = arith.constant 0 : index
      %get3A_81 = tpu.vector_load %arg13[%get3A_80] {strides = array<i32>} : memref<16xf32, #tpu.memory_space<vmem>>, vector<16xf32>,
      %get3A_82 = vector.shape_cast %get3A_81 : vector<16xf32> to vector<16xf32>
      %parallel_loop3A_83 = arith.constant 0 : i32
      %parallel_loop3A_84 = arith.constant 48 : i32
      %parallel_loop3A_85 = arith.constant 1 : i32
      scf.for %parallel_loop3A_86 = %parallel_loop3A_83 to %parallel_loop3A_84 step %parallel_loop3A_85  : i32 {
        %parallel_loop3A_87 = arith.index_cast %parallel_loop3A_86 : i32 to index
        %parallel_loop3A_88 = arith.constant 64 : index
        %parallel_loop3A_89 = tpu.vector_load %arg11[%parallel_loop3A_87, %parallel_loop3A_88] {strides = array<i32>} : memref<96x128xf32, #tpu.memory_space<vmem>>, vector<1x16xf32>,
        %parallel_loop3A_90 = vector.shape_cast %parallel_loop3A_89 : vector<1x16xf32> to vector<16xf32>
        %parallel_loop3A_91 = arith.constant 48 : i32
        %parallel_loop3A_92 = arith.addi %parallel_loop3A_91, %parallel_loop3A_86 : i32
        %parallel_loop3A_93 = arith.index_cast %parallel_loop3A_92 : i32 to index
        %parallel_loop3A_94 = arith.constant 64 : index
        %parallel_loop3A_95 = tpu.vector_load %arg11[%parallel_loop3A_93, %parallel_loop3A_94] {strides = array<i32>} : memref<96x128xf32, #tpu.memory_space<vmem>>, vector<1x16xf32>,
        %parallel_loop3A_96 = vector.shape_cast %parallel_loop3A_95 : vector<1x16xf32> to vector<16xf32>
        %parallel_loop3A_97 = vector.shape_cast %and3A_18 : vector<16xi32> to vector<16x1xi32>
        %parallel_loop3A_98 = vector.shape_cast %parallel_loop3A_97 : vector<16x1xi32> to vector<16xi32>
        %parallel_loop3A_99 = tpu.dynamic_gather %parallel_loop3A_96[%parallel_loop3A_98] in [0] : vector<16xf32>, vector<16xi32> -> vector<16xf32>
        %parallel_loop3A_100 = arith.addf %parallel_loop3A_90, %parallel_loop3A_99 : vector<16xf32>
        %parallel_loop3A_101 = arith.constant 2.000000e-01 : f32
        %parallel_loop3A_102 = vector.broadcast %parallel_loop3A_101 : f32 to vector<16xf32>
        %parallel_loop3A_103 = arith.mulf %parallel_loop3A_102, %parallel_loop3A_100 : vector<16xf32>
        %parallel_loop3A_104 = arith.maximumf %parallel_loop3A_100, %parallel_loop3A_103 : vector<16xf32>
        %parallel_loop3A_105 = arith.subf %parallel_loop3A_104, %get3A_82 : vector<16xf32>
        %parallel_loop3A_106 = math.exp %parallel_loop3A_105 : vector<16xf32>
        %parallel_loop3A_107 = arith.index_cast %parallel_loop3A_86 : i32 to index
        %parallel_loop3A_108 = arith.constant 64 : index
        %parallel_loop3A_109 = tpu.vector_load %arg12[%parallel_loop3A_107, %parallel_loop3A_108] {strides = array<i32>} : memref<48x128xf32, #tpu.memory_space<vmem>>, vector<1x16xf32>,
        %parallel_loop3A_110 = vector.shape_cast %parallel_loop3A_109 : vector<1x16xf32> to vector<16xf32>
        %parallel_loop3A_111 = vector.shape_cast %parallel_loop3A_106 : vector<16xf32> to vector<1x16xf32>
        tpu.vector_store %arg12[%parallel_loop3A_107, %parallel_loop3A_108], %parallel_loop3A_111 {strides = array<i32>} : memref<48x128xf32, #tpu.memory_space<vmem>>, vector<1x16xf32>,
        %parallel_loop3A_112 = arith.constant 0 : i32
        %parallel_loop3A_113 = vector.broadcast %parallel_loop3A_112 : i32 to vector<16xi32>
        %parallel_loop3A_114 = arith.addi %shift_right_logical3A_13, %parallel_loop3A_113 : vector<16xi32>
        %parallel_loop3A_115 = vector.shape_cast %parallel_loop3A_114 : vector<16xi32> to vector<16x1xi32>
        %parallel_loop3A_116 = vector.shape_cast %parallel_loop3A_115 : vector<16x1xi32> to vector<16xi32>
        %parallel_loop3A_117 = tpu.dynamic_gather %parallel_loop3A_106[%parallel_loop3A_116] in [0] : vector<16xf32>, vector<16xi32> -> vector<16xf32>
        %parallel_loop3A_118 = arith.index_cast %parallel_loop3A_86 : i32 to index
        %parallel_loop3A_119 = arith.constant 0 : index
        %parallel_loop3A_120 = tpu.vector_load %arg11[%parallel_loop3A_118, %parallel_loop3A_119] {strides = array<i32>} : memref<96x128xf32, #tpu.memory_space<vmem>>, vector<1x16xf32>,
        %parallel_loop3A_121 = vector.shape_cast %parallel_loop3A_120 : vector<1x16xf32> to vector<16xf32>
        %parallel_loop3A_122 = arith.mulf %parallel_loop3A_117, %parallel_loop3A_121 : vector<16xf32>
        %parallel_loop3A_123 = arith.index_cast %parallel_loop3A_86 : i32 to index
        %parallel_loop3A_124 = arith.constant 0 : index
        %parallel_loop3A_125 = tpu.vector_load %arg12[%parallel_loop3A_123, %parallel_loop3A_124] {strides = array<i32>} : memref<48x128xf32, #tpu.memory_space<vmem>>, vector<1x16xf32>,
        %parallel_loop3A_126 = vector.shape_cast %parallel_loop3A_125 : vector<1x16xf32> to vector<16xf32>
        %parallel_loop3A_127 = vector.shape_cast %parallel_loop3A_122 : vector<16xf32> to vector<1x16xf32>
        tpu.vector_store %arg12[%parallel_loop3A_123, %parallel_loop3A_124], %parallel_loop3A_127 {strides = array<i32>} : memref<48x128xf32, #tpu.memory_space<vmem>>, vector<1x16xf32>,
        %parallel_loop3A_128 = arith.constant 2 : i32
        %parallel_loop3A_129 = vector.broadcast %parallel_loop3A_128 : i32 to vector<16xi32>
        %parallel_loop3A_130 = arith.addi %shift_right_logical3A_13, %parallel_loop3A_129 : vector<16xi32>
        %parallel_loop3A_131 = vector.shape_cast %parallel_loop3A_130 : vector<16xi32> to vector<16x1xi32>
        %parallel_loop3A_132 = vector.shape_cast %parallel_loop3A_131 : vector<16x1xi32> to vector<16xi32>
        %parallel_loop3A_133 = tpu.dynamic_gather %parallel_loop3A_106[%parallel_loop3A_132] in [0] : vector<16xf32>, vector<16xi32> -> vector<16xf32>
        %parallel_loop3A_134 = arith.index_cast %parallel_loop3A_86 : i32 to index
        %parallel_loop3A_135 = arith.constant 16 : index
        %parallel_loop3A_136 = tpu.vector_load %arg11[%parallel_loop3A_134, %parallel_loop3A_135] {strides = array<i32>} : memref<96x128xf32, #tpu.memory_space<vmem>>, vector<1x16xf32>,
        %parallel_loop3A_137 = vector.shape_cast %parallel_loop3A_136 : vector<1x16xf32> to vector<16xf32>
        %parallel_loop3A_138 = arith.mulf %parallel_loop3A_133, %parallel_loop3A_137 : vector<16xf32>
        %parallel_loop3A_139 = arith.index_cast %parallel_loop3A_86 : i32 to index
        %parallel_loop3A_140 = arith.constant 16 : index
        %parallel_loop3A_141 = tpu.vector_load %arg12[%parallel_loop3A_139, %parallel_loop3A_140] {strides = array<i32>} : memref<48x128xf32, #tpu.memory_space<vmem>>, vector<1x16xf32>,
        %parallel_loop3A_142 = vector.shape_cast %parallel_loop3A_141 : vector<1x16xf32> to vector<16xf32>
        %parallel_loop3A_143 = vector.shape_cast %parallel_loop3A_138 : vector<16xf32> to vector<1x16xf32>
        tpu.vector_store %arg12[%parallel_loop3A_139, %parallel_loop3A_140], %parallel_loop3A_143 {strides = array<i32>} : memref<48x128xf32, #tpu.memory_space<vmem>>, vector<1x16xf32>,
        %parallel_loop3A_144 = arith.constant 4 : i32
        %parallel_loop3A_145 = vector.broadcast %parallel_loop3A_144 : i32 to vector<16xi32>
        %parallel_loop3A_146 = arith.addi %shift_right_logical3A_13, %parallel_loop3A_145 : vector<16xi32>
        %parallel_loop3A_147 = vector.shape_cast %parallel_loop3A_146 : vector<16xi32> to vector<16x1xi32>
        %parallel_loop3A_148 = vector.shape_cast %parallel_loop3A_147 : vector<16x1xi32> to vector<16xi32>
        %parallel_loop3A_149 = tpu.dynamic_gather %parallel_loop3A_106[%parallel_loop3A_148] in [0] : vector<16xf32>, vector<16xi32> -> vector<16xf32>
        %parallel_loop3A_150 = arith.index_cast %parallel_loop3A_86 : i32 to index
        %parallel_loop3A_151 = arith.constant 32 : index
        %parallel_loop3A_152 = tpu.vector_load %arg11[%parallel_loop3A_150, %parallel_loop3A_151] {strides = array<i32>} : memref<96x128xf32, #tpu.memory_space<vmem>>, vector<1x16xf32>,
        %parallel_loop3A_153 = vector.shape_cast %parallel_loop3A_152 : vector<1x16xf32> to vector<16xf32>
        %parallel_loop3A_154 = arith.mulf %parallel_loop3A_149, %parallel_loop3A_153 : vector<16xf32>
        %parallel_loop3A_155 = arith.index_cast %parallel_loop3A_86 : i32 to index
        %parallel_loop3A_156 = arith.constant 32 : index
        %parallel_loop3A_157 = tpu.vector_load %arg12[%parallel_loop3A_155, %parallel_loop3A_156] {strides = array<i32>} : memref<48x128xf32, #tpu.memory_space<vmem>>, vector<1x16xf32>,
        %parallel_loop3A_158 = vector.shape_cast %parallel_loop3A_157 : vector<1x16xf32> to vector<16xf32>
        %parallel_loop3A_159 = vector.shape_cast %parallel_loop3A_154 : vector<16xf32> to vector<1x16xf32>
        tpu.vector_store %arg12[%parallel_loop3A_155, %parallel_loop3A_156], %parallel_loop3A_159 {strides = array<i32>} : memref<48x128xf32, #tpu.memory_space<vmem>>, vector<1x16xf32>,
        %parallel_loop3A_160 = arith.constant 6 : i32
        %parallel_loop3A_161 = vector.broadcast %parallel_loop3A_160 : i32 to vector<16xi32>
        %parallel_loop3A_162 = arith.addi %shift_right_logical3A_13, %parallel_loop3A_161 : vector<16xi32>
        %parallel_loop3A_163 = vector.shape_cast %parallel_loop3A_162 : vector<16xi32> to vector<16x1xi32>
        %parallel_loop3A_164 = vector.shape_cast %parallel_loop3A_163 : vector<16x1xi32> to vector<16xi32>
        %parallel_loop3A_165 = tpu.dynamic_gather %parallel_loop3A_106[%parallel_loop3A_164] in [0] : vector<16xf32>, vector<16xi32> -> vector<16xf32>
        %parallel_loop3A_166 = arith.index_cast %parallel_loop3A_86 : i32 to index
        %parallel_loop3A_167 = arith.constant 48 : index
        %parallel_loop3A_168 = tpu.vector_load %arg11[%parallel_loop3A_166, %parallel_loop3A_167] {strides = array<i32>} : memref<96x128xf32, #tpu.memory_space<vmem>>, vector<1x16xf32>,
        %parallel_loop3A_169 = vector.shape_cast %parallel_loop3A_168 : vector<1x16xf32> to vector<16xf32>
        %parallel_loop3A_170 = arith.mulf %parallel_loop3A_165, %parallel_loop3A_169 : vector<16xf32>
        %parallel_loop3A_171 = arith.index_cast %parallel_loop3A_86 : i32 to index
        %parallel_loop3A_172 = arith.constant 48 : index
        %parallel_loop3A_173 = tpu.vector_load %arg12[%parallel_loop3A_171, %parallel_loop3A_172] {strides = array<i32>} : memref<48x128xf32, #tpu.memory_space<vmem>>, vector<1x16xf32>,
        %parallel_loop3A_174 = vector.shape_cast %parallel_loop3A_173 : vector<1x16xf32> to vector<16xf32>
        %parallel_loop3A_175 = vector.shape_cast %parallel_loop3A_170 : vector<16xf32> to vector<1x16xf32>
        tpu.vector_store %arg12[%parallel_loop3A_171, %parallel_loop3A_172], %parallel_loop3A_175 {strides = array<i32>} : memref<48x128xf32, #tpu.memory_space<vmem>>, vector<1x16xf32>,
      } {sc.loop_unroll_factor = 4 : i64, sc.parallel_access}
      "tpu.region"() ({
        %run_scoped3A = tpu.sem_alloc : memref<!tpu.dma_semaphore, #tpu.memory_space<semaphore_mem>>
        %dma_start3A_86 = arith.constant 0 : i32
        %dma_start3A_87 = arith.constant 0 : i32
        %dma_start3A_88 = tpu.memref_slice %arg14[%dma_start3A_86, %dma_start3A_87] : memref<10240x128xf32, #tpu.memory_space<vmem_shared>> -> memref<10240x128xf32, #tpu.memory_space<vmem_shared>>
        tpu.enqueue_indirect_dma source(%arg12 : memref<48x128xf32, #tpu.memory_space<vmem>>) target(%dma_start3A_88 : memref<10240x128xf32, #tpu.memory_space<vmem_shared>>) offsets(%arg9 : memref<48xi32, #tpu.memory_space<vmem>>) semaphore(%run_scoped3A : memref<!tpu.dma_semaphore, #tpu.memory_space<semaphore_mem>>) {add = true}
        %dma_wait3A_89 = arith.constant 0 : i32
        %dma_wait3A_90 = arith.constant 0 : i32
        %dma_wait3A_91 = tpu.memref_slice %arg14[%dma_wait3A_89, %dma_wait3A_90] : memref<10240x128xf32, #tpu.memory_space<vmem_shared>> -> memref<10240x128xf32, #tpu.memory_space<vmem_shared>>
        tpu.wait_indirect_dma semaphore(%run_scoped3A : memref<!tpu.dma_semaphore, #tpu.memory_space<semaphore_mem>>) src(%arg12 : memref<48x128xf32, #tpu.memory_space<vmem>>) dst(%dma_wait3A_91 : memref<10240x128xf32, #tpu.memory_space<vmem_shared>>)
        tpu.yield
      }) : () -> ()
    }
    %scan3A_33 = arith.constant 108 : i32
    %barrier3A_34 = arith.constant 0 : index
    tpu.barrier barrier_id(%barrier3A_34)
    %mul3A_35 = arith.constant 10240 : i32
    %mul3A_36 = arith.muli %arg0, %mul3A_35 : i32
    %add3A_37 = arith.addi %mul3A_36, %mul3A_2 : i32
    "tpu.region"() ({
      %run_scoped3A = tpu.sem_alloc : memref<!tpu.dma_semaphore, #tpu.memory_space<semaphore_mem>>
      %dma_start3A_38 = arith.constant 0 : i32
      %dma_start3A_39 = tpu.memref_slice %arg6[%add3A_37, %dma_start3A_38] : memref<20480x128xf32, #tpu.memory_space<hbm>> -> memref<640x128xf32, #tpu.memory_space<hbm>>
      %dma_start3A_40 = arith.constant 0 : i32
      %dma_start3A_41 = tpu.memref_slice %arg14[%mul3A_2, %dma_start3A_40] : memref<10240x128xf32, #tpu.memory_space<vmem_shared>> -> memref<640x128xf32, #tpu.memory_space<vmem_shared>>
      tpu.enqueue_dma source(%dma_start3A_41 : memref<640x128xf32, #tpu.memory_space<vmem_shared>>) target(%dma_start3A_39 : memref<640x128xf32, #tpu.memory_space<hbm>>) target_semaphore(%run_scoped3A : memref<!tpu.dma_semaphore, #tpu.memory_space<semaphore_mem>>)
      %dma_wait3A = arith.constant 0 : i32
      %dma_wait3A_42 = tpu.memref_slice %arg6[%add3A_37, %dma_wait3A] : memref<20480x128xf32, #tpu.memory_space<hbm>> -> memref<640x128xf32, #tpu.memory_space<hbm>>
      %dma_wait3A_43 = arith.constant 0 : i32
      %dma_wait3A_44 = tpu.memref_slice %arg14[%mul3A_2, %dma_wait3A_43] : memref<10240x128xf32, #tpu.memory_space<vmem_shared>> -> memref<640x128xf32, #tpu.memory_space<vmem_shared>>
      tpu.wait_dma2 semaphore(%run_scoped3A : memref<!tpu.dma_semaphore, #tpu.memory_space<semaphore_mem>>) src(%dma_wait3A_44 : memref<640x128xf32, #tpu.memory_space<vmem_shared>>) dst(%dma_wait3A_42 : memref<640x128xf32, #tpu.memory_space<hbm>>)
      tpu.yield
    }) : () -> ()
    return
  }
}

#map = affine_map<(d0, d1) -> (0, 0)>
#map1 = affine_map<(d0, d1) -> (0)>
module attributes {stable_mosaic.version = 14 : i64} {
  func.func @k(%arg0: i32, %arg1: i32, %arg2: memref<10000x128xf32, #tpu.memory_space<hbm>>, %arg3: memref<16xf32, #tpu.memory_space<hbm>>, %arg4: memref<663552xi32, #tpu.memory_space<hbm>>, %arg5: memref<331776xi32, #tpu.memory_space<hbm>>, %arg6: memref<20480x128xf32, #tpu.memory_space<hbm>>, %arg7: memref<96xi32, #tpu.memory_space<vmem>>, %arg8: memref<96xi32, #tpu.memory_space<vmem>>, %arg9: memref<48xi32, #tpu.memory_space<vmem>>, %arg10: memref<96x128xf32, #tpu.memory_space<vmem>>, %arg11: memref<96x128xf32, #tpu.memory_space<vmem>>, %arg12: memref<48x128xf32, #tpu.memory_space<vmem>>, %arg13: memref<16xf32, #tpu.memory_space<vmem>>, %arg14: memref<10240x128xf32, #tpu.memory_space<vmem_shared>>, %arg15: memref<!tpu.dma_semaphore, #tpu.memory_space<semaphore_mem>>, %arg16: memref<!tpu.dma_semaphore, #tpu.memory_space<semaphore_mem>>) attributes {dimension_semantics = [#tpu.dimension_semantics<core_parallel>, #tpu.dimension_semantics<subcore_parallel>], iteration_bounds = array<i64: 2, 16>, scalar_prefetch = 0 : i64, scratch_operands = 10 : i64, tpu.core_type = #tpu.core_type<sc_vector_subcore>, window_params = [{transform_indices = #map}, {transform_indices = #map1}, {transform_indices = #map1}, {transform_indices = #map1}, {transform_indices = #map}]} {
    %mul3A = arith.constant 2 : i32
    %mul3A_0 = arith.muli %arg1, %mul3A : i32
    %add3A = arith.addi %mul3A_0, %arg0 : i32
    %mul3A_1 = arith.constant 640 : i32
    %mul3A_2 = arith.muli %arg1, %mul3A_1 : i32
    %scan3A = arith.constant 0 : i32
    %scan3A_3 = arith.constant 48 : i32
    %scan3A_4 = arith.addi %scan3A, %scan3A_3 : i32
    %scan3A_5 = arith.constant 1 : i32
    scf.for %scan3A_38 = %scan3A to %scan3A_4 step %scan3A_5  : i32 {
      %mul3A_39 = arith.constant 1 : i32
      %mul3A_40 = arith.muli %scan3A_38, %mul3A_39 : i32
      %add3A_41 = arith.constant 0 : i32
      %add3A_42 = arith.addi %add3A_41, %mul3A_40 : i32
      %scan3A_43 = arith.constant 0 : i32
      %scan3A_44 = arith.constant 8 : i32
      %scan3A_45 = arith.addi %scan3A_43, %scan3A_44 : i32
      %scan3A_46 = arith.constant 1 : i32
      scf.for %scan3A_48 = %scan3A_43 to %scan3A_45 step %scan3A_46  : i32 {
        %mul3A_49 = arith.constant 16 : i32
        %mul3A_50 = arith.muli %scan3A_48, %mul3A_49 : i32
        %add3A_51 = arith.constant 0 : i32
        %add3A_52 = arith.addi %add3A_51, %mul3A_50 : i32
        %broadcast_in_dim3A = arith.constant 0.000000e+00 : f32
        %broadcast_in_dim3A_53 = vector.broadcast %broadcast_in_dim3A : f32 to vector<16xf32>
        %swap3A = arith.index_cast %add3A_42 : i32 to index
        %swap3A_54 = arith.index_cast %add3A_52 : i32 to index
        %swap3A_55 = tpu.vector_load %arg12[%swap3A, %swap3A_54] {strides = array<i32>} : memref<48x128xf32, #tpu.memory_space<vmem>>, vector<1x16xf32>,
        %swap3A_56 = vector.shape_cast %swap3A_55 : vector<1x16xf32> to vector<16xf32>
        %swap3A_57 = vector.shape_cast %broadcast_in_dim3A_53 : vector<16xf32> to vector<1x16xf32>
        tpu.vector_store %arg12[%swap3A, %swap3A_54], %swap3A_57 {strides = array<i32>} : memref<48x128xf32, #tpu.memory_space<vmem>>, vector<1x16xf32>,
      }
      %scan3A_47 = arith.constant 8 : i32
    }
    %scan3A_6 = arith.constant 48 : i32
    %scan3A_7 = arith.constant 0 : i32
    %scan3A_8 = arith.constant 14 : i32
    %scan3A_9 = arith.addi %scan3A_7, %scan3A_8 : i32
    %scan3A_10 = arith.constant 1 : i32
    scf.for %scan3A_38 = %scan3A_7 to %scan3A_9 step %scan3A_10  : i32 {
      %mul3A_39 = arith.constant 48 : i32
      %mul3A_40 = arith.muli %scan3A_38, %mul3A_39 : i32
      %add3A_41 = arith.constant 0 : i32
      %add3A_42 = arith.addi %add3A_41, %mul3A_40 : i32
      %add3A_43 = arith.addi %mul3A_2, %add3A_42 : i32
      "tpu.region"() ({
        %run_scoped3A = tpu.sem_alloc : memref<!tpu.dma_semaphore, #tpu.memory_space<semaphore_mem>>
        %dma_start3A_44 = arith.constant 0 : i32
        %dma_start3A_45 = tpu.memref_slice %arg14[%add3A_43, %dma_start3A_44] : memref<10240x128xf32, #tpu.memory_space<vmem_shared>> -> memref<48x128xf32, #tpu.memory_space<vmem_shared>>
        %dma_start3A_46 = arith.constant 0 : i32
        %dma_start3A_47 = tpu.memref_slice %arg14[%add3A_43, %dma_start3A_46] : memref<10240x128xf32, #tpu.memory_space<vmem_shared>> -> memref<48x128xf32, #tpu.memory_space<vmem_shared>>
        tpu.enqueue_dma source(%arg12 : memref<48x128xf32, #tpu.memory_space<vmem>>) target(%dma_start3A_47 : memref<48x128xf32, #tpu.memory_space<vmem_shared>>) target_semaphore(%run_scoped3A : memref<!tpu.dma_semaphore, #tpu.memory_space<semaphore_mem>>)
        %dma_wait3A = arith.constant 0 : i32
        %dma_wait3A_48 = tpu.memref_slice %arg14[%add3A_43, %dma_wait3A] : memref<10240x128xf32, #tpu.memory_space<vmem_shared>> -> memref<48x128xf32, #tpu.memory_space<vmem_shared>>
        %dma_wait3A_49 = arith.constant 0 : i32
        %dma_wait3A_50 = tpu.memref_slice %arg14[%add3A_43, %dma_wait3A_49] : memref<10240x128xf32, #tpu.memory_space<vmem_shared>> -> memref<48x128xf32, #tpu.memory_space<vmem_shared>>
        tpu.wait_dma2 semaphore(%run_scoped3A : memref<!tpu.dma_semaphore, #tpu.memory_space<semaphore_mem>>) src(%arg12 : memref<48x128xf32, #tpu.memory_space<vmem>>) dst(%dma_wait3A_50 : memref<48x128xf32, #tpu.memory_space<vmem_shared>>)
        tpu.yield
      }) : () -> ()
    }
    %scan3A_11 = arith.constant 14 : i32
    "tpu.region"() ({
      %run_scoped3A = tpu.sem_alloc : memref<!tpu.dma_semaphore, #tpu.memory_space<semaphore_mem>>
      tpu.enqueue_dma source(%arg3 : memref<16xf32, #tpu.memory_space<hbm>>) target(%arg13 : memref<16xf32, #tpu.memory_space<vmem>>) target_semaphore(%run_scoped3A : memref<!tpu.dma_semaphore, #tpu.memory_space<semaphore_mem>>)
      tpu.wait_dma2 semaphore(%run_scoped3A : memref<!tpu.dma_semaphore, #tpu.memory_space<semaphore_mem>>) src(%arg3 : memref<16xf32, #tpu.memory_space<hbm>>) dst(%arg13 : memref<16xf32, #tpu.memory_space<vmem>>)
      tpu.yield
    }) : () -> ()
    %barrier3A = arith.constant 0 : index
    tpu.barrier barrier_id(%barrier3A)
    %iota3A = tpu.iota {dimensions = array<i32: 0>} : vector<16xi32>
    %shift_right_logical3A = arith.constant 3 : i32
    %shift_right_logical3A_12 = vector.broadcast %shift_right_logical3A : i32 to vector<16xi32>
    %shift_right_logical3A_13 = arith.shrui %iota3A, %shift_right_logical3A_12 : vector<16xi32>
    %add3A_14 = arith.constant 8 : i32
    %add3A_15 = vector.broadcast %add3A_14 : i32 to vector<16xi32>
    %add3A_16 = arith.addi %iota3A, %add3A_15 : vector<16xi32>
    %and3A = arith.constant 15 : i32
    %and3A_17 = vector.broadcast %and3A : i32 to vector<16xi32>
    %and3A_18 = arith.andi %add3A_16, %and3A_17 : vector<16xi32>
    %mul3A_19 = arith.constant 216 : i32
    %mul3A_20 = arith.muli %add3A, %mul3A_19 : i32
    %add3A_21 = arith.constant 0 : i32
    %add3A_22 = arith.addi %mul3A_20, %add3A_21 : i32
    %mul3A_23 = arith.constant 2 : i32
    %mul3A_24 = arith.muli %add3A_22, %mul3A_23 : i32
    %mul3A_25 = arith.constant 48 : i32
    %mul3A_26 = arith.muli %mul3A_24, %mul3A_25 : i32
    "tpu.region"() ({
      %run_scoped3A = tpu.sem_alloc : memref<!tpu.dma_semaphore, #tpu.memory_space<semaphore_mem>>
      %dma_start3A_38 = tpu.memref_slice %arg4[%mul3A_26] : memref<663552xi32, #tpu.memory_space<hbm>> -> memref<96xi32, #tpu.memory_space<hbm>>
      %dma_start3A_39 = tpu.memref_slice %arg4[%mul3A_26] : memref<663552xi32, #tpu.memory_space<hbm>> -> memref<96xi32, #tpu.memory_space<hbm>>
      tpu.enqueue_dma source(%dma_start3A_39 : memref<96xi32, #tpu.memory_space<hbm>>) target(%arg7 : memref<96xi32, #tpu.memory_space<vmem>>) target_semaphore(%run_scoped3A : memref<!tpu.dma_semaphore, #tpu.memory_space<semaphore_mem>>)
      %dma_wait3A = tpu.memref_slice %arg4[%mul3A_26] : memref<663552xi32, #tpu.memory_space<hbm>> -> memref<96xi32, #tpu.memory_space<hbm>>
      %dma_wait3A_40 = tpu.memref_slice %arg4[%mul3A_26] : memref<663552xi32, #tpu.memory_space<hbm>> -> memref<96xi32, #tpu.memory_space<hbm>>
      tpu.wait_dma2 semaphore(%run_scoped3A : memref<!tpu.dma_semaphore, #tpu.memory_space<semaphore_mem>>) src(%dma_wait3A_40 : memref<96xi32, #tpu.memory_space<hbm>>) dst(%arg7 : memref<96xi32, #tpu.memory_space<vmem>>)
      tpu.yield
    }) : () -> ()
    %dma_start3A = arith.constant 0 : i32
    %dma_start3A_27 = arith.constant 0 : i32
    %dma_start3A_28 = tpu.memref_slice %arg2[%dma_start3A, %dma_start3A_27] : memref<10000x128xf32, #tpu.memory_space<hbm>> -> memref<10000x128xf32, #tpu.memory_space<hbm>>
    tpu.enqueue_indirect_dma source(%dma_start3A_28 : memref<10000x128xf32, #tpu.memory_space<hbm>>) target(%arg10 : memref<96x128xf32, #tpu.memory_space<vmem>>) offsets(%arg7 : memref<96xi32, #tpu.memory_space<vmem>>) semaphore(%arg15 : memref<!tpu.dma_semaphore, #tpu.memory_space<semaphore_mem>>)
    %scan3A_29 = arith.constant 0 : i32
    %scan3A_30 = arith.constant 108 : i32
    %scan3A_31 = arith.addi %scan3A_29, %scan3A_30 : i32
    %scan3A_32 = arith.constant 1 : i32
    scf.for %scan3A_38 = %scan3A_29 to %scan3A_31 step %scan3A_32  : i32 {
      %mul3A_39 = arith.constant 2 : i32
      %mul3A_40 = arith.muli %scan3A_38, %mul3A_39 : i32
      %add3A_41 = arith.constant 0 : i32
      %add3A_42 = arith.addi %add3A_41, %mul3A_40 : i32
      %dma_wait3A = arith.constant 0 : i32
      %dma_wait3A_43 = arith.constant 0 : i32
      %dma_wait3A_44 = tpu.memref_slice %arg2[%dma_wait3A, %dma_wait3A_43] : memref<10000x128xf32, #tpu.memory_space<hbm>> -> memref<10000x128xf32, #tpu.memory_space<hbm>>
      tpu.wait_indirect_dma semaphore(%arg15 : memref<!tpu.dma_semaphore, #tpu.memory_space<semaphore_mem>>) src(%dma_wait3A_44 : memref<10000x128xf32, #tpu.memory_space<hbm>>) dst(%arg10 : memref<96x128xf32, #tpu.memory_space<vmem>>)
      %add3A_45 = arith.constant 1 : i32
      %add3A_46 = arith.addi %add3A_42, %add3A_45 : i32
      %mul3A_47 = arith.constant 216 : i32
      %mul3A_48 = arith.muli %add3A, %mul3A_47 : i32
      %add3A_49 = arith.addi %mul3A_48, %add3A_46 : i32
      %mul3A_50 = arith.constant 2 : i32
      %mul3A_51 = arith.muli %add3A_49, %mul3A_50 : i32
      %mul3A_52 = arith.constant 48 : i32
      %mul3A_53 = arith.muli %mul3A_51, %mul3A_52 : i32
      "tpu.region"() ({
        %run_scoped3A = tpu.sem_alloc : memref<!tpu.dma_semaphore, #tpu.memory_space<semaphore_mem>>
        %dma_start3A_86 = tpu.memref_slice %arg4[%mul3A_53] : memref<663552xi32, #tpu.memory_space<hbm>> -> memref<96xi32, #tpu.memory_space<hbm>>
        %dma_start3A_87 = tpu.memref_slice %arg4[%mul3A_53] : memref<663552xi32, #tpu.memory_space<hbm>> -> memref<96xi32, #tpu.memory_space<hbm>>
        tpu.enqueue_dma source(%dma_start3A_87 : memref<96xi32, #tpu.memory_space<hbm>>) target(%arg8 : memref<96xi32, #tpu.memory_space<vmem>>) target_semaphore(%run_scoped3A : memref<!tpu.dma_semaphore, #tpu.memory_space<semaphore_mem>>)
        %dma_wait3A_88 = tpu.memref_slice %arg4[%mul3A_53] : memref<663552xi32, #tpu.memory_space<hbm>> -> memref<96xi32, #tpu.memory_space<hbm>>
        %dma_wait3A_89 = tpu.memref_slice %arg4[%mul3A_53] : memref<663552xi32, #tpu.memory_space<hbm>> -> memref<96xi32, #tpu.memory_space<hbm>>
        tpu.wait_dma2 semaphore(%run_scoped3A : memref<!tpu.dma_semaphore, #tpu.memory_space<semaphore_mem>>) src(%dma_wait3A_89 : memref<96xi32, #tpu.memory_space<hbm>>) dst(%arg8 : memref<96xi32, #tpu.memory_space<vmem>>)
        tpu.yield
      }) : () -> ()
      %dma_start3A_54 = arith.constant 0 : i32
      %dma_start3A_55 = arith.constant 0 : i32
      %dma_start3A_56 = tpu.memref_slice %arg2[%dma_start3A_54, %dma_start3A_55] : memref<10000x128xf32, #tpu.memory_space<hbm>> -> memref<10000x128xf32, #tpu.memory_space<hbm>>
      tpu.enqueue_indirect_dma source(%dma_start3A_56 : memref<10000x128xf32, #tpu.memory_space<hbm>>) target(%arg11 : memref<96x128xf32, #tpu.memory_space<vmem>>) offsets(%arg8 : memref<96xi32, #tpu.memory_space<vmem>>) semaphore(%arg16 : memref<!tpu.dma_semaphore, #tpu.memory_space<semaphore_mem>>)
      %mul3A_57 = arith.constant 216 : i32
      %mul3A_58 = arith.muli %add3A, %mul3A_57 : i32
      %add3A_59 = arith.addi %mul3A_58, %add3A_42 : i32
      %mul3A_60 = arith.constant 48 : i32
      %mul3A_61 = arith.muli %add3A_59, %mul3A_60 : i32
      "tpu.region"() ({
        %run_scoped3A = tpu.sem_alloc : memref<!tpu.dma_semaphore, #tpu.memory_space<semaphore_mem>>
        %dma_start3A_86 = tpu.memref_slice %arg5[%mul3A_61] : memref<331776xi32, #tpu.memory_space<hbm>> -> memref<48xi32, #tpu.memory_space<hbm>>
        %dma_start3A_87 = tpu.memref_slice %arg5[%mul3A_61] : memref<331776xi32, #tpu.memory_space<hbm>> -> memref<48xi32, #tpu.memory_space<hbm>>
        tpu.enqueue_dma source(%dma_start3A_87 : memref<48xi32, #tpu.memory_space<hbm>>) target(%arg9 : memref<48xi32, #tpu.memory_space<vmem>>) target_semaphore(%run_scoped3A : memref<!tpu.dma_semaphore, #tpu.memory_space<semaphore_mem>>)
        %dma_wait3A_88 = tpu.memref_slice %arg5[%mul3A_61] : memref<331776xi32, #tpu.memory_space<hbm>> -> memref<48xi32, #tpu.memory_space<hbm>>
        %dma_wait3A_89 = tpu.memref_slice %arg5[%mul3A_61] : memref<331776xi32, #tpu.memory_space<hbm>> -> memref<48xi32, #tpu.memory_space<hbm>>
        tpu.wait_dma2 semaphore(%run_scoped3A : memref<!tpu.dma_semaphore, #tpu.memory_space<semaphore_mem>>) src(%dma_wait3A_89 : memref<48xi32, #tpu.memory_space<hbm>>) dst(%arg9 : memref<48xi32, #tpu.memory_space<vmem>>)
        tpu.yield
      }) : () -> ()
      %get3A = arith.constant 0 : index
      %get3A_62 = tpu.vector_load %arg13[%get3A] {strides = array<i32>} : memref<16xf32, #tpu.memory_space<vmem>>, vector<16xf32>,
      %get3A_63 = vector.shape_cast %get3A_62 : vector<16xf32> to vector<16xf32>
      %parallel_loop3A = arith.constant 0 : i32
      %parallel_loop3A_64 = arith.constant 48 : i32
      %parallel_loop3A_65 = arith.constant 1 : i32
      scf.for %parallel_loop3A_86 = %parallel_loop3A to %parallel_loop3A_64 step %parallel_loop3A_65  : i32 {
        %parallel_loop3A_87 = arith.index_cast %parallel_loop3A_86 : i32 to index
        %parallel_loop3A_88 = arith.constant 64 : index
        %parallel_loop3A_89 = tpu.vector_load %arg10[%parallel_loop3A_87, %parallel_loop3A_88] {strides = array<i32>} : memref<96x128xf32, #tpu.memory_space<vmem>>, vector<1x16xf32>,
        %parallel_loop3A_90 = vector.shape_cast %parallel_loop3A_89 : vector<1x16xf32> to vector<16xf32>
        %parallel_loop3A_91 = arith.constant 48 : i32
        %parallel_loop3A_92 = arith.addi %parallel_loop3A_91, %parallel_loop3A_86 : i32
        %parallel_loop3A_93 = arith.index_cast %parallel_loop3A_92 : i32 to index
        %parallel_loop3A_94 = arith.constant 64 : index
        %parallel_loop3A_95 = tpu.vector_load %arg10[%parallel_loop3A_93, %parallel_loop3A_94] {strides = array<i32>} : memref<96x128xf32, #tpu.memory_space<vmem>>, vector<1x16xf32>,
        %parallel_loop3A_96 = vector.shape_cast %parallel_loop3A_95 : vector<1x16xf32> to vector<16xf32>
        %parallel_loop3A_97 = vector.shape_cast %and3A_18 : vector<16xi32> to vector<16x1xi32>
        %parallel_loop3A_98 = vector.shape_cast %parallel_loop3A_97 : vector<16x1xi32> to vector<16xi32>
        %parallel_loop3A_99 = tpu.dynamic_gather %parallel_loop3A_96[%parallel_loop3A_98] in [0] : vector<16xf32>, vector<16xi32> -> vector<16xf32>
        %parallel_loop3A_100 = arith.addf %parallel_loop3A_90, %parallel_loop3A_99 : vector<16xf32>
        %parallel_loop3A_101 = arith.constant 2.000000e-01 : f32
        %parallel_loop3A_102 = vector.broadcast %parallel_loop3A_101 : f32 to vector<16xf32>
        %parallel_loop3A_103 = arith.mulf %parallel_loop3A_102, %parallel_loop3A_100 : vector<16xf32>
        %parallel_loop3A_104 = arith.maximumf %parallel_loop3A_100, %parallel_loop3A_103 : vector<16xf32>
        %parallel_loop3A_105 = arith.subf %parallel_loop3A_104, %get3A_63 : vector<16xf32>
        %parallel_loop3A_106 = math.exp %parallel_loop3A_105 : vector<16xf32>
        %parallel_loop3A_107 = arith.index_cast %parallel_loop3A_86 : i32 to index
        %parallel_loop3A_108 = arith.constant 64 : index
        %parallel_loop3A_109 = tpu.vector_load %arg12[%parallel_loop3A_107, %parallel_loop3A_108] {strides = array<i32>} : memref<48x128xf32, #tpu.memory_space<vmem>>, vector<1x16xf32>,
        %parallel_loop3A_110 = vector.shape_cast %parallel_loop3A_109 : vector<1x16xf32> to vector<16xf32>
        %parallel_loop3A_111 = vector.shape_cast %parallel_loop3A_106 : vector<16xf32> to vector<1x16xf32>
        tpu.vector_store %arg12[%parallel_loop3A_107, %parallel_loop3A_108], %parallel_loop3A_111 {strides = array<i32>} : memref<48x128xf32, #tpu.memory_space<vmem>>, vector<1x16xf32>,
        %parallel_loop3A_112 = arith.constant 0 : i32
        %parallel_loop3A_113 = vector.broadcast %parallel_loop3A_112 : i32 to vector<16xi32>
        %parallel_loop3A_114 = arith.addi %shift_right_logical3A_13, %parallel_loop3A_113 : vector<16xi32>
        %parallel_loop3A_115 = vector.shape_cast %parallel_loop3A_114 : vector<16xi32> to vector<16x1xi32>
        %parallel_loop3A_116 = vector.shape_cast %parallel_loop3A_115 : vector<16x1xi32> to vector<16xi32>
        %parallel_loop3A_117 = tpu.dynamic_gather %parallel_loop3A_106[%parallel_loop3A_116] in [0] : vector<16xf32>, vector<16xi32> -> vector<16xf32>
        %parallel_loop3A_118 = arith.index_cast %parallel_loop3A_86 : i32 to index
        %parallel_loop3A_119 = arith.constant 0 : index
        %parallel_loop3A_120 = tpu.vector_load %arg10[%parallel_loop3A_118, %parallel_loop3A_119] {strides = array<i32>} : memref<96x128xf32, #tpu.memory_space<vmem>>, vector<1x16xf32>,
        %parallel_loop3A_121 = vector.shape_cast %parallel_loop3A_120 : vector<1x16xf32> to vector<16xf32>
        %parallel_loop3A_122 = arith.mulf %parallel_loop3A_117, %parallel_loop3A_121 : vector<16xf32>
        %parallel_loop3A_123 = arith.index_cast %parallel_loop3A_86 : i32 to index
        %parallel_loop3A_124 = arith.constant 0 : index
        %parallel_loop3A_125 = tpu.vector_load %arg12[%parallel_loop3A_123, %parallel_loop3A_124] {strides = array<i32>} : memref<48x128xf32, #tpu.memory_space<vmem>>, vector<1x16xf32>,
        %parallel_loop3A_126 = vector.shape_cast %parallel_loop3A_125 : vector<1x16xf32> to vector<16xf32>
        %parallel_loop3A_127 = vector.shape_cast %parallel_loop3A_122 : vector<16xf32> to vector<1x16xf32>
        tpu.vector_store %arg12[%parallel_loop3A_123, %parallel_loop3A_124], %parallel_loop3A_127 {strides = array<i32>} : memref<48x128xf32, #tpu.memory_space<vmem>>, vector<1x16xf32>,
        %parallel_loop3A_128 = arith.constant 2 : i32
        %parallel_loop3A_129 = vector.broadcast %parallel_loop3A_128 : i32 to vector<16xi32>
        %parallel_loop3A_130 = arith.addi %shift_right_logical3A_13, %parallel_loop3A_129 : vector<16xi32>
        %parallel_loop3A_131 = vector.shape_cast %parallel_loop3A_130 : vector<16xi32> to vector<16x1xi32>
        %parallel_loop3A_132 = vector.shape_cast %parallel_loop3A_131 : vector<16x1xi32> to vector<16xi32>
        %parallel_loop3A_133 = tpu.dynamic_gather %parallel_loop3A_106[%parallel_loop3A_132] in [0] : vector<16xf32>, vector<16xi32> -> vector<16xf32>
        %parallel_loop3A_134 = arith.index_cast %parallel_loop3A_86 : i32 to index
        %parallel_loop3A_135 = arith.constant 16 : index
        %parallel_loop3A_136 = tpu.vector_load %arg10[%parallel_loop3A_134, %parallel_loop3A_135] {strides = array<i32>} : memref<96x128xf32, #tpu.memory_space<vmem>>, vector<1x16xf32>,
        %parallel_loop3A_137 = vector.shape_cast %parallel_loop3A_136 : vector<1x16xf32> to vector<16xf32>
        %parallel_loop3A_138 = arith.mulf %parallel_loop3A_133, %parallel_loop3A_137 : vector<16xf32>
        %parallel_loop3A_139 = arith.index_cast %parallel_loop3A_86 : i32 to index
        %parallel_loop3A_140 = arith.constant 16 : index
        %parallel_loop3A_141 = tpu.vector_load %arg12[%parallel_loop3A_139, %parallel_loop3A_140] {strides = array<i32>} : memref<48x128xf32, #tpu.memory_space<vmem>>, vector<1x16xf32>,
        %parallel_loop3A_142 = vector.shape_cast %parallel_loop3A_141 : vector<1x16xf32> to vector<16xf32>
        %parallel_loop3A_143 = vector.shape_cast %parallel_loop3A_138 : vector<16xf32> to vector<1x16xf32>
        tpu.vector_store %arg12[%parallel_loop3A_139, %parallel_loop3A_140], %parallel_loop3A_143 {strides = array<i32>} : memref<48x128xf32, #tpu.memory_space<vmem>>, vector<1x16xf32>,
        %parallel_loop3A_144 = arith.constant 4 : i32
        %parallel_loop3A_145 = vector.broadcast %parallel_loop3A_144 : i32 to vector<16xi32>
        %parallel_loop3A_146 = arith.addi %shift_right_logical3A_13, %parallel_loop3A_145 : vector<16xi32>
        %parallel_loop3A_147 = vector.shape_cast %parallel_loop3A_146 : vector<16xi32> to vector<16x1xi32>
        %parallel_loop3A_148 = vector.shape_cast %parallel_loop3A_147 : vector<16x1xi32> to vector<16xi32>
        %parallel_loop3A_149 = tpu.dynamic_gather %parallel_loop3A_106[%parallel_loop3A_148] in [0] : vector<16xf32>, vector<16xi32> -> vector<16xf32>
        %parallel_loop3A_150 = arith.index_cast %parallel_loop3A_86 : i32 to index
        %parallel_loop3A_151 = arith.constant 32 : index
        %parallel_loop3A_152 = tpu.vector_load %arg10[%parallel_loop3A_150, %parallel_loop3A_151] {strides = array<i32>} : memref<96x128xf32, #tpu.memory_space<vmem>>, vector<1x16xf32>,
        %parallel_loop3A_153 = vector.shape_cast %parallel_loop3A_152 : vector<1x16xf32> to vector<16xf32>
        %parallel_loop3A_154 = arith.mulf %parallel_loop3A_149, %parallel_loop3A_153 : vector<16xf32>
        %parallel_loop3A_155 = arith.index_cast %parallel_loop3A_86 : i32 to index
        %parallel_loop3A_156 = arith.constant 32 : index
        %parallel_loop3A_157 = tpu.vector_load %arg12[%parallel_loop3A_155, %parallel_loop3A_156] {strides = array<i32>} : memref<48x128xf32, #tpu.memory_space<vmem>>, vector<1x16xf32>,
        %parallel_loop3A_158 = vector.shape_cast %parallel_loop3A_157 : vector<1x16xf32> to vector<16xf32>
        %parallel_loop3A_159 = vector.shape_cast %parallel_loop3A_154 : vector<16xf32> to vector<1x16xf32>
        tpu.vector_store %arg12[%parallel_loop3A_155, %parallel_loop3A_156], %parallel_loop3A_159 {strides = array<i32>} : memref<48x128xf32, #tpu.memory_space<vmem>>, vector<1x16xf32>,
        %parallel_loop3A_160 = arith.constant 6 : i32
        %parallel_loop3A_161 = vector.broadcast %parallel_loop3A_160 : i32 to vector<16xi32>
        %parallel_loop3A_162 = arith.addi %shift_right_logical3A_13, %parallel_loop3A_161 : vector<16xi32>
        %parallel_loop3A_163 = vector.shape_cast %parallel_loop3A_162 : vector<16xi32> to vector<16x1xi32>
        %parallel_loop3A_164 = vector.shape_cast %parallel_loop3A_163 : vector<16x1xi32> to vector<16xi32>
        %parallel_loop3A_165 = tpu.dynamic_gather %parallel_loop3A_106[%parallel_loop3A_164] in [0] : vector<16xf32>, vector<16xi32> -> vector<16xf32>
        %parallel_loop3A_166 = arith.index_cast %parallel_loop3A_86 : i32 to index
        %parallel_loop3A_167 = arith.constant 48 : index
        %parallel_loop3A_168 = tpu.vector_load %arg10[%parallel_loop3A_166, %parallel_loop3A_167] {strides = array<i32>} : memref<96x128xf32, #tpu.memory_space<vmem>>, vector<1x16xf32>,
        %parallel_loop3A_169 = vector.shape_cast %parallel_loop3A_168 : vector<1x16xf32> to vector<16xf32>
        %parallel_loop3A_170 = arith.mulf %parallel_loop3A_165, %parallel_loop3A_169 : vector<16xf32>
        %parallel_loop3A_171 = arith.index_cast %parallel_loop3A_86 : i32 to index
        %parallel_loop3A_172 = arith.constant 48 : index
        %parallel_loop3A_173 = tpu.vector_load %arg12[%parallel_loop3A_171, %parallel_loop3A_172] {strides = array<i32>} : memref<48x128xf32, #tpu.memory_space<vmem>>, vector<1x16xf32>,
        %parallel_loop3A_174 = vector.shape_cast %parallel_loop3A_173 : vector<1x16xf32> to vector<16xf32>
        %parallel_loop3A_175 = vector.shape_cast %parallel_loop3A_170 : vector<16xf32> to vector<1x16xf32>
        tpu.vector_store %arg12[%parallel_loop3A_171, %parallel_loop3A_172], %parallel_loop3A_175 {strides = array<i32>} : memref<48x128xf32, #tpu.memory_space<vmem>>, vector<1x16xf32>,
      } {sc.loop_unroll_factor = 4 : i64, sc.parallel_access}
      "tpu.region"() ({
        %run_scoped3A = tpu.sem_alloc : memref<!tpu.dma_semaphore, #tpu.memory_space<semaphore_mem>>
        %dma_start3A_86 = arith.constant 0 : i32
        %dma_start3A_87 = arith.constant 0 : i32
        %dma_start3A_88 = tpu.memref_slice %arg14[%dma_start3A_86, %dma_start3A_87] : memref<10240x128xf32, #tpu.memory_space<vmem_shared>> -> memref<10240x128xf32, #tpu.memory_space<vmem_shared>>
        tpu.enqueue_indirect_dma source(%arg12 : memref<48x128xf32, #tpu.memory_space<vmem>>) target(%dma_start3A_88 : memref<10240x128xf32, #tpu.memory_space<vmem_shared>>) offsets(%arg9 : memref<48xi32, #tpu.memory_space<vmem>>) semaphore(%run_scoped3A : memref<!tpu.dma_semaphore, #tpu.memory_space<semaphore_mem>>) {add = true}
        %dma_wait3A_89 = arith.constant 0 : i32
        %dma_wait3A_90 = arith.constant 0 : i32
        %dma_wait3A_91 = tpu.memref_slice %arg14[%dma_wait3A_89, %dma_wait3A_90] : memref<10240x128xf32, #tpu.memory_space<vmem_shared>> -> memref<10240x128xf32, #tpu.memory_space<vmem_shared>>
        tpu.wait_indirect_dma semaphore(%run_scoped3A : memref<!tpu.dma_semaphore, #tpu.memory_space<semaphore_mem>>) src(%arg12 : memref<48x128xf32, #tpu.memory_space<vmem>>) dst(%dma_wait3A_91 : memref<10240x128xf32, #tpu.memory_space<vmem_shared>>)
        tpu.yield
      }) : () -> ()
      %dma_wait3A_66 = arith.constant 0 : i32
      %dma_wait3A_67 = arith.constant 0 : i32
      %dma_wait3A_68 = tpu.memref_slice %arg2[%dma_wait3A_66, %dma_wait3A_67] : memref<10000x128xf32, #tpu.memory_space<hbm>> -> memref<10000x128xf32, #tpu.memory_space<hbm>>
      tpu.wait_indirect_dma semaphore(%arg16 : memref<!tpu.dma_semaphore, #tpu.memory_space<semaphore_mem>>) src(%dma_wait3A_68 : memref<10000x128xf32, #tpu.memory_space<hbm>>) dst(%arg11 : memref<96x128xf32, #tpu.memory_space<vmem>>)
      %add3A_69 = arith.constant 2 : i32
      %add3A_70 = arith.addi %add3A_42, %add3A_69 : i32
      %lt3A = arith.constant 216 : i32
      %lt3A_71 = arith.cmpi slt, %add3A_70, %lt3A : i32
      %convert_element_type3A = arith.extui %lt3A_71 : i1 to i32
      %cond3A = arith.constant 0 : i32
      %cond3A_72 = arith.cmpi ne, %convert_element_type3A, %cond3A : i32
      scf.if %cond3A_72 {
        %add3A_86 = arith.constant 2 : i32
        %add3A_87 = arith.addi %add3A_42, %add3A_86 : i32
        %mul3A_88 = arith.constant 216 : i32
        %mul3A_89 = arith.muli %add3A, %mul3A_88 : i32
        %add3A_90 = arith.addi %mul3A_89, %add3A_87 : i32
        %mul3A_91 = arith.constant 2 : i32
        %mul3A_92 = arith.muli %add3A_90, %mul3A_91 : i32
        %mul3A_93 = arith.constant 48 : i32
        %mul3A_94 = arith.muli %mul3A_92, %mul3A_93 : i32
        "tpu.region"() ({
          %run_scoped3A = tpu.sem_alloc : memref<!tpu.dma_semaphore, #tpu.memory_space<semaphore_mem>>
          %dma_start3A_98 = tpu.memref_slice %arg4[%mul3A_94] : memref<663552xi32, #tpu.memory_space<hbm>> -> memref<96xi32, #tpu.memory_space<hbm>>
          %dma_start3A_99 = tpu.memref_slice %arg4[%mul3A_94] : memref<663552xi32, #tpu.memory_space<hbm>> -> memref<96xi32, #tpu.memory_space<hbm>>
          tpu.enqueue_dma source(%dma_start3A_99 : memref<96xi32, #tpu.memory_space<hbm>>) target(%arg7 : memref<96xi32, #tpu.memory_space<vmem>>) target_semaphore(%run_scoped3A : memref<!tpu.dma_semaphore, #tpu.memory_space<semaphore_mem>>)
          %dma_wait3A_100 = tpu.memref_slice %arg4[%mul3A_94] : memref<663552xi32, #tpu.memory_space<hbm>> -> memref<96xi32, #tpu.memory_space<hbm>>
          %dma_wait3A_101 = tpu.memref_slice %arg4[%mul3A_94] : memref<663552xi32, #tpu.memory_space<hbm>> -> memref<96xi32, #tpu.memory_space<hbm>>
          tpu.wait_dma2 semaphore(%run_scoped3A : memref<!tpu.dma_semaphore, #tpu.memory_space<semaphore_mem>>) src(%dma_wait3A_101 : memref<96xi32, #tpu.memory_space<hbm>>) dst(%arg7 : memref<96xi32, #tpu.memory_space<vmem>>)
          tpu.yield
        }) : () -> ()
        %dma_start3A_95 = arith.constant 0 : i32
        %dma_start3A_96 = arith.constant 0 : i32
        %dma_start3A_97 = tpu.memref_slice %arg2[%dma_start3A_95, %dma_start3A_96] : memref<10000x128xf32, #tpu.memory_space<hbm>> -> memref<10000x128xf32, #tpu.memory_space<hbm>>
        tpu.enqueue_indirect_dma source(%dma_start3A_97 : memref<10000x128xf32, #tpu.memory_space<hbm>>) target(%arg10 : memref<96x128xf32, #tpu.memory_space<vmem>>) offsets(%arg7 : memref<96xi32, #tpu.memory_space<vmem>>) semaphore(%arg15 : memref<!tpu.dma_semaphore, #tpu.memory_space<semaphore_mem>>)
      } else {
      }
      %add3A_73 = arith.constant 1 : i32
      %add3A_74 = arith.addi %add3A_42, %add3A_73 : i32
      %mul3A_75 = arith.constant 216 : i32
      %mul3A_76 = arith.muli %add3A, %mul3A_75 : i32
      %add3A_77 = arith.addi %mul3A_76, %add3A_74 : i32
      %mul3A_78 = arith.constant 48 : i32
      %mul3A_79 = arith.muli %add3A_77, %mul3A_78 : i32
      "tpu.region"() ({
        %run_scoped3A = tpu.sem_alloc : memref<!tpu.dma_semaphore, #tpu.memory_space<semaphore_mem>>
        %dma_start3A_86 = tpu.memref_slice %arg5[%mul3A_79] : memref<331776xi32, #tpu.memory_space<hbm>> -> memref<48xi32, #tpu.memory_space<hbm>>
        %dma_start3A_87 = tpu.memref_slice %arg5[%mul3A_79] : memref<331776xi32, #tpu.memory_space<hbm>> -> memref<48xi32, #tpu.memory_space<hbm>>
        tpu.enqueue_dma source(%dma_start3A_87 : memref<48xi32, #tpu.memory_space<hbm>>) target(%arg9 : memref<48xi32, #tpu.memory_space<vmem>>) target_semaphore(%run_scoped3A : memref<!tpu.dma_semaphore, #tpu.memory_space<semaphore_mem>>)
        %dma_wait3A_88 = tpu.memref_slice %arg5[%mul3A_79] : memref<331776xi32, #tpu.memory_space<hbm>> -> memref<48xi32, #tpu.memory_space<hbm>>
        %dma_wait3A_89 = tpu.memref_slice %arg5[%mul3A_79] : memref<331776xi32, #tpu.memory_space<hbm>> -> memref<48xi32, #tpu.memory_space<hbm>>
        tpu.wait_dma2 semaphore(%run_scoped3A : memref<!tpu.dma_semaphore, #tpu.memory_space<semaphore_mem>>) src(%dma_wait3A_89 : memref<48xi32, #tpu.memory_space<hbm>>) dst(%arg9 : memref<48xi32, #tpu.memory_space<vmem>>)
        tpu.yield
      }) : () -> ()
      %get3A_80 = arith.constant 0 : index
      %get3A_81 = tpu.vector_load %arg13[%get3A_80] {strides = array<i32>} : memref<16xf32, #tpu.memory_space<vmem>>, vector<16xf32>,
      %get3A_82 = vector.shape_cast %get3A_81 : vector<16xf32> to vector<16xf32>
      %parallel_loop3A_83 = arith.constant 0 : i32
      %parallel_loop3A_84 = arith.constant 48 : i32
      %parallel_loop3A_85 = arith.constant 1 : i32
      scf.for %parallel_loop3A_86 = %parallel_loop3A_83 to %parallel_loop3A_84 step %parallel_loop3A_85  : i32 {
        %parallel_loop3A_87 = arith.index_cast %parallel_loop3A_86 : i32 to index
        %parallel_loop3A_88 = arith.constant 64 : index
        %parallel_loop3A_89 = tpu.vector_load %arg11[%parallel_loop3A_87, %parallel_loop3A_88] {strides = array<i32>} : memref<96x128xf32, #tpu.memory_space<vmem>>, vector<1x16xf32>,
        %parallel_loop3A_90 = vector.shape_cast %parallel_loop3A_89 : vector<1x16xf32> to vector<16xf32>
        %parallel_loop3A_91 = arith.constant 48 : i32
        %parallel_loop3A_92 = arith.addi %parallel_loop3A_91, %parallel_loop3A_86 : i32
        %parallel_loop3A_93 = arith.index_cast %parallel_loop3A_92 : i32 to index
        %parallel_loop3A_94 = arith.constant 64 : index
        %parallel_loop3A_95 = tpu.vector_load %arg11[%parallel_loop3A_93, %parallel_loop3A_94] {strides = array<i32>} : memref<96x128xf32, #tpu.memory_space<vmem>>, vector<1x16xf32>,
        %parallel_loop3A_96 = vector.shape_cast %parallel_loop3A_95 : vector<1x16xf32> to vector<16xf32>
        %parallel_loop3A_97 = vector.shape_cast %and3A_18 : vector<16xi32> to vector<16x1xi32>
        %parallel_loop3A_98 = vector.shape_cast %parallel_loop3A_97 : vector<16x1xi32> to vector<16xi32>
        %parallel_loop3A_99 = tpu.dynamic_gather %parallel_loop3A_96[%parallel_loop3A_98] in [0] : vector<16xf32>, vector<16xi32> -> vector<16xf32>
        %parallel_loop3A_100 = arith.addf %parallel_loop3A_90, %parallel_loop3A_99 : vector<16xf32>
        %parallel_loop3A_101 = arith.constant 2.000000e-01 : f32
        %parallel_loop3A_102 = vector.broadcast %parallel_loop3A_101 : f32 to vector<16xf32>
        %parallel_loop3A_103 = arith.mulf %parallel_loop3A_102, %parallel_loop3A_100 : vector<16xf32>
        %parallel_loop3A_104 = arith.maximumf %parallel_loop3A_100, %parallel_loop3A_103 : vector<16xf32>
        %parallel_loop3A_105 = arith.subf %parallel_loop3A_104, %get3A_82 : vector<16xf32>
        %parallel_loop3A_106 = math.exp %parallel_loop3A_105 : vector<16xf32>
        %parallel_loop3A_107 = arith.index_cast %parallel_loop3A_86 : i32 to index
        %parallel_loop3A_108 = arith.constant 64 : index
        %parallel_loop3A_109 = tpu.vector_load %arg12[%parallel_loop3A_107, %parallel_loop3A_108] {strides = array<i32>} : memref<48x128xf32, #tpu.memory_space<vmem>>, vector<1x16xf32>,
        %parallel_loop3A_110 = vector.shape_cast %parallel_loop3A_109 : vector<1x16xf32> to vector<16xf32>
        %parallel_loop3A_111 = vector.shape_cast %parallel_loop3A_106 : vector<16xf32> to vector<1x16xf32>
        tpu.vector_store %arg12[%parallel_loop3A_107, %parallel_loop3A_108], %parallel_loop3A_111 {strides = array<i32>} : memref<48x128xf32, #tpu.memory_space<vmem>>, vector<1x16xf32>,
        %parallel_loop3A_112 = arith.constant 0 : i32
        %parallel_loop3A_113 = vector.broadcast %parallel_loop3A_112 : i32 to vector<16xi32>
        %parallel_loop3A_114 = arith.addi %shift_right_logical3A_13, %parallel_loop3A_113 : vector<16xi32>
        %parallel_loop3A_115 = vector.shape_cast %parallel_loop3A_114 : vector<16xi32> to vector<16x1xi32>
        %parallel_loop3A_116 = vector.shape_cast %parallel_loop3A_115 : vector<16x1xi32> to vector<16xi32>
        %parallel_loop3A_117 = tpu.dynamic_gather %parallel_loop3A_106[%parallel_loop3A_116] in [0] : vector<16xf32>, vector<16xi32> -> vector<16xf32>
        %parallel_loop3A_118 = arith.index_cast %parallel_loop3A_86 : i32 to index
        %parallel_loop3A_119 = arith.constant 0 : index
        %parallel_loop3A_120 = tpu.vector_load %arg11[%parallel_loop3A_118, %parallel_loop3A_119] {strides = array<i32>} : memref<96x128xf32, #tpu.memory_space<vmem>>, vector<1x16xf32>,
        %parallel_loop3A_121 = vector.shape_cast %parallel_loop3A_120 : vector<1x16xf32> to vector<16xf32>
        %parallel_loop3A_122 = arith.mulf %parallel_loop3A_117, %parallel_loop3A_121 : vector<16xf32>
        %parallel_loop3A_123 = arith.index_cast %parallel_loop3A_86 : i32 to index
        %parallel_loop3A_124 = arith.constant 0 : index
        %parallel_loop3A_125 = tpu.vector_load %arg12[%parallel_loop3A_123, %parallel_loop3A_124] {strides = array<i32>} : memref<48x128xf32, #tpu.memory_space<vmem>>, vector<1x16xf32>,
        %parallel_loop3A_126 = vector.shape_cast %parallel_loop3A_125 : vector<1x16xf32> to vector<16xf32>
        %parallel_loop3A_127 = vector.shape_cast %parallel_loop3A_122 : vector<16xf32> to vector<1x16xf32>
        tpu.vector_store %arg12[%parallel_loop3A_123, %parallel_loop3A_124], %parallel_loop3A_127 {strides = array<i32>} : memref<48x128xf32, #tpu.memory_space<vmem>>, vector<1x16xf32>,
        %parallel_loop3A_128 = arith.constant 2 : i32
        %parallel_loop3A_129 = vector.broadcast %parallel_loop3A_128 : i32 to vector<16xi32>
        %parallel_loop3A_130 = arith.addi %shift_right_logical3A_13, %parallel_loop3A_129 : vector<16xi32>
        %parallel_loop3A_131 = vector.shape_cast %parallel_loop3A_130 : vector<16xi32> to vector<16x1xi32>
        %parallel_loop3A_132 = vector.shape_cast %parallel_loop3A_131 : vector<16x1xi32> to vector<16xi32>
        %parallel_loop3A_133 = tpu.dynamic_gather %parallel_loop3A_106[%parallel_loop3A_132] in [0] : vector<16xf32>, vector<16xi32> -> vector<16xf32>
        %parallel_loop3A_134 = arith.index_cast %parallel_loop3A_86 : i32 to index
        %parallel_loop3A_135 = arith.constant 16 : index
        %parallel_loop3A_136 = tpu.vector_load %arg11[%parallel_loop3A_134, %parallel_loop3A_135] {strides = array<i32>} : memref<96x128xf32, #tpu.memory_space<vmem>>, vector<1x16xf32>,
        %parallel_loop3A_137 = vector.shape_cast %parallel_loop3A_136 : vector<1x16xf32> to vector<16xf32>
        %parallel_loop3A_138 = arith.mulf %parallel_loop3A_133, %parallel_loop3A_137 : vector<16xf32>
        %parallel_loop3A_139 = arith.index_cast %parallel_loop3A_86 : i32 to index
        %parallel_loop3A_140 = arith.constant 16 : index
        %parallel_loop3A_141 = tpu.vector_load %arg12[%parallel_loop3A_139, %parallel_loop3A_140] {strides = array<i32>} : memref<48x128xf32, #tpu.memory_space<vmem>>, vector<1x16xf32>,
        %parallel_loop3A_142 = vector.shape_cast %parallel_loop3A_141 : vector<1x16xf32> to vector<16xf32>
        %parallel_loop3A_143 = vector.shape_cast %parallel_loop3A_138 : vector<16xf32> to vector<1x16xf32>
        tpu.vector_store %arg12[%parallel_loop3A_139, %parallel_loop3A_140], %parallel_loop3A_143 {strides = array<i32>} : memref<48x128xf32, #tpu.memory_space<vmem>>, vector<1x16xf32>,
        %parallel_loop3A_144 = arith.constant 4 : i32
        %parallel_loop3A_145 = vector.broadcast %parallel_loop3A_144 : i32 to vector<16xi32>
        %parallel_loop3A_146 = arith.addi %shift_right_logical3A_13, %parallel_loop3A_145 : vector<16xi32>
        %parallel_loop3A_147 = vector.shape_cast %parallel_loop3A_146 : vector<16xi32> to vector<16x1xi32>
        %parallel_loop3A_148 = vector.shape_cast %parallel_loop3A_147 : vector<16x1xi32> to vector<16xi32>
        %parallel_loop3A_149 = tpu.dynamic_gather %parallel_loop3A_106[%parallel_loop3A_148] in [0] : vector<16xf32>, vector<16xi32> -> vector<16xf32>
        %parallel_loop3A_150 = arith.index_cast %parallel_loop3A_86 : i32 to index
        %parallel_loop3A_151 = arith.constant 32 : index
        %parallel_loop3A_152 = tpu.vector_load %arg11[%parallel_loop3A_150, %parallel_loop3A_151] {strides = array<i32>} : memref<96x128xf32, #tpu.memory_space<vmem>>, vector<1x16xf32>,
        %parallel_loop3A_153 = vector.shape_cast %parallel_loop3A_152 : vector<1x16xf32> to vector<16xf32>
        %parallel_loop3A_154 = arith.mulf %parallel_loop3A_149, %parallel_loop3A_153 : vector<16xf32>
        %parallel_loop3A_155 = arith.index_cast %parallel_loop3A_86 : i32 to index
        %parallel_loop3A_156 = arith.constant 32 : index
        %parallel_loop3A_157 = tpu.vector_load %arg12[%parallel_loop3A_155, %parallel_loop3A_156] {strides = array<i32>} : memref<48x128xf32, #tpu.memory_space<vmem>>, vector<1x16xf32>,
        %parallel_loop3A_158 = vector.shape_cast %parallel_loop3A_157 : vector<1x16xf32> to vector<16xf32>
        %parallel_loop3A_159 = vector.shape_cast %parallel_loop3A_154 : vector<16xf32> to vector<1x16xf32>
        tpu.vector_store %arg12[%parallel_loop3A_155, %parallel_loop3A_156], %parallel_loop3A_159 {strides = array<i32>} : memref<48x128xf32, #tpu.memory_space<vmem>>, vector<1x16xf32>,
        %parallel_loop3A_160 = arith.constant 6 : i32
        %parallel_loop3A_161 = vector.broadcast %parallel_loop3A_160 : i32 to vector<16xi32>
        %parallel_loop3A_162 = arith.addi %shift_right_logical3A_13, %parallel_loop3A_161 : vector<16xi32>
        %parallel_loop3A_163 = vector.shape_cast %parallel_loop3A_162 : vector<16xi32> to vector<16x1xi32>
        %parallel_loop3A_164 = vector.shape_cast %parallel_loop3A_163 : vector<16x1xi32> to vector<16xi32>
        %parallel_loop3A_165 = tpu.dynamic_gather %parallel_loop3A_106[%parallel_loop3A_164] in [0] : vector<16xf32>, vector<16xi32> -> vector<16xf32>
        %parallel_loop3A_166 = arith.index_cast %parallel_loop3A_86 : i32 to index
        %parallel_loop3A_167 = arith.constant 48 : index
        %parallel_loop3A_168 = tpu.vector_load %arg11[%parallel_loop3A_166, %parallel_loop3A_167] {strides = array<i32>} : memref<96x128xf32, #tpu.memory_space<vmem>>, vector<1x16xf32>,
        %parallel_loop3A_169 = vector.shape_cast %parallel_loop3A_168 : vector<1x16xf32> to vector<16xf32>
        %parallel_loop3A_170 = arith.mulf %parallel_loop3A_165, %parallel_loop3A_169 : vector<16xf32>
        %parallel_loop3A_171 = arith.index_cast %parallel_loop3A_86 : i32 to index
        %parallel_loop3A_172 = arith.constant 48 : index
        %parallel_loop3A_173 = tpu.vector_load %arg12[%parallel_loop3A_171, %parallel_loop3A_172] {strides = array<i32>} : memref<48x128xf32, #tpu.memory_space<vmem>>, vector<1x16xf32>,
        %parallel_loop3A_174 = vector.shape_cast %parallel_loop3A_173 : vector<1x16xf32> to vector<16xf32>
        %parallel_loop3A_175 = vector.shape_cast %parallel_loop3A_170 : vector<16xf32> to vector<1x16xf32>
        tpu.vector_store %arg12[%parallel_loop3A_171, %parallel_loop3A_172], %parallel_loop3A_175 {strides = array<i32>} : memref<48x128xf32, #tpu.memory_space<vmem>>, vector<1x16xf32>,
      } {sc.loop_unroll_factor = 4 : i64, sc.parallel_access}
      "tpu.region"() ({
        %run_scoped3A = tpu.sem_alloc : memref<!tpu.dma_semaphore, #tpu.memory_space<semaphore_mem>>
        %dma_start3A_86 = arith.constant 0 : i32
        %dma_start3A_87 = arith.constant 0 : i32
        %dma_start3A_88 = tpu.memref_slice %arg14[%dma_start3A_86, %dma_start3A_87] : memref<10240x128xf32, #tpu.memory_space<vmem_shared>> -> memref<10240x128xf32, #tpu.memory_space<vmem_shared>>
        tpu.enqueue_indirect_dma source(%arg12 : memref<48x128xf32, #tpu.memory_space<vmem>>) target(%dma_start3A_88 : memref<10240x128xf32, #tpu.memory_space<vmem_shared>>) offsets(%arg9 : memref<48xi32, #tpu.memory_space<vmem>>) semaphore(%run_scoped3A : memref<!tpu.dma_semaphore, #tpu.memory_space<semaphore_mem>>) {add = true}
        %dma_wait3A_89 = arith.constant 0 : i32
        %dma_wait3A_90 = arith.constant 0 : i32
        %dma_wait3A_91 = tpu.memref_slice %arg14[%dma_wait3A_89, %dma_wait3A_90] : memref<10240x128xf32, #tpu.memory_space<vmem_shared>> -> memref<10240x128xf32, #tpu.memory_space<vmem_shared>>
        tpu.wait_indirect_dma semaphore(%run_scoped3A : memref<!tpu.dma_semaphore, #tpu.memory_space<semaphore_mem>>) src(%arg12 : memref<48x128xf32, #tpu.memory_space<vmem>>) dst(%dma_wait3A_91 : memref<10240x128xf32, #tpu.memory_space<vmem_shared>>)
        tpu.yield
      }) : () -> ()
    }
    %scan3A_33 = arith.constant 108 : i32
    %barrier3A_34 = arith.constant 0 : index
    tpu.barrier barrier_id(%barrier3A_34)
    %mul3A_35 = arith.constant 10240 : i32
    %mul3A_36 = arith.muli %arg0, %mul3A_35 : i32
    %add3A_37 = arith.addi %mul3A_36, %mul3A_2 : i32
    "tpu.region"() ({
      %run_scoped3A = tpu.sem_alloc : memref<!tpu.dma_semaphore, #tpu.memory_space<semaphore_mem>>
      %dma_start3A_38 = arith.constant 0 : i32
      %dma_start3A_39 = tpu.memref_slice %arg6[%add3A_37, %dma_start3A_38] : memref<20480x128xf32, #tpu.memory_space<hbm>> -> memref<640x128xf32, #tpu.memory_space<hbm>>
      %dma_start3A_40 = arith.constant 0 : i32
      %dma_start3A_41 = tpu.memref_slice %arg14[%mul3A_2, %dma_start3A_40] : memref<10240x128xf32, #tpu.memory_space<vmem_shared>> -> memref<640x128xf32, #tpu.memory_space<vmem_shared>>
      tpu.enqueue_dma source(%dma_start3A_41 : memref<640x128xf32, #tpu.memory_space<vmem_shared>>) target(%dma_start3A_39 : memref<640x128xf32, #tpu.memory_space<hbm>>) target_semaphore(%run_scoped3A : memref<!tpu.dma_semaphore, #tpu.memory_space<semaphore_mem>>)
      %dma_wait3A = arith.constant 0 : i32
      %dma_wait3A_42 = tpu.memref_slice %arg6[%add3A_37, %dma_wait3A] : memref<20480x128xf32, #tpu.memory_space<hbm>> -> memref<640x128xf32, #tpu.memory_space<hbm>>
      %dma_wait3A_43 = arith.constant 0 : i32
      %dma_wait3A_44 = tpu.memref_slice %arg14[%mul3A_2, %dma_wait3A_43] : memref<10240x128xf32, #tpu.memory_space<vmem_shared>> -> memref<640x128xf32, #tpu.memory_space<vmem_shared>>
      tpu.wait_dma2 semaphore(%run_scoped3A : memref<!tpu.dma_semaphore, #tpu.memory_space<semaphore_mem>>) src(%dma_wait3A_44 : memref<640x128xf32, #tpu.memory_space<vmem_shared>>) dst(%dma_wait3A_42 : memref<640x128xf32, #tpu.memory_space<hbm>>)
      tpu.yield
    }) : () -> ()
    return
  }
}

#map = affine_map<(d0, d1) -> (0, 0)>
#map1 = affine_map<(d0, d1) -> (0)>
module attributes {stable_mosaic.version = 14 : i64} {
  func.func @k(%arg0: i32, %arg1: i32, %arg2: memref<10000x128xf32, #tpu.memory_space<hbm>>, %arg3: memref<16xf32, #tpu.memory_space<hbm>>, %arg4: memref<663552xi32, #tpu.memory_space<hbm>>, %arg5: memref<331776xi32, #tpu.memory_space<hbm>>, %arg6: memref<20480x128xf32, #tpu.memory_space<hbm>>, %arg7: memref<96xi32, #tpu.memory_space<vmem>>, %arg8: memref<96xi32, #tpu.memory_space<vmem>>, %arg9: memref<48xi32, #tpu.memory_space<vmem>>, %arg10: memref<96x128xf32, #tpu.memory_space<vmem>>, %arg11: memref<96x128xf32, #tpu.memory_space<vmem>>, %arg12: memref<48x128xf32, #tpu.memory_space<vmem>>, %arg13: memref<16xf32, #tpu.memory_space<vmem>>, %arg14: memref<10240x128xf32, #tpu.memory_space<vmem_shared>>, %arg15: memref<!tpu.dma_semaphore, #tpu.memory_space<semaphore_mem>>, %arg16: memref<!tpu.dma_semaphore, #tpu.memory_space<semaphore_mem>>) attributes {dimension_semantics = [#tpu.dimension_semantics<core_parallel>, #tpu.dimension_semantics<subcore_parallel>], iteration_bounds = array<i64: 2, 16>, scalar_prefetch = 0 : i64, scratch_operands = 10 : i64, tpu.core_type = #tpu.core_type<sc_vector_subcore>, window_params = [{transform_indices = #map}, {transform_indices = #map1}, {transform_indices = #map1}, {transform_indices = #map1}, {transform_indices = #map}]} {
    %mul3A = arith.constant 2 : i32
    %mul3A_0 = arith.muli %arg1, %mul3A : i32
    %add3A = arith.addi %mul3A_0, %arg0 : i32
    %mul3A_1 = arith.constant 640 : i32
    %mul3A_2 = arith.muli %arg1, %mul3A_1 : i32
    %scan3A = arith.constant 0 : i32
    %scan3A_3 = arith.constant 48 : i32
    %scan3A_4 = arith.addi %scan3A, %scan3A_3 : i32
    %scan3A_5 = arith.constant 1 : i32
    scf.for %scan3A_38 = %scan3A to %scan3A_4 step %scan3A_5  : i32 {
      %mul3A_39 = arith.constant 1 : i32
      %mul3A_40 = arith.muli %scan3A_38, %mul3A_39 : i32
      %add3A_41 = arith.constant 0 : i32
      %add3A_42 = arith.addi %add3A_41, %mul3A_40 : i32
      %scan3A_43 = arith.constant 0 : i32
      %scan3A_44 = arith.constant 8 : i32
      %scan3A_45 = arith.addi %scan3A_43, %scan3A_44 : i32
      %scan3A_46 = arith.constant 1 : i32
      scf.for %scan3A_48 = %scan3A_43 to %scan3A_45 step %scan3A_46  : i32 {
        %mul3A_49 = arith.constant 16 : i32
        %mul3A_50 = arith.muli %scan3A_48, %mul3A_49 : i32
        %add3A_51 = arith.constant 0 : i32
        %add3A_52 = arith.addi %add3A_51, %mul3A_50 : i32
        %broadcast_in_dim3A = arith.constant 0.000000e+00 : f32
        %broadcast_in_dim3A_53 = vector.broadcast %broadcast_in_dim3A : f32 to vector<16xf32>
        %swap3A = arith.index_cast %add3A_42 : i32 to index
        %swap3A_54 = arith.index_cast %add3A_52 : i32 to index
        %swap3A_55 = tpu.vector_load %arg12[%swap3A, %swap3A_54] {strides = array<i32>} : memref<48x128xf32, #tpu.memory_space<vmem>>, vector<1x16xf32>,
        %swap3A_56 = vector.shape_cast %swap3A_55 : vector<1x16xf32> to vector<16xf32>
        %swap3A_57 = vector.shape_cast %broadcast_in_dim3A_53 : vector<16xf32> to vector<1x16xf32>
        tpu.vector_store %arg12[%swap3A, %swap3A_54], %swap3A_57 {strides = array<i32>} : memref<48x128xf32, #tpu.memory_space<vmem>>, vector<1x16xf32>,
      }
      %scan3A_47 = arith.constant 8 : i32
    }
    %scan3A_6 = arith.constant 48 : i32
    %scan3A_7 = arith.constant 0 : i32
    %scan3A_8 = arith.constant 14 : i32
    %scan3A_9 = arith.addi %scan3A_7, %scan3A_8 : i32
    %scan3A_10 = arith.constant 1 : i32
    scf.for %scan3A_38 = %scan3A_7 to %scan3A_9 step %scan3A_10  : i32 {
      %mul3A_39 = arith.constant 48 : i32
      %mul3A_40 = arith.muli %scan3A_38, %mul3A_39 : i32
      %add3A_41 = arith.constant 0 : i32
      %add3A_42 = arith.addi %add3A_41, %mul3A_40 : i32
      %add3A_43 = arith.addi %mul3A_2, %add3A_42 : i32
      "tpu.region"() ({
        %run_scoped3A = tpu.sem_alloc : memref<!tpu.dma_semaphore, #tpu.memory_space<semaphore_mem>>
        %dma_start3A_44 = arith.constant 0 : i32
        %dma_start3A_45 = tpu.memref_slice %arg14[%add3A_43, %dma_start3A_44] : memref<10240x128xf32, #tpu.memory_space<vmem_shared>> -> memref<48x128xf32, #tpu.memory_space<vmem_shared>>
        %dma_start3A_46 = arith.constant 0 : i32
        %dma_start3A_47 = tpu.memref_slice %arg14[%add3A_43, %dma_start3A_46] : memref<10240x128xf32, #tpu.memory_space<vmem_shared>> -> memref<48x128xf32, #tpu.memory_space<vmem_shared>>
        tpu.enqueue_dma source(%arg12 : memref<48x128xf32, #tpu.memory_space<vmem>>) target(%dma_start3A_47 : memref<48x128xf32, #tpu.memory_space<vmem_shared>>) target_semaphore(%run_scoped3A : memref<!tpu.dma_semaphore, #tpu.memory_space<semaphore_mem>>)
        %dma_wait3A = arith.constant 0 : i32
        %dma_wait3A_48 = tpu.memref_slice %arg14[%add3A_43, %dma_wait3A] : memref<10240x128xf32, #tpu.memory_space<vmem_shared>> -> memref<48x128xf32, #tpu.memory_space<vmem_shared>>
        %dma_wait3A_49 = arith.constant 0 : i32
        %dma_wait3A_50 = tpu.memref_slice %arg14[%add3A_43, %dma_wait3A_49] : memref<10240x128xf32, #tpu.memory_space<vmem_shared>> -> memref<48x128xf32, #tpu.memory_space<vmem_shared>>
        tpu.wait_dma2 semaphore(%run_scoped3A : memref<!tpu.dma_semaphore, #tpu.memory_space<semaphore_mem>>) src(%arg12 : memref<48x128xf32, #tpu.memory_space<vmem>>) dst(%dma_wait3A_50 : memref<48x128xf32, #tpu.memory_space<vmem_shared>>)
        tpu.yield
      }) : () -> ()
    }
    %scan3A_11 = arith.constant 14 : i32
    "tpu.region"() ({
      %run_scoped3A = tpu.sem_alloc : memref<!tpu.dma_semaphore, #tpu.memory_space<semaphore_mem>>
      tpu.enqueue_dma source(%arg3 : memref<16xf32, #tpu.memory_space<hbm>>) target(%arg13 : memref<16xf32, #tpu.memory_space<vmem>>) target_semaphore(%run_scoped3A : memref<!tpu.dma_semaphore, #tpu.memory_space<semaphore_mem>>)
      tpu.wait_dma2 semaphore(%run_scoped3A : memref<!tpu.dma_semaphore, #tpu.memory_space<semaphore_mem>>) src(%arg3 : memref<16xf32, #tpu.memory_space<hbm>>) dst(%arg13 : memref<16xf32, #tpu.memory_space<vmem>>)
      tpu.yield
    }) : () -> ()
    %barrier3A = arith.constant 0 : index
    tpu.barrier barrier_id(%barrier3A)
    %iota3A = tpu.iota {dimensions = array<i32: 0>} : vector<16xi32>
    %shift_right_logical3A = arith.constant 3 : i32
    %shift_right_logical3A_12 = vector.broadcast %shift_right_logical3A : i32 to vector<16xi32>
    %shift_right_logical3A_13 = arith.shrui %iota3A, %shift_right_logical3A_12 : vector<16xi32>
    %add3A_14 = arith.constant 8 : i32
    %add3A_15 = vector.broadcast %add3A_14 : i32 to vector<16xi32>
    %add3A_16 = arith.addi %iota3A, %add3A_15 : vector<16xi32>
    %and3A = arith.constant 15 : i32
    %and3A_17 = vector.broadcast %and3A : i32 to vector<16xi32>
    %and3A_18 = arith.andi %add3A_16, %and3A_17 : vector<16xi32>
    %mul3A_19 = arith.constant 216 : i32
    %mul3A_20 = arith.muli %add3A, %mul3A_19 : i32
    %add3A_21 = arith.constant 0 : i32
    %add3A_22 = arith.addi %mul3A_20, %add3A_21 : i32
    %mul3A_23 = arith.constant 2 : i32
    %mul3A_24 = arith.muli %add3A_22, %mul3A_23 : i32
    %mul3A_25 = arith.constant 48 : i32
    %mul3A_26 = arith.muli %mul3A_24, %mul3A_25 : i32
    "tpu.region"() ({
      %run_scoped3A = tpu.sem_alloc : memref<!tpu.dma_semaphore, #tpu.memory_space<semaphore_mem>>
      %dma_start3A_38 = tpu.memref_slice %arg4[%mul3A_26] : memref<663552xi32, #tpu.memory_space<hbm>> -> memref<96xi32, #tpu.memory_space<hbm>>
      %dma_start3A_39 = tpu.memref_slice %arg4[%mul3A_26] : memref<663552xi32, #tpu.memory_space<hbm>> -> memref<96xi32, #tpu.memory_space<hbm>>
      tpu.enqueue_dma source(%dma_start3A_39 : memref<96xi32, #tpu.memory_space<hbm>>) target(%arg7 : memref<96xi32, #tpu.memory_space<vmem>>) target_semaphore(%run_scoped3A : memref<!tpu.dma_semaphore, #tpu.memory_space<semaphore_mem>>)
      %dma_wait3A = tpu.memref_slice %arg4[%mul3A_26] : memref<663552xi32, #tpu.memory_space<hbm>> -> memref<96xi32, #tpu.memory_space<hbm>>
      %dma_wait3A_40 = tpu.memref_slice %arg4[%mul3A_26] : memref<663552xi32, #tpu.memory_space<hbm>> -> memref<96xi32, #tpu.memory_space<hbm>>
      tpu.wait_dma2 semaphore(%run_scoped3A : memref<!tpu.dma_semaphore, #tpu.memory_space<semaphore_mem>>) src(%dma_wait3A_40 : memref<96xi32, #tpu.memory_space<hbm>>) dst(%arg7 : memref<96xi32, #tpu.memory_space<vmem>>)
      tpu.yield
    }) : () -> ()
    %dma_start3A = arith.constant 0 : i32
    %dma_start3A_27 = arith.constant 0 : i32
    %dma_start3A_28 = tpu.memref_slice %arg2[%dma_start3A, %dma_start3A_27] : memref<10000x128xf32, #tpu.memory_space<hbm>> -> memref<10000x128xf32, #tpu.memory_space<hbm>>
    tpu.enqueue_indirect_dma source(%dma_start3A_28 : memref<10000x128xf32, #tpu.memory_space<hbm>>) target(%arg10 : memref<96x128xf32, #tpu.memory_space<vmem>>) offsets(%arg7 : memref<96xi32, #tpu.memory_space<vmem>>) semaphore(%arg15 : memref<!tpu.dma_semaphore, #tpu.memory_space<semaphore_mem>>)
    %scan3A_29 = arith.constant 0 : i32
    %scan3A_30 = arith.constant 108 : i32
    %scan3A_31 = arith.addi %scan3A_29, %scan3A_30 : i32
    %scan3A_32 = arith.constant 1 : i32
    scf.for %scan3A_38 = %scan3A_29 to %scan3A_31 step %scan3A_32  : i32 {
      %mul3A_39 = arith.constant 2 : i32
      %mul3A_40 = arith.muli %scan3A_38, %mul3A_39 : i32
      %add3A_41 = arith.constant 0 : i32
      %add3A_42 = arith.addi %add3A_41, %mul3A_40 : i32
      %dma_wait3A = arith.constant 0 : i32
      %dma_wait3A_43 = arith.constant 0 : i32
      %dma_wait3A_44 = tpu.memref_slice %arg2[%dma_wait3A, %dma_wait3A_43] : memref<10000x128xf32, #tpu.memory_space<hbm>> -> memref<10000x128xf32, #tpu.memory_space<hbm>>
      tpu.wait_indirect_dma semaphore(%arg15 : memref<!tpu.dma_semaphore, #tpu.memory_space<semaphore_mem>>) src(%dma_wait3A_44 : memref<10000x128xf32, #tpu.memory_space<hbm>>) dst(%arg10 : memref<96x128xf32, #tpu.memory_space<vmem>>)
      %add3A_45 = arith.constant 1 : i32
      %add3A_46 = arith.addi %add3A_42, %add3A_45 : i32
      %mul3A_47 = arith.constant 216 : i32
      %mul3A_48 = arith.muli %add3A, %mul3A_47 : i32
      %add3A_49 = arith.addi %mul3A_48, %add3A_46 : i32
      %mul3A_50 = arith.constant 2 : i32
      %mul3A_51 = arith.muli %add3A_49, %mul3A_50 : i32
      %mul3A_52 = arith.constant 48 : i32
      %mul3A_53 = arith.muli %mul3A_51, %mul3A_52 : i32
      "tpu.region"() ({
        %run_scoped3A = tpu.sem_alloc : memref<!tpu.dma_semaphore, #tpu.memory_space<semaphore_mem>>
        %dma_start3A_86 = tpu.memref_slice %arg4[%mul3A_53] : memref<663552xi32, #tpu.memory_space<hbm>> -> memref<96xi32, #tpu.memory_space<hbm>>
        %dma_start3A_87 = tpu.memref_slice %arg4[%mul3A_53] : memref<663552xi32, #tpu.memory_space<hbm>> -> memref<96xi32, #tpu.memory_space<hbm>>
        tpu.enqueue_dma source(%dma_start3A_87 : memref<96xi32, #tpu.memory_space<hbm>>) target(%arg8 : memref<96xi32, #tpu.memory_space<vmem>>) target_semaphore(%run_scoped3A : memref<!tpu.dma_semaphore, #tpu.memory_space<semaphore_mem>>)
        %dma_wait3A_88 = tpu.memref_slice %arg4[%mul3A_53] : memref<663552xi32, #tpu.memory_space<hbm>> -> memref<96xi32, #tpu.memory_space<hbm>>
        %dma_wait3A_89 = tpu.memref_slice %arg4[%mul3A_53] : memref<663552xi32, #tpu.memory_space<hbm>> -> memref<96xi32, #tpu.memory_space<hbm>>
        tpu.wait_dma2 semaphore(%run_scoped3A : memref<!tpu.dma_semaphore, #tpu.memory_space<semaphore_mem>>) src(%dma_wait3A_89 : memref<96xi32, #tpu.memory_space<hbm>>) dst(%arg8 : memref<96xi32, #tpu.memory_space<vmem>>)
        tpu.yield
      }) : () -> ()
      %dma_start3A_54 = arith.constant 0 : i32
      %dma_start3A_55 = arith.constant 0 : i32
      %dma_start3A_56 = tpu.memref_slice %arg2[%dma_start3A_54, %dma_start3A_55] : memref<10000x128xf32, #tpu.memory_space<hbm>> -> memref<10000x128xf32, #tpu.memory_space<hbm>>
      tpu.enqueue_indirect_dma source(%dma_start3A_56 : memref<10000x128xf32, #tpu.memory_space<hbm>>) target(%arg11 : memref<96x128xf32, #tpu.memory_space<vmem>>) offsets(%arg8 : memref<96xi32, #tpu.memory_space<vmem>>) semaphore(%arg16 : memref<!tpu.dma_semaphore, #tpu.memory_space<semaphore_mem>>)
      %mul3A_57 = arith.constant 216 : i32
      %mul3A_58 = arith.muli %add3A, %mul3A_57 : i32
      %add3A_59 = arith.addi %mul3A_58, %add3A_42 : i32
      %mul3A_60 = arith.constant 48 : i32
      %mul3A_61 = arith.muli %add3A_59, %mul3A_60 : i32
      "tpu.region"() ({
        %run_scoped3A = tpu.sem_alloc : memref<!tpu.dma_semaphore, #tpu.memory_space<semaphore_mem>>
        %dma_start3A_86 = tpu.memref_slice %arg5[%mul3A_61] : memref<331776xi32, #tpu.memory_space<hbm>> -> memref<48xi32, #tpu.memory_space<hbm>>
        %dma_start3A_87 = tpu.memref_slice %arg5[%mul3A_61] : memref<331776xi32, #tpu.memory_space<hbm>> -> memref<48xi32, #tpu.memory_space<hbm>>
        tpu.enqueue_dma source(%dma_start3A_87 : memref<48xi32, #tpu.memory_space<hbm>>) target(%arg9 : memref<48xi32, #tpu.memory_space<vmem>>) target_semaphore(%run_scoped3A : memref<!tpu.dma_semaphore, #tpu.memory_space<semaphore_mem>>)
        %dma_wait3A_88 = tpu.memref_slice %arg5[%mul3A_61] : memref<331776xi32, #tpu.memory_space<hbm>> -> memref<48xi32, #tpu.memory_space<hbm>>
        %dma_wait3A_89 = tpu.memref_slice %arg5[%mul3A_61] : memref<331776xi32, #tpu.memory_space<hbm>> -> memref<48xi32, #tpu.memory_space<hbm>>
        tpu.wait_dma2 semaphore(%run_scoped3A : memref<!tpu.dma_semaphore, #tpu.memory_space<semaphore_mem>>) src(%dma_wait3A_89 : memref<48xi32, #tpu.memory_space<hbm>>) dst(%arg9 : memref<48xi32, #tpu.memory_space<vmem>>)
        tpu.yield
      }) : () -> ()
      %get3A = arith.constant 0 : index
      %get3A_62 = tpu.vector_load %arg13[%get3A] {strides = array<i32>} : memref<16xf32, #tpu.memory_space<vmem>>, vector<16xf32>,
      %get3A_63 = vector.shape_cast %get3A_62 : vector<16xf32> to vector<16xf32>
      %parallel_loop3A = arith.constant 0 : i32
      %parallel_loop3A_64 = arith.constant 48 : i32
      %parallel_loop3A_65 = arith.constant 1 : i32
      scf.for %parallel_loop3A_86 = %parallel_loop3A to %parallel_loop3A_64 step %parallel_loop3A_65  : i32 {
        %parallel_loop3A_87 = arith.index_cast %parallel_loop3A_86 : i32 to index
        %parallel_loop3A_88 = arith.constant 64 : index
        %parallel_loop3A_89 = tpu.vector_load %arg10[%parallel_loop3A_87, %parallel_loop3A_88] {strides = array<i32>} : memref<96x128xf32, #tpu.memory_space<vmem>>, vector<1x16xf32>,
        %parallel_loop3A_90 = vector.shape_cast %parallel_loop3A_89 : vector<1x16xf32> to vector<16xf32>
        %parallel_loop3A_91 = arith.constant 48 : i32
        %parallel_loop3A_92 = arith.addi %parallel_loop3A_91, %parallel_loop3A_86 : i32
        %parallel_loop3A_93 = arith.index_cast %parallel_loop3A_92 : i32 to index
        %parallel_loop3A_94 = arith.constant 64 : index
        %parallel_loop3A_95 = tpu.vector_load %arg10[%parallel_loop3A_93, %parallel_loop3A_94] {strides = array<i32>} : memref<96x128xf32, #tpu.memory_space<vmem>>, vector<1x16xf32>,
        %parallel_loop3A_96 = vector.shape_cast %parallel_loop3A_95 : vector<1x16xf32> to vector<16xf32>
        %parallel_loop3A_97 = vector.shape_cast %and3A_18 : vector<16xi32> to vector<16x1xi32>
        %parallel_loop3A_98 = vector.shape_cast %parallel_loop3A_97 : vector<16x1xi32> to vector<16xi32>
        %parallel_loop3A_99 = tpu.dynamic_gather %parallel_loop3A_96[%parallel_loop3A_98] in [0] : vector<16xf32>, vector<16xi32> -> vector<16xf32>
        %parallel_loop3A_100 = arith.addf %parallel_loop3A_90, %parallel_loop3A_99 : vector<16xf32>
        %parallel_loop3A_101 = arith.constant 2.000000e-01 : f32
        %parallel_loop3A_102 = vector.broadcast %parallel_loop3A_101 : f32 to vector<16xf32>
        %parallel_loop3A_103 = arith.mulf %parallel_loop3A_102, %parallel_loop3A_100 : vector<16xf32>
        %parallel_loop3A_104 = arith.maximumf %parallel_loop3A_100, %parallel_loop3A_103 : vector<16xf32>
        %parallel_loop3A_105 = arith.subf %parallel_loop3A_104, %get3A_63 : vector<16xf32>
        %parallel_loop3A_106 = math.exp %parallel_loop3A_105 : vector<16xf32>
        %parallel_loop3A_107 = arith.index_cast %parallel_loop3A_86 : i32 to index
        %parallel_loop3A_108 = arith.constant 64 : index
        %parallel_loop3A_109 = tpu.vector_load %arg12[%parallel_loop3A_107, %parallel_loop3A_108] {strides = array<i32>} : memref<48x128xf32, #tpu.memory_space<vmem>>, vector<1x16xf32>,
        %parallel_loop3A_110 = vector.shape_cast %parallel_loop3A_109 : vector<1x16xf32> to vector<16xf32>
        %parallel_loop3A_111 = vector.shape_cast %parallel_loop3A_106 : vector<16xf32> to vector<1x16xf32>
        tpu.vector_store %arg12[%parallel_loop3A_107, %parallel_loop3A_108], %parallel_loop3A_111 {strides = array<i32>} : memref<48x128xf32, #tpu.memory_space<vmem>>, vector<1x16xf32>,
        %parallel_loop3A_112 = arith.constant 0 : i32
        %parallel_loop3A_113 = vector.broadcast %parallel_loop3A_112 : i32 to vector<16xi32>
        %parallel_loop3A_114 = arith.addi %shift_right_logical3A_13, %parallel_loop3A_113 : vector<16xi32>
        %parallel_loop3A_115 = vector.shape_cast %parallel_loop3A_114 : vector<16xi32> to vector<16x1xi32>
        %parallel_loop3A_116 = vector.shape_cast %parallel_loop3A_115 : vector<16x1xi32> to vector<16xi32>
        %parallel_loop3A_117 = tpu.dynamic_gather %parallel_loop3A_106[%parallel_loop3A_116] in [0] : vector<16xf32>, vector<16xi32> -> vector<16xf32>
        %parallel_loop3A_118 = arith.index_cast %parallel_loop3A_86 : i32 to index
        %parallel_loop3A_119 = arith.constant 0 : index
        %parallel_loop3A_120 = tpu.vector_load %arg10[%parallel_loop3A_118, %parallel_loop3A_119] {strides = array<i32>} : memref<96x128xf32, #tpu.memory_space<vmem>>, vector<1x16xf32>,
        %parallel_loop3A_121 = vector.shape_cast %parallel_loop3A_120 : vector<1x16xf32> to vector<16xf32>
        %parallel_loop3A_122 = arith.mulf %parallel_loop3A_117, %parallel_loop3A_121 : vector<16xf32>
        %parallel_loop3A_123 = arith.index_cast %parallel_loop3A_86 : i32 to index
        %parallel_loop3A_124 = arith.constant 0 : index
        %parallel_loop3A_125 = tpu.vector_load %arg12[%parallel_loop3A_123, %parallel_loop3A_124] {strides = array<i32>} : memref<48x128xf32, #tpu.memory_space<vmem>>, vector<1x16xf32>,
        %parallel_loop3A_126 = vector.shape_cast %parallel_loop3A_125 : vector<1x16xf32> to vector<16xf32>
        %parallel_loop3A_127 = vector.shape_cast %parallel_loop3A_122 : vector<16xf32> to vector<1x16xf32>
        tpu.vector_store %arg12[%parallel_loop3A_123, %parallel_loop3A_124], %parallel_loop3A_127 {strides = array<i32>} : memref<48x128xf32, #tpu.memory_space<vmem>>, vector<1x16xf32>,
        %parallel_loop3A_128 = arith.constant 2 : i32
        %parallel_loop3A_129 = vector.broadcast %parallel_loop3A_128 : i32 to vector<16xi32>
        %parallel_loop3A_130 = arith.addi %shift_right_logical3A_13, %parallel_loop3A_129 : vector<16xi32>
        %parallel_loop3A_131 = vector.shape_cast %parallel_loop3A_130 : vector<16xi32> to vector<16x1xi32>
        %parallel_loop3A_132 = vector.shape_cast %parallel_loop3A_131 : vector<16x1xi32> to vector<16xi32>
        %parallel_loop3A_133 = tpu.dynamic_gather %parallel_loop3A_106[%parallel_loop3A_132] in [0] : vector<16xf32>, vector<16xi32> -> vector<16xf32>
        %parallel_loop3A_134 = arith.index_cast %parallel_loop3A_86 : i32 to index
        %parallel_loop3A_135 = arith.constant 16 : index
        %parallel_loop3A_136 = tpu.vector_load %arg10[%parallel_loop3A_134, %parallel_loop3A_135] {strides = array<i32>} : memref<96x128xf32, #tpu.memory_space<vmem>>, vector<1x16xf32>,
        %parallel_loop3A_137 = vector.shape_cast %parallel_loop3A_136 : vector<1x16xf32> to vector<16xf32>
        %parallel_loop3A_138 = arith.mulf %parallel_loop3A_133, %parallel_loop3A_137 : vector<16xf32>
        %parallel_loop3A_139 = arith.index_cast %parallel_loop3A_86 : i32 to index
        %parallel_loop3A_140 = arith.constant 16 : index
        %parallel_loop3A_141 = tpu.vector_load %arg12[%parallel_loop3A_139, %parallel_loop3A_140] {strides = array<i32>} : memref<48x128xf32, #tpu.memory_space<vmem>>, vector<1x16xf32>,
        %parallel_loop3A_142 = vector.shape_cast %parallel_loop3A_141 : vector<1x16xf32> to vector<16xf32>
        %parallel_loop3A_143 = vector.shape_cast %parallel_loop3A_138 : vector<16xf32> to vector<1x16xf32>
        tpu.vector_store %arg12[%parallel_loop3A_139, %parallel_loop3A_140], %parallel_loop3A_143 {strides = array<i32>} : memref<48x128xf32, #tpu.memory_space<vmem>>, vector<1x16xf32>,
        %parallel_loop3A_144 = arith.constant 4 : i32
        %parallel_loop3A_145 = vector.broadcast %parallel_loop3A_144 : i32 to vector<16xi32>
        %parallel_loop3A_146 = arith.addi %shift_right_logical3A_13, %parallel_loop3A_145 : vector<16xi32>
        %parallel_loop3A_147 = vector.shape_cast %parallel_loop3A_146 : vector<16xi32> to vector<16x1xi32>
        %parallel_loop3A_148 = vector.shape_cast %parallel_loop3A_147 : vector<16x1xi32> to vector<16xi32>
        %parallel_loop3A_149 = tpu.dynamic_gather %parallel_loop3A_106[%parallel_loop3A_148] in [0] : vector<16xf32>, vector<16xi32> -> vector<16xf32>
        %parallel_loop3A_150 = arith.index_cast %parallel_loop3A_86 : i32 to index
        %parallel_loop3A_151 = arith.constant 32 : index
        %parallel_loop3A_152 = tpu.vector_load %arg10[%parallel_loop3A_150, %parallel_loop3A_151] {strides = array<i32>} : memref<96x128xf32, #tpu.memory_space<vmem>>, vector<1x16xf32>,
        %parallel_loop3A_153 = vector.shape_cast %parallel_loop3A_152 : vector<1x16xf32> to vector<16xf32>
        %parallel_loop3A_154 = arith.mulf %parallel_loop3A_149, %parallel_loop3A_153 : vector<16xf32>
        %parallel_loop3A_155 = arith.index_cast %parallel_loop3A_86 : i32 to index
        %parallel_loop3A_156 = arith.constant 32 : index
        %parallel_loop3A_157 = tpu.vector_load %arg12[%parallel_loop3A_155, %parallel_loop3A_156] {strides = array<i32>} : memref<48x128xf32, #tpu.memory_space<vmem>>, vector<1x16xf32>,
        %parallel_loop3A_158 = vector.shape_cast %parallel_loop3A_157 : vector<1x16xf32> to vector<16xf32>
        %parallel_loop3A_159 = vector.shape_cast %parallel_loop3A_154 : vector<16xf32> to vector<1x16xf32>
        tpu.vector_store %arg12[%parallel_loop3A_155, %parallel_loop3A_156], %parallel_loop3A_159 {strides = array<i32>} : memref<48x128xf32, #tpu.memory_space<vmem>>, vector<1x16xf32>,
        %parallel_loop3A_160 = arith.constant 6 : i32
        %parallel_loop3A_161 = vector.broadcast %parallel_loop3A_160 : i32 to vector<16xi32>
        %parallel_loop3A_162 = arith.addi %shift_right_logical3A_13, %parallel_loop3A_161 : vector<16xi32>
        %parallel_loop3A_163 = vector.shape_cast %parallel_loop3A_162 : vector<16xi32> to vector<16x1xi32>
        %parallel_loop3A_164 = vector.shape_cast %parallel_loop3A_163 : vector<16x1xi32> to vector<16xi32>
        %parallel_loop3A_165 = tpu.dynamic_gather %parallel_loop3A_106[%parallel_loop3A_164] in [0] : vector<16xf32>, vector<16xi32> -> vector<16xf32>
        %parallel_loop3A_166 = arith.index_cast %parallel_loop3A_86 : i32 to index
        %parallel_loop3A_167 = arith.constant 48 : index
        %parallel_loop3A_168 = tpu.vector_load %arg10[%parallel_loop3A_166, %parallel_loop3A_167] {strides = array<i32>} : memref<96x128xf32, #tpu.memory_space<vmem>>, vector<1x16xf32>,
        %parallel_loop3A_169 = vector.shape_cast %parallel_loop3A_168 : vector<1x16xf32> to vector<16xf32>
        %parallel_loop3A_170 = arith.mulf %parallel_loop3A_165, %parallel_loop3A_169 : vector<16xf32>
        %parallel_loop3A_171 = arith.index_cast %parallel_loop3A_86 : i32 to index
        %parallel_loop3A_172 = arith.constant 48 : index
        %parallel_loop3A_173 = tpu.vector_load %arg12[%parallel_loop3A_171, %parallel_loop3A_172] {strides = array<i32>} : memref<48x128xf32, #tpu.memory_space<vmem>>, vector<1x16xf32>,
        %parallel_loop3A_174 = vector.shape_cast %parallel_loop3A_173 : vector<1x16xf32> to vector<16xf32>
        %parallel_loop3A_175 = vector.shape_cast %parallel_loop3A_170 : vector<16xf32> to vector<1x16xf32>
        tpu.vector_store %arg12[%parallel_loop3A_171, %parallel_loop3A_172], %parallel_loop3A_175 {strides = array<i32>} : memref<48x128xf32, #tpu.memory_space<vmem>>, vector<1x16xf32>,
      } {sc.loop_unroll_factor = 4 : i64, sc.parallel_access}
      "tpu.region"() ({
        %run_scoped3A = tpu.sem_alloc : memref<!tpu.dma_semaphore, #tpu.memory_space<semaphore_mem>>
        %dma_start3A_86 = arith.constant 0 : i32
        %dma_start3A_87 = arith.constant 0 : i32
        %dma_start3A_88 = tpu.memref_slice %arg14[%dma_start3A_86, %dma_start3A_87] : memref<10240x128xf32, #tpu.memory_space<vmem_shared>> -> memref<10240x128xf32, #tpu.memory_space<vmem_shared>>
        tpu.enqueue_indirect_dma source(%arg12 : memref<48x128xf32, #tpu.memory_space<vmem>>) target(%dma_start3A_88 : memref<10240x128xf32, #tpu.memory_space<vmem_shared>>) offsets(%arg9 : memref<48xi32, #tpu.memory_space<vmem>>) semaphore(%run_scoped3A : memref<!tpu.dma_semaphore, #tpu.memory_space<semaphore_mem>>) {add = true}
        %dma_wait3A_89 = arith.constant 0 : i32
        %dma_wait3A_90 = arith.constant 0 : i32
        %dma_wait3A_91 = tpu.memref_slice %arg14[%dma_wait3A_89, %dma_wait3A_90] : memref<10240x128xf32, #tpu.memory_space<vmem_shared>> -> memref<10240x128xf32, #tpu.memory_space<vmem_shared>>
        tpu.wait_indirect_dma semaphore(%run_scoped3A : memref<!tpu.dma_semaphore, #tpu.memory_space<semaphore_mem>>) src(%arg12 : memref<48x128xf32, #tpu.memory_space<vmem>>) dst(%dma_wait3A_91 : memref<10240x128xf32, #tpu.memory_space<vmem_shared>>)
        tpu.yield
      }) : () -> ()
      %dma_wait3A_66 = arith.constant 0 : i32
      %dma_wait3A_67 = arith.constant 0 : i32
      %dma_wait3A_68 = tpu.memref_slice %arg2[%dma_wait3A_66, %dma_wait3A_67] : memref<10000x128xf32, #tpu.memory_space<hbm>> -> memref<10000x128xf32, #tpu.memory_space<hbm>>
      tpu.wait_indirect_dma semaphore(%arg16 : memref<!tpu.dma_semaphore, #tpu.memory_space<semaphore_mem>>) src(%dma_wait3A_68 : memref<10000x128xf32, #tpu.memory_space<hbm>>) dst(%arg11 : memref<96x128xf32, #tpu.memory_space<vmem>>)
      %add3A_69 = arith.constant 2 : i32
      %add3A_70 = arith.addi %add3A_42, %add3A_69 : i32
      %lt3A = arith.constant 216 : i32
      %lt3A_71 = arith.cmpi slt, %add3A_70, %lt3A : i32
      %convert_element_type3A = arith.extui %lt3A_71 : i1 to i32
      %cond3A = arith.constant 0 : i32
      %cond3A_72 = arith.cmpi ne, %convert_element_type3A, %cond3A : i32
      scf.if %cond3A_72 {
        %add3A_86 = arith.constant 2 : i32
        %add3A_87 = arith.addi %add3A_42, %add3A_86 : i32
        %mul3A_88 = arith.constant 216 : i32
        %mul3A_89 = arith.muli %add3A, %mul3A_88 : i32
        %add3A_90 = arith.addi %mul3A_89, %add3A_87 : i32
        %mul3A_91 = arith.constant 2 : i32
        %mul3A_92 = arith.muli %add3A_90, %mul3A_91 : i32
        %mul3A_93 = arith.constant 48 : i32
        %mul3A_94 = arith.muli %mul3A_92, %mul3A_93 : i32
        "tpu.region"() ({
          %run_scoped3A = tpu.sem_alloc : memref<!tpu.dma_semaphore, #tpu.memory_space<semaphore_mem>>
          %dma_start3A_98 = tpu.memref_slice %arg4[%mul3A_94] : memref<663552xi32, #tpu.memory_space<hbm>> -> memref<96xi32, #tpu.memory_space<hbm>>
          %dma_start3A_99 = tpu.memref_slice %arg4[%mul3A_94] : memref<663552xi32, #tpu.memory_space<hbm>> -> memref<96xi32, #tpu.memory_space<hbm>>
          tpu.enqueue_dma source(%dma_start3A_99 : memref<96xi32, #tpu.memory_space<hbm>>) target(%arg7 : memref<96xi32, #tpu.memory_space<vmem>>) target_semaphore(%run_scoped3A : memref<!tpu.dma_semaphore, #tpu.memory_space<semaphore_mem>>)
          %dma_wait3A_100 = tpu.memref_slice %arg4[%mul3A_94] : memref<663552xi32, #tpu.memory_space<hbm>> -> memref<96xi32, #tpu.memory_space<hbm>>
          %dma_wait3A_101 = tpu.memref_slice %arg4[%mul3A_94] : memref<663552xi32, #tpu.memory_space<hbm>> -> memref<96xi32, #tpu.memory_space<hbm>>
          tpu.wait_dma2 semaphore(%run_scoped3A : memref<!tpu.dma_semaphore, #tpu.memory_space<semaphore_mem>>) src(%dma_wait3A_101 : memref<96xi32, #tpu.memory_space<hbm>>) dst(%arg7 : memref<96xi32, #tpu.memory_space<vmem>>)
          tpu.yield
        }) : () -> ()
        %dma_start3A_95 = arith.constant 0 : i32
        %dma_start3A_96 = arith.constant 0 : i32
        %dma_start3A_97 = tpu.memref_slice %arg2[%dma_start3A_95, %dma_start3A_96] : memref<10000x128xf32, #tpu.memory_space<hbm>> -> memref<10000x128xf32, #tpu.memory_space<hbm>>
        tpu.enqueue_indirect_dma source(%dma_start3A_97 : memref<10000x128xf32, #tpu.memory_space<hbm>>) target(%arg10 : memref<96x128xf32, #tpu.memory_space<vmem>>) offsets(%arg7 : memref<96xi32, #tpu.memory_space<vmem>>) semaphore(%arg15 : memref<!tpu.dma_semaphore, #tpu.memory_space<semaphore_mem>>)
      } else {
      }
      %add3A_73 = arith.constant 1 : i32
      %add3A_74 = arith.addi %add3A_42, %add3A_73 : i32
      %mul3A_75 = arith.constant 216 : i32
      %mul3A_76 = arith.muli %add3A, %mul3A_75 : i32
      %add3A_77 = arith.addi %mul3A_76, %add3A_74 : i32
      %mul3A_78 = arith.constant 48 : i32
      %mul3A_79 = arith.muli %add3A_77, %mul3A_78 : i32
      "tpu.region"() ({
        %run_scoped3A = tpu.sem_alloc : memref<!tpu.dma_semaphore, #tpu.memory_space<semaphore_mem>>
        %dma_start3A_86 = tpu.memref_slice %arg5[%mul3A_79] : memref<331776xi32, #tpu.memory_space<hbm>> -> memref<48xi32, #tpu.memory_space<hbm>>
        %dma_start3A_87 = tpu.memref_slice %arg5[%mul3A_79] : memref<331776xi32, #tpu.memory_space<hbm>> -> memref<48xi32, #tpu.memory_space<hbm>>
        tpu.enqueue_dma source(%dma_start3A_87 : memref<48xi32, #tpu.memory_space<hbm>>) target(%arg9 : memref<48xi32, #tpu.memory_space<vmem>>) target_semaphore(%run_scoped3A : memref<!tpu.dma_semaphore, #tpu.memory_space<semaphore_mem>>)
        %dma_wait3A_88 = tpu.memref_slice %arg5[%mul3A_79] : memref<331776xi32, #tpu.memory_space<hbm>> -> memref<48xi32, #tpu.memory_space<hbm>>
        %dma_wait3A_89 = tpu.memref_slice %arg5[%mul3A_79] : memref<331776xi32, #tpu.memory_space<hbm>> -> memref<48xi32, #tpu.memory_space<hbm>>
        tpu.wait_dma2 semaphore(%run_scoped3A : memref<!tpu.dma_semaphore, #tpu.memory_space<semaphore_mem>>) src(%dma_wait3A_89 : memref<48xi32, #tpu.memory_space<hbm>>) dst(%arg9 : memref<48xi32, #tpu.memory_space<vmem>>)
        tpu.yield
      }) : () -> ()
      %get3A_80 = arith.constant 0 : index
      %get3A_81 = tpu.vector_load %arg13[%get3A_80] {strides = array<i32>} : memref<16xf32, #tpu.memory_space<vmem>>, vector<16xf32>,
      %get3A_82 = vector.shape_cast %get3A_81 : vector<16xf32> to vector<16xf32>
      %parallel_loop3A_83 = arith.constant 0 : i32
      %parallel_loop3A_84 = arith.constant 48 : i32
      %parallel_loop3A_85 = arith.constant 1 : i32
      scf.for %parallel_loop3A_86 = %parallel_loop3A_83 to %parallel_loop3A_84 step %parallel_loop3A_85  : i32 {
        %parallel_loop3A_87 = arith.index_cast %parallel_loop3A_86 : i32 to index
        %parallel_loop3A_88 = arith.constant 64 : index
        %parallel_loop3A_89 = tpu.vector_load %arg11[%parallel_loop3A_87, %parallel_loop3A_88] {strides = array<i32>} : memref<96x128xf32, #tpu.memory_space<vmem>>, vector<1x16xf32>,
        %parallel_loop3A_90 = vector.shape_cast %parallel_loop3A_89 : vector<1x16xf32> to vector<16xf32>
        %parallel_loop3A_91 = arith.constant 48 : i32
        %parallel_loop3A_92 = arith.addi %parallel_loop3A_91, %parallel_loop3A_86 : i32
        %parallel_loop3A_93 = arith.index_cast %parallel_loop3A_92 : i32 to index
        %parallel_loop3A_94 = arith.constant 64 : index
        %parallel_loop3A_95 = tpu.vector_load %arg11[%parallel_loop3A_93, %parallel_loop3A_94] {strides = array<i32>} : memref<96x128xf32, #tpu.memory_space<vmem>>, vector<1x16xf32>,
        %parallel_loop3A_96 = vector.shape_cast %parallel_loop3A_95 : vector<1x16xf32> to vector<16xf32>
        %parallel_loop3A_97 = vector.shape_cast %and3A_18 : vector<16xi32> to vector<16x1xi32>
        %parallel_loop3A_98 = vector.shape_cast %parallel_loop3A_97 : vector<16x1xi32> to vector<16xi32>
        %parallel_loop3A_99 = tpu.dynamic_gather %parallel_loop3A_96[%parallel_loop3A_98] in [0] : vector<16xf32>, vector<16xi32> -> vector<16xf32>
        %parallel_loop3A_100 = arith.addf %parallel_loop3A_90, %parallel_loop3A_99 : vector<16xf32>
        %parallel_loop3A_101 = arith.constant 2.000000e-01 : f32
        %parallel_loop3A_102 = vector.broadcast %parallel_loop3A_101 : f32 to vector<16xf32>
        %parallel_loop3A_103 = arith.mulf %parallel_loop3A_102, %parallel_loop3A_100 : vector<16xf32>
        %parallel_loop3A_104 = arith.maximumf %parallel_loop3A_100, %parallel_loop3A_103 : vector<16xf32>
        %parallel_loop3A_105 = arith.subf %parallel_loop3A_104, %get3A_82 : vector<16xf32>
        %parallel_loop3A_106 = math.exp %parallel_loop3A_105 : vector<16xf32>
        %parallel_loop3A_107 = arith.index_cast %parallel_loop3A_86 : i32 to index
        %parallel_loop3A_108 = arith.constant 64 : index
        %parallel_loop3A_109 = tpu.vector_load %arg12[%parallel_loop3A_107, %parallel_loop3A_108] {strides = array<i32>} : memref<48x128xf32, #tpu.memory_space<vmem>>, vector<1x16xf32>,
        %parallel_loop3A_110 = vector.shape_cast %parallel_loop3A_109 : vector<1x16xf32> to vector<16xf32>
        %parallel_loop3A_111 = vector.shape_cast %parallel_loop3A_106 : vector<16xf32> to vector<1x16xf32>
        tpu.vector_store %arg12[%parallel_loop3A_107, %parallel_loop3A_108], %parallel_loop3A_111 {strides = array<i32>} : memref<48x128xf32, #tpu.memory_space<vmem>>, vector<1x16xf32>,
        %parallel_loop3A_112 = arith.constant 0 : i32
        %parallel_loop3A_113 = vector.broadcast %parallel_loop3A_112 : i32 to vector<16xi32>
        %parallel_loop3A_114 = arith.addi %shift_right_logical3A_13, %parallel_loop3A_113 : vector<16xi32>
        %parallel_loop3A_115 = vector.shape_cast %parallel_loop3A_114 : vector<16xi32> to vector<16x1xi32>
        %parallel_loop3A_116 = vector.shape_cast %parallel_loop3A_115 : vector<16x1xi32> to vector<16xi32>
        %parallel_loop3A_117 = tpu.dynamic_gather %parallel_loop3A_106[%parallel_loop3A_116] in [0] : vector<16xf32>, vector<16xi32> -> vector<16xf32>
        %parallel_loop3A_118 = arith.index_cast %parallel_loop3A_86 : i32 to index
        %parallel_loop3A_119 = arith.constant 0 : index
        %parallel_loop3A_120 = tpu.vector_load %arg11[%parallel_loop3A_118, %parallel_loop3A_119] {strides = array<i32>} : memref<96x128xf32, #tpu.memory_space<vmem>>, vector<1x16xf32>,
        %parallel_loop3A_121 = vector.shape_cast %parallel_loop3A_120 : vector<1x16xf32> to vector<16xf32>
        %parallel_loop3A_122 = arith.mulf %parallel_loop3A_117, %parallel_loop3A_121 : vector<16xf32>
        %parallel_loop3A_123 = arith.index_cast %parallel_loop3A_86 : i32 to index
        %parallel_loop3A_124 = arith.constant 0 : index
        %parallel_loop3A_125 = tpu.vector_load %arg12[%parallel_loop3A_123, %parallel_loop3A_124] {strides = array<i32>} : memref<48x128xf32, #tpu.memory_space<vmem>>, vector<1x16xf32>,
        %parallel_loop3A_126 = vector.shape_cast %parallel_loop3A_125 : vector<1x16xf32> to vector<16xf32>
        %parallel_loop3A_127 = vector.shape_cast %parallel_loop3A_122 : vector<16xf32> to vector<1x16xf32>
        tpu.vector_store %arg12[%parallel_loop3A_123, %parallel_loop3A_124], %parallel_loop3A_127 {strides = array<i32>} : memref<48x128xf32, #tpu.memory_space<vmem>>, vector<1x16xf32>,
        %parallel_loop3A_128 = arith.constant 2 : i32
        %parallel_loop3A_129 = vector.broadcast %parallel_loop3A_128 : i32 to vector<16xi32>
        %parallel_loop3A_130 = arith.addi %shift_right_logical3A_13, %parallel_loop3A_129 : vector<16xi32>
        %parallel_loop3A_131 = vector.shape_cast %parallel_loop3A_130 : vector<16xi32> to vector<16x1xi32>
        %parallel_loop3A_132 = vector.shape_cast %parallel_loop3A_131 : vector<16x1xi32> to vector<16xi32>
        %parallel_loop3A_133 = tpu.dynamic_gather %parallel_loop3A_106[%parallel_loop3A_132] in [0] : vector<16xf32>, vector<16xi32> -> vector<16xf32>
        %parallel_loop3A_134 = arith.index_cast %parallel_loop3A_86 : i32 to index
        %parallel_loop3A_135 = arith.constant 16 : index
        %parallel_loop3A_136 = tpu.vector_load %arg11[%parallel_loop3A_134, %parallel_loop3A_135] {strides = array<i32>} : memref<96x128xf32, #tpu.memory_space<vmem>>, vector<1x16xf32>,
        %parallel_loop3A_137 = vector.shape_cast %parallel_loop3A_136 : vector<1x16xf32> to vector<16xf32>
        %parallel_loop3A_138 = arith.mulf %parallel_loop3A_133, %parallel_loop3A_137 : vector<16xf32>
        %parallel_loop3A_139 = arith.index_cast %parallel_loop3A_86 : i32 to index
        %parallel_loop3A_140 = arith.constant 16 : index
        %parallel_loop3A_141 = tpu.vector_load %arg12[%parallel_loop3A_139, %parallel_loop3A_140] {strides = array<i32>} : memref<48x128xf32, #tpu.memory_space<vmem>>, vector<1x16xf32>,
        %parallel_loop3A_142 = vector.shape_cast %parallel_loop3A_141 : vector<1x16xf32> to vector<16xf32>
        %parallel_loop3A_143 = vector.shape_cast %parallel_loop3A_138 : vector<16xf32> to vector<1x16xf32>
        tpu.vector_store %arg12[%parallel_loop3A_139, %parallel_loop3A_140], %parallel_loop3A_143 {strides = array<i32>} : memref<48x128xf32, #tpu.memory_space<vmem>>, vector<1x16xf32>,
        %parallel_loop3A_144 = arith.constant 4 : i32
        %parallel_loop3A_145 = vector.broadcast %parallel_loop3A_144 : i32 to vector<16xi32>
        %parallel_loop3A_146 = arith.addi %shift_right_logical3A_13, %parallel_loop3A_145 : vector<16xi32>
        %parallel_loop3A_147 = vector.shape_cast %parallel_loop3A_146 : vector<16xi32> to vector<16x1xi32>
        %parallel_loop3A_148 = vector.shape_cast %parallel_loop3A_147 : vector<16x1xi32> to vector<16xi32>
        %parallel_loop3A_149 = tpu.dynamic_gather %parallel_loop3A_106[%parallel_loop3A_148] in [0] : vector<16xf32>, vector<16xi32> -> vector<16xf32>
        %parallel_loop3A_150 = arith.index_cast %parallel_loop3A_86 : i32 to index
        %parallel_loop3A_151 = arith.constant 32 : index
        %parallel_loop3A_152 = tpu.vector_load %arg11[%parallel_loop3A_150, %parallel_loop3A_151] {strides = array<i32>} : memref<96x128xf32, #tpu.memory_space<vmem>>, vector<1x16xf32>,
        %parallel_loop3A_153 = vector.shape_cast %parallel_loop3A_152 : vector<1x16xf32> to vector<16xf32>
        %parallel_loop3A_154 = arith.mulf %parallel_loop3A_149, %parallel_loop3A_153 : vector<16xf32>
        %parallel_loop3A_155 = arith.index_cast %parallel_loop3A_86 : i32 to index
        %parallel_loop3A_156 = arith.constant 32 : index
        %parallel_loop3A_157 = tpu.vector_load %arg12[%parallel_loop3A_155, %parallel_loop3A_156] {strides = array<i32>} : memref<48x128xf32, #tpu.memory_space<vmem>>, vector<1x16xf32>,
        %parallel_loop3A_158 = vector.shape_cast %parallel_loop3A_157 : vector<1x16xf32> to vector<16xf32>
        %parallel_loop3A_159 = vector.shape_cast %parallel_loop3A_154 : vector<16xf32> to vector<1x16xf32>
        tpu.vector_store %arg12[%parallel_loop3A_155, %parallel_loop3A_156], %parallel_loop3A_159 {strides = array<i32>} : memref<48x128xf32, #tpu.memory_space<vmem>>, vector<1x16xf32>,
        %parallel_loop3A_160 = arith.constant 6 : i32
        %parallel_loop3A_161 = vector.broadcast %parallel_loop3A_160 : i32 to vector<16xi32>
        %parallel_loop3A_162 = arith.addi %shift_right_logical3A_13, %parallel_loop3A_161 : vector<16xi32>
        %parallel_loop3A_163 = vector.shape_cast %parallel_loop3A_162 : vector<16xi32> to vector<16x1xi32>
        %parallel_loop3A_164 = vector.shape_cast %parallel_loop3A_163 : vector<16x1xi32> to vector<16xi32>
        %parallel_loop3A_165 = tpu.dynamic_gather %parallel_loop3A_106[%parallel_loop3A_164] in [0] : vector<16xf32>, vector<16xi32> -> vector<16xf32>
        %parallel_loop3A_166 = arith.index_cast %parallel_loop3A_86 : i32 to index
        %parallel_loop3A_167 = arith.constant 48 : index
        %parallel_loop3A_168 = tpu.vector_load %arg11[%parallel_loop3A_166, %parallel_loop3A_167] {strides = array<i32>} : memref<96x128xf32, #tpu.memory_space<vmem>>, vector<1x16xf32>,
        %parallel_loop3A_169 = vector.shape_cast %parallel_loop3A_168 : vector<1x16xf32> to vector<16xf32>
        %parallel_loop3A_170 = arith.mulf %parallel_loop3A_165, %parallel_loop3A_169 : vector<16xf32>
        %parallel_loop3A_171 = arith.index_cast %parallel_loop3A_86 : i32 to index
        %parallel_loop3A_172 = arith.constant 48 : index
        %parallel_loop3A_173 = tpu.vector_load %arg12[%parallel_loop3A_171, %parallel_loop3A_172] {strides = array<i32>} : memref<48x128xf32, #tpu.memory_space<vmem>>, vector<1x16xf32>,
        %parallel_loop3A_174 = vector.shape_cast %parallel_loop3A_173 : vector<1x16xf32> to vector<16xf32>
        %parallel_loop3A_175 = vector.shape_cast %parallel_loop3A_170 : vector<16xf32> to vector<1x16xf32>
        tpu.vector_store %arg12[%parallel_loop3A_171, %parallel_loop3A_172], %parallel_loop3A_175 {strides = array<i32>} : memref<48x128xf32, #tpu.memory_space<vmem>>, vector<1x16xf32>,
      } {sc.loop_unroll_factor = 4 : i64, sc.parallel_access}
      "tpu.region"() ({
        %run_scoped3A = tpu.sem_alloc : memref<!tpu.dma_semaphore, #tpu.memory_space<semaphore_mem>>
        %dma_start3A_86 = arith.constant 0 : i32
        %dma_start3A_87 = arith.constant 0 : i32
        %dma_start3A_88 = tpu.memref_slice %arg14[%dma_start3A_86, %dma_start3A_87] : memref<10240x128xf32, #tpu.memory_space<vmem_shared>> -> memref<10240x128xf32, #tpu.memory_space<vmem_shared>>
        tpu.enqueue_indirect_dma source(%arg12 : memref<48x128xf32, #tpu.memory_space<vmem>>) target(%dma_start3A_88 : memref<10240x128xf32, #tpu.memory_space<vmem_shared>>) offsets(%arg9 : memref<48xi32, #tpu.memory_space<vmem>>) semaphore(%run_scoped3A : memref<!tpu.dma_semaphore, #tpu.memory_space<semaphore_mem>>) {add = true}
        %dma_wait3A_89 = arith.constant 0 : i32
        %dma_wait3A_90 = arith.constant 0 : i32
        %dma_wait3A_91 = tpu.memref_slice %arg14[%dma_wait3A_89, %dma_wait3A_90] : memref<10240x128xf32, #tpu.memory_space<vmem_shared>> -> memref<10240x128xf32, #tpu.memory_space<vmem_shared>>
        tpu.wait_indirect_dma semaphore(%run_scoped3A : memref<!tpu.dma_semaphore, #tpu.memory_space<semaphore_mem>>) src(%arg12 : memref<48x128xf32, #tpu.memory_space<vmem>>) dst(%dma_wait3A_91 : memref<10240x128xf32, #tpu.memory_space<vmem_shared>>)
        tpu.yield
      }) : () -> ()
    }
    %scan3A_33 = arith.constant 108 : i32
    %barrier3A_34 = arith.constant 0 : index
    tpu.barrier barrier_id(%barrier3A_34)
    %mul3A_35 = arith.constant 10240 : i32
    %mul3A_36 = arith.muli %arg0, %mul3A_35 : i32
    %add3A_37 = arith.addi %mul3A_36, %mul3A_2 : i32
    "tpu.region"() ({
      %run_scoped3A = tpu.sem_alloc : memref<!tpu.dma_semaphore, #tpu.memory_space<semaphore_mem>>
      %dma_start3A_38 = arith.constant 0 : i32
      %dma_start3A_39 = tpu.memref_slice %arg6[%add3A_37, %dma_start3A_38] : memref<20480x128xf32, #tpu.memory_space<hbm>> -> memref<640x128xf32, #tpu.memory_space<hbm>>
      %dma_start3A_40 = arith.constant 0 : i32
      %dma_start3A_41 = tpu.memref_slice %arg14[%mul3A_2, %dma_start3A_40] : memref<10240x128xf32, #tpu.memory_space<vmem_shared>> -> memref<640x128xf32, #tpu.memory_space<vmem_shared>>
      tpu.enqueue_dma source(%dma_start3A_41 : memref<640x128xf32, #tpu.memory_space<vmem_shared>>) target(%dma_start3A_39 : memref<640x128xf32, #tpu.memory_space<hbm>>) target_semaphore(%run_scoped3A : memref<!tpu.dma_semaphore, #tpu.memory_space<semaphore_mem>>)
      %dma_wait3A = arith.constant 0 : i32
      %dma_wait3A_42 = tpu.memref_slice %arg6[%add3A_37, %dma_wait3A] : memref<20480x128xf32, #tpu.memory_space<hbm>> -> memref<640x128xf32, #tpu.memory_space<hbm>>
      %dma_wait3A_43 = arith.constant 0 : i32
      %dma_wait3A_44 = tpu.memref_slice %arg14[%mul3A_2, %dma_wait3A_43] : memref<10240x128xf32, #tpu.memory_space<vmem_shared>> -> memref<640x128xf32, #tpu.memory_space<vmem_shared>>
      tpu.wait_dma2 semaphore(%run_scoped3A : memref<!tpu.dma_semaphore, #tpu.memory_space<semaphore_mem>>) src(%dma_wait3A_44 : memref<640x128xf32, #tpu.memory_space<vmem_shared>>) dst(%dma_wait3A_42 : memref<640x128xf32, #tpu.memory_space<hbm>>)
      tpu.yield
    }) : () -> ()
    return
  }
}

module attributes {stable_mosaic.version = 14 : i64} {
  func.func @_prelude_body(%arg0: i32, %arg1: memref<2000x128xf32, #tpu.memory_space<vmem>>, %arg2: memref<128x64xf32, #tpu.memory_space<vmem>>, %arg3: memref<1x64xf32, #tpu.memory_space<vmem>>, %arg4: memref<64x64xf32, #tpu.memory_space<vmem>>, %arg5: memref<64x16xf32, #tpu.memory_space<vmem>>, %arg6: memref<2000x128xf32, #tpu.memory_space<vmem>>, %arg7: memref<1x16xf32, #tpu.memory_space<vmem>>, %arg8: memref<1x16xf32, #tpu.memory_space<vmem>>) attributes {dimension_semantics = [#tpu.dimension_semantics<arbitrary>], iteration_bounds = array<i64: 5>, scalar_prefetch = 0 : i64, scratch_operands = 1 : i64, tpu.core_type = #tpu.core_type<tc>, window_params = [{transform_indices = @transform_0, window_bounds = array<i64: 2000, 128>}, {pipeline_mode = #tpu.pipeline_mode<synchronous>, transform_indices = @transform_1, window_bounds = array<i64: 128, 64>}, {pipeline_mode = #tpu.pipeline_mode<synchronous>, transform_indices = @transform_2, window_bounds = array<i64: 1, 64>}, {pipeline_mode = #tpu.pipeline_mode<synchronous>, transform_indices = @transform_3, window_bounds = array<i64: 64, 64>}, {pipeline_mode = #tpu.pipeline_mode<synchronous>, transform_indices = @transform_4, window_bounds = array<i64: 64, 16>}, {transform_indices = @transform_5, window_bounds = array<i64: 2000, 128>}, {pipeline_mode = #tpu.pipeline_mode<synchronous>, transform_indices = @transform_6, window_bounds = array<i64: 1, 16>}]} {
    %get3A = arith.constant 0 : index
    %get3A_0 = arith.constant 0 : index
    %get3A_1 = vector.load %arg1[%get3A, %get3A_0] : memref<2000x128xf32, #tpu.memory_space<vmem>>, vector<2000x128xf32>
    %get3A_2 = arith.constant 0 : index
    %get3A_3 = arith.constant 0 : index
    %get3A_4 = vector.load %arg2[%get3A_2, %get3A_3] : memref<128x64xf32, #tpu.memory_space<vmem>>, vector<128x64xf32>
    %dot_general3A = arith.constant dense<0.000000e+00> : vector<2000x64xf32>
    %dot_general3A_5 = tpu.matmul %get3A_1, %get3A_4, %dot_general3A {dimension_numbers = #tpu.dot_dimension_numbers<[1], [0], [0], [1], [0, 0, 1, 1], [], []>, transpose_lhs_hint = false} : vector<2000x128xf32>, vector<128x64xf32>, vector<2000x64xf32> -> vector<2000x64xf32>
    %get3A_6 = arith.constant 0 : index
    %get3A_7 = arith.constant 0 : index
    %get3A_8 = vector.load %arg3[%get3A_6, %get3A_7] : memref<1x64xf32, #tpu.memory_space<vmem>>, vector<1x64xf32>
    %add3A = vector.broadcast %get3A_8 : vector<1x64xf32> to vector<2000x64xf32>
    %add3A_9 = arith.addf %dot_general3A_5, %add3A : vector<2000x64xf32>
    %max3A = arith.constant 0.000000e+00 : f32
    %max3A_10 = vector.broadcast %max3A : f32 to vector<2000x64xf32>
    %max3A_11 = arith.maximumf %add3A_9, %max3A_10 : vector<2000x64xf32>
    %get3A_12 = arith.constant 0 : index
    %get3A_13 = arith.constant 0 : index
    %get3A_14 = vector.load %arg4[%get3A_12, %get3A_13] : memref<64x64xf32, #tpu.memory_space<vmem>>, vector<64x64xf32>
    %dot_general3A_15 = arith.constant dense<0.000000e+00> : vector<2000x64xf32>
    %dot_general3A_16 = tpu.matmul %max3A_11, %get3A_14, %dot_general3A_15 {dimension_numbers = #tpu.dot_dimension_numbers<[1], [0], [0], [1], [0, 0, 1, 1], [], []>, transpose_lhs_hint = false} : vector<2000x64xf32>, vector<64x64xf32>, vector<2000x64xf32> -> vector<2000x64xf32>
    %get3A_17 = arith.constant 0 : index
    %get3A_18 = arith.constant 0 : index
    %get3A_19 = vector.load %arg5[%get3A_17, %get3A_18] : memref<64x16xf32, #tpu.memory_space<vmem>>, vector<64x16xf32>
    %dot_general3A_20 = arith.constant dense<0.000000e+00> : vector<2000x16xf32>
    %dot_general3A_21 = tpu.matmul %dot_general3A_16, %get3A_19, %dot_general3A_20 {dimension_numbers = #tpu.dot_dimension_numbers<[1], [0], [0], [1], [0, 0, 1, 1], [], []>, transpose_lhs_hint = false} : vector<2000x64xf32>, vector<64x16xf32>, vector<2000x16xf32> -> vector<2000x16xf32>
    %swap3A = arith.constant 0 : index
    %swap3A_22 = arith.constant 0 : index
    %swap3A_23 = vector.load %arg6[%swap3A, %swap3A_22] : memref<2000x128xf32, #tpu.memory_space<vmem>>, vector<2000x64xf32>
    tpu.vector_store %arg6[%swap3A, %swap3A_22], %dot_general3A_16 {strides = array<i32>} : memref<2000x128xf32, #tpu.memory_space<vmem>>, vector<2000x64xf32>,
    %slice3A = vector.extract_strided_slice %dot_general3A_21 {offsets = [0, 0], sizes = [2000, 8], strides = [1, 1]} : vector<2000x16xf32> to vector<2000x8xf32>
    %swap3A_24 = arith.constant 0 : index
    %swap3A_25 = arith.constant 64 : index
    %swap3A_26 = vector.load %arg6[%swap3A_24, %swap3A_25] : memref<2000x128xf32, #tpu.memory_space<vmem>>, vector<2000x8xf32>
    tpu.vector_store %arg6[%swap3A_24, %swap3A_25], %slice3A {strides = array<i32>} : memref<2000x128xf32, #tpu.memory_space<vmem>>, vector<2000x8xf32>,
    %slice3A_27 = vector.extract_strided_slice %dot_general3A_21 {offsets = [0, 8], sizes = [2000, 8], strides = [1, 1]} : vector<2000x16xf32> to vector<2000x8xf32>
    %swap3A_28 = arith.constant 0 : index
    %swap3A_29 = arith.constant 72 : index
    %swap3A_30 = vector.load %arg6[%swap3A_28, %swap3A_29] : memref<2000x128xf32, #tpu.memory_space<vmem>>, vector<2000x8xf32>
    tpu.vector_store %arg6[%swap3A_28, %swap3A_29], %slice3A_27 {strides = array<i32>} : memref<2000x128xf32, #tpu.memory_space<vmem>>, vector<2000x8xf32>,
    %broadcast_in_dim3A = arith.constant 0.000000e+00 : f32
    %broadcast_in_dim3A_31 = vector.broadcast %broadcast_in_dim3A : f32 to vector<2000x48xf32>
    %swap3A_32 = arith.constant 0 : index
    %swap3A_33 = arith.constant 80 : index
    %swap3A_34 = vector.load %arg6[%swap3A_32, %swap3A_33] : memref<2000x128xf32, #tpu.memory_space<vmem>>, vector<2000x48xf32>
    tpu.vector_store %arg6[%swap3A_32, %swap3A_33], %broadcast_in_dim3A_31 {strides = array<i32>} : memref<2000x128xf32, #tpu.memory_space<vmem>>, vector<2000x48xf32>,
    %reduce_max3A = arith.constant dense<0xFF800000> : vector<16xf32>
    %reduce_max3A_35 = vector.multi_reduction <maximumf>, %dot_general3A_21, %reduce_max3A [0] : vector<2000x16xf32> to vector<16xf32>
    %broadcast_in_dim3A_36 = vector.shape_cast %reduce_max3A_35 : vector<16xf32> to vector<1x16xf32>
    %eq3A = arith.constant 0 : i32
    %eq3A_37 = arith.cmpi eq, %arg0, %eq3A : i32
    %convert_element_type3A = arith.extui %eq3A_37 : i1 to i32
    %cond3A = arith.constant 0 : i32
    %cond3A_38 = arith.cmpi ne, %convert_element_type3A, %cond3A : i32
    scf.if %cond3A_38 {
      %swap3A_48 = arith.constant 0 : index
      %swap3A_49 = arith.constant 0 : index
      %swap3A_50 = vector.load %arg8[%swap3A_48, %swap3A_49] : memref<1x16xf32, #tpu.memory_space<vmem>>, vector<1x16xf32>
      tpu.vector_store %arg8[%swap3A_48, %swap3A_49], %broadcast_in_dim3A_36 {strides = array<i32>} : memref<1x16xf32, #tpu.memory_space<vmem>>, vector<1x16xf32>,
    } else {
    }
    %gt3A = arith.constant 0 : i32
    %gt3A_39 = arith.cmpi sgt, %arg0, %gt3A : i32
    %convert_element_type3A_40 = arith.extui %gt3A_39 : i1 to i32
    %cond3A_41 = arith.constant 0 : i32
    %cond3A_42 = arith.cmpi ne, %convert_element_type3A_40, %cond3A_41 : i32
    scf.if %cond3A_42 {
      %get3A_48 = arith.constant 0 : index
      %get3A_49 = arith.constant 0 : index
      %get3A_50 = vector.load %arg8[%get3A_48, %get3A_49] : memref<1x16xf32, #tpu.memory_space<vmem>>, vector<1x16xf32>
      %max3A_51 = arith.maximumf %get3A_50, %broadcast_in_dim3A_36 : vector<1x16xf32>
      %swap3A_52 = arith.constant 0 : index
      %swap3A_53 = arith.constant 0 : index
      %swap3A_54 = vector.load %arg8[%swap3A_52, %swap3A_53] : memref<1x16xf32, #tpu.memory_space<vmem>>, vector<1x16xf32>
      tpu.vector_store %arg8[%swap3A_52, %swap3A_53], %max3A_51 {strides = array<i32>} : memref<1x16xf32, #tpu.memory_space<vmem>>, vector<1x16xf32>,
    } else {
    }
    %eq3A_43 = arith.constant 4 : i32
    %eq3A_44 = arith.cmpi eq, %arg0, %eq3A_43 : i32
    %convert_element_type3A_45 = arith.extui %eq3A_44 : i1 to i32
    %cond3A_46 = arith.constant 0 : i32
    %cond3A_47 = arith.cmpi ne, %convert_element_type3A_45, %cond3A_46 : i32
    scf.if %cond3A_47 {
      %get3A_48 = arith.constant 0 : index
      %get3A_49 = arith.constant 0 : index
      %get3A_50 = vector.load %arg8[%get3A_48, %get3A_49] : memref<1x16xf32, #tpu.memory_space<vmem>>, vector<1x8xf32>
      %get3A_51 = vector.shape_cast %get3A_50 : vector<1x8xf32> to vector<8xf32>
      %get3A_52 = arith.constant 0 : index
      %get3A_53 = arith.constant 8 : index
      %get3A_54 = vector.load %arg8[%get3A_52, %get3A_53] : memref<1x16xf32, #tpu.memory_space<vmem>>, vector<1x8xf32>
      %get3A_55 = vector.shape_cast %get3A_54 : vector<1x8xf32> to vector<8xf32>
      %add3A_56 = arith.addf %get3A_51, %get3A_55 : vector<8xf32>
      %mul3A = arith.constant 2.000000e-01 : f32
      %mul3A_57 = vector.broadcast %mul3A : f32 to vector<8xf32>
      %mul3A_58 = arith.mulf %mul3A_57, %add3A_56 : vector<8xf32>
      %max3A_59 = arith.maximumf %add3A_56, %mul3A_58 : vector<8xf32>
      %swap3A_60 = arith.constant 0 : index
      %swap3A_61 = arith.constant 0 : index
      %swap3A_62 = vector.load %arg7[%swap3A_60, %swap3A_61] : memref<1x16xf32, #tpu.memory_space<vmem>>, vector<1x8xf32>
      %swap3A_63 = vector.shape_cast %swap3A_62 : vector<1x8xf32> to vector<8xf32>
      %swap3A_64 = vector.shape_cast %max3A_59 : vector<8xf32> to vector<1x8xf32>
      tpu.vector_store %arg7[%swap3A_60, %swap3A_61], %swap3A_64 {strides = array<i32>} : memref<1x16xf32, #tpu.memory_space<vmem>>, vector<1x8xf32>,
      %broadcast_in_dim3A_65 = arith.constant 1.000000e+30 : f32
      %broadcast_in_dim3A_66 = vector.broadcast %broadcast_in_dim3A_65 : f32 to vector<8xf32>
      %swap3A_67 = arith.constant 0 : index
      %swap3A_68 = arith.constant 8 : index
      %swap3A_69 = vector.load %arg7[%swap3A_67, %swap3A_68] : memref<1x16xf32, #tpu.memory_space<vmem>>, vector<1x8xf32>
      %swap3A_70 = vector.shape_cast %swap3A_69 : vector<1x8xf32> to vector<8xf32>
      %swap3A_71 = vector.shape_cast %broadcast_in_dim3A_66 : vector<8xf32> to vector<1x8xf32>
      tpu.vector_store %arg7[%swap3A_67, %swap3A_68], %swap3A_71 {strides = array<i32>} : memref<1x16xf32, #tpu.memory_space<vmem>>, vector<1x8xf32>,
    } else {
    }
    return
  }
  func.func @transform_0(%arg0: i32) -> (i32, i32) {
    %c0_i32 = arith.constant 0 : i32
    %c0_i32_0 = arith.constant 0 : i32
    return %arg0, %c0_i32 : i32, i32
  }
  func.func @transform_1(%arg0: i32) -> (i32, i32) {
    %c0_i32 = arith.constant 0 : i32
    %c0_i32_0 = arith.constant 0 : i32
    %c0_i32_1 = arith.constant 0 : i32
    return %c0_i32, %c0_i32_0 : i32, i32
  }
  func.func @transform_2(%arg0: i32) -> (i32, i32) {
    %c0_i32 = arith.constant 0 : i32
    %c0_i32_0 = arith.constant 0 : i32
    %c0_i32_1 = arith.constant 0 : i32
    return %c0_i32, %c0_i32_0 : i32, i32
  }
  func.func @transform_3(%arg0: i32) -> (i32, i32) {
    %c0_i32 = arith.constant 0 : i32
    %c0_i32_0 = arith.constant 0 : i32
    %c0_i32_1 = arith.constant 0 : i32
    return %c0_i32, %c0_i32_0 : i32, i32
  }
  func.func @transform_4(%arg0: i32) -> (i32, i32) {
    %c0_i32 = arith.constant 0 : i32
    %c0_i32_0 = arith.constant 0 : i32
    %c0_i32_1 = arith.constant 0 : i32
    return %c0_i32, %c0_i32_0 : i32, i32
  }
  func.func @transform_5(%arg0: i32) -> (i32, i32) {
    %c0_i32 = arith.constant 0 : i32
    %c0_i32_0 = arith.constant 0 : i32
    return %arg0, %c0_i32 : i32, i32
  }
  func.func @transform_6(%arg0: i32) -> (i32, i32) {
    %c0_i32 = arith.constant 0 : i32
    %c0_i32_0 = arith.constant 0 : i32
    %c0_i32_1 = arith.constant 0 : i32
    return %c0_i32, %c0_i32_0 : i32, i32
  }
}

module attributes {stable_mosaic.version = 14 : i64} {
  func.func @_merge_body(%arg0: i32, %arg1: memref<2000x128xf32, #tpu.memory_space<vmem>>, %arg2: memref<2000x128xf32, #tpu.memory_space<vmem>>, %arg3: memref<1x64xf32, #tpu.memory_space<vmem>>, %arg4: memref<8x64xf32, #tpu.memory_space<vmem>>, %arg5: memref<2000x64xf32, #tpu.memory_space<vmem>>, %arg6: memref<2x64xf32, #tpu.memory_space<vmem>>, %arg7: memref<1x64xf32, #tpu.memory_space<vmem>>, %arg8: memref<1x64xf32, #tpu.memory_space<vmem>>) attributes {dimension_semantics = [#tpu.dimension_semantics<arbitrary>], iteration_bounds = array<i64: 5>, scalar_prefetch = 0 : i64, scratch_operands = 2 : i64, tpu.core_type = #tpu.core_type<tc>, window_params = [{transform_indices = @transform_0, window_bounds = array<i64: 2000, 128>}, {transform_indices = @transform_1, window_bounds = array<i64: 2000, 128>}, {pipeline_mode = #tpu.pipeline_mode<synchronous>, transform_indices = @transform_2, window_bounds = array<i64: 1, 64>}, {pipeline_mode = #tpu.pipeline_mode<synchronous>, transform_indices = @transform_3, window_bounds = array<i64: 8, 64>}, {transform_indices = @transform_4, window_bounds = array<i64: 2000, 64>}, {pipeline_mode = #tpu.pipeline_mode<synchronous>, transform_indices = @transform_5, window_bounds = array<i64: 2, 64>}]} {
    %get3A = arith.constant 0 : index
    %get3A_0 = arith.constant 0 : index
    %get3A_1 = vector.load %arg1[%get3A, %get3A_0] : memref<2000x128xf32, #tpu.memory_space<vmem>>, vector<2000x128xf32>
    %get3A_2 = arith.constant 0 : index
    %get3A_3 = arith.constant 0 : index
    %get3A_4 = vector.load %arg2[%get3A_2, %get3A_3] : memref<2000x128xf32, #tpu.memory_space<vmem>>, vector<2000x128xf32>
    %add3A = arith.addf %get3A_1, %get3A_4 : vector<2000x128xf32>
    %slice3A = vector.extract_strided_slice %add3A {offsets = [0, 64], sizes = [2000, 8], strides = [1, 1]} : vector<2000x128xf32> to vector<2000x8xf32>
    %max3A = arith.constant 1.000000e-30 : f32
    %max3A_5 = vector.broadcast %max3A : f32 to vector<2000x8xf32>
    %max3A_6 = arith.maximumf %slice3A, %max3A_5 : vector<2000x8xf32>
    %div3A = arith.constant 1.000000e+00 : f32
    %div3A_7 = vector.broadcast %div3A : f32 to vector<2000x8xf32>
    %div3A_8 = arith.divf %div3A_7, %max3A_6 : vector<2000x8xf32>
    %get3A_9 = arith.constant 0 : index
    %get3A_10 = arith.constant 0 : index
    %get3A_11 = vector.load %arg4[%get3A_9, %get3A_10] : memref<8x64xf32, #tpu.memory_space<vmem>>, vector<8x64xf32>
    %dot_general3A = arith.constant dense<0.000000e+00> : vector<2000x64xf32>
    %dot_general3A_12 = tpu.matmul %div3A_8, %get3A_11, %dot_general3A {dimension_numbers = #tpu.dot_dimension_numbers<[1], [0], [0], [1], [0, 0, 1, 1], [], []>, transpose_lhs_hint = false} : vector<2000x8xf32>, vector<8x64xf32>, vector<2000x64xf32> -> vector<2000x64xf32>
    %slice3A_13 = vector.extract_strided_slice %add3A {offsets = [0, 0], sizes = [2000, 64], strides = [1, 1]} : vector<2000x128xf32> to vector<2000x64xf32>
    %mul3A = arith.mulf %slice3A_13, %dot_general3A_12 : vector<2000x64xf32>
    %get3A_14 = arith.constant 0 : index
    %get3A_15 = arith.constant 0 : index
    %get3A_16 = vector.load %arg3[%get3A_14, %get3A_15] : memref<1x64xf32, #tpu.memory_space<vmem>>, vector<1x64xf32>
    %add3A_17 = vector.broadcast %get3A_16 : vector<1x64xf32> to vector<2000x64xf32>
    %add3A_18 = arith.addf %mul3A, %add3A_17 : vector<2000x64xf32>
    %swap3A = arith.constant 0 : index
    %swap3A_19 = arith.constant 0 : index
    %swap3A_20 = vector.load %arg5[%swap3A, %swap3A_19] : memref<2000x64xf32, #tpu.memory_space<vmem>>, vector<2000x64xf32>
    tpu.vector_store %arg5[%swap3A, %swap3A_19], %add3A_18 {strides = array<i32>} : memref<2000x64xf32, #tpu.memory_space<vmem>>, vector<2000x64xf32>,
    %reduce_sum3A = arith.constant dense<0.000000e+00> : vector<64xf32>
    %reduce_sum3A_21 = vector.multi_reduction <add>, %add3A_18, %reduce_sum3A [0] : vector<2000x64xf32> to vector<64xf32>
    %broadcast_in_dim3A = vector.shape_cast %reduce_sum3A_21 : vector<64xf32> to vector<1x64xf32>
    %mul3A_22 = arith.mulf %add3A_18, %add3A_18 : vector<2000x64xf32>
    %reduce_sum3A_23 = arith.constant dense<0.000000e+00> : vector<64xf32>
    %reduce_sum3A_24 = vector.multi_reduction <add>, %mul3A_22, %reduce_sum3A_23 [0] : vector<2000x64xf32> to vector<64xf32>
    %broadcast_in_dim3A_25 = vector.shape_cast %reduce_sum3A_24 : vector<64xf32> to vector<1x64xf32>
    %eq3A = arith.constant 0 : i32
    %eq3A_26 = arith.cmpi eq, %arg0, %eq3A : i32
    %convert_element_type3A = arith.extui %eq3A_26 : i1 to i32
    %cond3A = arith.constant 0 : i32
    %cond3A_27 = arith.cmpi ne, %convert_element_type3A, %cond3A : i32
    scf.if %cond3A_27 {
      %swap3A_37 = arith.constant 0 : index
      %swap3A_38 = arith.constant 0 : index
      %swap3A_39 = vector.load %arg7[%swap3A_37, %swap3A_38] : memref<1x64xf32, #tpu.memory_space<vmem>>, vector<1x64xf32>
      tpu.vector_store %arg7[%swap3A_37, %swap3A_38], %broadcast_in_dim3A {strides = array<i32>} : memref<1x64xf32, #tpu.memory_space<vmem>>, vector<1x64xf32>,
      %swap3A_40 = arith.constant 0 : index
      %swap3A_41 = arith.constant 0 : index
      %swap3A_42 = vector.load %arg8[%swap3A_40, %swap3A_41] : memref<1x64xf32, #tpu.memory_space<vmem>>, vector<1x64xf32>
      tpu.vector_store %arg8[%swap3A_40, %swap3A_41], %broadcast_in_dim3A_25 {strides = array<i32>} : memref<1x64xf32, #tpu.memory_space<vmem>>, vector<1x64xf32>,
    } else {
    }
    %gt3A = arith.constant 0 : i32
    %gt3A_28 = arith.cmpi sgt, %arg0, %gt3A : i32
    %convert_element_type3A_29 = arith.extui %gt3A_28 : i1 to i32
    %cond3A_30 = arith.constant 0 : i32
    %cond3A_31 = arith.cmpi ne, %convert_element_type3A_29, %cond3A_30 : i32
    scf.if %cond3A_31 {
      %get3A_37 = arith.constant 0 : index
      %get3A_38 = arith.constant 0 : index
      %get3A_39 = vector.load %arg7[%get3A_37, %get3A_38] : memref<1x64xf32, #tpu.memory_space<vmem>>, vector<1x64xf32>
      %add3A_40 = arith.addf %get3A_39, %broadcast_in_dim3A : vector<1x64xf32>
      %swap3A_41 = arith.constant 0 : index
      %swap3A_42 = arith.constant 0 : index
      %swap3A_43 = vector.load %arg7[%swap3A_41, %swap3A_42] : memref<1x64xf32, #tpu.memory_space<vmem>>, vector<1x64xf32>
      tpu.vector_store %arg7[%swap3A_41, %swap3A_42], %add3A_40 {strides = array<i32>} : memref<1x64xf32, #tpu.memory_space<vmem>>, vector<1x64xf32>,
      %get3A_44 = arith.constant 0 : index
      %get3A_45 = arith.constant 0 : index
      %get3A_46 = vector.load %arg8[%get3A_44, %get3A_45] : memref<1x64xf32, #tpu.memory_space<vmem>>, vector<1x64xf32>
      %add3A_47 = arith.addf %get3A_46, %broadcast_in_dim3A_25 : vector<1x64xf32>
      %swap3A_48 = arith.constant 0 : index
      %swap3A_49 = arith.constant 0 : index
      %swap3A_50 = vector.load %arg8[%swap3A_48, %swap3A_49] : memref<1x64xf32, #tpu.memory_space<vmem>>, vector<1x64xf32>
      tpu.vector_store %arg8[%swap3A_48, %swap3A_49], %add3A_47 {strides = array<i32>} : memref<1x64xf32, #tpu.memory_space<vmem>>, vector<1x64xf32>,
    } else {
    }
    %eq3A_32 = arith.constant 4 : i32
    %eq3A_33 = arith.cmpi eq, %arg0, %eq3A_32 : i32
    %convert_element_type3A_34 = arith.extui %eq3A_33 : i1 to i32
    %cond3A_35 = arith.constant 0 : i32
    %cond3A_36 = arith.cmpi ne, %convert_element_type3A_34, %cond3A_35 : i32
    scf.if %cond3A_36 {
      %get3A_37 = arith.constant 0 : index
      %get3A_38 = arith.constant 0 : index
      %get3A_39 = vector.load %arg7[%get3A_37, %get3A_38] : memref<1x64xf32, #tpu.memory_space<vmem>>, vector<1x64xf32>
      %div3A_40 = arith.constant 1.000000e+04 : f32
      %div3A_41 = vector.broadcast %div3A_40 : f32 to vector<1x64xf32>
      %div3A_42 = arith.divf %get3A_39, %div3A_41 : vector<1x64xf32>
      %swap3A_43 = arith.constant 0 : index
      %swap3A_44 = arith.constant 0 : index
      %swap3A_45 = vector.load %arg6[%swap3A_43, %swap3A_44] : memref<2x64xf32, #tpu.memory_space<vmem>>, vector<1x64xf32>
      tpu.vector_store %arg6[%swap3A_43, %swap3A_44], %div3A_42 {strides = array<i32>} : memref<2x64xf32, #tpu.memory_space<vmem>>, vector<1x64xf32>,
      %get3A_46 = arith.constant 0 : index
      %get3A_47 = arith.constant 0 : index
      %get3A_48 = vector.load %arg8[%get3A_46, %get3A_47] : memref<1x64xf32, #tpu.memory_space<vmem>>, vector<1x64xf32>
      %div3A_49 = arith.constant 1.000000e+04 : f32
      %div3A_50 = vector.broadcast %div3A_49 : f32 to vector<1x64xf32>
      %div3A_51 = arith.divf %get3A_48, %div3A_50 : vector<1x64xf32>
      %mul3A_52 = arith.mulf %div3A_42, %div3A_42 : vector<1x64xf32>
      %sub3A = arith.subf %div3A_51, %mul3A_52 : vector<1x64xf32>
      %swap3A_53 = arith.constant 1 : index
      %swap3A_54 = arith.constant 0 : index
      %swap3A_55 = vector.load %arg6[%swap3A_53, %swap3A_54] : memref<2x64xf32, #tpu.memory_space<vmem>>, vector<1x64xf32>
      tpu.vector_store %arg6[%swap3A_53, %swap3A_54], %sub3A {strides = array<i32>} : memref<2x64xf32, #tpu.memory_space<vmem>>, vector<1x64xf32>,
    } else {
    }
    return
  }
  func.func @transform_0(%arg0: i32) -> (i32, i32) {
    %c0_i32 = arith.constant 0 : i32
    %c0_i32_0 = arith.constant 0 : i32
    return %arg0, %c0_i32 : i32, i32
  }
  func.func @transform_1(%arg0: i32) -> (i32, i32) {
    %c0_i32 = arith.constant 0 : i32
    %c0_i32_0 = arith.constant 0 : i32
    return %arg0, %c0_i32 : i32, i32
  }
  func.func @transform_2(%arg0: i32) -> (i32, i32) {
    %c0_i32 = arith.constant 0 : i32
    %c0_i32_0 = arith.constant 0 : i32
    %c0_i32_1 = arith.constant 0 : i32
    return %c0_i32, %c0_i32_0 : i32, i32
  }
  func.func @transform_3(%arg0: i32) -> (i32, i32) {
    %c0_i32 = arith.constant 0 : i32
    %c0_i32_0 = arith.constant 0 : i32
    %c0_i32_1 = arith.constant 0 : i32
    return %c0_i32, %c0_i32_0 : i32, i32
  }
  func.func @transform_4(%arg0: i32) -> (i32, i32) {
    %c0_i32 = arith.constant 0 : i32
    %c0_i32_0 = arith.constant 0 : i32
    return %arg0, %c0_i32 : i32, i32
  }
  func.func @transform_5(%arg0: i32) -> (i32, i32) {
    %c0_i32 = arith.constant 0 : i32
    %c0_i32_0 = arith.constant 0 : i32
    %c0_i32_1 = arith.constant 0 : i32
    return %c0_i32, %c0_i32_0 : i32, i32
  }
}

module attributes {stable_mosaic.version = 14 : i64} {
  func.func @_transform_body(%arg0: i32, %arg1: memref<2000x64xf32, #tpu.memory_space<vmem>>, %arg2: memref<2x64xf32, #tpu.memory_space<vmem>>, %arg3: memref<1x64xf32, #tpu.memory_space<vmem>>, %arg4: memref<1x64xf32, #tpu.memory_space<vmem>>, %arg5: memref<64x64xf32, #tpu.memory_space<vmem>>, %arg6: memref<64x16xf32, #tpu.memory_space<vmem>>, %arg7: memref<2000x128xf32, #tpu.memory_space<vmem>>, %arg8: memref<1x16xf32, #tpu.memory_space<vmem>>, %arg9: memref<1x16xf32, #tpu.memory_space<vmem>>) attributes {dimension_semantics = [#tpu.dimension_semantics<arbitrary>], iteration_bounds = array<i64: 5>, scalar_prefetch = 0 : i64, scratch_operands = 1 : i64, tpu.core_type = #tpu.core_type<tc>, window_params = [{transform_indices = @transform_0, window_bounds = array<i64: 2000, 64>}, {pipeline_mode = #tpu.pipeline_mode<synchronous>, transform_indices = @transform_1, window_bounds = array<i64: 2, 64>}, {pipeline_mode = #tpu.pipeline_mode<synchronous>, transform_indices = @transform_2, window_bounds = array<i64: 1, 64>}, {pipeline_mode = #tpu.pipeline_mode<synchronous>, transform_indices = @transform_3, window_bounds = array<i64: 1, 64>}, {pipeline_mode = #tpu.pipeline_mode<synchronous>, transform_indices = @transform_4, window_bounds = array<i64: 64, 64>}, {pipeline_mode = #tpu.pipeline_mode<synchronous>, transform_indices = @transform_5, window_bounds = array<i64: 64, 16>}, {transform_indices = @transform_6, window_bounds = array<i64: 2000, 128>}, {pipeline_mode = #tpu.pipeline_mode<synchronous>, transform_indices = @transform_7, window_bounds = array<i64: 1, 16>}]} {
    %get3A = arith.constant 0 : index
    %get3A_0 = arith.constant 0 : index
    %get3A_1 = vector.load %arg1[%get3A, %get3A_0] : memref<2000x64xf32, #tpu.memory_space<vmem>>, vector<2000x64xf32>
    %get3A_2 = arith.constant 0 : index
    %get3A_3 = arith.constant 0 : index
    %get3A_4 = vector.load %arg2[%get3A_2, %get3A_3] : memref<2x64xf32, #tpu.memory_space<vmem>>, vector<1x64xf32>
    %sub3A = vector.broadcast %get3A_4 : vector<1x64xf32> to vector<2000x64xf32>
    %sub3A_5 = arith.subf %get3A_1, %sub3A : vector<2000x64xf32>
    %get3A_6 = arith.constant 1 : index
    %get3A_7 = arith.constant 0 : index
    %get3A_8 = vector.load %arg2[%get3A_6, %get3A_7] : memref<2x64xf32, #tpu.memory_space<vmem>>, vector<1x64xf32>
    %add3A = arith.constant 9.99999974E-6 : f32
    %add3A_9 = vector.broadcast %add3A : f32 to vector<1x64xf32>
    %add3A_10 = arith.addf %get3A_8, %add3A_9 : vector<1x64xf32>
    %rsqrt3A = math.rsqrt %add3A_10 : vector<1x64xf32>
    %mul3A = vector.broadcast %rsqrt3A : vector<1x64xf32> to vector<2000x64xf32>
    %mul3A_11 = arith.mulf %sub3A_5, %mul3A : vector<2000x64xf32>
    %get3A_12 = arith.constant 0 : index
    %get3A_13 = arith.constant 0 : index
    %get3A_14 = vector.load %arg3[%get3A_12, %get3A_13] : memref<1x64xf32, #tpu.memory_space<vmem>>, vector<1x64xf32>
    %mul3A_15 = vector.broadcast %get3A_14 : vector<1x64xf32> to vector<2000x64xf32>
    %mul3A_16 = arith.mulf %mul3A_11, %mul3A_15 : vector<2000x64xf32>
    %get3A_17 = arith.constant 0 : index
    %get3A_18 = arith.constant 0 : index
    %get3A_19 = vector.load %arg4[%get3A_17, %get3A_18] : memref<1x64xf32, #tpu.memory_space<vmem>>, vector<1x64xf32>
    %add3A_20 = vector.broadcast %get3A_19 : vector<1x64xf32> to vector<2000x64xf32>
    %add3A_21 = arith.addf %mul3A_16, %add3A_20 : vector<2000x64xf32>
    %max3A = arith.constant 0.000000e+00 : f32
    %max3A_22 = vector.broadcast %max3A : f32 to vector<2000x64xf32>
    %max3A_23 = arith.maximumf %add3A_21, %max3A_22 : vector<2000x64xf32>
    %get3A_24 = arith.constant 0 : index
    %get3A_25 = arith.constant 0 : index
    %get3A_26 = vector.load %arg5[%get3A_24, %get3A_25] : memref<64x64xf32, #tpu.memory_space<vmem>>, vector<64x64xf32>
    %dot_general3A = arith.constant dense<0.000000e+00> : vector<2000x64xf32>
    %dot_general3A_27 = tpu.matmul %max3A_23, %get3A_26, %dot_general3A {dimension_numbers = #tpu.dot_dimension_numbers<[1], [0], [0], [1], [0, 0, 1, 1], [], []>, transpose_lhs_hint = false} : vector<2000x64xf32>, vector<64x64xf32>, vector<2000x64xf32> -> vector<2000x64xf32>
    %get3A_28 = arith.constant 0 : index
    %get3A_29 = arith.constant 0 : index
    %get3A_30 = vector.load %arg6[%get3A_28, %get3A_29] : memref<64x16xf32, #tpu.memory_space<vmem>>, vector<64x16xf32>
    %dot_general3A_31 = arith.constant dense<0.000000e+00> : vector<2000x16xf32>
    %dot_general3A_32 = tpu.matmul %dot_general3A_27, %get3A_30, %dot_general3A_31 {dimension_numbers = #tpu.dot_dimension_numbers<[1], [0], [0], [1], [0, 0, 1, 1], [], []>, transpose_lhs_hint = false} : vector<2000x64xf32>, vector<64x16xf32>, vector<2000x16xf32> -> vector<2000x16xf32>
    %swap3A = arith.constant 0 : index
    %swap3A_33 = arith.constant 0 : index
    %swap3A_34 = vector.load %arg7[%swap3A, %swap3A_33] : memref<2000x128xf32, #tpu.memory_space<vmem>>, vector<2000x64xf32>
    tpu.vector_store %arg7[%swap3A, %swap3A_33], %dot_general3A_27 {strides = array<i32>} : memref<2000x128xf32, #tpu.memory_space<vmem>>, vector<2000x64xf32>,
    %slice3A = vector.extract_strided_slice %dot_general3A_32 {offsets = [0, 0], sizes = [2000, 8], strides = [1, 1]} : vector<2000x16xf32> to vector<2000x8xf32>
    %swap3A_35 = arith.constant 0 : index
    %swap3A_36 = arith.constant 64 : index
    %swap3A_37 = vector.load %arg7[%swap3A_35, %swap3A_36] : memref<2000x128xf32, #tpu.memory_space<vmem>>, vector<2000x8xf32>
    tpu.vector_store %arg7[%swap3A_35, %swap3A_36], %slice3A {strides = array<i32>} : memref<2000x128xf32, #tpu.memory_space<vmem>>, vector<2000x8xf32>,
    %slice3A_38 = vector.extract_strided_slice %dot_general3A_32 {offsets = [0, 8], sizes = [2000, 8], strides = [1, 1]} : vector<2000x16xf32> to vector<2000x8xf32>
    %swap3A_39 = arith.constant 0 : index
    %swap3A_40 = arith.constant 72 : index
    %swap3A_41 = vector.load %arg7[%swap3A_39, %swap3A_40] : memref<2000x128xf32, #tpu.memory_space<vmem>>, vector<2000x8xf32>
    tpu.vector_store %arg7[%swap3A_39, %swap3A_40], %slice3A_38 {strides = array<i32>} : memref<2000x128xf32, #tpu.memory_space<vmem>>, vector<2000x8xf32>,
    %broadcast_in_dim3A = arith.constant 0.000000e+00 : f32
    %broadcast_in_dim3A_42 = vector.broadcast %broadcast_in_dim3A : f32 to vector<2000x48xf32>
    %swap3A_43 = arith.constant 0 : index
    %swap3A_44 = arith.constant 80 : index
    %swap3A_45 = vector.load %arg7[%swap3A_43, %swap3A_44] : memref<2000x128xf32, #tpu.memory_space<vmem>>, vector<2000x48xf32>
    tpu.vector_store %arg7[%swap3A_43, %swap3A_44], %broadcast_in_dim3A_42 {strides = array<i32>} : memref<2000x128xf32, #tpu.memory_space<vmem>>, vector<2000x48xf32>,
    %reduce_max3A = arith.constant dense<0xFF800000> : vector<16xf32>
    %reduce_max3A_46 = vector.multi_reduction <maximumf>, %dot_general3A_32, %reduce_max3A [0] : vector<2000x16xf32> to vector<16xf32>
    %broadcast_in_dim3A_47 = vector.shape_cast %reduce_max3A_46 : vector<16xf32> to vector<1x16xf32>
    %eq3A = arith.constant 0 : i32
    %eq3A_48 = arith.cmpi eq, %arg0, %eq3A : i32
    %convert_element_type3A = arith.extui %eq3A_48 : i1 to i32
    %cond3A = arith.constant 0 : i32
    %cond3A_49 = arith.cmpi ne, %convert_element_type3A, %cond3A : i32
    scf.if %cond3A_49 {
      %swap3A_59 = arith.constant 0 : index
      %swap3A_60 = arith.constant 0 : index
      %swap3A_61 = vector.load %arg9[%swap3A_59, %swap3A_60] : memref<1x16xf32, #tpu.memory_space<vmem>>, vector<1x16xf32>
      tpu.vector_store %arg9[%swap3A_59, %swap3A_60], %broadcast_in_dim3A_47 {strides = array<i32>} : memref<1x16xf32, #tpu.memory_space<vmem>>, vector<1x16xf32>,
    } else {
    }
    %gt3A = arith.constant 0 : i32
    %gt3A_50 = arith.cmpi sgt, %arg0, %gt3A : i32
    %convert_element_type3A_51 = arith.extui %gt3A_50 : i1 to i32
    %cond3A_52 = arith.constant 0 : i32
    %cond3A_53 = arith.cmpi ne, %convert_element_type3A_51, %cond3A_52 : i32
    scf.if %cond3A_53 {
      %get3A_59 = arith.constant 0 : index
      %get3A_60 = arith.constant 0 : index
      %get3A_61 = vector.load %arg9[%get3A_59, %get3A_60] : memref<1x16xf32, #tpu.memory_space<vmem>>, vector<1x16xf32>
      %max3A_62 = arith.maximumf %get3A_61, %broadcast_in_dim3A_47 : vector<1x16xf32>
      %swap3A_63 = arith.constant 0 : index
      %swap3A_64 = arith.constant 0 : index
      %swap3A_65 = vector.load %arg9[%swap3A_63, %swap3A_64] : memref<1x16xf32, #tpu.memory_space<vmem>>, vector<1x16xf32>
      tpu.vector_store %arg9[%swap3A_63, %swap3A_64], %max3A_62 {strides = array<i32>} : memref<1x16xf32, #tpu.memory_space<vmem>>, vector<1x16xf32>,
    } else {
    }
    %eq3A_54 = arith.constant 4 : i32
    %eq3A_55 = arith.cmpi eq, %arg0, %eq3A_54 : i32
    %convert_element_type3A_56 = arith.extui %eq3A_55 : i1 to i32
    %cond3A_57 = arith.constant 0 : i32
    %cond3A_58 = arith.cmpi ne, %convert_element_type3A_56, %cond3A_57 : i32
    scf.if %cond3A_58 {
      %get3A_59 = arith.constant 0 : index
      %get3A_60 = arith.constant 0 : index
      %get3A_61 = vector.load %arg9[%get3A_59, %get3A_60] : memref<1x16xf32, #tpu.memory_space<vmem>>, vector<1x8xf32>
      %get3A_62 = vector.shape_cast %get3A_61 : vector<1x8xf32> to vector<8xf32>
      %get3A_63 = arith.constant 0 : index
      %get3A_64 = arith.constant 8 : index
      %get3A_65 = vector.load %arg9[%get3A_63, %get3A_64] : memref<1x16xf32, #tpu.memory_space<vmem>>, vector<1x8xf32>
      %get3A_66 = vector.shape_cast %get3A_65 : vector<1x8xf32> to vector<8xf32>
      %add3A_67 = arith.addf %get3A_62, %get3A_66 : vector<8xf32>
      %mul3A_68 = arith.constant 2.000000e-01 : f32
      %mul3A_69 = vector.broadcast %mul3A_68 : f32 to vector<8xf32>
      %mul3A_70 = arith.mulf %mul3A_69, %add3A_67 : vector<8xf32>
      %max3A_71 = arith.maximumf %add3A_67, %mul3A_70 : vector<8xf32>
      %swap3A_72 = arith.constant 0 : index
      %swap3A_73 = arith.constant 0 : index
      %swap3A_74 = vector.load %arg8[%swap3A_72, %swap3A_73] : memref<1x16xf32, #tpu.memory_space<vmem>>, vector<1x8xf32>
      %swap3A_75 = vector.shape_cast %swap3A_74 : vector<1x8xf32> to vector<8xf32>
      %swap3A_76 = vector.shape_cast %max3A_71 : vector<8xf32> to vector<1x8xf32>
      tpu.vector_store %arg8[%swap3A_72, %swap3A_73], %swap3A_76 {strides = array<i32>} : memref<1x16xf32, #tpu.memory_space<vmem>>, vector<1x8xf32>,
      %broadcast_in_dim3A_77 = arith.constant 1.000000e+30 : f32
      %broadcast_in_dim3A_78 = vector.broadcast %broadcast_in_dim3A_77 : f32 to vector<8xf32>
      %swap3A_79 = arith.constant 0 : index
      %swap3A_80 = arith.constant 8 : index
      %swap3A_81 = vector.load %arg8[%swap3A_79, %swap3A_80] : memref<1x16xf32, #tpu.memory_space<vmem>>, vector<1x8xf32>
      %swap3A_82 = vector.shape_cast %swap3A_81 : vector<1x8xf32> to vector<8xf32>
      %swap3A_83 = vector.shape_cast %broadcast_in_dim3A_78 : vector<8xf32> to vector<1x8xf32>
      tpu.vector_store %arg8[%swap3A_79, %swap3A_80], %swap3A_83 {strides = array<i32>} : memref<1x16xf32, #tpu.memory_space<vmem>>, vector<1x8xf32>,
    } else {
    }
    return
  }
  func.func @transform_0(%arg0: i32) -> (i32, i32) {
    %c0_i32 = arith.constant 0 : i32
    %c0_i32_0 = arith.constant 0 : i32
    return %arg0, %c0_i32 : i32, i32
  }
  func.func @transform_1(%arg0: i32) -> (i32, i32) {
    %c0_i32 = arith.constant 0 : i32
    %c0_i32_0 = arith.constant 0 : i32
    %c0_i32_1 = arith.constant 0 : i32
    return %c0_i32, %c0_i32_0 : i32, i32
  }
  func.func @transform_2(%arg0: i32) -> (i32, i32) {
    %c0_i32 = arith.constant 0 : i32
    %c0_i32_0 = arith.constant 0 : i32
    %c0_i32_1 = arith.constant 0 : i32
    return %c0_i32, %c0_i32_0 : i32, i32
  }
  func.func @transform_3(%arg0: i32) -> (i32, i32) {
    %c0_i32 = arith.constant 0 : i32
    %c0_i32_0 = arith.constant 0 : i32
    %c0_i32_1 = arith.constant 0 : i32
    return %c0_i32, %c0_i32_0 : i32, i32
  }
  func.func @transform_4(%arg0: i32) -> (i32, i32) {
    %c0_i32 = arith.constant 0 : i32
    %c0_i32_0 = arith.constant 0 : i32
    %c0_i32_1 = arith.constant 0 : i32
    return %c0_i32, %c0_i32_0 : i32, i32
  }
  func.func @transform_5(%arg0: i32) -> (i32, i32) {
    %c0_i32 = arith.constant 0 : i32
    %c0_i32_0 = arith.constant 0 : i32
    %c0_i32_1 = arith.constant 0 : i32
    return %c0_i32, %c0_i32_0 : i32, i32
  }
  func.func @transform_6(%arg0: i32) -> (i32, i32) {
    %c0_i32 = arith.constant 0 : i32
    %c0_i32_0 = arith.constant 0 : i32
    return %arg0, %c0_i32 : i32, i32
  }
  func.func @transform_7(%arg0: i32) -> (i32, i32) {
    %c0_i32 = arith.constant 0 : i32
    %c0_i32_0 = arith.constant 0 : i32
    %c0_i32_1 = arith.constant 0 : i32
    return %c0_i32, %c0_i32_0 : i32, i32
  }
}

module attributes {stable_mosaic.version = 14 : i64} {
  func.func @_final_body(%arg0: i32, %arg1: memref<2000x64xf32, #tpu.memory_space<vmem>>, %arg2: memref<2x64xf32, #tpu.memory_space<vmem>>, %arg3: memref<1x64xf32, #tpu.memory_space<vmem>>, %arg4: memref<1x64xf32, #tpu.memory_space<vmem>>, %arg5: memref<64x32xf32, #tpu.memory_space<vmem>>, %arg6: memref<1x32xf32, #tpu.memory_space<vmem>>, %arg7: memref<32x2xf32, #tpu.memory_space<vmem>>, %arg8: memref<1x2xf32, #tpu.memory_space<vmem>>, %arg9: memref<1x2xf32, #tpu.memory_space<vmem>>, %arg10: memref<1x64xf32, #tpu.memory_space<vmem>>) attributes {dimension_semantics = [#tpu.dimension_semantics<arbitrary>], iteration_bounds = array<i64: 5>, scalar_prefetch = 0 : i64, scratch_operands = 1 : i64, tpu.core_type = #tpu.core_type<tc>, window_params = [{transform_indices = @transform_0, window_bounds = array<i64: 2000, 64>}, {pipeline_mode = #tpu.pipeline_mode<synchronous>, transform_indices = @transform_1, window_bounds = array<i64: 2, 64>}, {pipeline_mode = #tpu.pipeline_mode<synchronous>, transform_indices = @transform_2, window_bounds = array<i64: 1, 64>}, {pipeline_mode = #tpu.pipeline_mode<synchronous>, transform_indices = @transform_3, window_bounds = array<i64: 1, 64>}, {pipeline_mode = #tpu.pipeline_mode<synchronous>, transform_indices = @transform_4, window_bounds = array<i64: 64, 32>}, {pipeline_mode = #tpu.pipeline_mode<synchronous>, transform_indices = @transform_5, window_bounds = array<i64: 1, 32>}, {pipeline_mode = #tpu.pipeline_mode<synchronous>, transform_indices = @transform_6, window_bounds = array<i64: 32, 2>}, {pipeline_mode = #tpu.pipeline_mode<synchronous>, transform_indices = @transform_7, window_bounds = array<i64: 1, 2>}, {pipeline_mode = #tpu.pipeline_mode<synchronous>, transform_indices = @transform_8, window_bounds = array<i64: 1, 2>}]} {
    %get3A = arith.constant 0 : index
    %get3A_0 = arith.constant 0 : index
    %get3A_1 = vector.load %arg1[%get3A, %get3A_0] : memref<2000x64xf32, #tpu.memory_space<vmem>>, vector<2000x64xf32>
    %get3A_2 = arith.constant 0 : index
    %get3A_3 = arith.constant 0 : index
    %get3A_4 = vector.load %arg2[%get3A_2, %get3A_3] : memref<2x64xf32, #tpu.memory_space<vmem>>, vector<1x64xf32>
    %sub3A = vector.broadcast %get3A_4 : vector<1x64xf32> to vector<2000x64xf32>
    %sub3A_5 = arith.subf %get3A_1, %sub3A : vector<2000x64xf32>
    %get3A_6 = arith.constant 1 : index
    %get3A_7 = arith.constant 0 : index
    %get3A_8 = vector.load %arg2[%get3A_6, %get3A_7] : memref<2x64xf32, #tpu.memory_space<vmem>>, vector<1x64xf32>
    %add3A = arith.constant 9.99999974E-6 : f32
    %add3A_9 = vector.broadcast %add3A : f32 to vector<1x64xf32>
    %add3A_10 = arith.addf %get3A_8, %add3A_9 : vector<1x64xf32>
    %rsqrt3A = math.rsqrt %add3A_10 : vector<1x64xf32>
    %mul3A = vector.broadcast %rsqrt3A : vector<1x64xf32> to vector<2000x64xf32>
    %mul3A_11 = arith.mulf %sub3A_5, %mul3A : vector<2000x64xf32>
    %get3A_12 = arith.constant 0 : index
    %get3A_13 = arith.constant 0 : index
    %get3A_14 = vector.load %arg3[%get3A_12, %get3A_13] : memref<1x64xf32, #tpu.memory_space<vmem>>, vector<1x64xf32>
    %mul3A_15 = vector.broadcast %get3A_14 : vector<1x64xf32> to vector<2000x64xf32>
    %mul3A_16 = arith.mulf %mul3A_11, %mul3A_15 : vector<2000x64xf32>
    %get3A_17 = arith.constant 0 : index
    %get3A_18 = arith.constant 0 : index
    %get3A_19 = vector.load %arg4[%get3A_17, %get3A_18] : memref<1x64xf32, #tpu.memory_space<vmem>>, vector<1x64xf32>
    %add3A_20 = vector.broadcast %get3A_19 : vector<1x64xf32> to vector<2000x64xf32>
    %add3A_21 = arith.addf %mul3A_16, %add3A_20 : vector<2000x64xf32>
    %max3A = arith.constant 0.000000e+00 : f32
    %max3A_22 = vector.broadcast %max3A : f32 to vector<2000x64xf32>
    %max3A_23 = arith.maximumf %add3A_21, %max3A_22 : vector<2000x64xf32>
    %reduce_sum3A = arith.constant dense<0.000000e+00> : vector<64xf32>
    %reduce_sum3A_24 = vector.multi_reduction <add>, %max3A_23, %reduce_sum3A [0] : vector<2000x64xf32> to vector<64xf32>
    %broadcast_in_dim3A = vector.shape_cast %reduce_sum3A_24 : vector<64xf32> to vector<1x64xf32>
    %eq3A = arith.constant 0 : i32
    %eq3A_25 = arith.cmpi eq, %arg0, %eq3A : i32
    %convert_element_type3A = arith.extui %eq3A_25 : i1 to i32
    %cond3A = arith.constant 0 : i32
    %cond3A_26 = arith.cmpi ne, %convert_element_type3A, %cond3A : i32
    scf.if %cond3A_26 {
      %swap3A = arith.constant 0 : index
      %swap3A_36 = arith.constant 0 : index
      %swap3A_37 = vector.load %arg10[%swap3A, %swap3A_36] : memref<1x64xf32, #tpu.memory_space<vmem>>, vector<1x64xf32>
      tpu.vector_store %arg10[%swap3A, %swap3A_36], %broadcast_in_dim3A {strides = array<i32>} : memref<1x64xf32, #tpu.memory_space<vmem>>, vector<1x64xf32>,
    } else {
    }
    %gt3A = arith.constant 0 : i32
    %gt3A_27 = arith.cmpi sgt, %arg0, %gt3A : i32
    %convert_element_type3A_28 = arith.extui %gt3A_27 : i1 to i32
    %cond3A_29 = arith.constant 0 : i32
    %cond3A_30 = arith.cmpi ne, %convert_element_type3A_28, %cond3A_29 : i32
    scf.if %cond3A_30 {
      %get3A_36 = arith.constant 0 : index
      %get3A_37 = arith.constant 0 : index
      %get3A_38 = vector.load %arg10[%get3A_36, %get3A_37] : memref<1x64xf32, #tpu.memory_space<vmem>>, vector<1x64xf32>
      %add3A_39 = arith.addf %get3A_38, %broadcast_in_dim3A : vector<1x64xf32>
      %swap3A = arith.constant 0 : index
      %swap3A_40 = arith.constant 0 : index
      %swap3A_41 = vector.load %arg10[%swap3A, %swap3A_40] : memref<1x64xf32, #tpu.memory_space<vmem>>, vector<1x64xf32>
      tpu.vector_store %arg10[%swap3A, %swap3A_40], %add3A_39 {strides = array<i32>} : memref<1x64xf32, #tpu.memory_space<vmem>>, vector<1x64xf32>,
    } else {
    }
    %eq3A_31 = arith.constant 4 : i32
    %eq3A_32 = arith.cmpi eq, %arg0, %eq3A_31 : i32
    %convert_element_type3A_33 = arith.extui %eq3A_32 : i1 to i32
    %cond3A_34 = arith.constant 0 : i32
    %cond3A_35 = arith.cmpi ne, %convert_element_type3A_33, %cond3A_34 : i32
    scf.if %cond3A_35 {
      %get3A_36 = arith.constant 0 : index
      %get3A_37 = arith.constant 0 : index
      %get3A_38 = vector.load %arg10[%get3A_36, %get3A_37] : memref<1x64xf32, #tpu.memory_space<vmem>>, vector<1x64xf32>
      %div3A = arith.constant 1.000000e+04 : f32
      %div3A_39 = vector.broadcast %div3A : f32 to vector<1x64xf32>
      %div3A_40 = arith.divf %get3A_38, %div3A_39 : vector<1x64xf32>
      %get3A_41 = arith.constant 0 : index
      %get3A_42 = arith.constant 0 : index
      %get3A_43 = vector.load %arg5[%get3A_41, %get3A_42] : memref<64x32xf32, #tpu.memory_space<vmem>>, vector<64x32xf32>
      %dot_general3A = arith.constant dense<0.000000e+00> : vector<1x32xf32>
      %dot_general3A_44 = tpu.matmul %div3A_40, %get3A_43, %dot_general3A {dimension_numbers = #tpu.dot_dimension_numbers<[1], [0], [0], [1], [0, 0, 1, 1], [], []>, transpose_lhs_hint = false} : vector<1x64xf32>, vector<64x32xf32>, vector<1x32xf32> -> vector<1x32xf32>
      %get3A_45 = arith.constant 0 : index
      %get3A_46 = arith.constant 0 : index
      %get3A_47 = vector.load %arg6[%get3A_45, %get3A_46] : memref<1x32xf32, #tpu.memory_space<vmem>>, vector<1x32xf32>
      %add3A_48 = arith.addf %dot_general3A_44, %get3A_47 : vector<1x32xf32>
      %max3A_49 = arith.constant 0.000000e+00 : f32
      %max3A_50 = vector.broadcast %max3A_49 : f32 to vector<1x32xf32>
      %max3A_51 = arith.maximumf %add3A_48, %max3A_50 : vector<1x32xf32>
      %get3A_52 = arith.constant 0 : index
      %get3A_53 = arith.constant 0 : index
      %get3A_54 = vector.load %arg7[%get3A_52, %get3A_53] : memref<32x2xf32, #tpu.memory_space<vmem>>, vector<32x2xf32>
      %dot_general3A_55 = arith.constant dense<0.000000e+00> : vector<1x2xf32>
      %dot_general3A_56 = tpu.matmul %max3A_51, %get3A_54, %dot_general3A_55 {dimension_numbers = #tpu.dot_dimension_numbers<[1], [0], [0], [1], [0, 0, 1, 1], [], []>, transpose_lhs_hint = false} : vector<1x32xf32>, vector<32x2xf32>, vector<1x2xf32> -> vector<1x2xf32>
      %get3A_57 = arith.constant 0 : index
      %get3A_58 = arith.constant 0 : index
      %get3A_59 = vector.load %arg8[%get3A_57, %get3A_58] : memref<1x2xf32, #tpu.memory_space<vmem>>, vector<1x2xf32>
      %add3A_60 = arith.addf %dot_general3A_56, %get3A_59 : vector<1x2xf32>
      %swap3A = arith.constant 0 : index
      %swap3A_61 = arith.constant 0 : index
      %swap3A_62 = vector.load %arg9[%swap3A, %swap3A_61] : memref<1x2xf32, #tpu.memory_space<vmem>>, vector<1x2xf32>
      tpu.vector_store %arg9[%swap3A, %swap3A_61], %add3A_60 {strides = array<i32>} : memref<1x2xf32, #tpu.memory_space<vmem>>, vector<1x2xf32>,
    } else {
    }
    return
  }
  func.func @transform_0(%arg0: i32) -> (i32, i32) {
    %c0_i32 = arith.constant 0 : i32
    %c0_i32_0 = arith.constant 0 : i32
    return %arg0, %c0_i32 : i32, i32
  }
  func.func @transform_1(%arg0: i32) -> (i32, i32) {
    %c0_i32 = arith.constant 0 : i32
    %c0_i32_0 = arith.constant 0 : i32
    %c0_i32_1 = arith.constant 0 : i32
    return %c0_i32, %c0_i32_0 : i32, i32
  }
  func.func @transform_2(%arg0: i32) -> (i32, i32) {
    %c0_i32 = arith.constant 0 : i32
    %c0_i32_0 = arith.constant 0 : i32
    %c0_i32_1 = arith.constant 0 : i32
    return %c0_i32, %c0_i32_0 : i32, i32
  }
  func.func @transform_3(%arg0: i32) -> (i32, i32) {
    %c0_i32 = arith.constant 0 : i32
    %c0_i32_0 = arith.constant 0 : i32
    %c0_i32_1 = arith.constant 0 : i32
    return %c0_i32, %c0_i32_0 : i32, i32
  }
  func.func @transform_4(%arg0: i32) -> (i32, i32) {
    %c0_i32 = arith.constant 0 : i32
    %c0_i32_0 = arith.constant 0 : i32
    %c0_i32_1 = arith.constant 0 : i32
    return %c0_i32, %c0_i32_0 : i32, i32
  }
  func.func @transform_5(%arg0: i32) -> (i32, i32) {
    %c0_i32 = arith.constant 0 : i32
    %c0_i32_0 = arith.constant 0 : i32
    %c0_i32_1 = arith.constant 0 : i32
    return %c0_i32, %c0_i32_0 : i32, i32
  }
  func.func @transform_6(%arg0: i32) -> (i32, i32) {
    %c0_i32 = arith.constant 0 : i32
    %c0_i32_0 = arith.constant 0 : i32
    %c0_i32_1 = arith.constant 0 : i32
    return %c0_i32, %c0_i32_0 : i32, i32
  }
  func.func @transform_7(%arg0: i32) -> (i32, i32) {
    %c0_i32 = arith.constant 0 : i32
    %c0_i32_0 = arith.constant 0 : i32
    %c0_i32_1 = arith.constant 0 : i32
    return %c0_i32, %c0_i32_0 : i32, i32
  }
  func.func @transform_8(%arg0: i32) -> (i32, i32) {
    %c0_i32 = arith.constant 0 : i32
    %c0_i32_0 = arith.constant 0 : i32
    %c0_i32_1 = arith.constant 0 : i32
    return %c0_i32, %c0_i32_0 : i32, i32
  }
}

</mosaic_0001>

<sc_bundles>
// kernel: kernel.12.cloned.1.call-start
scs
__scs_entry_jumppad:
0x0: {  	(pc) =	sbr.rel $0x88, $3  }
0x1: {  	(tag) =	ssettag $0x0;
	lr =	simm.s32 $0x1  }
0x2: {  	[smem:$0x3F87] =	sst lr;
	_ =	strace $0xD0000000  }
0x3: {  	_ = 	snop  }
0x4: {  	_ = 	snop  }
0x5: {  	_ = 	snop  }
0x6: {  	_ = 	snop  }
0x7: {  	_ = 	snop  }
__scs_overlays_trampoline_lowered:
0x8: {  	[smem:$0x3F96] =	sst s0  }
0x9: {  	[smem:$0x3F97] =	sst s1  }
0xa: {  	[smem:$0x3F98] =	sst s2  }
0xb: {  	[smem:$0x3F99] =	sst s3  }
0xc: {  	[smem:$0x3F9A] =	sst s4  }
0xd: {  	[smem:$0x3F9B] =	sst s5  }
0xe: {  	[smem:$0x3F9C] =	sst s6  }
0xf: {  	[smem:$0x3F9D] =	sst s7  }
0x10: {  	[smem:$0x3F9E] =	sst s8  }
0x11: {  	[smem:$0x3F9F] =	sst s9;
	s0 =	simm.s32 @!p0 $0x0  }
0x12: {  	s1 =	sld [smem:$0x3F85];
	s0 =	simm.s32 @p0 $0x1  }
0x13: {  	[smem:$0x3FA0] =	sst s0;
	s0 =	simm.s32 @!p1 $0x0  }
0x14: {  	s2 =	sld [smem:$0x3F84];
	s0 =	simm.s32 @p1 $0x1  }
0x15: {  	[smem:$0x3FA1] =	sst s0;
	s0 =	simm.s32 @!p2 $0x0  }
0x16: {  	s3 =	sld [smem:$0x3FDB];
	s0 =	simm.s32 @p2 $0x1  }
0x17: {  	s4 =	simm.s32 $0x1BF5;
	[smem:$0x3FA3] =	sst s0  }
0x18: {  	s0 =	sld [smem:$0x3F86];
	_ =	swait.ge [sflag:s4], $0x0  }
0x19: {  	s7 =	sld [smem:$0x3F87]  }
0x1a: {  	s8 =	sadd.s32 $0xFFFFE003, lr  }
0x1b: {  	s9 =	sadd.s32 $0xFFFFFEF7, lr;
	s5 =	simm.s32 $0xFFFFFFFF;
	p2 =	slt.u32 s8, $0xFFFFF086  }
0x1c: {  	p1 =	slt.u32 s9, $0xF7A;
	s5 =	simm.s32 @!p2 $0x0  }
0x1d: {  	s5 =	simm.s32 @p1 $0x1;
	p0 =	seq.s32 s7, s2  }
0x1e: {  	s7 =	smul.u32 @!p0 $0xF7A, s2;
	p2 =	seq.s32 @!p0 s5, $0x0  }
0x1f: {  	s9 =	smul.u32 $0xF7A, s1;
	s8 =	simm.s32 @!p0 $0x1BF5;
	p2 =	por !p2, p0  }
0x20: {  	[sflag:s8] =	ssyncset.s32 @!p0 $0xFFFFF086;
	s6 =	sadd.s32 @!p0 s3, s7;
	s7 =	simm.s32 @!p0 $0x108  }
0x21: {  	s3 =	sadd.s32 s3, s9;
	s6 =	sadd.s32 @!p0 $0x88, s6;
	s7 =	simm.s32 @p2 $0x1082  }
0x22: {  	[simem:s7], [sflag:s8] =	dma.local @!p0 [hbm:s6], $0xF7A  }
0x23: {  	s9 =	sor.u32 $0xD0000000, s2;
	s6 =	simm.s32 $0x108;
	_ =	swait.ge @!p0 [sflag:s8], $0x0  }
0x24: {  	s3 =	sadd.s32 $0x88, s3;
	s6 =	simm.s32 @!p1 $0x1082;
	[sflag:s4] =	ssyncset.s32 $0xFFFFF086  }
0x25: {  	[simem:s6], [sflag:s4] =	dma.local [hbm:s3], $0xF7A  }
0x26: {  	[smem:$0x3F87] =	sst s1;
	(tag) =	ssettag s2;
	_ =	strace s9  }
0x27: {  	s1 =	sld [smem:$0x3F97]  }
0x28: {  	s2 =	sld [smem:$0x3F98]  }
0x29: {  	s4 =	sld [smem:$0x3F9A]  }
0x2a: {  	p0 =	seq.s32 s5, $0x0;
	s5 =	sld [smem:$0x3F9B]  }
0x2b: {  	s6 =	sld [smem:$0x3F9C]  }
0x2c: {  	s7 =	sld [smem:$0x3F9D]  }
0x2d: {  	s3 =	simm.s32 $0x108;
	s8 =	sld [smem:$0x3F9E]  }
0x2e: {  	s3 =	simm.s32 @!p0 $0x1082;
	s9 =	sld [smem:$0x3F9F]  }
0x2f: {  	lr =	sadd.s32 s0, s3;
	s0 =	sld [smem:$0x3F96]  }
0x30: {  	s3 =	sld [smem:$0x3F99]  }
0x31: {  	[smem:$0x3FA2] =	sst s10  }
0x32: {  	s10 =	sld [smem:$0x3FA0];
	_ =	sdelay $0x3  }
0x33: {  	p0 =	seq.s32 s10, $0x1;
	s10 =	sld [smem:$0x3FA2];
	_ =	sdelay $0x3  }
0x34: {  	[smem:$0x3FA2] =	sst s10  }
0x35: {  	s10 =	sld [smem:$0x3FA1];
	_ =	sdelay $0x3  }
0x36: {  	p1 =	seq.s32 s10, $0x1;
	s10 =	sld [smem:$0x3FA2];
	_ =	sdelay $0x3  }
0x37: {  	[smem:$0x3FA2] =	sst s10  }
0x38: {  	s10 =	sld [smem:$0x3FA3]  }
0x39: {  	_ = 	snop;
	(pc) =	sbr.ind lr, $3  }
0x3a: {  	_ = 	snop  }
0x3b: {  	_ = 	snop  }
0x3c: {  	p2 =	seq.s32 s10, $0x1;
	s10 =	sld [smem:$0x3FA2]  }
0x3d: {  	_ =	shalt  }
0x3e: {  	_ =	shalt  }
0x3f: {  	_ =	shalt  }
0x40: {  	_ =	shalt  }
0x41: {  	_ =	shalt  }
0x42: {  	_ =	shalt  }
0x43: {  	_ =	shalt  }
0x44: {  	_ =	shalt  }
0x45: {  	_ =	shalt  }
0x46: {  	_ =	shalt  }
0x47: {  	_ =	shalt  }
0x48: {  	_ =	shalt  }
0x49: {  	_ =	shalt  }
0x4a: {  	_ =	shalt  }
0x4b: {  	_ =	shalt  }
0x4c: {  	_ =	shalt  }
0x4d: {  	_ =	shalt  }
0x4e: {  	_ =	shalt  }
0x4f: {  	_ =	shalt  }
0x50: {  	_ =	shalt  }
0x51: {  	_ =	shalt  }
0x52: {  	_ =	shalt  }
0x53: {  	_ =	shalt  }
0x54: {  	_ =	shalt  }
0x55: {  	_ =	shalt  }
0x56: {  	_ =	shalt  }
0x57: {  	_ =	shalt  }
0x58: {  	_ =	shalt  }
0x59: {  	_ =	shalt  }
0x5a: {  	_ =	shalt  }
0x5b: {  	_ =	shalt  }
0x5c: {  	_ =	shalt  }
0x5d: {  	_ =	shalt  }
0x5e: {  	_ =	shalt  }
0x5f: {  	_ =	shalt  }
0x60: {  	_ =	shalt  }
0x61: {  	_ =	shalt  }
0x62: {  	_ =	shalt  }
0x63: {  	_ =	shalt  }
0x64: {  	_ =	shalt  }
0x65: {  	_ =	shalt  }
0x66: {  	_ =	shalt  }
0x67: {  	_ =	shalt  }
0x68: {  	_ =	shalt  }
0x69: {  	_ =	shalt  }
0x6a: {  	_ =	shalt  }
0x6b: {  	_ =	shalt  }
0x6c: {  	_ =	shalt  }
0x6d: {  	_ =	shalt  }
0x6e: {  	_ =	shalt  }
0x6f: {  	_ =	shalt  }
0x70: {  	_ =	shalt  }
0x71: {  	_ =	shalt  }
0x72: {  	_ =	shalt  }
0x73: {  	_ =	shalt  }
0x74: {  	_ =	shalt  }
0x75: {  	_ =	shalt  }
0x76: {  	_ =	shalt  }
0x77: {  	_ =	shalt  }
0x78: {  	_ =	shalt  }
0x79: {  	_ =	shalt  }
0x7a: {  	_ =	shalt  }
0x7b: {  	_ =	shalt  }
0x7c: {  	_ =	shalt  }
0x7d: {  	_ =	shalt  }
0x7e: {  	_ =	shalt  }
0x7f: {  	_ =	shalt  }
0x80: {  	_ =	shalt  }
0x81: {  	_ =	shalt  }
0x82: {  	_ =	shalt  }
0x83: {  	_ =	shalt  }
0x84: {  	_ =	shalt  }
0x85: {  	_ =	shalt  }
0x86: {  	_ =	shalt  }
0x87: {  	_ =	shalt  }
.Lfunc_end0:
.L_simem_size_0:
called_computation_lowered:
.L_overlay_start_0:
0x88: {  	s2 =	sld [smem:$0x3FD9]  }
0x89: {  	s3 =	sld [smem:$0x3FFE];
	_ =	sdelay $0x1  }
0x8a: {  	s1 =	srdreg.scid  }
0x8b: {  	s0 =	sand.u32 $0x1, s1  }
0x8c: {  	s17 =	sshll.u32 s0, $0xA;
	s2 =	sadd.s32 s3, s2  }
0x8d: {  	s2 =	sadd.s32 s2, s17  }
0x8e: {  	[smem:$0x3FAE] =	sst s2  }
0x8f: {  	_ = 	snop  }
0x90: {  	s2 =	sld [smem:$0x3FD0];
	(tm) =	ssettm $0x1  }
0x91: {  	s18 =	sld [smem:$0x3FFB];
	_ =	sdelay $0x3  }
0x92: {  	_ =	strace s18  }
0x93: {  	s3 =	sld [smem:$0x3FFC];
	_ =	sdelay $0x3  }
0x94: {  	_ =	strace s3  }
0x95: {  	s3 =	sld [smem:$0x3FFD];
	_ =	sdelay $0x3  }
0x96: {  	_ =	strace s3  }
0x97: {  	_ =	strace $0x8FFFFFFF  }
0x98: {  	s19 =	sld [smem:$0x3FDB];
	_ =	sdelay $0x1  }
0x99: {  	s4 =	simm.s32 $_scs_section_size  }
0x9a: {  	s5 =	simm.s32 $_size__tile_overlayer_lowered;
	s6 =	simm.s32 $_tile_overlayer_lowered  }
0x9b: {  	s22 =	simm.s32 $0x1BFF;
	s21 =	sshll.u32 s6, $0x1;
	s3 =	sadd.s32 s4, s19  }
0x9c: {  	s7 =	simm.s32 $0x0;
	s20 =	sshll.u32 s5, $0x1;
	s5 =	sadd.s32 s21, s3  }
0x9d: {  	[timem:s7], [sflag:s22] =	dma.local [hbm:s5], s20  }
0x9e: {  	_ =	swait.ge [sflag:s22], s20  }
0x9f: {  	s4 =	ssub.s32 $0x0, s20;
	[sflag:s22] =	ssyncset.done $0x0  }
0xa0: {  	[sflag:s22] =	ssyncadd.s32 s4;
	_ =	sdelay $0x1  }
0xa1: {  	s23 =	simm.s32 $0x1B8B  }
0xa2: {  	_ =	swait.ge [sflag:s23], $0x1  }
0xa3: {  	[sflag:s23] =	ssyncset.done $0x0  }
0xa4: {  	s25 =	simm.s32 $0x1B8E;
	s24 =	sld [smem:$0x3FFE];
	[sflag:s23] =	ssyncadd.s32 $0xFFFFFFFF  }
0xa5: {  	s26 =	simm.s32 $execute0_lowered;
	[smem:$0x3FD2] =	sst s25  }
0xa6: {  	s5 =	sshll.u32 s26, $0x1;
	_ =	strace $0x80000046;
	[dreg:$0x1] =	wrdreg $0xFFFFFFFF  }
0xa7: {  	s28 =	simm.s32 $_size_execute0_lowered;
	s3 =	sadd.s32 s3, s5;
	[dreg:$0x0] =	wrdreg $0x0  }
0xa8: {  	s5 =	sshll.u32 s28, $0x1;
	[dreg:$0x2] =	wrdreg s3  }
0xa9: {  	[dreg:$0x3] =	wrdreg s5  }
0xaa: {  	[dreg:$0x4] =	wrdreg $0xC0  }
0xab: {  	_ =	task [dreg:s7], $0x5FFFF  }
0xac: {  	[dreg:$0x1] =	wrdreg $0xFFFFFFFF  }
0xad: {  	[dreg:$0x0] =	wrdreg $0x60  }
0xae: {  	[dreg:$0x2] =	wrdreg s24  }
0xaf: {  	[dreg:$0x3] =	wrdreg s2  }
0xb0: {  	[dreg:$0x4] =	wrdreg $0x7A000  }
0xb1: {  	[dreg:$0x5] =	wrdreg $0x9  }
0xb2: {  	_ =	task.clear_ibuf [dreg:s7], $0x6FFFF;
	_ =	strace $0x90000046  }
0xb3: {  	s29 =	simm.s32 $0x9;
	_ =	strace $0x80000048  }
0xb4: {  	_ =	swait.ge [sflag:s29], $0x1  }
0xb5: {  	[sflag:s29] =	ssyncadd.s32 $0xFFFFFFFF  }
0xb6: {  	_ =	strace $0x90000048  }
0xb7: {  	_ =	sfence  }
0xb8: {  	s30 =	sld [smem:$0x0];
	_ =	sdelay $0x2  }
0xb9: {  	s31 =	sshll.u32 s1, $0xD;
	s1 =	sshrl.u32 s1, $0x2  }
0xba: {  	s3 =	sand.u32 $0x4000, s31;
	s1 =	sadd.s32 s1, s30  }
0xbb: {  	s0 =	sor.u32 s3, s0;
	s1 =	sshll.u32 s1, $0x11  }
0xbc: {  	s0 =	sor.u32 s1, s0  }
0xbd: {  	s0 =	sadd.s32 $0x8F2B, s0  }
0xbe: {  	[sflag:s0] =	ssyncadd.remote.s32 $0x1  }
0xbf: {  	_ =	sfence.sel $0xFFFF  }
0xc0: {  	[dreg:$0x0] =	wrdreg $0xFFFFFFFF;
	(pc) =	sbr.abs _section_cstart, $3  }
0xc1: {  	[dreg:$0x1] =	wrdreg $0xFFFFFFFF  }
0xc2: {  	_ =	task.clear_ibuf [dreg:s7], $0x2FFFF;
	_ =	strace $0x9FFFFFFF  }
0xc3: {  	(tm) =	ssettm $0x7FFFFFFF  }
tec
execute0_lowered:
.L_overlay_start_1:
0x0: {  	(tag) =	ssettag $0x1  }
0x1: {  	s0 =	rddreg [dreg:$0x0]  }
0x2: {  	s2 =	rddreg [dreg:$0x2]  }
0x3: {  	s4 =	simm.s32 $0x0;
	s1 =	srdreg.scid;
	s11 =	stileid.u32  }
0x4: {  	s28 =	simm.s32 $0x6180;
	s29 =	simm.s32 $0x3;
	s31 =	simm.s32 $0x60  }
0x5: {  	s30 =	simm.s32 $0x80;
	s13 =	simm.s32 $0x0;
	s3 =	smul.u32 $0x280, s11  }
0x6: {  	s1 =	sand.u32 $0x1, s1;
	s6 =	sshll.u32 s11, $0x1;
	s11 =	smul.u32 $0x50000, s11  }
0x7: {  	[smem:$0x7FF] =	sst s4;
	s8 =	smul.u32 $0x2800, s1;
	s9 =	sor.u32 s1, s6  }
0x8: {  	s5 =	sadd.s32 $0x22800, s0;
	s1 =	ssub.s32 $0x2, s1;
	s10 =	smul.u32 $0xA20, s9  }
0x9: {  	_ =	strace $0x80000047;
	s6 =	sadd.s32 $0x4200, s0;
	s12 =	sshrl.u32 s1, $0x1  }
0xa: {  	s15 =	sshrl.u32 s11, $0x2;
	s1 =	ssub.s32 s1, s12;
	s16 =	sadd.s32 s6, s10  }
0xb: {  	s11 =	sadd.s32 s15, s2;
	s17 =	smax.u32 s1, $0x1;
	[dreg:$0x4] =	wrdreg s16  }
0xc: {  	s7 =	sadd.s32 $0x18600, s0;
	s18 =	sadd.s32 $0x1800, s11;
	[dreg:$0x6] =	wrdreg s17  }
0xd: {  	s3 =	sadd.s32 s3, s8;
	s19 =	sadd.s32 $0x3000, s11;
	[dreg:$0x7] =	wrdreg s18  }
0xe: {  	s8 =	smul.u32 $0xD8, s9;
	s20 =	sadd.s32 $0x4800, s11;
	[dreg:$0x8] =	wrdreg s19  }
0xf: {  	s9 =	simm.s32 $0x30;
	s21 =	sadd.s32 $0x6000, s11;
	[dreg:$0x9] =	wrdreg s20  }
0x10: {  	v0 =	vimm.s32 $0xFEDCBA98;
	s12 =	simm.s32 $0x2;
	s22 =	sadd.s32 $0x7800, s11;
	[dreg:$0xa] =	wrdreg s21  }
0x11: {  	v1 =	vimm.s32 $0x76543210;
	v0 =	vunpack.c.l.s4.s8 v0;
	s3 =	sshll.u32 s3, $0x4;
	s23 =	sadd.s32 $0x9000, s11;
	[dreg:$0xb] =	wrdreg s22  }
0x12: {  	v1 =	vunpack.c.l.s4.s8 v1;
	s24 =	sadd.s32 $0xA800, s11;
	s25 =	sadd.s32 $0xC000, s11;
	[dreg:$0xc] =	wrdreg s23  }
0x13: {  	v0 =	vunpack.c.0.s8.s32 v0;
	s26 =	sadd.s32 $0xD800, s11;
	s1 =	simm.s32 $0x1;
	[dreg:$0xd] =	wrdreg s24  }
0x14: {  	v1 =	vunpack.c.0.s8.s32 v1;
	s0 =	sadd.s32 s3, s0;
	s10 =	sor.u32 $0x2, s8;
	[dreg:$0xe] =	wrdreg s25  }
0x15: {  	v3 =	vlaneseq.u32;
	v2 =	vand.u32 $0xF, v0;
	[dreg:$0xf] =	wrdreg s26;
	s23 =	sadd.s32 $0xF000, s11;
	s24 =	sadd.s32 $0x10800, s11  }
0x16: {  	v0 =	vimm.f32 $0.0e+00;
	s25 =	sadd.s32 $0x12000, s11;
	s26 =	sadd.s32 $0x13800, s11;
	v1 =	vcombine.low v2, v1;
	v2 =	vshrl.u32 v3, $0x3;
	s0 =	sadd.s32 $0x49A00, s0  }
0x17: {  	s3 =	simm.s32 $0x100;
	v3 =	vor.u32 $0x2, v2;
	v4 =	vor.u32 $0x4, v2;
	v5 =	vor.u32 $0x6, v2;
	[dreg:$0x5] =	wrdreg s0;
	s0 =	simm.s32 $0x3180  }
.LBB2_1:
0x18: {  	s14 =	simm.s32 $0x70;
	s15 =	simm.s32 $0x3C0  }
.LBB2_2:
0x19: {  	p0 =	sne.s32 s15, $0x5FC0;
	[tilespmem:s14+$0x6180] =	vst v0  }
0x1a: {  	[tilespmem:s14+$0x6110] =	vst v0  }
0x1b: {  	[tilespmem:s14+$0x6120] =	vst v0  }
.Ltmp0:
0x1c: {  	[tilespmem:s14+$0x6130] =	vst v0;
	(pc) =	sbr.rel @p0 .LBB2_2-.Ltmp0, $4  }
0x1d: {  	[tilespmem:s14+$0x6140] =	vst v0  }
0x1e: {  	[tilespmem:s14+$0x6150] =	vst v0  }
0x1f: {  	[tilespmem:s14+$0x6160] =	vst v0  }
0x20: {  	[tilespmem:s14+$0x6170] =	vst v0;
	s14 =	sshra.s32 s15, $0x2;
	s15 =	sadd.s32 $0x200, s15  }
0x21: {  	[tilespmem:s14+$0x6180] =	vst v0  }
0x22: {  	[tilespmem:s14+$0x6110] =	vst v0  }
0x23: {  	[tilespmem:s14+$0x6120] =	vst v0  }
0x24: {  	[tilespmem:s14+$0x6130] =	vst v0  }
0x25: {  	[tilespmem:s14+$0x6140] =	vst v0  }
0x26: {  	[tilespmem:s14+$0x6150] =	vst v0  }
0x27: {  	[tilespmem:s14+$0x6160] =	vst v0  }
0x28: {  	[tilespmem:s14+$0x6170] =	vst v0  }
0x29: {  	[spmem:s11] =	stream.linear.scatter [tilespmem:s28], [sflag:$0x3], $0x1800, $0x38;
	[tilespmem:$0x1BA00] =	vst v63  }
0x2a: {  	_ =	swait.ge [sflag:s29], $0x1800  }
0x2b: {  	[sflag:s29] =	ssyncset.done $0x0  }
0x2c: {  	s20 =	rddreg [dreg:$0x7];
	[sflag:s29] =	ssyncadd.s32 $0xFFFFE800  }
0x2d: {  	[spmem:s20] =	stream.linear.scatter [tilespmem:s28], [sflag:$0x3], $0x1800, $0x38;
	[tilespmem:$0x1BA00] =	vst v63  }
0x2e: {  	_ =	swait.ge [sflag:s29], $0x1800  }
0x2f: {  	[sflag:s29] =	ssyncset.done $0x0  }
0x30: {  	s21 =	rddreg [dreg:$0x8];
	[sflag:s29] =	ssyncadd.s32 $0xFFFFE800  }
0x31: {  	[spmem:s21] =	stream.linear.scatter [tilespmem:s28], [sflag:$0x3], $0x1800, $0x38;
	[tilespmem:$0x1BA00] =	vst v63  }
0x32: {  	_ =	swait.ge [sflag:s29], $0x1800  }
0x33: {  	[sflag:s29] =	ssyncset.done $0x0  }
0x34: {  	s22 =	rddreg [dreg:$0x9];
	[sflag:s29] =	ssyncadd.s32 $0xFFFFE800  }
0x35: {  	[spmem:s22] =	stream.linear.scatter [tilespmem:s28], [sflag:$0x3], $0x1800, $0x38;
	[tilespmem:$0x1BA00] =	vst v63  }
0x36: {  	_ =	swait.ge [sflag:s29], $0x1800  }
0x37: {  	[sflag:s29] =	ssyncset.done $0x0  }
0x38: {  	s15 =	rddreg [dreg:$0xa];
	[sflag:s29] =	ssyncadd.s32 $0xFFFFE800  }
0x39: {  	[spmem:s15] =	stream.linear.scatter [tilespmem:s28], [sflag:$0x3], $0x1800, $0x38;
	[tilespmem:$0x1BA00] =	vst v63  }
0x3a: {  	_ =	swait.ge [sflag:s29], $0x1800  }
0x3b: {  	[sflag:s29] =	ssyncset.done $0x0  }
0x3c: {  	s16 =	rddreg [dreg:$0xb];
	[sflag:s29] =	ssyncadd.s32 $0xFFFFE800  }
0x3d: {  	[spmem:s16] =	stream.linear.scatter [tilespmem:s28], [sflag:$0x3], $0x1800, $0x38;
	[tilespmem:$0x1BA00] =	vst v63  }
0x3e: {  	_ =	swait.ge [sflag:s29], $0x1800  }
0x3f: {  	[sflag:s29] =	ssyncset.done $0x0  }
0x40: {  	s17 =	rddreg [dreg:$0xc];
	[sflag:s29] =	ssyncadd.s32 $0xFFFFE800  }
0x41: {  	[spmem:s17] =	stream.linear.scatter [tilespmem:s28], [sflag:$0x3], $0x1800, $0x38;
	[tilespmem:$0x1BA00] =	vst v63  }
0x42: {  	_ =	swait.ge [sflag:s29], $0x1800  }
0x43: {  	[sflag:s29] =	ssyncset.done $0x0  }
0x44: {  	s18 =	rddreg [dreg:$0xd];
	[sflag:s29] =	ssyncadd.s32 $0xFFFFE800  }
0x45: {  	[spmem:s18] =	stream.linear.scatter [tilespmem:s28], [sflag:$0x3], $0x1800, $0x38;
	[tilespmem:$0x1BA00] =	vst v63  }
0x46: {  	_ =	swait.ge [sflag:s29], $0x1800  }
0x47: {  	[sflag:s29] =	ssyncset.done $0x0  }
0x48: {  	s19 =	rddreg [dreg:$0xe];
	[sflag:s29] =	ssyncadd.s32 $0xFFFFE800  }
0x49: {  	[spmem:s19] =	stream.linear.scatter [tilespmem:s28], [sflag:$0x3], $0x1800, $0x38;
	[tilespmem:$0x1BA00] =	vst v63  }
0x4a: {  	_ =	swait.ge [sflag:s29], $0x1800  }
0x4b: {  	[sflag:s29] =	ssyncset.done $0x0  }
0x4c: {  	s20 =	rddreg [dreg:$0xf];
	[sflag:s29] =	ssyncadd.s32 $0xFFFFE800  }
0x4d: {  	[spmem:s20] =	stream.linear.scatter [tilespmem:s28], [sflag:$0x3], $0x1800, $0x38;
	[tilespmem:$0x1BA00] =	vst v63  }
0x4e: {  	_ =	swait.ge [sflag:s29], $0x1800  }
0x4f: {  	[sflag:s29] =	ssyncset.done $0x0  }
0x50: {  	[sflag:s29] =	ssyncadd.s32 $0xFFFFE800  }
0x51: {  	[spmem:s23] =	stream.linear.scatter [tilespmem:s28], [sflag:$0x3], $0x1800, $0x38;
	[tilespmem:$0x1BA00] =	vst v63  }
0x52: {  	_ =	swait.ge [sflag:s29], $0x1800  }
0x53: {  	[sflag:s29] =	ssyncset.done $0x0  }
0x54: {  	[sflag:s29] =	ssyncadd.s32 $0xFFFFE800  }
0x55: {  	[spmem:s24] =	stream.linear.scatter [tilespmem:s28], [sflag:$0x3], $0x1800, $0x38;
	[tilespmem:$0x1BA00] =	vst v63  }
0x56: {  	_ =	swait.ge [sflag:s29], $0x1800  }
0x57: {  	[sflag:s29] =	ssyncset.done $0x0  }
0x58: {  	[sflag:s29] =	ssyncadd.s32 $0xFFFFE800  }
0x59: {  	[spmem:s25] =	stream.linear.scatter [tilespmem:s28], [sflag:$0x3], $0x1800, $0x38;
	[tilespmem:$0x1BA00] =	vst v63  }
0x5a: {  	_ =	swait.ge [sflag:s29], $0x1800  }
0x5b: {  	[sflag:s29] =	ssyncset.done $0x0  }
0x5c: {  	[sflag:s29] =	ssyncadd.s32 $0xFFFFE800  }
0x5d: {  	[spmem:s26] =	stream.linear.scatter [tilespmem:s28], [sflag:$0x3], $0x1800, $0x38;
	[tilespmem:$0x1BA00] =	vst v63  }
0x5e: {  	_ =	swait.ge [sflag:s29], $0x1800  }
0x5f: {  	[sflag:s29] =	ssyncset.done $0x0  }
0x60: {  	[sflag:s29] =	ssyncadd.s32 $0xFFFFE800  }
0x61: {  	s14 =	simm.s32 $0x0;
	s16 =	simm.s32 $0x7980;
	s15 =	rddreg [dreg:$0x1]  }
0x62: {  	[tilespmem:s16], [sflag:$0x3] =	stream.linear.gather [hbm4b:s15+s14], $0x80, $0x38;
	[tilespmem:$0x1BA00] =	vst v63  }
0x63: {  	_ =	swait.ge [sflag:s29], $0x80  }
0x64: {  	[sflag:s29] =	ssyncset.done $0x0  }
0x65: {  	[sflag:s29] =	ssyncadd.s32 $0xFFFFFF80  }
0x66: {  	[bflag:$0x0] =	sbarrier.arrive $0xFFFF  }
0x67: {  	s21 =	rddreg [dreg:$0x4]  }
0x68: {  	[tilespmem:s14], [sflag:$0x3] =	stream.linear.gather [hbm4b:s21+s14], $0x60, $0x38;
	[tilespmem:$0x1BA00] =	vst v63  }
0x69: {  	_ =	swait.ge [sflag:s29], $0x60  }
0x6a: {  	[sflag:s29] =	ssyncset.done $0x0  }
0x6b: {  	s22 =	simm.s32 $0x180;
	[sflag:s29] =	ssyncadd.s32 $0xFFFFFFA0  }
0x6c: {  	[tilespmem:s22], [sflag:$0x1] =	stream.indirect.gather [hbm4b:s5+s31], $0x80, s14, s31, $0xb8;
	[tilespmem:$0x1BA00] =	vst v63  }
.LBB2_4:
0x6d: {  	s16 =	sshll.u32 s14, $0x1  }
0x6e: {  	s17 =	sadd.s32 s8, s16  }
0x6f: {  	s15 =	sadd.s32 $0x1, s17  }
0x70: {  	_ =	swait.ge [sflag:s1], $0x3000;
	s18 =	smul.u32 $0xC, s15  }
0x71: {  	[sflag:s1] =	ssyncset.done $0x0  }
0x72: {  	[sflag:s1] =	ssyncadd.s32 $0xFFFFD000;
	s18 =	sadd.s32 s6, s18  }
0x73: {  	[tilespmem:s30], [sflag:$0x3] =	stream.linear.gather [hbm4b:s18+s4], $0x60, $0x38;
	[tilespmem:$0x1BA00] =	vst v63  }
0x74: {  	_ =	swait.ge [sflag:s29], $0x60  }
0x75: {  	[sflag:s29] =	ssyncset.done $0x0  }
0x76: {  	s17 =	smul.u32 $0x6, s17;
	[sflag:s29] =	ssyncadd.s32 $0xFFFFFFA0  }
0x77: {  	[tilespmem:s0], [sflag:$0x2] =	stream.indirect.gather [hbm4b:s5+s31], $0x80, s30, s31, $0xb8;
	[tilespmem:$0x1BA00] =	vst v63  }
0x78: {  	s17 =	sadd.s32 s7, s17  }
0x79: {  	[tilespmem:s3], [sflag:$0x3] =	stream.linear.gather [hbm4b:s17+s4], $0x30, $0x38;
	[tilespmem:$0x1BA00] =	vst v63  }
0x7a: {  	_ =	swait.ge [sflag:s29], $0x30  }
0x7b: {  	[sflag:s29] =	ssyncset.done $0x0  }
0x7c: {  	s19 =	simm.s32 $0x180;
	[sflag:s29] =	ssyncadd.s32 $0xFFFFFFD0  }
0x7d: {  	v8 =	vld [tilespmem:s19+$0x18C0]  }
0x7e: {  	v6 =	vld [tilespmem:s19+$0x1940]  }
0x7f: {  	v9 =	vld [tilespmem:s19+$0x19C0]  }
0x80: {  	v10 =	vld [tilespmem:s19+$0x140]  }
0x81: {  	v11 =	vld [tilespmem:s19+$0x1C0]  }
0x82: {  	v7 =	vld [tilespmem:s19+$0x1840]  }
0x83: {  	v12 =	vld [tilespmem:s19+$0xC0];
	v14 =	vperm.xlane v6, v1  }
0x84: {  	v13 =	vld [tilespmem:s19+$0x40];
	v9 =	vperm.xlane v9, v1  }
0x85: {  	v6 =	vld [tilespmem:$0x7980];
	v10 =	vadd.f32 v14, v10  }
0x86: {  	v8 =	vperm.xlane v8, v1;
	v9 =	vadd.f32 v9, v11  }
0x87: {  	v7 =	vperm.xlane v7, v1;
	v11 =	vmul.f32 $2.000000030e-01, v10  }
0x88: {  	v8 =	vadd.f32 v8, v12;
	v12 =	vmul.f32 $2.000000030e-01, v9  }
0x89: {  	v7 =	vadd.f32 v7, v13;
	v10 =	vmax.f32 v10, v11  }
0x8a: {  	v13 =	vmul.f32 $2.000000030e-01, v8;
	v9 =	vmax.f32 v9, v12;
	v10 =	vsub.f32 v10, v6  }
0x8b: {  	v11 =	vmul.f32 $2.000000030e-01, v7;
	v9 =	vsub.f32 v9, v6  }
0x8c: {  	v8 =	vmax.f32 v8, v13;
	v10 =	vmul.f32 $1.442695020e+00, v10  }
0x8d: {  	s17 =	simm.s32 $0x380;
	v8 =	vsub.f32 v8, v6;
	v7 =	vmax.f32 v7, v11;
	v9 =	vmul.f32 $1.442695020e+00, v9  }
0x8e: {  	v14 =	vld [tilespmem:s17+$0xC0];
	v7 =	vsub.f32 v7, v6;
	(erf) = vpow2.f32 v10  }
0x8f: {  	v12 =	vld [tilespmem:s17+$0x140];
	v8 =	vmul.f32 $1.442695020e+00, v8;
	(erf) = vpow2.f32 v9  }
0x90: {  	v7 =	vmul.f32 $1.442695020e+00, v7;
	v10 =	vld [tilespmem:s17+$0x1940]  }
0x91: {  	v11 =	vld [tilespmem:s17+$0x18C0];
	(erf) = vpow2.f32 v8  }
0x92: {  	v9 =	vld [tilespmem:s17+$0x19C0];
	(erf) = vpow2.f32 v7  }
0x93: {  	v13 =	vld [tilespmem:s17+$0x1840]  }
0x94: {  	v7 =	vld [tilespmem:s17+$0x1C0]  }
0x95: {  	v10 =	vperm.xlane v10, v1  }
0x96: {  	v8 =	vld [tilespmem:s17+$0x40];
	v11 =	vperm.xlane v11, v1  }
0x97: {  	s21 =	simm.s32 $0x6280;
	v9 =	vperm.xlane v9, v1;
	v10 =	vadd.f32 v10, v12;
	v17 =	vpop (erf)  }
0x98: {  	v11 =	vadd.f32 v11, v14;
	v16 =	vpop (erf);
	[tilespmem:s21+$0x40] =	vst v17  }
0x99: {  	v12 =	vperm.xlane v13, v1;
	v7 =	vadd.f32 v9, v7;
	v14 =	vmul.f32 $2.000000030e-01, v10;
	v15 =	vld [tilespmem:s19+$0x100];
	[tilespmem:s21+$0xC0] =	vst v16  }
0x9a: {  	v18 =	vpop (erf);
	v21 =	vld [tilespmem:s19+$0x180]  }
0x9b: {  	v8 =	vadd.f32 v12, v8;
	v24 =	vmul.f32 $2.000000030e-01, v7;
	v10 =	vmax.f32 v10, v14;
	v20 =	vpop (erf);
	[tilespmem:s21+$0xFFFFFFC0] =	vst v18  }
0x9c: {  	v9 =	vperm.xlane v17, v2;
	v19 =	vperm.xlane v16, v2;
	v10 =	vsub.f32 v10, v6;
	[tilespmem:s21+$0xFFFFFF40] =	vst v20;
	v23 =	vld [tilespmem:s19+$0x80]  }
0x9d: {  	v22 =	vperm.xlane v18, v2;
	v7 =	vmax.f32 v7, v24;
	v25 =	vperm.xlane v20, v2;
	v13 =	vld [tilespmem:s19+$0x0]  }
0x9e: {  	s18 =	simm.s32 $0x580;
	v7 =	vsub.f32 v7, v6;
	v10 =	vmul.f32 $1.442695020e+00, v10;
	v9 =	vmul.f32 v15, v9  }
0x9f: {  	v26 =	vld [tilespmem:s18+$0x40];
	v15 =	vmul.f32 $2.000000030e-01, v11;
	v12 =	vmul.f32 v21, v19  }
0xa0: {  	v27 =	vld [tilespmem:s18+$0x140];
	v7 =	vmul.f32 $1.442695020e+00, v7;
	[tilespmem:s21+$0x0] =	vst v9;
	v9 =	vmul.f32 $2.000000030e-01, v8  }
0xa1: {  	(erf) = vpow2.f32 v10;
	v21 =	vld [tilespmem:s18+$0x1840];
	v14 =	vmul.f32 v23, v22;
	v11 =	vmax.f32 v11, v15;
	[tilespmem:s21+$0x80] =	vst v12  }
0xa2: {  	v12 =	vmul.f32 v13, v25;
	v11 =	vsub.f32 v11, v6;
	v13 =	vld [tilespmem:s19+$0x190];
	v8 =	vmax.f32 v8, v9  }
0xa3: {  	v30 =	vperm.xlane v18, v4;
	(erf) = vpow2.f32 v7;
	v19 =	vld [tilespmem:s19+$0x110];
	[tilespmem:s21+$0xFFFFFF80] =	vst v14;
	v8 =	vsub.f32 v8, v6  }
0xa4: {  	v9 =	vperm.xlane v18, v3;
	v11 =	vmul.f32 $1.442695020e+00, v11;
	[tilespmem:s21+$0xFFFFFF00] =	vst v12;
	v10 =	vld [tilespmem:s19+$0x90]  }
0xa5: {  	v12 =	vperm.xlane v16, v3;
	v7 =	vld [tilespmem:s19+$0x10];
	v8 =	vmul.f32 $1.442695020e+00, v8  }
0xa6: {  	v23 =	vld [tilespmem:s18+$0x1940];
	(erf) = vpow2.f32 v11;
	v11 =	vperm.xlane v17, v3  }
0xa7: {  	v25 =	vld [tilespmem:s18+$0x18C0];
	(erf) = vpow2.f32 v8;
	v13 =	vmul.f32 v13, v12  }
0xa8: {  	v8 =	vld [tilespmem:s18+$0x19C0];
	v12 =	vperm.xlane v20, v3;
	v14 =	vmul.f32 v19, v11  }
0xa9: {  	v33 =	vld [tilespmem:s18+$0xC0];
	v31 =	vperm.xlane v20, v4;
	v9 =	vmul.f32 v10, v9  }
0xaa: {  	v22 =	vld [tilespmem:s18+$0x1C0];
	v15 =	vperm.xlane v17, v5;
	v7 =	vmul.f32 v7, v12;
	[tilespmem:s21+$0x10] =	vst v14  }
0xab: {  	v38 =	vperm.xlane v21, v1;
	v36 =	vperm.xlane v23, v1;
	[tilespmem:s21+$0xFFFFFF90] =	vst v9;
	v24 =	vld [tilespmem:s19+$0x120]  }
0xac: {  	v25 =	vperm.xlane v25, v1;
	v11 =	vperm.xlane v16, v5;
	[tilespmem:s21+$0xFFFFFF10] =	vst v7;
	v28 =	vld [tilespmem:s19+$0xA0]  }
0xad: {  	s20 =	simm.s32 $0x6480;
	v16 =	vperm.xlane v16, v4;
	[tilespmem:s21+$0x90] =	vst v13;
	v29 =	vperm.xlane v8, v1;
	v8 =	vpop (erf);
	v32 =	vld [tilespmem:s19+$0x20]  }
0xae: {  	v14 =	vperm.xlane v18, v5;
	v18 =	vperm.xlane v17, v4;
	v17 =	vld [tilespmem:s19+$0x1A0];
	v7 =	vpop (erf);
	[tilespmem:s20+$0x40] =	vst v8  }
0xaf: {  	v12 =	vperm.xlane v20, v5;
	v34 =	vperm.xlane v8, v2;
	v9 =	vpop (erf);
	v35 =	vld [tilespmem:s17+$0x100];
	[tilespmem:s20+$0xC0] =	vst v7  }
0xb0: {  	v20 =	vperm.xlane v7, v2;
	v37 =	vmul.f32 v24, v18;
	[tilespmem:s20+$0xFFFFFFC0] =	vst v9;
	v23 =	vld [tilespmem:s17+$0x180];
	v10 =	vpop (erf)  }
0xb1: {  	v19 =	vperm.xlane v9, v2;
	v13 =	vperm.xlane v9, v3;
	v24 =	vadd.f32 v29, v22;
	v22 =	vld [tilespmem:s17+$0x80];
	[tilespmem:s20+$0xFFFFFF40] =	vst v10  }
0xb2: {  	v29 =	vadd.f32 v36, v27;
	v28 =	vmul.f32 v28, v30;
	v63 =	vmul.f32 v32, v31;
	[tilespmem:s21+$0x20] =	vst v37;
	v21 =	vld [tilespmem:s17+$0x0]  }
0xb3: {  	v27 =	vadd.f32 v25, v33;
	v18 =	vperm.xlane v10, v2;
	v31 =	vmul.f32 $2.000000030e-01, v24;
	v25 =	vld [tilespmem:s19+$0x130]  }
0xb4: {  	s22 =	simm.s32 $0x8;
	v26 =	vadd.f32 v38, v26;
	v32 =	vmul.f32 $2.000000030e-01, v29;
	v30 =	vmul.f32 v35, v34;
	[tilespmem:s21+$0xFFFFFF20] =	vst v63  }
.LBB2_5:
0xb5: {  	s22 =	sadd.s32 $0x4, s22;
	v24 =	vmax.f32 v24, v31;
	v20 =	vmul.f32 v23, v20;
	v23 =	vld [tilespmem:s19+$0x30];
	[tilespmem:s21+$0xFFFFFFA0] =	vst v28;
	v16 =	vmul.f32 v17, v16  }
0xb6: {  	v17 =	vmul.f32 $2.000000030e-01, v27;
	p0 =	slt.u32 s22, $0x2C;
	v28 =	vmax.f32 v29, v32;
	v19 =	vmul.f32 v22, v19;
	[tilespmem:s20+$0x0] =	vst v30;
	v22 =	vld [tilespmem:s19+$0xB0]  }
0xb7: {  	v29 =	vmul.f32 $2.000000030e-01, v26;
	v24 =	vsub.f32 v24, v6;
	v28 =	vsub.f32 v28, v6;
	v30 =	vld [tilespmem:s17+$0x110];
	[tilespmem:s20+$0x80] =	vst v20  }
0xb8: {  	v17 =	vmax.f32 v27, v17;
	v18 =	vmul.f32 v21, v18;
	v20 =	vld [tilespmem:s17+$0x190];
	v15 =	vmul.f32 v25, v15;
	[tilespmem:s21+$0xA0] =	vst v16  }
0xb9: {  	v16 =	vsub.f32 v17, v6;
	v17 =	vmul.f32 $1.442695020e+00, v28;
	[tilespmem:s20+$0xFFFFFF80] =	vst v19;
	v19 =	vperm.xlane v7, v3;
	v21 =	vld [tilespmem:s19+$0x1B0];
	s19 =	smov.u32 s17;
	s17 =	smov.u32 s18;
	s18 =	sadd.s32 $0x200, s18  }
0xba: {  	v25 =	vmax.f32 v26, v29;
	v24 =	vmul.f32 $1.442695020e+00, v24;
	v26 =	vperm.xlane v8, v3;
	v32 =	vld [tilespmem:s18+$0x40];
	[tilespmem:s21+$0x30] =	vst v15  }
0xbb: {  	v15 =	vsub.f32 v25, v6;
	v16 =	vmul.f32 $1.442695020e+00, v16;
	v27 =	vld [tilespmem:s18+$0x1840];
	[tilespmem:s20+$0xFFFFFF00] =	vst v18;
	v14 =	vmul.f32 v22, v14  }
0xbc: {  	v12 =	vmul.f32 v23, v12;
	(erf) = vpow2.f32 v17;
	v17 =	vld [tilespmem:s19+$0x90]  }
0xbd: {  	v15 =	vmul.f32 $1.442695020e+00, v15;
	(erf) = vpow2.f32 v24;
	v18 =	vld [tilespmem:s19+$0x10];
	[tilespmem:s21+$0xFFFFFFB0] =	vst v14  }
0xbe: {  	v22 =	vld [tilespmem:s18+$0x1C0];
	(erf) = vpow2.f32 v16;
	[tilespmem:s21+$0xFFFFFF30] =	vst v12;
	v11 =	vmul.f32 v21, v11  }
0xbf: {  	v12 =	vmul.f32 v20, v19;
	v21 =	vld [tilespmem:s18+$0x18C0];
	(erf) = vpow2.f32 v15  }
0xc0: {  	v14 =	vperm.xlane v10, v3;
	v15 =	vmul.f32 v30, v26;
	v19 =	vld [tilespmem:s18+$0x19C0];
	[tilespmem:s21+$0xB0] =	vst v11;
	s21 =	smov.u32 s20  }
0xc1: {  	v25 =	vld [tilespmem:s18+$0x140];
	v13 =	vmul.f32 v17, v13;
	[tilespmem:s20+$0x90] =	vst v12  }
0xc2: {  	v11 =	vperm.xlane v7, v5;
	v23 =	vld [tilespmem:s18+$0x1940];
	v16 =	vmul.f32 v18, v14;
	[tilespmem:s20+$0x10] =	vst v15  }
0xc3: {  	v12 =	vperm.xlane v10, v5;
	v14 =	vperm.xlane v9, v5;
	s20 =	sadd.s32 $0x200, s20;
	[tilespmem:s21+$0xFFFFFF90] =	vst v13;
	v18 =	vld [tilespmem:s19+$0x120]  }
0xc4: {  	v15 =	vperm.xlane v8, v5;
	[tilespmem:s21+$0xFFFFFF10] =	vst v16;
	v26 =	vld [tilespmem:s19+$0xA0];
	v16 =	vperm.xlane v7, v4  }
0xc5: {  	v28 =	vperm.xlane v9, v4;
	v13 =	vperm.xlane v19, v1;
	v19 =	vpop (erf);
	v17 =	vld [tilespmem:s19+$0x1A0]  }
0xc6: {  	v29 =	vperm.xlane v8, v4;
	v30 =	vperm.xlane v10, v4;
	v7 =	vpop (erf);
	v31 =	vld [tilespmem:s19+$0x20];
	v8 =	vmov v19  }
0xc7: {  	v33 =	vld [tilespmem:s18+$0xC0];
	v24 =	vadd.f32 v13, v22;
	[tilespmem:s20+$0x40] =	vst v8;
	v34 =	vperm.xlane v8, v2;
	v20 =	vperm.xlane v7, v2;
	v9 =	vpop (erf)  }
0xc8: {  	v19 =	vperm.xlane v9, v2;
	v13 =	vperm.xlane v9, v3;
	v35 =	vld [tilespmem:s17+$0x100];
	[tilespmem:s20+$0xC0] =	vst v7;
	v10 =	vpop (erf)  }
.Ltmp1:
0xc9: {  	v36 =	vperm.xlane v23, v1;
	v37 =	vmul.f32 v18, v29;
	[tilespmem:s20+$0xFFFFFFC0] =	vst v9;
	v23 =	vld [tilespmem:s17+$0x180];
	(pc) =	sbr.rel @p0 .LBB2_5-.Ltmp1, $4  }
0xca: {  	v38 =	vperm.xlane v21, v1;
	v18 =	vperm.xlane v10, v2;
	[tilespmem:s20+$0xFFFFFF40] =	vst v10;
	v22 =	vld [tilespmem:s17+$0x80]  }
0xcb: {  	v39 =	vperm.xlane v27, v1;
	v29 =	vadd.f32 v36, v25;
	v21 =	vld [tilespmem:s17+$0x0];
	v36 =	vmul.f32 v31, v30;
	[tilespmem:s21+$0x20] =	vst v37  }
0xcc: {  	v28 =	vmul.f32 v26, v28;
	v31 =	vmul.f32 $2.000000030e-01, v24;
	v27 =	vadd.f32 v38, v33;
	v25 =	vld [tilespmem:s19+$0x130]  }
0xcd: {  	v26 =	vadd.f32 v39, v32;
	v32 =	vmul.f32 $2.000000030e-01, v29;
	v30 =	vmul.f32 v35, v34;
	[tilespmem:s21+$0xFFFFFF20] =	vst v36  }
0xce: {  	_ = 	snop  }
0xcf: {  	v33 =	vmul.f32 $2.000000030e-01, v27;
	v29 =	vmax.f32 v29, v32  }
0xd0: {  	v24 =	vmax.f32 v24, v31;
	v31 =	vmul.f32 $2.000000030e-01, v26;
	v29 =	vsub.f32 v29, v6  }
0xd1: {  	v24 =	vsub.f32 v24, v6;
	v27 =	vmax.f32 v27, v33  }
0xd2: {  	v27 =	vsub.f32 v27, v6;
	v26 =	vmax.f32 v26, v31;
	v29 =	vmul.f32 $1.442695020e+00, v29  }
0xd3: {  	v24 =	vmul.f32 $1.442695020e+00, v24;
	v6 =	vsub.f32 v26, v6  }
0xd4: {  	v26 =	vmul.f32 $1.442695020e+00, v27;
	(erf) = vpow2.f32 v29  }
0xd5: {  	v6 =	vmul.f32 $1.442695020e+00, v6;
	(erf) = vpow2.f32 v24  }
0xd6: {  	(erf) = vpow2.f32 v26  }
0xd7: {  	(erf) = vpow2.f32 v6  }
0xd8: {  	v6 =	vmul.f32 v23, v20  }
0xd9: {  	[tilespmem:s21+$0xFFFFFFA0] =	vst v28;
	v16 =	vmul.f32 v17, v16  }
0xda: {  	[tilespmem:s20+$0x80] =	vst v6;
	v6 =	vmul.f32 v25, v15  }
0xdb: {  	[tilespmem:s20+$0x0] =	vst v30;
	v17 =	vmul.f32 v22, v19  }
0xdc: {  	[tilespmem:s21+$0xA0] =	vst v16  }
0xdd: {  	[tilespmem:s20+$0xFFFFFF80] =	vst v17;
	v15 =	vld [tilespmem:s19+$0xB0];
	v16 =	vpop (erf)  }
0xde: {  	s22 =	sadd.s32 $0x200, s20;
	v17 =	vld [tilespmem:s19+$0x30];
	[tilespmem:s21+$0x30] =	vst v6;
	v6 =	vpop (erf)  }
0xdf: {  	v19 =	vld [tilespmem:s19+$0x1B0];
	[tilespmem:s22+$0x40] =	vst v16;
	v20 =	vpop (erf)  }
0xe0: {  	v22 =	vld [tilespmem:s18+$0x100];
	v23 =	vpop (erf);
	[tilespmem:s22+$0xFFFFFFC0] =	vst v20  }
0xe1: {  	v18 =	vmul.f32 v21, v18;
	[tilespmem:s22+$0xFFFFFF40] =	vst v23;
	v21 =	vld [tilespmem:s18+$0x80]  }
0xe2: {  	v14 =	vmul.f32 v15, v14;
	[tilespmem:s22+$0xC0] =	vst v6;
	v15 =	vld [tilespmem:s18+$0x0]  }
0xe3: {  	[tilespmem:s20+$0xFFFFFF00] =	vst v18;
	v12 =	vmul.f32 v17, v12;
	v17 =	vperm.xlane v16, v2;
	v18 =	vld [tilespmem:s18+$0x180]  }
0xe4: {  	v24 =	vld [tilespmem:s17+$0x110];
	v11 =	vmul.f32 v19, v11;
	[tilespmem:s21+$0xFFFFFFB0] =	vst v14;
	v14 =	vperm.xlane v20, v2  }
0xe5: {  	v19 =	vld [tilespmem:s17+$0x90];
	[tilespmem:s21+$0xFFFFFF30] =	vst v12;
	v12 =	vperm.xlane v23, v2;
	v17 =	vmul.f32 v22, v17  }
0xe6: {  	[tilespmem:s21+$0xB0] =	vst v11;
	v11 =	vperm.xlane v6, v2;
	v22 =	vld [tilespmem:s17+$0x10];
	v14 =	vmul.f32 v21, v14  }
0xe7: {  	v25 =	vperm.xlane v8, v3;
	v21 =	vld [tilespmem:s17+$0x190];
	[tilespmem:s22+$0x0] =	vst v17;
	v12 =	vmul.f32 v15, v12  }
0xe8: {  	v11 =	vmul.f32 v18, v11;
	v15 =	vld [tilespmem:s18+$0x110];
	[tilespmem:s22+$0xFFFFFF80] =	vst v14  }
0xe9: {  	v17 =	vmul.f32 v24, v25;
	v14 =	vperm.xlane v10, v3;
	[tilespmem:s22+$0xFFFFFF00] =	vst v12;
	v12 =	vld [tilespmem:s18+$0x90]  }
0xea: {  	v13 =	vmul.f32 v19, v13;
	v18 =	vperm.xlane v7, v3;
	[tilespmem:s22+$0x80] =	vst v11;
	v11 =	vld [tilespmem:s18+$0x10]  }
0xeb: {  	v19 =	vperm.xlane v16, v3;
	[tilespmem:s20+$0x10] =	vst v17;
	v17 =	vld [tilespmem:s18+$0x190];
	v14 =	vmul.f32 v22, v14  }
0xec: {  	[tilespmem:s20+$0xFFFFFF90] =	vst v13;
	v13 =	vld [tilespmem:s17+$0x120];
	v18 =	vmul.f32 v21, v18;
	v21 =	vperm.xlane v20, v3  }
0xed: {  	v22 =	vperm.xlane v23, v3;
	[tilespmem:s20+$0xFFFFFF10] =	vst v14;
	v14 =	vld [tilespmem:s17+$0xA0];
	v15 =	vmul.f32 v15, v19  }
0xee: {  	v19 =	vperm.xlane v6, v3;
	[tilespmem:s20+$0x90] =	vst v18;
	v18 =	vld [tilespmem:s17+$0x20];
	v12 =	vmul.f32 v12, v21  }
0xef: {  	v24 =	vperm.xlane v8, v4;
	v21 =	vld [tilespmem:s17+$0x1A0];
	[tilespmem:s22+$0x10] =	vst v15;
	v11 =	vmul.f32 v11, v22  }
0xf0: {  	v15 =	vperm.xlane v9, v4;
	v17 =	vmul.f32 v17, v19;
	[tilespmem:s22+$0xFFFFFF90] =	vst v12;
	v12 =	vld [tilespmem:s18+$0x120]  }
0xf1: {  	v19 =	vperm.xlane v10, v4;
	v13 =	vmul.f32 v13, v24;
	[tilespmem:s22+$0xFFFFFF10] =	vst v11;
	v11 =	vld [tilespmem:s18+$0xA0]  }
0xf2: {  	v22 =	vperm.xlane v7, v4;
	[tilespmem:s22+$0x90] =	vst v17;
	v14 =	vmul.f32 v14, v15;
	v15 =	vld [tilespmem:s18+$0x20]  }
0xf3: {  	[tilespmem:s20+$0x20] =	vst v13;
	v13 =	vld [tilespmem:s18+$0x1A0];
	v17 =	vmul.f32 v18, v19;
	v18 =	vperm.xlane v16, v4  }
0xf4: {  	v19 =	vld [tilespmem:s17+$0x130];
	[tilespmem:s20+$0xFFFFFFA0] =	vst v14;
	v14 =	vmul.f32 v21, v22;
	v21 =	vperm.xlane v20, v4  }
0xf5: {  	v22 =	vperm.xlane v23, v4;
	[tilespmem:s20+$0xFFFFFF20] =	vst v17;
	v17 =	vld [tilespmem:s17+$0xB0];
	v12 =	vmul.f32 v12, v18  }
0xf6: {  	v18 =	vld [tilespmem:s17+$0x30];
	[tilespmem:s20+$0xA0] =	vst v14;
	v14 =	vperm.xlane v6, v4;
	v11 =	vmul.f32 v11, v21  }
0xf7: {  	v8 =	vperm.xlane v8, v5;
	v21 =	vld [tilespmem:s17+$0x1B0];
	v15 =	vmul.f32 v15, v22;
	[tilespmem:s22+$0x20] =	vst v12  }
0xf8: {  	v9 =	vperm.xlane v9, v5;
	v12 =	vld [tilespmem:s18+$0x130];
	[tilespmem:s22+$0xFFFFFFA0] =	vst v11;
	v11 =	vmul.f32 v13, v14  }
0xf9: {  	v10 =	vperm.xlane v10, v5;
	v8 =	vmul.f32 v19, v8;
	[tilespmem:s22+$0xFFFFFF20] =	vst v15;
	v13 =	vld [tilespmem:s18+$0xB0]  }
0xfa: {  	v7 =	vperm.xlane v7, v5;
	v9 =	vmul.f32 v17, v9;
	v14 =	vld [tilespmem:s18+$0x30];
	[tilespmem:s22+$0xA0] =	vst v11  }
0xfb: {  	[tilespmem:s20+$0x30] =	vst v8;
	v8 =	vmul.f32 v18, v10;
	v10 =	vperm.xlane v16, v5;
	v11 =	vld [tilespmem:s18+$0x1B0]  }
0xfc: {  	[tilespmem:s20+$0xFFFFFFB0] =	vst v9;
	v7 =	vmul.f32 v21, v7;
	v9 =	vperm.xlane v20, v5  }
0xfd: {  	[tilespmem:s20+$0xFFFFFF30] =	vst v8;
	v8 =	vperm.xlane v23, v5;
	v10 =	vmul.f32 v12, v10  }
0xfe: {  	v6 =	vperm.xlane v6, v5;
	[tilespmem:s20+$0xB0] =	vst v7;
	v7 =	vmul.f32 v13, v9  }
0xff: {  	[tilespmem:s22+$0x30] =	vst v10;
	v8 =	vmul.f32 v14, v8  }
0x100: {  	[tilespmem:s22+$0xFFFFFFB0] =	vst v7;
	v6 =	vmul.f32 v11, v6  }
0x101: {  	[tilespmem:s22+$0xFFFFFF30] =	vst v8  }
0x102: {  	[tilespmem:s22+$0xB0] =	vst v6  }
0x103: {  	[spmem:s2] =	stream.indirect.scatter.add.f32 [tilespmem:s28], [sflag:$0x3], $0x80, s3, s9, $0xb8;
	[tilespmem:$0x1BA00] =	vst v63  }
0x104: {  	_ =	swait.ge [sflag:s29], $0x1800  }
0x105: {  	p0 =	seq.s32 s14, $0x6B;
	[sflag:s29] =	ssyncset.done $0x0  }
0x106: {  	s16 =	sadd.s32 @!p0 s10, s16;
	[sflag:s29] =	ssyncadd.s32 $0xFFFFE800  }
0x107: {  	s16 =	smul.u32 @!p0 $0xC, s16;
	_ =	swait.ge [sflag:s12], $0x3000  }
0x108: {  	[sflag:s12] =	ssyncset.done $0x0  }
0x109: {  	s16 =	sadd.s32 @!p0 s6, s16;
	s17 =	simm.s32 @!p0 $0x0;
	[sflag:s12] =	ssyncadd.s32 $0xFFFFD000  }
0x10a: {  	[tilespmem:s17], [sflag:$0x3] =	stream.linear.gather @!p0 [hbm4b:s16+s17], $0x60, $0x38;
	[tilespmem:$0x1BA00] =	vst v63  }
0x10b: {  	s16 =	simm.s32 @!p0 $0x3  }
0x10c: {  	_ =	swait.ge @!p0 [sflag:s16], $0x60  }
0x10d: {  	s15 =	smul.u32 $0x6, s15;
	[sflag:s16] =	ssyncset.done @!p0 $0x0  }
0x10e: {  	s18 =	simm.s32 @!p0 $0x180;
	[sflag:s16] =	ssyncadd.s32 @!p0 $0xFFFFFFA0;
	s16 =	simm.s32 @!p0 $0x60  }
0x10f: {  	[tilespmem:s18], [sflag:$0x1] =	stream.indirect.gather @!p0 [hbm4b:s5+s16], $0x80, s17, s16, $0xb8;
	[tilespmem:$0x1BA00] =	vst v63  }
0x110: {  	s15 =	sadd.s32 s7, s15  }
0x111: {  	[tilespmem:s3], [sflag:$0x3] =	stream.linear.gather [hbm4b:s15+s4], $0x30, $0x38;
	[tilespmem:$0x1BA00] =	vst v63  }
0x112: {  	_ =	swait.ge [sflag:s29], $0x30  }
0x113: {  	[sflag:s29] =	ssyncset.done $0x0  }
0x114: {  	s17 =	simm.s32 $0x3180;
	[sflag:s29] =	ssyncadd.s32 $0xFFFFFFD0  }
0x115: {  	v8 =	vld [tilespmem:s17+$0x18C0]  }
0x116: {  	v6 =	vld [tilespmem:s17+$0x1940]  }
0x117: {  	v9 =	vld [tilespmem:s17+$0x19C0]  }
0x118: {  	v10 =	vld [tilespmem:s17+$0x140]  }
0x119: {  	v11 =	vld [tilespmem:s17+$0x1C0]  }
0x11a: {  	v7 =	vld [tilespmem:s17+$0x1840]  }
0x11b: {  	v12 =	vld [tilespmem:s17+$0xC0];
	v14 =	vperm.xlane v6, v1  }
0x11c: {  	v13 =	vld [tilespmem:s17+$0x40];
	v9 =	vperm.xlane v9, v1  }
0x11d: {  	v6 =	vld [tilespmem:$0x7980];
	v10 =	vadd.f32 v14, v10  }
0x11e: {  	v8 =	vperm.xlane v8, v1;
	v9 =	vadd.f32 v9, v11  }
0x11f: {  	v7 =	vperm.xlane v7, v1;
	v11 =	vmul.f32 $2.000000030e-01, v10  }
0x120: {  	v8 =	vadd.f32 v8, v12;
	v12 =	vmul.f32 $2.000000030e-01, v9  }
0x121: {  	v7 =	vadd.f32 v7, v13;
	v10 =	vmax.f32 v10, v11  }
0x122: {  	v13 =	vmul.f32 $2.000000030e-01, v8;
	v9 =	vmax.f32 v9, v12;
	v10 =	vsub.f32 v10, v6  }
0x123: {  	v11 =	vmul.f32 $2.000000030e-01, v7;
	v9 =	vsub.f32 v9, v6  }
0x124: {  	v8 =	vmax.f32 v8, v13;
	v10 =	vmul.f32 $1.442695020e+00, v10  }
0x125: {  	s15 =	simm.s32 $0x3380;
	v8 =	vsub.f32 v8, v6;
	v7 =	vmax.f32 v7, v11;
	v9 =	vmul.f32 $1.442695020e+00, v9  }
0x126: {  	v14 =	vld [tilespmem:s15+$0xC0];
	v7 =	vsub.f32 v7, v6;
	(erf) = vpow2.f32 v10  }
0x127: {  	v12 =	vld [tilespmem:s15+$0x140];
	v8 =	vmul.f32 $1.442695020e+00, v8;
	(erf) = vpow2.f32 v9  }
0x128: {  	v7 =	vmul.f32 $1.442695020e+00, v7;
	v10 =	vld [tilespmem:s15+$0x1940]  }
0x129: {  	v11 =	vld [tilespmem:s15+$0x18C0];
	(erf) = vpow2.f32 v8  }
0x12a: {  	v9 =	vld [tilespmem:s15+$0x19C0];
	(erf) = vpow2.f32 v7  }
0x12b: {  	v13 =	vld [tilespmem:s15+$0x1840]  }
0x12c: {  	v7 =	vld [tilespmem:s15+$0x1C0]  }
0x12d: {  	v10 =	vperm.xlane v10, v1  }
0x12e: {  	v8 =	vld [tilespmem:s15+$0x40];
	v11 =	vperm.xlane v11, v1  }
0x12f: {  	s19 =	simm.s32 $0x6280;
	v9 =	vperm.xlane v9, v1;
	v10 =	vadd.f32 v10, v12;
	v17 =	vpop (erf)  }
0x130: {  	v11 =	vadd.f32 v11, v14;
	v16 =	vpop (erf);
	[tilespmem:s19+$0x40] =	vst v17  }
0x131: {  	v12 =	vperm.xlane v13, v1;
	v7 =	vadd.f32 v9, v7;
	v14 =	vmul.f32 $2.000000030e-01, v10;
	v15 =	vld [tilespmem:s17+$0x100];
	[tilespmem:s19+$0xC0] =	vst v16  }
0x132: {  	v18 =	vpop (erf);
	v21 =	vld [tilespmem:s17+$0x180]  }
0x133: {  	v8 =	vadd.f32 v12, v8;
	v24 =	vmul.f32 $2.000000030e-01, v7;
	v10 =	vmax.f32 v10, v14;
	v20 =	vpop (erf);
	[tilespmem:s19+$0xFFFFFFC0] =	vst v18  }
0x134: {  	v9 =	vperm.xlane v17, v2;
	v19 =	vperm.xlane v16, v2;
	v10 =	vsub.f32 v10, v6;
	[tilespmem:s19+$0xFFFFFF40] =	vst v20;
	v23 =	vld [tilespmem:s17+$0x80]  }
0x135: {  	v22 =	vperm.xlane v18, v2;
	v7 =	vmax.f32 v7, v24;
	v25 =	vperm.xlane v20, v2;
	v13 =	vld [tilespmem:s17+$0x0]  }
0x136: {  	s16 =	simm.s32 $0x3580;
	v7 =	vsub.f32 v7, v6;
	v10 =	vmul.f32 $1.442695020e+00, v10;
	v9 =	vmul.f32 v15, v9  }
0x137: {  	v26 =	vld [tilespmem:s16+$0x40];
	v15 =	vmul.f32 $2.000000030e-01, v11;
	v12 =	vmul.f32 v21, v19  }
0x138: {  	v27 =	vld [tilespmem:s16+$0x140];
	v7 =	vmul.f32 $1.442695020e+00, v7;
	[tilespmem:s19+$0x0] =	vst v9;
	v9 =	vmul.f32 $2.000000030e-01, v8  }
0x139: {  	(erf) = vpow2.f32 v10;
	v21 =	vld [tilespmem:s16+$0x1840];
	v14 =	vmul.f32 v23, v22;
	v11 =	vmax.f32 v11, v15;
	[tilespmem:s19+$0x80] =	vst v12  }
0x13a: {  	v12 =	vmul.f32 v13, v25;
	v11 =	vsub.f32 v11, v6;
	v13 =	vld [tilespmem:s17+$0x190];
	v8 =	vmax.f32 v8, v9  }
0x13b: {  	v30 =	vperm.xlane v18, v4;
	(erf) = vpow2.f32 v7;
	v19 =	vld [tilespmem:s17+$0x110];
	[tilespmem:s19+$0xFFFFFF80] =	vst v14;
	v8 =	vsub.f32 v8, v6  }
0x13c: {  	v9 =	vperm.xlane v18, v3;
	v11 =	vmul.f32 $1.442695020e+00, v11;
	[tilespmem:s19+$0xFFFFFF00] =	vst v12;
	v10 =	vld [tilespmem:s17+$0x90]  }
0x13d: {  	v12 =	vperm.xlane v16, v3;
	v7 =	vld [tilespmem:s17+$0x10];
	v8 =	vmul.f32 $1.442695020e+00, v8  }
0x13e: {  	v23 =	vld [tilespmem:s16+$0x1940];
	(erf) = vpow2.f32 v11;
	v11 =	vperm.xlane v17, v3  }
0x13f: {  	v25 =	vld [tilespmem:s16+$0x18C0];
	(erf) = vpow2.f32 v8;
	v13 =	vmul.f32 v13, v12  }
0x140: {  	v8 =	vld [tilespmem:s16+$0x19C0];
	v12 =	vperm.xlane v20, v3;
	v14 =	vmul.f32 v19, v11  }
0x141: {  	v62 =	vld [tilespmem:s16+$0xC0];
	v31 =	vperm.xlane v20, v4;
	v9 =	vmul.f32 v10, v9  }
0x142: {  	v22 =	vld [tilespmem:s16+$0x1C0];
	v15 =	vperm.xlane v17, v5;
	v7 =	vmul.f32 v7, v12;
	[tilespmem:s19+$0x10] =	vst v14  }
0x143: {  	v38 =	vperm.xlane v21, v1;
	v36 =	vperm.xlane v23, v1;
	[tilespmem:s19+$0xFFFFFF90] =	vst v9;
	v24 =	vld [tilespmem:s17+$0x120]  }
0x144: {  	v25 =	vperm.xlane v25, v1;
	v11 =	vperm.xlane v16, v5;
	[tilespmem:s19+$0xFFFFFF10] =	vst v7;
	v28 =	vld [tilespmem:s17+$0xA0]  }
0x145: {  	s18 =	simm.s32 $0x6480;
	v16 =	vperm.xlane v16, v4;
	[tilespmem:s19+$0x90] =	vst v13;
	v29 =	vperm.xlane v8, v1;
	v8 =	vpop (erf);
	v61 =	vld [tilespmem:s17+$0x20]  }
0x146: {  	v14 =	vperm.xlane v18, v5;
	v18 =	vperm.xlane v17, v4;
	v17 =	vld [tilespmem:s17+$0x1A0];
	v7 =	vpop (erf);
	[tilespmem:s18+$0x40] =	vst v8  }
0x147: {  	v12 =	vperm.xlane v20, v5;
	v34 =	vperm.xlane v8, v2;
	v9 =	vpop (erf);
	v35 =	vld [tilespmem:s15+$0x100];
	[tilespmem:s18+$0xC0] =	vst v7  }
0x148: {  	v20 =	vperm.xlane v7, v2;
	v37 =	vmul.f32 v24, v18;
	[tilespmem:s18+$0xFFFFFFC0] =	vst v9;
	v23 =	vld [tilespmem:s15+$0x180];
	v10 =	vpop (erf)  }
0x149: {  	v19 =	vperm.xlane v9, v2;
	v13 =	vperm.xlane v9, v3;
	v24 =	vadd.f32 v29, v22;
	v22 =	vld [tilespmem:s15+$0x80];
	[tilespmem:s18+$0xFFFFFF40] =	vst v10  }
0x14a: {  	v29 =	vadd.f32 v36, v27;
	v28 =	vmul.f32 v28, v30;
	v63 =	vmul.f32 v61, v31;
	[tilespmem:s19+$0x20] =	vst v37;
	v21 =	vld [tilespmem:s15+$0x0]  }
0x14b: {  	v27 =	vadd.f32 v25, v62;
	v18 =	vperm.xlane v10, v2;
	v31 =	vmul.f32 $2.000000030e-01, v24;
	v25 =	vld [tilespmem:s17+$0x130]  }
0x14c: {  	s20 =	simm.s32 $0x8;
	v26 =	vadd.f32 v38, v26;
	v32 =	vmul.f32 $2.000000030e-01, v29;
	v30 =	vmul.f32 v35, v34;
	[tilespmem:s19+$0xFFFFFF20] =	vst v63  }
.LBB2_7:
0x14d: {  	s20 =	sadd.s32 $0x4, s20;
	v24 =	vmax.f32 v24, v31;
	v20 =	vmul.f32 v23, v20;
	v23 =	vld [tilespmem:s17+$0x30];
	[tilespmem:s19+$0xFFFFFFA0] =	vst v28;
	v16 =	vmul.f32 v17, v16  }
0x14e: {  	v17 =	vmul.f32 $2.000000030e-01, v27;
	p0 =	slt.u32 s20, $0x2C;
	v28 =	vmax.f32 v29, v32;
	v19 =	vmul.f32 v22, v19;
	[tilespmem:s18+$0x0] =	vst v30;
	v22 =	vld [tilespmem:s17+$0xB0]  }
0x14f: {  	v29 =	vmul.f32 $2.000000030e-01, v26;
	v24 =	vsub.f32 v24, v6;
	v28 =	vsub.f32 v28, v6;
	v30 =	vld [tilespmem:s15+$0x110];
	[tilespmem:s18+$0x80] =	vst v20  }
0x150: {  	v17 =	vmax.f32 v27, v17;
	v18 =	vmul.f32 v21, v18;
	v20 =	vld [tilespmem:s15+$0x190];
	v15 =	vmul.f32 v25, v15;
	[tilespmem:s19+$0xA0] =	vst v16  }
0x151: {  	v16 =	vsub.f32 v17, v6;
	v17 =	vmul.f32 $1.442695020e+00, v28;
	[tilespmem:s18+$0xFFFFFF80] =	vst v19;
	v19 =	vperm.xlane v7, v3;
	v21 =	vld [tilespmem:s17+$0x1B0];
	s17 =	smov.u32 s15;
	s15 =	smov.u32 s16;
	s16 =	sadd.s32 $0x200, s16  }
0x152: {  	v25 =	vmax.f32 v26, v29;
	v24 =	vmul.f32 $1.442695020e+00, v24;
	v26 =	vperm.xlane v8, v3;
	v32 =	vld [tilespmem:s16+$0x40];
	[tilespmem:s19+$0x30] =	vst v15  }
0x153: {  	v15 =	vsub.f32 v25, v6;
	v16 =	vmul.f32 $1.442695020e+00, v16;
	v27 =	vld [tilespmem:s16+$0x1840];
	[tilespmem:s18+$0xFFFFFF00] =	vst v18;
	v14 =	vmul.f32 v22, v14  }
0x154: {  	v12 =	vmul.f32 v23, v12;
	(erf) = vpow2.f32 v17;
	v17 =	vld [tilespmem:s17+$0x90]  }
0x155: {  	v15 =	vmul.f32 $1.442695020e+00, v15;
	(erf) = vpow2.f32 v24;
	v18 =	vld [tilespmem:s17+$0x10];
	[tilespmem:s19+$0xFFFFFFB0] =	vst v14  }
0x156: {  	v22 =	vld [tilespmem:s16+$0x1C0];
	(erf) = vpow2.f32 v16;
	[tilespmem:s19+$0xFFFFFF30] =	vst v12;
	v11 =	vmul.f32 v21, v11  }
0x157: {  	v12 =	vmul.f32 v20, v19;
	v21 =	vld [tilespmem:s16+$0x18C0];
	(erf) = vpow2.f32 v15  }
0x158: {  	v14 =	vperm.xlane v10, v3;
	v15 =	vmul.f32 v30, v26;
	v19 =	vld [tilespmem:s16+$0x19C0];
	[tilespmem:s19+$0xB0] =	vst v11;
	s19 =	smov.u32 s18  }
0x159: {  	v25 =	vld [tilespmem:s16+$0x140];
	v13 =	vmul.f32 v17, v13;
	[tilespmem:s18+$0x90] =	vst v12  }
0x15a: {  	v11 =	vperm.xlane v7, v5;
	v23 =	vld [tilespmem:s16+$0x1940];
	v16 =	vmul.f32 v18, v14;
	[tilespmem:s18+$0x10] =	vst v15  }
0x15b: {  	v12 =	vperm.xlane v10, v5;
	v14 =	vperm.xlane v9, v5;
	s18 =	sadd.s32 $0x200, s18;
	[tilespmem:s19+$0xFFFFFF90] =	vst v13;
	v18 =	vld [tilespmem:s17+$0x120]  }
0x15c: {  	v15 =	vperm.xlane v8, v5;
	[tilespmem:s19+$0xFFFFFF10] =	vst v16;
	v26 =	vld [tilespmem:s17+$0xA0];
	v16 =	vperm.xlane v7, v4  }
0x15d: {  	v28 =	vperm.xlane v9, v4;
	v13 =	vperm.xlane v19, v1;
	v19 =	vpop (erf);
	v17 =	vld [tilespmem:s17+$0x1A0]  }
0x15e: {  	v29 =	vperm.xlane v8, v4;
	v30 =	vperm.xlane v10, v4;
	v7 =	vpop (erf);
	v31 =	vld [tilespmem:s17+$0x20];
	v8 =	vmov v19  }
0x15f: {  	v33 =	vld [tilespmem:s16+$0xC0];
	v24 =	vadd.f32 v13, v22;
	[tilespmem:s18+$0x40] =	vst v8;
	v34 =	vperm.xlane v8, v2;
	v20 =	vperm.xlane v7, v2;
	v9 =	vpop (erf)  }
0x160: {  	v19 =	vperm.xlane v9, v2;
	v13 =	vperm.xlane v9, v3;
	v35 =	vld [tilespmem:s15+$0x100];
	[tilespmem:s18+$0xC0] =	vst v7;
	v10 =	vpop (erf)  }
.Ltmp2:
0x161: {  	v36 =	vperm.xlane v23, v1;
	v37 =	vmul.f32 v18, v29;
	[tilespmem:s18+$0xFFFFFFC0] =	vst v9;
	v23 =	vld [tilespmem:s15+$0x180];
	(pc) =	sbr.rel @p0 .LBB2_7-.Ltmp2, $4  }
0x162: {  	v38 =	vperm.xlane v21, v1;
	v18 =	vperm.xlane v10, v2;
	[tilespmem:s18+$0xFFFFFF40] =	vst v10;
	v22 =	vld [tilespmem:s15+$0x80]  }
0x163: {  	v39 =	vperm.xlane v27, v1;
	v29 =	vadd.f32 v36, v25;
	v21 =	vld [tilespmem:s15+$0x0];
	v36 =	vmul.f32 v31, v30;
	[tilespmem:s19+$0x20] =	vst v37  }
0x164: {  	v28 =	vmul.f32 v26, v28;
	v31 =	vmul.f32 $2.000000030e-01, v24;
	v27 =	vadd.f32 v38, v33;
	v25 =	vld [tilespmem:s17+$0x130]  }
0x165: {  	v26 =	vadd.f32 v39, v32;
	v32 =	vmul.f32 $2.000000030e-01, v29;
	v30 =	vmul.f32 v35, v34;
	[tilespmem:s19+$0xFFFFFF20] =	vst v36  }
0x166: {  	_ = 	snop  }
0x167: {  	v37 =	vmul.f32 $2.000000030e-01, v27;
	v29 =	vmax.f32 v29, v32  }
0x168: {  	v24 =	vmax.f32 v24, v31;
	v38 =	vmul.f32 $2.000000030e-01, v26;
	v29 =	vsub.f32 v29, v6  }
0x169: {  	v24 =	vsub.f32 v24, v6;
	v27 =	vmax.f32 v27, v37  }
0x16a: {  	v27 =	vsub.f32 v27, v6;
	v26 =	vmax.f32 v26, v38;
	v29 =	vmul.f32 $1.442695020e+00, v29  }
0x16b: {  	v24 =	vmul.f32 $1.442695020e+00, v24;
	v6 =	vsub.f32 v26, v6  }
0x16c: {  	v39 =	vmul.f32 $1.442695020e+00, v27;
	(erf) = vpow2.f32 v29  }
0x16d: {  	v6 =	vmul.f32 $1.442695020e+00, v6;
	(erf) = vpow2.f32 v24  }
0x16e: {  	(erf) = vpow2.f32 v39  }
0x16f: {  	(erf) = vpow2.f32 v6  }
0x170: {  	[tilespmem:s19+$0xFFFFFFA0] =	vst v28;
	v6 =	vmul.f32 v23, v20  }
0x171: {  	v16 =	vmul.f32 v17, v16;
	[tilespmem:s18+$0x0] =	vst v30  }
0x172: {  	v40 =	vmul.f32 v22, v19;
	[tilespmem:s18+$0x80] =	vst v6;
	v6 =	vmul.f32 v25, v15  }
0x173: {  	[tilespmem:s19+$0xA0] =	vst v16  }
0x174: {  	v42 =	vld [tilespmem:s17+$0x30];
	[tilespmem:s18+$0xFFFFFF80] =	vst v40  }
0x175: {  	s20 =	sadd.s32 $0x200, s18;
	v41 =	vld [tilespmem:s17+$0xB0];
	[tilespmem:s19+$0x30] =	vst v6;
	v16 =	vpop (erf)  }
0x176: {  	v43 =	vld [tilespmem:s17+$0x1B0];
	v6 =	vpop (erf);
	[tilespmem:s20+$0x40] =	vst v16  }
0x177: {  	v20 =	vpop (erf);
	v44 =	vld [tilespmem:s16+$0x100];
	[tilespmem:s20+$0xC0] =	vst v6  }
0x178: {  	v18 =	vmul.f32 v21, v18;
	v23 =	vpop (erf);
	[tilespmem:s20+$0xFFFFFFC0] =	vst v20;
	v48 =	vld [tilespmem:s16+$0x180]  }
0x179: {  	v12 =	vmul.f32 v42, v12;
	[tilespmem:s20+$0xFFFFFF40] =	vst v23;
	v45 =	vld [tilespmem:s16+$0x80]  }
0x17a: {  	[tilespmem:s18+$0xFFFFFF00] =	vst v18;
	v14 =	vmul.f32 v41, v14;
	v47 =	vperm.xlane v16, v2;
	v46 =	vld [tilespmem:s16+$0x0]  }
0x17b: {  	v49 =	vld [tilespmem:s15+$0x110];
	[tilespmem:s19+$0xFFFFFF30] =	vst v12;
	v11 =	vmul.f32 v43, v11;
	v54 =	vperm.xlane v6, v2  }
0x17c: {  	[tilespmem:s19+$0xFFFFFFB0] =	vst v14;
	v55 =	vld [tilespmem:s15+$0x190];
	v50 =	vperm.xlane v20, v2;
	v17 =	vmul.f32 v44, v47  }
0x17d: {  	v51 =	vld [tilespmem:s15+$0x90];
	[tilespmem:s19+$0xB0] =	vst v11;
	v52 =	vperm.xlane v23, v2;
	v11 =	vmul.f32 v48, v54  }
0x17e: {  	v56 =	vperm.xlane v8, v3;
	v53 =	vld [tilespmem:s15+$0x10];
	v14 =	vmul.f32 v45, v50;
	[tilespmem:s20+$0x0] =	vst v17  }
0x17f: {  	v61 =	vperm.xlane v7, v3;
	v12 =	vmul.f32 v46, v52;
	v57 =	vld [tilespmem:s16+$0x110];
	[tilespmem:s20+$0x80] =	vst v11  }
0x180: {  	v59 =	vmul.f32 v49, v56;
	[tilespmem:s20+$0xFFFFFF80] =	vst v14;
	v63 =	vld [tilespmem:s16+$0x190]  }
0x181: {  	v58 =	vperm.xlane v10, v3;
	v18 =	vmul.f32 v55, v61;
	[tilespmem:s20+$0xFFFFFF00] =	vst v12;
	v60 =	vld [tilespmem:s16+$0x90]  }
0x182: {  	v13 =	vmul.f32 v51, v13;
	[tilespmem:s18+$0x10] =	vst v59;
	v28 =	vperm.xlane v16, v3;
	v62 =	vld [tilespmem:s16+$0x10]  }
0x183: {  	v29 =	vld [tilespmem:s15+$0x120];
	v34 =	vperm.xlane v6, v3;
	[tilespmem:s18+$0x90] =	vst v18;
	v14 =	vmul.f32 v53, v58  }
0x184: {  	[tilespmem:s18+$0xFFFFFF90] =	vst v13;
	v30 =	vperm.xlane v20, v3;
	v35 =	vld [tilespmem:s15+$0x1A0];
	v15 =	vmul.f32 v57, v28  }
0x185: {  	v31 =	vld [tilespmem:s15+$0xA0];
	v32 =	vperm.xlane v23, v3;
	[tilespmem:s18+$0xFFFFFF10] =	vst v14;
	v17 =	vmul.f32 v63, v34  }
0x186: {  	v36 =	vperm.xlane v8, v4;
	v33 =	vld [tilespmem:s15+$0x20];
	v12 =	vmul.f32 v60, v30;
	[tilespmem:s20+$0x10] =	vst v15  }
0x187: {  	v41 =	vperm.xlane v7, v4;
	v11 =	vmul.f32 v62, v32;
	v38 =	vld [tilespmem:s16+$0x120];
	[tilespmem:s20+$0x90] =	vst v17  }
0x188: {  	v37 =	vperm.xlane v9, v4;
	v13 =	vmul.f32 v29, v36;
	[tilespmem:s20+$0xFFFFFF90] =	vst v12;
	v44 =	vld [tilespmem:s16+$0x1A0]  }
0x189: {  	v39 =	vperm.xlane v10, v4;
	v47 =	vmul.f32 v35, v41;
	[tilespmem:s20+$0xFFFFFF10] =	vst v11;
	v40 =	vld [tilespmem:s16+$0xA0]  }
0x18a: {  	[tilespmem:s18+$0x20] =	vst v13;
	v45 =	vperm.xlane v16, v4;
	v14 =	vmul.f32 v31, v37;
	v42 =	vld [tilespmem:s16+$0x20]  }
0x18b: {  	v46 =	vld [tilespmem:s15+$0x130];
	v52 =	vperm.xlane v6, v4;
	[tilespmem:s18+$0xA0] =	vst v47;
	v43 =	vmul.f32 v33, v39  }
0x18c: {  	v48 =	vperm.xlane v20, v4;
	v54 =	vld [tilespmem:s15+$0x1B0];
	[tilespmem:s18+$0xFFFFFFA0] =	vst v14;
	v12 =	vmul.f32 v38, v45  }
0x18d: {  	v50 =	vperm.xlane v23, v4;
	v49 =	vld [tilespmem:s15+$0xB0];
	[tilespmem:s18+$0xFFFFFF20] =	vst v43;
	v56 =	vmul.f32 v44, v52  }
0x18e: {  	v53 =	vperm.xlane v8, v5;
	v51 =	vld [tilespmem:s15+$0x30];
	v11 =	vmul.f32 v40, v48;
	[tilespmem:s20+$0x20] =	vst v12  }
0x18f: {  	v7 =	vperm.xlane v7, v5;
	v15 =	vmul.f32 v42, v50;
	v12 =	vld [tilespmem:s16+$0x130];
	[tilespmem:s20+$0xA0] =	vst v56  }
0x190: {  	v55 =	vperm.xlane v9, v5;
	v8 =	vmul.f32 v46, v53;
	[tilespmem:s20+$0xFFFFFFA0] =	vst v11;
	v11 =	vld [tilespmem:s16+$0x1B0]  }
0x191: {  	v57 =	vperm.xlane v10, v5;
	v7 =	vmul.f32 v54, v7;
	[tilespmem:s20+$0xFFFFFF20] =	vst v15;
	v58 =	vld [tilespmem:s16+$0xB0]  }
0x192: {  	v61 =	vperm.xlane v16, v5;
	[tilespmem:s18+$0x30] =	vst v8;
	v9 =	vmul.f32 v49, v55;
	v59 =	vld [tilespmem:s16+$0x30]  }
0x193: {  	v6 =	vperm.xlane v6, v5;
	[tilespmem:s18+$0xB0] =	vst v7;
	v60 =	vmul.f32 v51, v57  }
0x194: {  	v62 =	vperm.xlane v20, v5;
	[tilespmem:s18+$0xFFFFFFB0] =	vst v9;
	v10 =	vmul.f32 v12, v61  }
0x195: {  	v63 =	vperm.xlane v23, v5;
	[tilespmem:s18+$0xFFFFFF30] =	vst v60;
	v6 =	vmul.f32 v11, v6  }
0x196: {  	v7 =	vmul.f32 v58, v62;
	[tilespmem:s20+$0x30] =	vst v10  }
0x197: {  	s14 =	sadd.s32 $0x1, s14;
	v8 =	vmul.f32 v59, v63;
	[tilespmem:s20+$0xB0] =	vst v6  }
0x198: {  	p0 =	sne.s32 s14, $0x6C;
	[tilespmem:s20+$0xFFFFFFB0] =	vst v7  }
.Ltmp3:
0x199: {  	[tilespmem:s20+$0xFFFFFF30] =	vst v8;
	(pc) =	sbr.rel @p0 .LBB2_4-.Ltmp3, $4  }
0x19a: {  	[spmem:s2] =	stream.indirect.scatter.add.f32 [tilespmem:s28], [sflag:$0x3], $0x80, s3, s9, $0xb8;
	[tilespmem:$0x1BA00] =	vst v63  }
0x19b: {  	_ =	swait.ge [sflag:s29], $0x1800  }
0x19c: {  	[sflag:s29] =	ssyncset.done $0x0  }
0x19d: {  	[sflag:s29] =	ssyncadd.s32 $0xFFFFE800  }
0x19e: {  	s14 =	stileid.u32  }
0x19f: {  	[bflag:$0x0] =	sbarrier.arrive $0xFFFF;
	s14 =	sshll.u32 s14, $0x6  }
0x1a0: {  	s15 =	sshrl.u32 s11, $0x3;
	s16 =	rddreg [dreg:$0x5];
	s14 =	sor.u32 $0x1C03, s14  }
0x1a1: {  	[hbm:s16], [sflag:s14] =	dma.local [spmem:s15], $0x2800  }
0x1a2: {  	_ =	swait.ge [sflag:s29], $0x2800  }
0x1a3: {  	s13 =	sadd.s32 $0x1, s13;
	s22 =	rddreg [dreg:$0x6]  }
0x1a4: {  	p0 =	sne.s32 s13, s22  }
.Ltmp4:
0x1a5: {  	_ = 	snop;
	(pc) =	sbr.rel @p0 .LBB2_1-.Ltmp4, $3  }
0x1a6: {  	_ =	sdelay $0x1  }
0x1a7: {  	[sflag:s29] =	ssyncset.done $0x0  }
0x1a8: {  	[sflag:s29] =	ssyncadd.s32 $0xFFFFD800  }
0x1a9: {  	_ =	sfence.sel $0x180000  }
0x1aa: {  	[bflag:$0x0] =	sbarrier.arrive $0xFFFF  }
0x1ab: {  	_ =	strace $0x90000047  }
0x1ac: {  	s0 =	stileid.u32;
	[bflag:$0x2] =	sbarrier.arrive $0xFFFF  }
0x1ad: {  	p0 =	sne.s32 s0, $0x0;
	s0 =	rddreg [dreg:$0x3]  }
0x1ae: {  	s0 =	sadd.s32 @!p0 $0x100000, s0  }
0x1af: {  	[sflag:s0] =	ssyncadd.tile.s32 @!p0 $0x1;
	_ =	shalt  }
.Lfunc_end2:
_tile_overlayer_lowered:
.L_overlay_start_2:
0x1b0: {  	(tag) =	ssettag $0x2  }
0x1b1: {  	s0 =	rddreg [dreg:$0x0];
	s2 =	stileid.u32  }
0x1b2: {  	s1 =	rddreg [dreg:$0x1];
	p0 =	sne.s32 s2, $0x0  }
0x1b3: {  	s3 =	rddreg [dreg:$0x2];
	[bflag:$0x3] =	sbarrier.arrive $0xFFFF;
	s2 =	simm.s32 @!p0 $0x1C03  }
0x1b4: {  	[timem:s3], [sflag:s2] =	dma.local @!p0 [hbm:s0], s1  }
0x1b5: {  	s0 =	simm.s32 @!p0 $0x3  }
0x1b6: {  	_ =	swait.ge @!p0 [sflag:s0], s1  }
0x1b7: {  	s1 =	ssub.s32 @!p0 $0x0, s1;
	[sflag:s0] =	ssyncset.done @!p0 $0x0  }
0x1b8: {  	[sflag:s0] =	ssyncadd.s32 @!p0 s1  }
0x1b9: {  	[bflag:$0x3] =	sbarrier.arrive $0xFFFF  }
0x1ba: {  	_ =	shalt  }

// kernel: kernel.15.cloned.1.call-start
scs
__scs_entry_jumppad:
0x0: {  	(pc) =	sbr.rel $0x88, $3  }
0x1: {  	(tag) =	ssettag $0x0;
	lr =	simm.s32 $0x1  }
0x2: {  	[smem:$0x3F87] =	sst lr;
	_ =	strace $0xD0000000  }
0x3: {  	_ = 	snop  }
0x4: {  	_ = 	snop  }
0x5: {  	_ = 	snop  }
0x6: {  	_ = 	snop  }
0x7: {  	_ = 	snop  }
__scs_overlays_trampoline_lowered:
0x8: {  	[smem:$0x3F96] =	sst s0  }
0x9: {  	[smem:$0x3F97] =	sst s1  }
0xa: {  	[smem:$0x3F98] =	sst s2  }
0xb: {  	[smem:$0x3F99] =	sst s3  }
0xc: {  	[smem:$0x3F9A] =	sst s4  }
0xd: {  	[smem:$0x3F9B] =	sst s5  }
0xe: {  	[smem:$0x3F9C] =	sst s6  }
0xf: {  	[smem:$0x3F9D] =	sst s7  }
0x10: {  	[smem:$0x3F9E] =	sst s8  }
0x11: {  	[smem:$0x3F9F] =	sst s9;
	s0 =	simm.s32 @!p0 $0x0  }
0x12: {  	s1 =	sld [smem:$0x3F85];
	s0 =	simm.s32 @p0 $0x1  }
0x13: {  	[smem:$0x3FA0] =	sst s0;
	s0 =	simm.s32 @!p1 $0x0  }
0x14: {  	s2 =	sld [smem:$0x3F84];
	s0 =	simm.s32 @p1 $0x1  }
0x15: {  	[smem:$0x3FA1] =	sst s0;
	s0 =	simm.s32 @!p2 $0x0  }
0x16: {  	s3 =	sld [smem:$0x3FDB];
	s0 =	simm.s32 @p2 $0x1  }
0x17: {  	s4 =	simm.s32 $0x1BF5;
	[smem:$0x3FA3] =	sst s0  }
0x18: {  	s0 =	sld [smem:$0x3F86];
	_ =	swait.ge [sflag:s4], $0x0  }
0x19: {  	s7 =	sld [smem:$0x3F87]  }
0x1a: {  	s8 =	sadd.s32 $0xFFFFE003, lr  }
0x1b: {  	s9 =	sadd.s32 $0xFFFFFEF7, lr;
	s5 =	simm.s32 $0xFFFFFFFF;
	p2 =	slt.u32 s8, $0xFFFFF086  }
0x1c: {  	p1 =	slt.u32 s9, $0xF7A;
	s5 =	simm.s32 @!p2 $0x0  }
0x1d: {  	s5 =	simm.s32 @p1 $0x1;
	p0 =	seq.s32 s7, s2  }
0x1e: {  	s7 =	smul.u32 @!p0 $0xF7A, s2;
	p2 =	seq.s32 @!p0 s5, $0x0  }
0x1f: {  	s9 =	smul.u32 $0xF7A, s1;
	s8 =	simm.s32 @!p0 $0x1BF5;
	p2 =	por !p2, p0  }
0x20: {  	[sflag:s8] =	ssyncset.s32 @!p0 $0xFFFFF086;
	s6 =	sadd.s32 @!p0 s3, s7;
	s7 =	simm.s32 @!p0 $0x108  }
0x21: {  	s3 =	sadd.s32 s3, s9;
	s6 =	sadd.s32 @!p0 $0x88, s6;
	s7 =	simm.s32 @p2 $0x1082  }
0x22: {  	[simem:s7], [sflag:s8] =	dma.local @!p0 [hbm:s6], $0xF7A  }
0x23: {  	s9 =	sor.u32 $0xD0000000, s2;
	s6 =	simm.s32 $0x108;
	_ =	swait.ge @!p0 [sflag:s8], $0x0  }
0x24: {  	s3 =	sadd.s32 $0x88, s3;
	s6 =	simm.s32 @!p1 $0x1082;
	[sflag:s4] =	ssyncset.s32 $0xFFFFF086  }
0x25: {  	[simem:s6], [sflag:s4] =	dma.local [hbm:s3], $0xF7A  }
0x26: {  	[smem:$0x3F87] =	sst s1;
	(tag) =	ssettag s2;
	_ =	strace s9  }
0x27: {  	s1 =	sld [smem:$0x3F97]  }
0x28: {  	s2 =	sld [smem:$0x3F98]  }
0x29: {  	s4 =	sld [smem:$0x3F9A]  }
0x2a: {  	p0 =	seq.s32 s5, $0x0;
	s5 =	sld [smem:$0x3F9B]  }
0x2b: {  	s6 =	sld [smem:$0x3F9C]  }
0x2c: {  	s7 =	sld [smem:$0x3F9D]  }
0x2d: {  	s3 =	simm.s32 $0x108;
	s8 =	sld [smem:$0x3F9E]  }
0x2e: {  	s3 =	simm.s32 @!p0 $0x1082;
	s9 =	sld [smem:$0x3F9F]  }
0x2f: {  	lr =	sadd.s32 s0, s3;
	s0 =	sld [smem:$0x3F96]  }
0x30: {  	s3 =	sld [smem:$0x3F99]  }
0x31: {  	[smem:$0x3FA2] =	sst s10  }
0x32: {  	s10 =	sld [smem:$0x3FA0];
	_ =	sdelay $0x3  }
0x33: {  	p0 =	seq.s32 s10, $0x1;
	s10 =	sld [smem:$0x3FA2];
	_ =	sdelay $0x3  }
0x34: {  	[smem:$0x3FA2] =	sst s10  }
0x35: {  	s10 =	sld [smem:$0x3FA1];
	_ =	sdelay $0x3  }
0x36: {  	p1 =	seq.s32 s10, $0x1;
	s10 =	sld [smem:$0x3FA2];
	_ =	sdelay $0x3  }
0x37: {  	[smem:$0x3FA2] =	sst s10  }
0x38: {  	s10 =	sld [smem:$0x3FA3]  }
0x39: {  	_ = 	snop;
	(pc) =	sbr.ind lr, $3  }
0x3a: {  	_ = 	snop  }
0x3b: {  	_ = 	snop  }
0x3c: {  	p2 =	seq.s32 s10, $0x1;
	s10 =	sld [smem:$0x3FA2]  }
0x3d: {  	_ =	shalt  }
0x3e: {  	_ =	shalt  }
0x3f: {  	_ =	shalt  }
0x40: {  	_ =	shalt  }
0x41: {  	_ =	shalt  }
0x42: {  	_ =	shalt  }
0x43: {  	_ =	shalt  }
0x44: {  	_ =	shalt  }
0x45: {  	_ =	shalt  }
0x46: {  	_ =	shalt  }
0x47: {  	_ =	shalt  }
0x48: {  	_ =	shalt  }
0x49: {  	_ =	shalt  }
0x4a: {  	_ =	shalt  }
0x4b: {  	_ =	shalt  }
0x4c: {  	_ =	shalt  }
0x4d: {  	_ =	shalt  }
0x4e: {  	_ =	shalt  }
0x4f: {  	_ =	shalt  }
0x50: {  	_ =	shalt  }
0x51: {  	_ =	shalt  }
0x52: {  	_ =	shalt  }
0x53: {  	_ =	shalt  }
0x54: {  	_ =	shalt  }
0x55: {  	_ =	shalt  }
0x56: {  	_ =	shalt  }
0x57: {  	_ =	shalt  }
0x58: {  	_ =	shalt  }
0x59: {  	_ =	shalt  }
0x5a: {  	_ =	shalt  }
0x5b: {  	_ =	shalt  }
0x5c: {  	_ =	shalt  }
0x5d: {  	_ =	shalt  }
0x5e: {  	_ =	shalt  }
0x5f: {  	_ =	shalt  }
0x60: {  	_ =	shalt  }
0x61: {  	_ =	shalt  }
0x62: {  	_ =	shalt  }
0x63: {  	_ =	shalt  }
0x64: {  	_ =	shalt  }
0x65: {  	_ =	shalt  }
0x66: {  	_ =	shalt  }
0x67: {  	_ =	shalt  }
0x68: {  	_ =	shalt  }
0x69: {  	_ =	shalt  }
0x6a: {  	_ =	shalt  }
0x6b: {  	_ =	shalt  }
0x6c: {  	_ =	shalt  }
0x6d: {  	_ =	shalt  }
0x6e: {  	_ =	shalt  }
0x6f: {  	_ =	shalt  }
0x70: {  	_ =	shalt  }
0x71: {  	_ =	shalt  }
0x72: {  	_ =	shalt  }
0x73: {  	_ =	shalt  }
0x74: {  	_ =	shalt  }
0x75: {  	_ =	shalt  }
0x76: {  	_ =	shalt  }
0x77: {  	_ =	shalt  }
0x78: {  	_ =	shalt  }
0x79: {  	_ =	shalt  }
0x7a: {  	_ =	shalt  }
0x7b: {  	_ =	shalt  }
0x7c: {  	_ =	shalt  }
0x7d: {  	_ =	shalt  }
0x7e: {  	_ =	shalt  }
0x7f: {  	_ =	shalt  }
0x80: {  	_ =	shalt  }
0x81: {  	_ =	shalt  }
0x82: {  	_ =	shalt  }
0x83: {  	_ =	shalt  }
0x84: {  	_ =	shalt  }
0x85: {  	_ =	shalt  }
0x86: {  	_ =	shalt  }
0x87: {  	_ =	shalt  }
.Lfunc_end0:
.L_simem_size_0:
called_computation.1_lowered:
.L_overlay_start_0:
0x88: {  	s2 =	sld [smem:$0x3FD9]  }
0x89: {  	s3 =	sld [smem:$0x3FFE];
	_ =	sdelay $0x1  }
0x8a: {  	s1 =	srdreg.scid  }
0x8b: {  	s0 =	sand.u32 $0x1, s1  }
0x8c: {  	s17 =	sshll.u32 s0, $0xA;
	s2 =	sadd.s32 s3, s2  }
0x8d: {  	s2 =	sadd.s32 s2, s17  }
0x8e: {  	[smem:$0x3FAE] =	sst s2  }
0x8f: {  	_ = 	snop  }
0x90: {  	s2 =	sld [smem:$0x3FD0];
	(tm) =	ssettm $0x1  }
0x91: {  	s18 =	sld [smem:$0x3FFB];
	_ =	sdelay $0x3  }
0x92: {  	_ =	strace s18  }
0x93: {  	s3 =	sld [smem:$0x3FFC];
	_ =	sdelay $0x3  }
0x94: {  	_ =	strace s3  }
0x95: {  	s3 =	sld [smem:$0x3FFD];
	_ =	sdelay $0x3  }
0x96: {  	_ =	strace s3  }
0x97: {  	_ =	strace $0x8FFFFFFF  }
0x98: {  	s19 =	sld [smem:$0x3FDB];
	_ =	sdelay $0x1  }
0x99: {  	s4 =	simm.s32 $_scs_section_size  }
0x9a: {  	s5 =	simm.s32 $_size__tile_overlayer_lowered;
	s6 =	simm.s32 $_tile_overlayer_lowered  }
0x9b: {  	s22 =	simm.s32 $0x1BFF;
	s21 =	sshll.u32 s6, $0x1;
	s3 =	sadd.s32 s4, s19  }
0x9c: {  	s7 =	simm.s32 $0x0;
	s20 =	sshll.u32 s5, $0x1;
	s5 =	sadd.s32 s21, s3  }
0x9d: {  	[timem:s7], [sflag:s22] =	dma.local [hbm:s5], s20  }
0x9e: {  	_ =	swait.ge [sflag:s22], s20  }
0x9f: {  	s4 =	ssub.s32 $0x0, s20;
	[sflag:s22] =	ssyncset.done $0x0  }
0xa0: {  	[sflag:s22] =	ssyncadd.s32 s4;
	_ =	sdelay $0x1  }
0xa1: {  	s23 =	simm.s32 $0x1B8B  }
0xa2: {  	_ =	swait.ge [sflag:s23], $0x1  }
0xa3: {  	[sflag:s23] =	ssyncset.done $0x0  }
0xa4: {  	s25 =	simm.s32 $0x1B8E;
	s24 =	sld [smem:$0x3FFE];
	[sflag:s23] =	ssyncadd.s32 $0xFFFFFFFF  }
0xa5: {  	s26 =	simm.s32 $execute0_lowered;
	[smem:$0x3FD2] =	sst s25  }
0xa6: {  	s5 =	sshll.u32 s26, $0x1;
	_ =	strace $0x80000049;
	[dreg:$0x1] =	wrdreg $0xFFFFFFFF  }
0xa7: {  	s28 =	simm.s32 $_size_execute0_lowered;
	s3 =	sadd.s32 s3, s5;
	[dreg:$0x0] =	wrdreg $0x0  }
0xa8: {  	s5 =	sshll.u32 s28, $0x1;
	[dreg:$0x2] =	wrdreg s3  }
0xa9: {  	[dreg:$0x3] =	wrdreg s5  }
0xaa: {  	[dreg:$0x4] =	wrdreg $0xC0  }
0xab: {  	_ =	task [dreg:s7], $0x5FFFF  }
0xac: {  	[dreg:$0x1] =	wrdreg $0xFFFFFFFF  }
0xad: {  	[dreg:$0x0] =	wrdreg $0x60  }
0xae: {  	[dreg:$0x2] =	wrdreg s24  }
0xaf: {  	[dreg:$0x3] =	wrdreg s2  }
0xb0: {  	[dreg:$0x4] =	wrdreg $0x7A000  }
0xb1: {  	[dreg:$0x5] =	wrdreg $0x9  }
0xb2: {  	_ =	task.clear_ibuf [dreg:s7], $0x6FFFF;
	_ =	strace $0x90000049  }
0xb3: {  	s29 =	simm.s32 $0x9;
	_ =	strace $0x8000004B  }
0xb4: {  	_ =	swait.ge [sflag:s29], $0x1  }
0xb5: {  	[sflag:s29] =	ssyncadd.s32 $0xFFFFFFFF  }
0xb6: {  	_ =	strace $0x9000004B  }
0xb7: {  	_ =	sfence  }
0xb8: {  	s30 =	sld [smem:$0x0];
	_ =	sdelay $0x2  }
0xb9: {  	s31 =	sshll.u32 s1, $0xD;
	s1 =	sshrl.u32 s1, $0x2  }
0xba: {  	s3 =	sand.u32 $0x4000, s31;
	s1 =	sadd.s32 s1, s30  }
0xbb: {  	s0 =	sor.u32 s3, s0;
	s1 =	sshll.u32 s1, $0x11  }
0xbc: {  	s0 =	sor.u32 s1, s0  }
0xbd: {  	s0 =	sadd.s32 $0x8F2B, s0  }
0xbe: {  	[sflag:s0] =	ssyncadd.remote.s32 $0x1  }
0xbf: {  	_ =	sfence.sel $0xFFFF  }
0xc0: {  	[dreg:$0x0] =	wrdreg $0xFFFFFFFF;
	(pc) =	sbr.abs _section_cstart, $3  }
0xc1: {  	[dreg:$0x1] =	wrdreg $0xFFFFFFFF  }
0xc2: {  	_ =	task.clear_ibuf [dreg:s7], $0x2FFFF;
	_ =	strace $0x9FFFFFFF  }
0xc3: {  	(tm) =	ssettm $0x7FFFFFFF  }
tec
execute0_lowered:
.L_overlay_start_1:
0x0: {  	(tag) =	ssettag $0x1  }
0x1: {  	s0 =	rddreg [dreg:$0x0]  }
0x2: {  	s2 =	rddreg [dreg:$0x2]  }
0x3: {  	s4 =	simm.s32 $0x0;
	s1 =	srdreg.scid;
	s11 =	stileid.u32  }
0x4: {  	s28 =	simm.s32 $0x6180;
	s29 =	simm.s32 $0x3;
	s31 =	simm.s32 $0x60  }
0x5: {  	s30 =	simm.s32 $0x80;
	s13 =	simm.s32 $0x0;
	s3 =	smul.u32 $0x280, s11  }
0x6: {  	s1 =	sand.u32 $0x1, s1;
	s6 =	sshll.u32 s11, $0x1;
	s11 =	smul.u32 $0x50000, s11  }
0x7: {  	[smem:$0x7FF] =	sst s4;
	s8 =	smul.u32 $0x2800, s1;
	s9 =	sor.u32 s1, s6  }
0x8: {  	s5 =	sadd.s32 $0x22800, s0;
	s1 =	ssub.s32 $0x2, s1;
	s10 =	smul.u32 $0xA20, s9  }
0x9: {  	_ =	strace $0x8000004A;
	s6 =	sadd.s32 $0x4200, s0;
	s12 =	sshrl.u32 s1, $0x1  }
0xa: {  	s15 =	sshrl.u32 s11, $0x2;
	s1 =	ssub.s32 s1, s12;
	s16 =	sadd.s32 s6, s10  }
0xb: {  	s11 =	sadd.s32 s15, s2;
	s17 =	smax.u32 s1, $0x1;
	[dreg:$0x4] =	wrdreg s16  }
0xc: {  	s7 =	sadd.s32 $0x18600, s0;
	s18 =	sadd.s32 $0x1800, s11;
	[dreg:$0x6] =	wrdreg s17  }
0xd: {  	s3 =	sadd.s32 s3, s8;
	s19 =	sadd.s32 $0x3000, s11;
	[dreg:$0x7] =	wrdreg s18  }
0xe: {  	s8 =	smul.u32 $0xD8, s9;
	s20 =	sadd.s32 $0x4800, s11;
	[dreg:$0x8] =	wrdreg s19  }
0xf: {  	s9 =	simm.s32 $0x30;
	s21 =	sadd.s32 $0x6000, s11;
	[dreg:$0x9] =	wrdreg s20  }
0x10: {  	v0 =	vimm.s32 $0xFEDCBA98;
	s12 =	simm.s32 $0x2;
	s22 =	sadd.s32 $0x7800, s11;
	[dreg:$0xa] =	wrdreg s21  }
0x11: {  	v1 =	vimm.s32 $0x76543210;
	v0 =	vunpack.c.l.s4.s8 v0;
	s3 =	sshll.u32 s3, $0x4;
	s23 =	sadd.s32 $0x9000, s11;
	[dreg:$0xb] =	wrdreg s22  }
0x12: {  	v1 =	vunpack.c.l.s4.s8 v1;
	s24 =	sadd.s32 $0xA800, s11;
	s25 =	sadd.s32 $0xC000, s11;
	[dreg:$0xc] =	wrdreg s23  }
0x13: {  	v0 =	vunpack.c.0.s8.s32 v0;
	s26 =	sadd.s32 $0xD800, s11;
	s1 =	simm.s32 $0x1;
	[dreg:$0xd] =	wrdreg s24  }
0x14: {  	v1 =	vunpack.c.0.s8.s32 v1;
	s0 =	sadd.s32 s3, s0;
	s10 =	sor.u32 $0x2, s8;
	[dreg:$0xe] =	wrdreg s25  }
0x15: {  	v3 =	vlaneseq.u32;
	v2 =	vand.u32 $0xF, v0;
	[dreg:$0xf] =	wrdreg s26;
	s23 =	sadd.s32 $0xF000, s11;
	s24 =	sadd.s32 $0x10800, s11  }
0x16: {  	v0 =	vimm.f32 $0.0e+00;
	s25 =	sadd.s32 $0x12000, s11;
	s26 =	sadd.s32 $0x13800, s11;
	v1 =	vcombine.low v2, v1;
	v2 =	vshrl.u32 v3, $0x3;
	s0 =	sadd.s32 $0x49A00, s0  }
0x17: {  	s3 =	simm.s32 $0x100;
	v3 =	vor.u32 $0x2, v2;
	v4 =	vor.u32 $0x4, v2;
	v5 =	vor.u32 $0x6, v2;
	[dreg:$0x5] =	wrdreg s0;
	s0 =	simm.s32 $0x3180  }
.LBB2_1:
0x18: {  	s14 =	simm.s32 $0x70;
	s15 =	simm.s32 $0x3C0  }
.LBB2_2:
0x19: {  	p0 =	sne.s32 s15, $0x5FC0;
	[tilespmem:s14+$0x6180] =	vst v0  }
0x1a: {  	[tilespmem:s14+$0x6110] =	vst v0  }
0x1b: {  	[tilespmem:s14+$0x6120] =	vst v0  }
.Ltmp0:
0x1c: {  	[tilespmem:s14+$0x6130] =	vst v0;
	(pc) =	sbr.rel @p0 .LBB2_2-.Ltmp0, $4  }
0x1d: {  	[tilespmem:s14+$0x6140] =	vst v0  }
0x1e: {  	[tilespmem:s14+$0x6150] =	vst v0  }
0x1f: {  	[tilespmem:s14+$0x6160] =	vst v0  }
0x20: {  	[tilespmem:s14+$0x6170] =	vst v0;
	s14 =	sshra.s32 s15, $0x2;
	s15 =	sadd.s32 $0x200, s15  }
0x21: {  	[tilespmem:s14+$0x6180] =	vst v0  }
0x22: {  	[tilespmem:s14+$0x6110] =	vst v0  }
0x23: {  	[tilespmem:s14+$0x6120] =	vst v0  }
0x24: {  	[tilespmem:s14+$0x6130] =	vst v0  }
0x25: {  	[tilespmem:s14+$0x6140] =	vst v0  }
0x26: {  	[tilespmem:s14+$0x6150] =	vst v0  }
0x27: {  	[tilespmem:s14+$0x6160] =	vst v0  }
0x28: {  	[tilespmem:s14+$0x6170] =	vst v0  }
0x29: {  	[spmem:s11] =	stream.linear.scatter [tilespmem:s28], [sflag:$0x3], $0x1800, $0x38;
	[tilespmem:$0x1BA00] =	vst v63  }
0x2a: {  	_ =	swait.ge [sflag:s29], $0x1800  }
0x2b: {  	[sflag:s29] =	ssyncset.done $0x0  }
0x2c: {  	s20 =	rddreg [dreg:$0x7];
	[sflag:s29] =	ssyncadd.s32 $0xFFFFE800  }
0x2d: {  	[spmem:s20] =	stream.linear.scatter [tilespmem:s28], [sflag:$0x3], $0x1800, $0x38;
	[tilespmem:$0x1BA00] =	vst v63  }
0x2e: {  	_ =	swait.ge [sflag:s29], $0x1800  }
0x2f: {  	[sflag:s29] =	ssyncset.done $0x0  }
0x30: {  	s21 =	rddreg [dreg:$0x8];
	[sflag:s29] =	ssyncadd.s32 $0xFFFFE800  }
0x31: {  	[spmem:s21] =	stream.linear.scatter [tilespmem:s28], [sflag:$0x3], $0x1800, $0x38;
	[tilespmem:$0x1BA00] =	vst v63  }
0x32: {  	_ =	swait.ge [sflag:s29], $0x1800  }
0x33: {  	[sflag:s29] =	ssyncset.done $0x0  }
0x34: {  	s22 =	rddreg [dreg:$0x9];
	[sflag:s29] =	ssyncadd.s32 $0xFFFFE800  }
0x35: {  	[spmem:s22] =	stream.linear.scatter [tilespmem:s28], [sflag:$0x3], $0x1800, $0x38;
	[tilespmem:$0x1BA00] =	vst v63  }
0x36: {  	_ =	swait.ge [sflag:s29], $0x1800  }
0x37: {  	[sflag:s29] =	ssyncset.done $0x0  }
0x38: {  	s15 =	rddreg [dreg:$0xa];
	[sflag:s29] =	ssyncadd.s32 $0xFFFFE800  }
0x39: {  	[spmem:s15] =	stream.linear.scatter [tilespmem:s28], [sflag:$0x3], $0x1800, $0x38;
	[tilespmem:$0x1BA00] =	vst v63  }
0x3a: {  	_ =	swait.ge [sflag:s29], $0x1800  }
0x3b: {  	[sflag:s29] =	ssyncset.done $0x0  }
0x3c: {  	s16 =	rddreg [dreg:$0xb];
	[sflag:s29] =	ssyncadd.s32 $0xFFFFE800  }
0x3d: {  	[spmem:s16] =	stream.linear.scatter [tilespmem:s28], [sflag:$0x3], $0x1800, $0x38;
	[tilespmem:$0x1BA00] =	vst v63  }
0x3e: {  	_ =	swait.ge [sflag:s29], $0x1800  }
0x3f: {  	[sflag:s29] =	ssyncset.done $0x0  }
0x40: {  	s17 =	rddreg [dreg:$0xc];
	[sflag:s29] =	ssyncadd.s32 $0xFFFFE800  }
0x41: {  	[spmem:s17] =	stream.linear.scatter [tilespmem:s28], [sflag:$0x3], $0x1800, $0x38;
	[tilespmem:$0x1BA00] =	vst v63  }
0x42: {  	_ =	swait.ge [sflag:s29], $0x1800  }
0x43: {  	[sflag:s29] =	ssyncset.done $0x0  }
0x44: {  	s18 =	rddreg [dreg:$0xd];
	[sflag:s29] =	ssyncadd.s32 $0xFFFFE800  }
0x45: {  	[spmem:s18] =	stream.linear.scatter [tilespmem:s28], [sflag:$0x3], $0x1800, $0x38;
	[tilespmem:$0x1BA00] =	vst v63  }
0x46: {  	_ =	swait.ge [sflag:s29], $0x1800  }
0x47: {  	[sflag:s29] =	ssyncset.done $0x0  }
0x48: {  	s19 =	rddreg [dreg:$0xe];
	[sflag:s29] =	ssyncadd.s32 $0xFFFFE800  }
0x49: {  	[spmem:s19] =	stream.linear.scatter [tilespmem:s28], [sflag:$0x3], $0x1800, $0x38;
	[tilespmem:$0x1BA00] =	vst v63  }
0x4a: {  	_ =	swait.ge [sflag:s29], $0x1800  }
0x4b: {  	[sflag:s29] =	ssyncset.done $0x0  }
0x4c: {  	s20 =	rddreg [dreg:$0xf];
	[sflag:s29] =	ssyncadd.s32 $0xFFFFE800  }
0x4d: {  	[spmem:s20] =	stream.linear.scatter [tilespmem:s28], [sflag:$0x3], $0x1800, $0x38;
	[tilespmem:$0x1BA00] =	vst v63  }
0x4e: {  	_ =	swait.ge [sflag:s29], $0x1800  }
0x4f: {  	[sflag:s29] =	ssyncset.done $0x0  }
0x50: {  	[sflag:s29] =	ssyncadd.s32 $0xFFFFE800  }
0x51: {  	[spmem:s23] =	stream.linear.scatter [tilespmem:s28], [sflag:$0x3], $0x1800, $0x38;
	[tilespmem:$0x1BA00] =	vst v63  }
0x52: {  	_ =	swait.ge [sflag:s29], $0x1800  }
0x53: {  	[sflag:s29] =	ssyncset.done $0x0  }
0x54: {  	[sflag:s29] =	ssyncadd.s32 $0xFFFFE800  }
0x55: {  	[spmem:s24] =	stream.linear.scatter [tilespmem:s28], [sflag:$0x3], $0x1800, $0x38;
	[tilespmem:$0x1BA00] =	vst v63  }
0x56: {  	_ =	swait.ge [sflag:s29], $0x1800  }
0x57: {  	[sflag:s29] =	ssyncset.done $0x0  }
0x58: {  	[sflag:s29] =	ssyncadd.s32 $0xFFFFE800  }
0x59: {  	[spmem:s25] =	stream.linear.scatter [tilespmem:s28], [sflag:$0x3], $0x1800, $0x38;
	[tilespmem:$0x1BA00] =	vst v63  }
0x5a: {  	_ =	swait.ge [sflag:s29], $0x1800  }
0x5b: {  	[sflag:s29] =	ssyncset.done $0x0  }
0x5c: {  	[sflag:s29] =	ssyncadd.s32 $0xFFFFE800  }
0x5d: {  	[spmem:s26] =	stream.linear.scatter [tilespmem:s28], [sflag:$0x3], $0x1800, $0x38;
	[tilespmem:$0x1BA00] =	vst v63  }
0x5e: {  	_ =	swait.ge [sflag:s29], $0x1800  }
0x5f: {  	[sflag:s29] =	ssyncset.done $0x0  }
0x60: {  	[sflag:s29] =	ssyncadd.s32 $0xFFFFE800  }
0x61: {  	s14 =	simm.s32 $0x0;
	s16 =	simm.s32 $0x7980;
	s15 =	rddreg [dreg:$0x1]  }
0x62: {  	[tilespmem:s16], [sflag:$0x3] =	stream.linear.gather [hbm4b:s15+s14], $0x80, $0x38;
	[tilespmem:$0x1BA00] =	vst v63  }
0x63: {  	_ =	swait.ge [sflag:s29], $0x80  }
0x64: {  	[sflag:s29] =	ssyncset.done $0x0  }
0x65: {  	[sflag:s29] =	ssyncadd.s32 $0xFFFFFF80  }
0x66: {  	[bflag:$0x0] =	sbarrier.arrive $0xFFFF  }
0x67: {  	s21 =	rddreg [dreg:$0x4]  }
0x68: {  	[tilespmem:s14], [sflag:$0x3] =	stream.linear.gather [hbm4b:s21+s14], $0x60, $0x38;
	[tilespmem:$0x1BA00] =	vst v63  }
0x69: {  	_ =	swait.ge [sflag:s29], $0x60  }
0x6a: {  	[sflag:s29] =	ssyncset.done $0x0  }
0x6b: {  	s22 =	simm.s32 $0x180;
	[sflag:s29] =	ssyncadd.s32 $0xFFFFFFA0  }
0x6c: {  	[tilespmem:s22], [sflag:$0x1] =	stream.indirect.gather [hbm4b:s5+s31], $0x80, s14, s31, $0xb8;
	[tilespmem:$0x1BA00] =	vst v63  }
.LBB2_4:
0x6d: {  	s16 =	sshll.u32 s14, $0x1  }
0x6e: {  	s17 =	sadd.s32 s8, s16  }
0x6f: {  	s15 =	sadd.s32 $0x1, s17  }
0x70: {  	_ =	swait.ge [sflag:s1], $0x3000;
	s18 =	smul.u32 $0xC, s15  }
0x71: {  	[sflag:s1] =	ssyncset.done $0x0  }
0x72: {  	[sflag:s1] =	ssyncadd.s32 $0xFFFFD000;
	s18 =	sadd.s32 s6, s18  }
0x73: {  	[tilespmem:s30], [sflag:$0x3] =	stream.linear.gather [hbm4b:s18+s4], $0x60, $0x38;
	[tilespmem:$0x1BA00] =	vst v63  }
0x74: {  	_ =	swait.ge [sflag:s29], $0x60  }
0x75: {  	[sflag:s29] =	ssyncset.done $0x0  }
0x76: {  	s17 =	smul.u32 $0x6, s17;
	[sflag:s29] =	ssyncadd.s32 $0xFFFFFFA0  }
0x77: {  	[tilespmem:s0], [sflag:$0x2] =	stream.indirect.gather [hbm4b:s5+s31], $0x80, s30, s31, $0xb8;
	[tilespmem:$0x1BA00] =	vst v63  }
0x78: {  	s17 =	sadd.s32 s7, s17  }
0x79: {  	[tilespmem:s3], [sflag:$0x3] =	stream.linear.gather [hbm4b:s17+s4], $0x30, $0x38;
	[tilespmem:$0x1BA00] =	vst v63  }
0x7a: {  	_ =	swait.ge [sflag:s29], $0x30  }
0x7b: {  	[sflag:s29] =	ssyncset.done $0x0  }
0x7c: {  	s19 =	simm.s32 $0x180;
	[sflag:s29] =	ssyncadd.s32 $0xFFFFFFD0  }
0x7d: {  	v8 =	vld [tilespmem:s19+$0x18C0]  }
0x7e: {  	v6 =	vld [tilespmem:s19+$0x1940]  }
0x7f: {  	v9 =	vld [tilespmem:s19+$0x19C0]  }
0x80: {  	v10 =	vld [tilespmem:s19+$0x140]  }
0x81: {  	v11 =	vld [tilespmem:s19+$0x1C0]  }
0x82: {  	v7 =	vld [tilespmem:s19+$0x1840]  }
0x83: {  	v12 =	vld [tilespmem:s19+$0xC0];
	v14 =	vperm.xlane v6, v1  }
0x84: {  	v13 =	vld [tilespmem:s19+$0x40];
	v9 =	vperm.xlane v9, v1  }
0x85: {  	v6 =	vld [tilespmem:$0x7980];
	v10 =	vadd.f32 v14, v10  }
0x86: {  	v8 =	vperm.xlane v8, v1;
	v9 =	vadd.f32 v9, v11  }
0x87: {  	v7 =	vperm.xlane v7, v1;
	v11 =	vmul.f32 $2.000000030e-01, v10  }
0x88: {  	v8 =	vadd.f32 v8, v12;
	v12 =	vmul.f32 $2.000000030e-01, v9  }
0x89: {  	v7 =	vadd.f32 v7, v13;
	v10 =	vmax.f32 v10, v11  }
0x8a: {  	v13 =	vmul.f32 $2.000000030e-01, v8;
	v9 =	vmax.f32 v9, v12;
	v10 =	vsub.f32 v10, v6  }
0x8b: {  	v11 =	vmul.f32 $2.000000030e-01, v7;
	v9 =	vsub.f32 v9, v6  }
0x8c: {  	v8 =	vmax.f32 v8, v13;
	v10 =	vmul.f32 $1.442695020e+00, v10  }
0x8d: {  	s17 =	simm.s32 $0x380;
	v8 =	vsub.f32 v8, v6;
	v7 =	vmax.f32 v7, v11;
	v9 =	vmul.f32 $1.442695020e+00, v9  }
0x8e: {  	v14 =	vld [tilespmem:s17+$0xC0];
	v7 =	vsub.f32 v7, v6;
	(erf) = vpow2.f32 v10  }
0x8f: {  	v12 =	vld [tilespmem:s17+$0x140];
	v8 =	vmul.f32 $1.442695020e+00, v8;
	(erf) = vpow2.f32 v9  }
0x90: {  	v7 =	vmul.f32 $1.442695020e+00, v7;
	v10 =	vld [tilespmem:s17+$0x1940]  }
0x91: {  	v11 =	vld [tilespmem:s17+$0x18C0];
	(erf) = vpow2.f32 v8  }
0x92: {  	v9 =	vld [tilespmem:s17+$0x19C0];
	(erf) = vpow2.f32 v7  }
0x93: {  	v13 =	vld [tilespmem:s17+$0x1840]  }
0x94: {  	v7 =	vld [tilespmem:s17+$0x1C0]  }
0x95: {  	v10 =	vperm.xlane v10, v1  }
0x96: {  	v8 =	vld [tilespmem:s17+$0x40];
	v11 =	vperm.xlane v11, v1  }
0x97: {  	s21 =	simm.s32 $0x6280;
	v9 =	vperm.xlane v9, v1;
	v10 =	vadd.f32 v10, v12;
	v17 =	vpop (erf)  }
0x98: {  	v11 =	vadd.f32 v11, v14;
	v16 =	vpop (erf);
	[tilespmem:s21+$0x40] =	vst v17  }
0x99: {  	v12 =	vperm.xlane v13, v1;
	v7 =	vadd.f32 v9, v7;
	v14 =	vmul.f32 $2.000000030e-01, v10;
	v15 =	vld [tilespmem:s19+$0x100];
	[tilespmem:s21+$0xC0] =	vst v16  }
0x9a: {  	v18 =	vpop (erf);
	v21 =	vld [tilespmem:s19+$0x180]  }
0x9b: {  	v8 =	vadd.f32 v12, v8;
	v24 =	vmul.f32 $2.000000030e-01, v7;
	v10 =	vmax.f32 v10, v14;
	v20 =	vpop (erf);
	[tilespmem:s21+$0xFFFFFFC0] =	vst v18  }
0x9c: {  	v9 =	vperm.xlane v17, v2;
	v19 =	vperm.xlane v16, v2;
	v10 =	vsub.f32 v10, v6;
	[tilespmem:s21+$0xFFFFFF40] =	vst v20;
	v23 =	vld [tilespmem:s19+$0x80]  }
0x9d: {  	v22 =	vperm.xlane v18, v2;
	v7 =	vmax.f32 v7, v24;
	v25 =	vperm.xlane v20, v2;
	v13 =	vld [tilespmem:s19+$0x0]  }
0x9e: {  	s18 =	simm.s32 $0x580;
	v7 =	vsub.f32 v7, v6;
	v10 =	vmul.f32 $1.442695020e+00, v10;
	v9 =	vmul.f32 v15, v9  }
0x9f: {  	v26 =	vld [tilespmem:s18+$0x40];
	v15 =	vmul.f32 $2.000000030e-01, v11;
	v12 =	vmul.f32 v21, v19  }
0xa0: {  	v27 =	vld [tilespmem:s18+$0x140];
	v7 =	vmul.f32 $1.442695020e+00, v7;
	[tilespmem:s21+$0x0] =	vst v9;
	v9 =	vmul.f32 $2.000000030e-01, v8  }
0xa1: {  	(erf) = vpow2.f32 v10;
	v21 =	vld [tilespmem:s18+$0x1840];
	v14 =	vmul.f32 v23, v22;
	v11 =	vmax.f32 v11, v15;
	[tilespmem:s21+$0x80] =	vst v12  }
0xa2: {  	v12 =	vmul.f32 v13, v25;
	v11 =	vsub.f32 v11, v6;
	v13 =	vld [tilespmem:s19+$0x190];
	v8 =	vmax.f32 v8, v9  }
0xa3: {  	v30 =	vperm.xlane v18, v4;
	(erf) = vpow2.f32 v7;
	v19 =	vld [tilespmem:s19+$0x110];
	[tilespmem:s21+$0xFFFFFF80] =	vst v14;
	v8 =	vsub.f32 v8, v6  }
0xa4: {  	v9 =	vperm.xlane v18, v3;
	v11 =	vmul.f32 $1.442695020e+00, v11;
	[tilespmem:s21+$0xFFFFFF00] =	vst v12;
	v10 =	vld [tilespmem:s19+$0x90]  }
0xa5: {  	v12 =	vperm.xlane v16, v3;
	v7 =	vld [tilespmem:s19+$0x10];
	v8 =	vmul.f32 $1.442695020e+00, v8  }
0xa6: {  	v23 =	vld [tilespmem:s18+$0x1940];
	(erf) = vpow2.f32 v11;
	v11 =	vperm.xlane v17, v3  }
0xa7: {  	v25 =	vld [tilespmem:s18+$0x18C0];
	(erf) = vpow2.f32 v8;
	v13 =	vmul.f32 v13, v12  }
0xa8: {  	v8 =	vld [tilespmem:s18+$0x19C0];
	v12 =	vperm.xlane v20, v3;
	v14 =	vmul.f32 v19, v11  }
0xa9: {  	v33 =	vld [tilespmem:s18+$0xC0];
	v31 =	vperm.xlane v20, v4;
	v9 =	vmul.f32 v10, v9  }
0xaa: {  	v22 =	vld [tilespmem:s18+$0x1C0];
	v15 =	vperm.xlane v17, v5;
	v7 =	vmul.f32 v7, v12;
	[tilespmem:s21+$0x10] =	vst v14  }
0xab: {  	v38 =	vperm.xlane v21, v1;
	v36 =	vperm.xlane v23, v1;
	[tilespmem:s21+$0xFFFFFF90] =	vst v9;
	v24 =	vld [tilespmem:s19+$0x120]  }
0xac: {  	v25 =	vperm.xlane v25, v1;
	v11 =	vperm.xlane v16, v5;
	[tilespmem:s21+$0xFFFFFF10] =	vst v7;
	v28 =	vld [tilespmem:s19+$0xA0]  }
0xad: {  	s20 =	simm.s32 $0x6480;
	v16 =	vperm.xlane v16, v4;
	[tilespmem:s21+$0x90] =	vst v13;
	v29 =	vperm.xlane v8, v1;
	v8 =	vpop (erf);
	v32 =	vld [tilespmem:s19+$0x20]  }
0xae: {  	v14 =	vperm.xlane v18, v5;
	v18 =	vperm.xlane v17, v4;
	v17 =	vld [tilespmem:s19+$0x1A0];
	v7 =	vpop (erf);
	[tilespmem:s20+$0x40] =	vst v8  }
0xaf: {  	v12 =	vperm.xlane v20, v5;
	v34 =	vperm.xlane v8, v2;
	v9 =	vpop (erf);
	v35 =	vld [tilespmem:s17+$0x100];
	[tilespmem:s20+$0xC0] =	vst v7  }
0xb0: {  	v20 =	vperm.xlane v7, v2;
	v37 =	vmul.f32 v24, v18;
	[tilespmem:s20+$0xFFFFFFC0] =	vst v9;
	v23 =	vld [tilespmem:s17+$0x180];
	v10 =	vpop (erf)  }
0xb1: {  	v19 =	vperm.xlane v9, v2;
	v13 =	vperm.xlane v9, v3;
	v24 =	vadd.f32 v29, v22;
	v22 =	vld [tilespmem:s17+$0x80];
	[tilespmem:s20+$0xFFFFFF40] =	vst v10  }
0xb2: {  	v29 =	vadd.f32 v36, v27;
	v28 =	vmul.f32 v28, v30;
	v63 =	vmul.f32 v32, v31;
	[tilespmem:s21+$0x20] =	vst v37;
	v21 =	vld [tilespmem:s17+$0x0]  }
0xb3: {  	v27 =	vadd.f32 v25, v33;
	v18 =	vperm.xlane v10, v2;
	v31 =	vmul.f32 $2.000000030e-01, v24;
	v25 =	vld [tilespmem:s19+$0x130]  }
0xb4: {  	s22 =	simm.s32 $0x8;
	v26 =	vadd.f32 v38, v26;
	v32 =	vmul.f32 $2.000000030e-01, v29;
	v30 =	vmul.f32 v35, v34;
	[tilespmem:s21+$0xFFFFFF20] =	vst v63  }
.LBB2_5:
0xb5: {  	s22 =	sadd.s32 $0x4, s22;
	v24 =	vmax.f32 v24, v31;
	v20 =	vmul.f32 v23, v20;
	v23 =	vld [tilespmem:s19+$0x30];
	[tilespmem:s21+$0xFFFFFFA0] =	vst v28;
	v16 =	vmul.f32 v17, v16  }
0xb6: {  	v17 =	vmul.f32 $2.000000030e-01, v27;
	p0 =	slt.u32 s22, $0x2C;
	v28 =	vmax.f32 v29, v32;
	v19 =	vmul.f32 v22, v19;
	[tilespmem:s20+$0x0] =	vst v30;
	v22 =	vld [tilespmem:s19+$0xB0]  }
0xb7: {  	v29 =	vmul.f32 $2.000000030e-01, v26;
	v24 =	vsub.f32 v24, v6;
	v28 =	vsub.f32 v28, v6;
	v30 =	vld [tilespmem:s17+$0x110];
	[tilespmem:s20+$0x80] =	vst v20  }
0xb8: {  	v17 =	vmax.f32 v27, v17;
	v18 =	vmul.f32 v21, v18;
	v20 =	vld [tilespmem:s17+$0x190];
	v15 =	vmul.f32 v25, v15;
	[tilespmem:s21+$0xA0] =	vst v16  }
0xb9: {  	v16 =	vsub.f32 v17, v6;
	v17 =	vmul.f32 $1.442695020e+00, v28;
	[tilespmem:s20+$0xFFFFFF80] =	vst v19;
	v19 =	vperm.xlane v7, v3;
	v21 =	vld [tilespmem:s19+$0x1B0];
	s19 =	smov.u32 s17;
	s17 =	smov.u32 s18;
	s18 =	sadd.s32 $0x200, s18  }
0xba: {  	v25 =	vmax.f32 v26, v29;
	v24 =	vmul.f32 $1.442695020e+00, v24;
	v26 =	vperm.xlane v8, v3;
	v32 =	vld [tilespmem:s18+$0x40];
	[tilespmem:s21+$0x30] =	vst v15  }
0xbb: {  	v15 =	vsub.f32 v25, v6;
	v16 =	vmul.f32 $1.442695020e+00, v16;
	v27 =	vld [tilespmem:s18+$0x1840];
	[tilespmem:s20+$0xFFFFFF00] =	vst v18;
	v14 =	vmul.f32 v22, v14  }
0xbc: {  	v12 =	vmul.f32 v23, v12;
	(erf) = vpow2.f32 v17;
	v17 =	vld [tilespmem:s19+$0x90]  }
0xbd: {  	v15 =	vmul.f32 $1.442695020e+00, v15;
	(erf) = vpow2.f32 v24;
	v18 =	vld [tilespmem:s19+$0x10];
	[tilespmem:s21+$0xFFFFFFB0] =	vst v14  }
0xbe: {  	v22 =	vld [tilespmem:s18+$0x1C0];
	(erf) = vpow2.f32 v16;
	[tilespmem:s21+$0xFFFFFF30] =	vst v12;
	v11 =	vmul.f32 v21, v11  }
0xbf: {  	v12 =	vmul.f32 v20, v19;
	v21 =	vld [tilespmem:s18+$0x18C0];
	(erf) = vpow2.f32 v15  }
0xc0: {  	v14 =	vperm.xlane v10, v3;
	v15 =	vmul.f32 v30, v26;
	v19 =	vld [tilespmem:s18+$0x19C0];
	[tilespmem:s21+$0xB0] =	vst v11;
	s21 =	smov.u32 s20  }
0xc1: {  	v25 =	vld [tilespmem:s18+$0x140];
	v13 =	vmul.f32 v17, v13;
	[tilespmem:s20+$0x90] =	vst v12  }
0xc2: {  	v11 =	vperm.xlane v7, v5;
	v23 =	vld [tilespmem:s18+$0x1940];
	v16 =	vmul.f32 v18, v14;
	[tilespmem:s20+$0x10] =	vst v15  }
0xc3: {  	v12 =	vperm.xlane v10, v5;
	v14 =	vperm.xlane v9, v5;
	s20 =	sadd.s32 $0x200, s20;
	[tilespmem:s21+$0xFFFFFF90] =	vst v13;
	v18 =	vld [tilespmem:s19+$0x120]  }
0xc4: {  	v15 =	vperm.xlane v8, v5;
	[tilespmem:s21+$0xFFFFFF10] =	vst v16;
	v26 =	vld [tilespmem:s19+$0xA0];
	v16 =	vperm.xlane v7, v4  }
0xc5: {  	v28 =	vperm.xlane v9, v4;
	v13 =	vperm.xlane v19, v1;
	v19 =	vpop (erf);
	v17 =	vld [tilespmem:s19+$0x1A0]  }
0xc6: {  	v29 =	vperm.xlane v8, v4;
	v30 =	vperm.xlane v10, v4;
	v7 =	vpop (erf);
	v31 =	vld [tilespmem:s19+$0x20];
	v8 =	vmov v19  }
0xc7: {  	v33 =	vld [tilespmem:s18+$0xC0];
	v24 =	vadd.f32 v13, v22;
	[tilespmem:s20+$0x40] =	vst v8;
	v34 =	vperm.xlane v8, v2;
	v20 =	vperm.xlane v7, v2;
	v9 =	vpop (erf)  }
0xc8: {  	v19 =	vperm.xlane v9, v2;
	v13 =	vperm.xlane v9, v3;
	v35 =	vld [tilespmem:s17+$0x100];
	[tilespmem:s20+$0xC0] =	vst v7;
	v10 =	vpop (erf)  }
.Ltmp1:
0xc9: {  	v36 =	vperm.xlane v23, v1;
	v37 =	vmul.f32 v18, v29;
	[tilespmem:s20+$0xFFFFFFC0] =	vst v9;
	v23 =	vld [tilespmem:s17+$0x180];
	(pc) =	sbr.rel @p0 .LBB2_5-.Ltmp1, $4  }
0xca: {  	v38 =	vperm.xlane v21, v1;
	v18 =	vperm.xlane v10, v2;
	[tilespmem:s20+$0xFFFFFF40] =	vst v10;
	v22 =	vld [tilespmem:s17+$0x80]  }
0xcb: {  	v39 =	vperm.xlane v27, v1;
	v29 =	vadd.f32 v36, v25;
	v21 =	vld [tilespmem:s17+$0x0];
	v36 =	vmul.f32 v31, v30;
	[tilespmem:s21+$0x20] =	vst v37  }
0xcc: {  	v28 =	vmul.f32 v26, v28;
	v31 =	vmul.f32 $2.000000030e-01, v24;
	v27 =	vadd.f32 v38, v33;
	v25 =	vld [tilespmem:s19+$0x130]  }
0xcd: {  	v26 =	vadd.f32 v39, v32;
	v32 =	vmul.f32 $2.000000030e-01, v29;
	v30 =	vmul.f32 v35, v34;
	[tilespmem:s21+$0xFFFFFF20] =	vst v36  }
0xce: {  	_ = 	snop  }
0xcf: {  	v33 =	vmul.f32 $2.000000030e-01, v27;
	v29 =	vmax.f32 v29, v32  }
0xd0: {  	v24 =	vmax.f32 v24, v31;
	v31 =	vmul.f32 $2.000000030e-01, v26;
	v29 =	vsub.f32 v29, v6  }
0xd1: {  	v24 =	vsub.f32 v24, v6;
	v27 =	vmax.f32 v27, v33  }
0xd2: {  	v27 =	vsub.f32 v27, v6;
	v26 =	vmax.f32 v26, v31;
	v29 =	vmul.f32 $1.442695020e+00, v29  }
0xd3: {  	v24 =	vmul.f32 $1.442695020e+00, v24;
	v6 =	vsub.f32 v26, v6  }
0xd4: {  	v26 =	vmul.f32 $1.442695020e+00, v27;
	(erf) = vpow2.f32 v29  }
0xd5: {  	v6 =	vmul.f32 $1.442695020e+00, v6;
	(erf) = vpow2.f32 v24  }
0xd6: {  	(erf) = vpow2.f32 v26  }
0xd7: {  	(erf) = vpow2.f32 v6  }
0xd8: {  	v6 =	vmul.f32 v23, v20  }
0xd9: {  	[tilespmem:s21+$0xFFFFFFA0] =	vst v28;
	v16 =	vmul.f32 v17, v16  }
0xda: {  	[tilespmem:s20+$0x80] =	vst v6;
	v6 =	vmul.f32 v25, v15  }
0xdb: {  	[tilespmem:s20+$0x0] =	vst v30;
	v17 =	vmul.f32 v22, v19  }
0xdc: {  	[tilespmem:s21+$0xA0] =	vst v16  }
0xdd: {  	[tilespmem:s20+$0xFFFFFF80] =	vst v17;
	v15 =	vld [tilespmem:s19+$0xB0];
	v16 =	vpop (erf)  }
0xde: {  	s22 =	sadd.s32 $0x200, s20;
	v17 =	vld [tilespmem:s19+$0x30];
	[tilespmem:s21+$0x30] =	vst v6;
	v6 =	vpop (erf)  }
0xdf: {  	v19 =	vld [tilespmem:s19+$0x1B0];
	[tilespmem:s22+$0x40] =	vst v16;
	v20 =	vpop (erf)  }
0xe0: {  	v22 =	vld [tilespmem:s18+$0x100];
	v23 =	vpop (erf);
	[tilespmem:s22+$0xFFFFFFC0] =	vst v20  }
0xe1: {  	v18 =	vmul.f32 v21, v18;
	[tilespmem:s22+$0xFFFFFF40] =	vst v23;
	v21 =	vld [tilespmem:s18+$0x80]  }
0xe2: {  	v14 =	vmul.f32 v15, v14;
	[tilespmem:s22+$0xC0] =	vst v6;
	v15 =	vld [tilespmem:s18+$0x0]  }
0xe3: {  	[tilespmem:s20+$0xFFFFFF00] =	vst v18;
	v12 =	vmul.f32 v17, v12;
	v17 =	vperm.xlane v16, v2;
	v18 =	vld [tilespmem:s18+$0x180]  }
0xe4: {  	v24 =	vld [tilespmem:s17+$0x110];
	v11 =	vmul.f32 v19, v11;
	[tilespmem:s21+$0xFFFFFFB0] =	vst v14;
	v14 =	vperm.xlane v20, v2  }
0xe5: {  	v19 =	vld [tilespmem:s17+$0x90];
	[tilespmem:s21+$0xFFFFFF30] =	vst v12;
	v12 =	vperm.xlane v23, v2;
	v17 =	vmul.f32 v22, v17  }
0xe6: {  	[tilespmem:s21+$0xB0] =	vst v11;
	v11 =	vperm.xlane v6, v2;
	v22 =	vld [tilespmem:s17+$0x10];
	v14 =	vmul.f32 v21, v14  }
0xe7: {  	v25 =	vperm.xlane v8, v3;
	v21 =	vld [tilespmem:s17+$0x190];
	[tilespmem:s22+$0x0] =	vst v17;
	v12 =	vmul.f32 v15, v12  }
0xe8: {  	v11 =	vmul.f32 v18, v11;
	v15 =	vld [tilespmem:s18+$0x110];
	[tilespmem:s22+$0xFFFFFF80] =	vst v14  }
0xe9: {  	v17 =	vmul.f32 v24, v25;
	v14 =	vperm.xlane v10, v3;
	[tilespmem:s22+$0xFFFFFF00] =	vst v12;
	v12 =	vld [tilespmem:s18+$0x90]  }
0xea: {  	v13 =	vmul.f32 v19, v13;
	v18 =	vperm.xlane v7, v3;
	[tilespmem:s22+$0x80] =	vst v11;
	v11 =	vld [tilespmem:s18+$0x10]  }
0xeb: {  	v19 =	vperm.xlane v16, v3;
	[tilespmem:s20+$0x10] =	vst v17;
	v17 =	vld [tilespmem:s18+$0x190];
	v14 =	vmul.f32 v22, v14  }
0xec: {  	[tilespmem:s20+$0xFFFFFF90] =	vst v13;
	v13 =	vld [tilespmem:s17+$0x120];
	v18 =	vmul.f32 v21, v18;
	v21 =	vperm.xlane v20, v3  }
0xed: {  	v22 =	vperm.xlane v23, v3;
	[tilespmem:s20+$0xFFFFFF10] =	vst v14;
	v14 =	vld [tilespmem:s17+$0xA0];
	v15 =	vmul.f32 v15, v19  }
0xee: {  	v19 =	vperm.xlane v6, v3;
	[tilespmem:s20+$0x90] =	vst v18;
	v18 =	vld [tilespmem:s17+$0x20];
	v12 =	vmul.f32 v12, v21  }
0xef: {  	v24 =	vperm.xlane v8, v4;
	v21 =	vld [tilespmem:s17+$0x1A0];
	[tilespmem:s22+$0x10] =	vst v15;
	v11 =	vmul.f32 v11, v22  }
0xf0: {  	v15 =	vperm.xlane v9, v4;
	v17 =	vmul.f32 v17, v19;
	[tilespmem:s22+$0xFFFFFF90] =	vst v12;
	v12 =	vld [tilespmem:s18+$0x120]  }
0xf1: {  	v19 =	vperm.xlane v10, v4;
	v13 =	vmul.f32 v13, v24;
	[tilespmem:s22+$0xFFFFFF10] =	vst v11;
	v11 =	vld [tilespmem:s18+$0xA0]  }
0xf2: {  	v22 =	vperm.xlane v7, v4;
	[tilespmem:s22+$0x90] =	vst v17;
	v14 =	vmul.f32 v14, v15;
	v15 =	vld [tilespmem:s18+$0x20]  }
0xf3: {  	[tilespmem:s20+$0x20] =	vst v13;
	v13 =	vld [tilespmem:s18+$0x1A0];
	v17 =	vmul.f32 v18, v19;
	v18 =	vperm.xlane v16, v4  }
0xf4: {  	v19 =	vld [tilespmem:s17+$0x130];
	[tilespmem:s20+$0xFFFFFFA0] =	vst v14;
	v14 =	vmul.f32 v21, v22;
	v21 =	vperm.xlane v20, v4  }
0xf5: {  	v22 =	vperm.xlane v23, v4;
	[tilespmem:s20+$0xFFFFFF20] =	vst v17;
	v17 =	vld [tilespmem:s17+$0xB0];
	v12 =	vmul.f32 v12, v18  }
0xf6: {  	v18 =	vld [tilespmem:s17+$0x30];
	[tilespmem:s20+$0xA0] =	vst v14;
	v14 =	vperm.xlane v6, v4;
	v11 =	vmul.f32 v11, v21  }
0xf7: {  	v8 =	vperm.xlane v8, v5;
	v21 =	vld [tilespmem:s17+$0x1B0];
	v15 =	vmul.f32 v15, v22;
	[tilespmem:s22+$0x20] =	vst v12  }
0xf8: {  	v9 =	vperm.xlane v9, v5;
	v12 =	vld [tilespmem:s18+$0x130];
	[tilespmem:s22+$0xFFFFFFA0] =	vst v11;
	v11 =	vmul.f32 v13, v14  }
0xf9: {  	v10 =	vperm.xlane v10, v5;
	v8 =	vmul.f32 v19, v8;
	[tilespmem:s22+$0xFFFFFF20] =	vst v15;
	v13 =	vld [tilespmem:s18+$0xB0]  }
0xfa: {  	v7 =	vperm.xlane v7, v5;
	v9 =	vmul.f32 v17, v9;
	v14 =	vld [tilespmem:s18+$0x30];
	[tilespmem:s22+$0xA0] =	vst v11  }
0xfb: {  	[tilespmem:s20+$0x30] =	vst v8;
	v8 =	vmul.f32 v18, v10;
	v10 =	vperm.xlane v16, v5;
	v11 =	vld [tilespmem:s18+$0x1B0]  }
0xfc: {  	[tilespmem:s20+$0xFFFFFFB0] =	vst v9;
	v7 =	vmul.f32 v21, v7;
	v9 =	vperm.xlane v20, v5  }
0xfd: {  	[tilespmem:s20+$0xFFFFFF30] =	vst v8;
	v8 =	vperm.xlane v23, v5;
	v10 =	vmul.f32 v12, v10  }
0xfe: {  	v6 =	vperm.xlane v6, v5;
	[tilespmem:s20+$0xB0] =	vst v7;
	v7 =	vmul.f32 v13, v9  }
0xff: {  	[tilespmem:s22+$0x30] =	vst v10;
	v8 =	vmul.f32 v14, v8  }
0x100: {  	[tilespmem:s22+$0xFFFFFFB0] =	vst v7;
	v6 =	vmul.f32 v11, v6  }
0x101: {  	[tilespmem:s22+$0xFFFFFF30] =	vst v8  }
0x102: {  	[tilespmem:s22+$0xB0] =	vst v6  }
0x103: {  	[spmem:s2] =	stream.indirect.scatter.add.f32 [tilespmem:s28], [sflag:$0x3], $0x80, s3, s9, $0xb8;
	[tilespmem:$0x1BA00] =	vst v63  }
0x104: {  	_ =	swait.ge [sflag:s29], $0x1800  }
0x105: {  	p0 =	seq.s32 s14, $0x6B;
	[sflag:s29] =	ssyncset.done $0x0  }
0x106: {  	s16 =	sadd.s32 @!p0 s10, s16;
	[sflag:s29] =	ssyncadd.s32 $0xFFFFE800  }
0x107: {  	s16 =	smul.u32 @!p0 $0xC, s16;
	_ =	swait.ge [sflag:s12], $0x3000  }
0x108: {  	[sflag:s12] =	ssyncset.done $0x0  }
0x109: {  	s16 =	sadd.s32 @!p0 s6, s16;
	s17 =	simm.s32 @!p0 $0x0;
	[sflag:s12] =	ssyncadd.s32 $0xFFFFD000  }
0x10a: {  	[tilespmem:s17], [sflag:$0x3] =	stream.linear.gather @!p0 [hbm4b:s16+s17], $0x60, $0x38;
	[tilespmem:$0x1BA00] =	vst v63  }
0x10b: {  	s16 =	simm.s32 @!p0 $0x3  }
0x10c: {  	_ =	swait.ge @!p0 [sflag:s16], $0x60  }
0x10d: {  	s15 =	smul.u32 $0x6, s15;
	[sflag:s16] =	ssyncset.done @!p0 $0x0  }
0x10e: {  	s18 =	simm.s32 @!p0 $0x180;
	[sflag:s16] =	ssyncadd.s32 @!p0 $0xFFFFFFA0;
	s16 =	simm.s32 @!p0 $0x60  }
0x10f: {  	[tilespmem:s18], [sflag:$0x1] =	stream.indirect.gather @!p0 [hbm4b:s5+s16], $0x80, s17, s16, $0xb8;
	[tilespmem:$0x1BA00] =	vst v63  }
0x110: {  	s15 =	sadd.s32 s7, s15  }
0x111: {  	[tilespmem:s3], [sflag:$0x3] =	stream.linear.gather [hbm4b:s15+s4], $0x30, $0x38;
	[tilespmem:$0x1BA00] =	vst v63  }
0x112: {  	_ =	swait.ge [sflag:s29], $0x30  }
0x113: {  	[sflag:s29] =	ssyncset.done $0x0  }
0x114: {  	s17 =	simm.s32 $0x3180;
	[sflag:s29] =	ssyncadd.s32 $0xFFFFFFD0  }
0x115: {  	v8 =	vld [tilespmem:s17+$0x18C0]  }
0x116: {  	v6 =	vld [tilespmem:s17+$0x1940]  }
0x117: {  	v9 =	vld [tilespmem:s17+$0x19C0]  }
0x118: {  	v10 =	vld [tilespmem:s17+$0x140]  }
0x119: {  	v11 =	vld [tilespmem:s17+$0x1C0]  }
0x11a: {  	v7 =	vld [tilespmem:s17+$0x1840]  }
0x11b: {  	v12 =	vld [tilespmem:s17+$0xC0];
	v14 =	vperm.xlane v6, v1  }
0x11c: {  	v13 =	vld [tilespmem:s17+$0x40];
	v9 =	vperm.xlane v9, v1  }
0x11d: {  	v6 =	vld [tilespmem:$0x7980];
	v10 =	vadd.f32 v14, v10  }
0x11e: {  	v8 =	vperm.xlane v8, v1;
	v9 =	vadd.f32 v9, v11  }
0x11f: {  	v7 =	vperm.xlane v7, v1;
	v11 =	vmul.f32 $2.000000030e-01, v10  }
0x120: {  	v8 =	vadd.f32 v8, v12;
	v12 =	vmul.f32 $2.000000030e-01, v9  }
0x121: {  	v7 =	vadd.f32 v7, v13;
	v10 =	vmax.f32 v10, v11  }
0x122: {  	v13 =	vmul.f32 $2.000000030e-01, v8;
	v9 =	vmax.f32 v9, v12;
	v10 =	vsub.f32 v10, v6  }
0x123: {  	v11 =	vmul.f32 $2.000000030e-01, v7;
	v9 =	vsub.f32 v9, v6  }
0x124: {  	v8 =	vmax.f32 v8, v13;
	v10 =	vmul.f32 $1.442695020e+00, v10  }
0x125: {  	s15 =	simm.s32 $0x3380;
	v8 =	vsub.f32 v8, v6;
	v7 =	vmax.f32 v7, v11;
	v9 =	vmul.f32 $1.442695020e+00, v9  }
0x126: {  	v14 =	vld [tilespmem:s15+$0xC0];
	v7 =	vsub.f32 v7, v6;
	(erf) = vpow2.f32 v10  }
0x127: {  	v12 =	vld [tilespmem:s15+$0x140];
	v8 =	vmul.f32 $1.442695020e+00, v8;
	(erf) = vpow2.f32 v9  }
0x128: {  	v7 =	vmul.f32 $1.442695020e+00, v7;
	v10 =	vld [tilespmem:s15+$0x1940]  }
0x129: {  	v11 =	vld [tilespmem:s15+$0x18C0];
	(erf) = vpow2.f32 v8  }
0x12a: {  	v9 =	vld [tilespmem:s15+$0x19C0];
	(erf) = vpow2.f32 v7  }
0x12b: {  	v13 =	vld [tilespmem:s15+$0x1840]  }
0x12c: {  	v7 =	vld [tilespmem:s15+$0x1C0]  }
0x12d: {  	v10 =	vperm.xlane v10, v1  }
0x12e: {  	v8 =	vld [tilespmem:s15+$0x40];
	v11 =	vperm.xlane v11, v1  }
0x12f: {  	s19 =	simm.s32 $0x6280;
	v9 =	vperm.xlane v9, v1;
	v10 =	vadd.f32 v10, v12;
	v17 =	vpop (erf)  }
0x130: {  	v11 =	vadd.f32 v11, v14;
	v16 =	vpop (erf);
	[tilespmem:s19+$0x40] =	vst v17  }
0x131: {  	v12 =	vperm.xlane v13, v1;
	v7 =	vadd.f32 v9, v7;
	v14 =	vmul.f32 $2.000000030e-01, v10;
	v15 =	vld [tilespmem:s17+$0x100];
	[tilespmem:s19+$0xC0] =	vst v16  }
0x132: {  	v18 =	vpop (erf);
	v21 =	vld [tilespmem:s17+$0x180]  }
0x133: {  	v8 =	vadd.f32 v12, v8;
	v24 =	vmul.f32 $2.000000030e-01, v7;
	v10 =	vmax.f32 v10, v14;
	v20 =	vpop (erf);
	[tilespmem:s19+$0xFFFFFFC0] =	vst v18  }
0x134: {  	v9 =	vperm.xlane v17, v2;
	v19 =	vperm.xlane v16, v2;
	v10 =	vsub.f32 v10, v6;
	[tilespmem:s19+$0xFFFFFF40] =	vst v20;
	v23 =	vld [tilespmem:s17+$0x80]  }
0x135: {  	v22 =	vperm.xlane v18, v2;
	v7 =	vmax.f32 v7, v24;
	v25 =	vperm.xlane v20, v2;
	v13 =	vld [tilespmem:s17+$0x0]  }
0x136: {  	s16 =	simm.s32 $0x3580;
	v7 =	vsub.f32 v7, v6;
	v10 =	vmul.f32 $1.442695020e+00, v10;
	v9 =	vmul.f32 v15, v9  }
0x137: {  	v26 =	vld [tilespmem:s16+$0x40];
	v15 =	vmul.f32 $2.000000030e-01, v11;
	v12 =	vmul.f32 v21, v19  }
0x138: {  	v27 =	vld [tilespmem:s16+$0x140];
	v7 =	vmul.f32 $1.442695020e+00, v7;
	[tilespmem:s19+$0x0] =	vst v9;
	v9 =	vmul.f32 $2.000000030e-01, v8  }
0x139: {  	(erf) = vpow2.f32 v10;
	v21 =	vld [tilespmem:s16+$0x1840];
	v14 =	vmul.f32 v23, v22;
	v11 =	vmax.f32 v11, v15;
	[tilespmem:s19+$0x80] =	vst v12  }
0x13a: {  	v12 =	vmul.f32 v13, v25;
	v11 =	vsub.f32 v11, v6;
	v13 =	vld [tilespmem:s17+$0x190];
	v8 =	vmax.f32 v8, v9  }
0x13b: {  	v30 =	vperm.xlane v18, v4;
	(erf) = vpow2.f32 v7;
	v19 =	vld [tilespmem:s17+$0x110];
	[tilespmem:s19+$0xFFFFFF80] =	vst v14;
	v8 =	vsub.f32 v8, v6  }
0x13c: {  	v9 =	vperm.xlane v18, v3;
	v11 =	vmul.f32 $1.442695020e+00, v11;
	[tilespmem:s19+$0xFFFFFF00] =	vst v12;
	v10 =	vld [tilespmem:s17+$0x90]  }
0x13d: {  	v12 =	vperm.xlane v16, v3;
	v7 =	vld [tilespmem:s17+$0x10];
	v8 =	vmul.f32 $1.442695020e+00, v8  }
0x13e: {  	v23 =	vld [tilespmem:s16+$0x1940];
	(erf) = vpow2.f32 v11;
	v11 =	vperm.xlane v17, v3  }
0x13f: {  	v25 =	vld [tilespmem:s16+$0x18C0];
	(erf) = vpow2.f32 v8;
	v13 =	vmul.f32 v13, v12  }
0x140: {  	v8 =	vld [tilespmem:s16+$0x19C0];
	v12 =	vperm.xlane v20, v3;
	v14 =	vmul.f32 v19, v11  }
0x141: {  	v62 =	vld [tilespmem:s16+$0xC0];
	v31 =	vperm.xlane v20, v4;
	v9 =	vmul.f32 v10, v9  }
0x142: {  	v22 =	vld [tilespmem:s16+$0x1C0];
	v15 =	vperm.xlane v17, v5;
	v7 =	vmul.f32 v7, v12;
	[tilespmem:s19+$0x10] =	vst v14  }
0x143: {  	v38 =	vperm.xlane v21, v1;
	v36 =	vperm.xlane v23, v1;
	[tilespmem:s19+$0xFFFFFF90] =	vst v9;
	v24 =	vld [tilespmem:s17+$0x120]  }
0x144: {  	v25 =	vperm.xlane v25, v1;
	v11 =	vperm.xlane v16, v5;
	[tilespmem:s19+$0xFFFFFF10] =	vst v7;
	v28 =	vld [tilespmem:s17+$0xA0]  }
0x145: {  	s18 =	simm.s32 $0x6480;
	v16 =	vperm.xlane v16, v4;
	[tilespmem:s19+$0x90] =	vst v13;
	v29 =	vperm.xlane v8, v1;
	v8 =	vpop (erf);
	v61 =	vld [tilespmem:s17+$0x20]  }
0x146: {  	v14 =	vperm.xlane v18, v5;
	v18 =	vperm.xlane v17, v4;
	v17 =	vld [tilespmem:s17+$0x1A0];
	v7 =	vpop (erf);
	[tilespmem:s18+$0x40] =	vst v8  }
0x147: {  	v12 =	vperm.xlane v20, v5;
	v34 =	vperm.xlane v8, v2;
	v9 =	vpop (erf);
	v35 =	vld [tilespmem:s15+$0x100];
	[tilespmem:s18+$0xC0] =	vst v7  }
0x148: {  	v20 =	vperm.xlane v7, v2;
	v37 =	vmul.f32 v24, v18;
	[tilespmem:s18+$0xFFFFFFC0] =	vst v9;
	v23 =	vld [tilespmem:s15+$0x180];
	v10 =	vpop (erf)  }
0x149: {  	v19 =	vperm.xlane v9, v2;
	v13 =	vperm.xlane v9, v3;
	v24 =	vadd.f32 v29, v22;
	v22 =	vld [tilespmem:s15+$0x80];
	[tilespmem:s18+$0xFFFFFF40] =	vst v10  }
0x14a: {  	v29 =	vadd.f32 v36, v27;
	v28 =	vmul.f32 v28, v30;
	v63 =	vmul.f32 v61, v31;
	[tilespmem:s19+$0x20] =	vst v37;
	v21 =	vld [tilespmem:s15+$0x0]  }
0x14b: {  	v27 =	vadd.f32 v25, v62;
	v18 =	vperm.xlane v10, v2;
	v31 =	vmul.f32 $2.000000030e-01, v24;
	v25 =	vld [tilespmem:s17+$0x130]  }
0x14c: {  	s20 =	simm.s32 $0x8;
	v26 =	vadd.f32 v38, v26;
	v32 =	vmul.f32 $2.000000030e-01, v29;
	v30 =	vmul.f32 v35, v34;
	[tilespmem:s19+$0xFFFFFF20] =	vst v63  }
.LBB2_7:
0x14d: {  	s20 =	sadd.s32 $0x4, s20;
	v24 =	vmax.f32 v24, v31;
	v20 =	vmul.f32 v23, v20;
	v23 =	vld [tilespmem:s17+$0x30];
	[tilespmem:s19+$0xFFFFFFA0] =	vst v28;
	v16 =	vmul.f32 v17, v16  }
0x14e: {  	v17 =	vmul.f32 $2.000000030e-01, v27;
	p0 =	slt.u32 s20, $0x2C;
	v28 =	vmax.f32 v29, v32;
	v19 =	vmul.f32 v22, v19;
	[tilespmem:s18+$0x0] =	vst v30;
	v22 =	vld [tilespmem:s17+$0xB0]  }
0x14f: {  	v29 =	vmul.f32 $2.000000030e-01, v26;
	v24 =	vsub.f32 v24, v6;
	v28 =	vsub.f32 v28, v6;
	v30 =	vld [tilespmem:s15+$0x110];
	[tilespmem:s18+$0x80] =	vst v20  }
0x150: {  	v17 =	vmax.f32 v27, v17;
	v18 =	vmul.f32 v21, v18;
	v20 =	vld [tilespmem:s15+$0x190];
	v15 =	vmul.f32 v25, v15;
	[tilespmem:s19+$0xA0] =	vst v16  }
0x151: {  	v16 =	vsub.f32 v17, v6;
	v17 =	vmul.f32 $1.442695020e+00, v28;
	[tilespmem:s18+$0xFFFFFF80] =	vst v19;
	v19 =	vperm.xlane v7, v3;
	v21 =	vld [tilespmem:s17+$0x1B0];
	s17 =	smov.u32 s15;
	s15 =	smov.u32 s16;
	s16 =	sadd.s32 $0x200, s16  }
0x152: {  	v25 =	vmax.f32 v26, v29;
	v24 =	vmul.f32 $1.442695020e+00, v24;
	v26 =	vperm.xlane v8, v3;
	v32 =	vld [tilespmem:s16+$0x40];
	[tilespmem:s19+$0x30] =	vst v15  }
0x153: {  	v15 =	vsub.f32 v25, v6;
	v16 =	vmul.f32 $1.442695020e+00, v16;
	v27 =	vld [tilespmem:s16+$0x1840];
	[tilespmem:s18+$0xFFFFFF00] =	vst v18;
	v14 =	vmul.f32 v22, v14  }
0x154: {  	v12 =	vmul.f32 v23, v12;
	(erf) = vpow2.f32 v17;
	v17 =	vld [tilespmem:s17+$0x90]  }
0x155: {  	v15 =	vmul.f32 $1.442695020e+00, v15;
	(erf) = vpow2.f32 v24;
	v18 =	vld [tilespmem:s17+$0x10];
	[tilespmem:s19+$0xFFFFFFB0] =	vst v14  }
0x156: {  	v22 =	vld [tilespmem:s16+$0x1C0];
	(erf) = vpow2.f32 v16;
	[tilespmem:s19+$0xFFFFFF30] =	vst v12;
	v11 =	vmul.f32 v21, v11  }
0x157: {  	v12 =	vmul.f32 v20, v19;
	v21 =	vld [tilespmem:s16+$0x18C0];
	(erf) = vpow2.f32 v15  }
0x158: {  	v14 =	vperm.xlane v10, v3;
	v15 =	vmul.f32 v30, v26;
	v19 =	vld [tilespmem:s16+$0x19C0];
	[tilespmem:s19+$0xB0] =	vst v11;
	s19 =	smov.u32 s18  }
0x159: {  	v25 =	vld [tilespmem:s16+$0x140];
	v13 =	vmul.f32 v17, v13;
	[tilespmem:s18+$0x90] =	vst v12  }
0x15a: {  	v11 =	vperm.xlane v7, v5;
	v23 =	vld [tilespmem:s16+$0x1940];
	v16 =	vmul.f32 v18, v14;
	[tilespmem:s18+$0x10] =	vst v15  }
0x15b: {  	v12 =	vperm.xlane v10, v5;
	v14 =	vperm.xlane v9, v5;
	s18 =	sadd.s32 $0x200, s18;
	[tilespmem:s19+$0xFFFFFF90] =	vst v13;
	v18 =	vld [tilespmem:s17+$0x120]  }
0x15c: {  	v15 =	vperm.xlane v8, v5;
	[tilespmem:s19+$0xFFFFFF10] =	vst v16;
	v26 =	vld [tilespmem:s17+$0xA0];
	v16 =	vperm.xlane v7, v4  }
0x15d: {  	v28 =	vperm.xlane v9, v4;
	v13 =	vperm.xlane v19, v1;
	v19 =	vpop (erf);
	v17 =	vld [tilespmem:s17+$0x1A0]  }
0x15e: {  	v29 =	vperm.xlane v8, v4;
	v30 =	vperm.xlane v10, v4;
	v7 =	vpop (erf);
	v31 =	vld [tilespmem:s17+$0x20];
	v8 =	vmov v19  }
0x15f: {  	v33 =	vld [tilespmem:s16+$0xC0];
	v24 =	vadd.f32 v13, v22;
	[tilespmem:s18+$0x40] =	vst v8;
	v34 =	vperm.xlane v8, v2;
	v20 =	vperm.xlane v7, v2;
	v9 =	vpop (erf)  }
0x160: {  	v19 =	vperm.xlane v9, v2;
	v13 =	vperm.xlane v9, v3;
	v35 =	vld [tilespmem:s15+$0x100];
	[tilespmem:s18+$0xC0] =	vst v7;
	v10 =	vpop (erf)  }
.Ltmp2:
0x161: {  	v36 =	vperm.xlane v23, v1;
	v37 =	vmul.f32 v18, v29;
	[tilespmem:s18+$0xFFFFFFC0] =	vst v9;
	v23 =	vld [tilespmem:s15+$0x180];
	(pc) =	sbr.rel @p0 .LBB2_7-.Ltmp2, $4  }
0x162: {  	v38 =	vperm.xlane v21, v1;
	v18 =	vperm.xlane v10, v2;
	[tilespmem:s18+$0xFFFFFF40] =	vst v10;
	v22 =	vld [tilespmem:s15+$0x80]  }
0x163: {  	v39 =	vperm.xlane v27, v1;
	v29 =	vadd.f32 v36, v25;
	v21 =	vld [tilespmem:s15+$0x0];
	v36 =	vmul.f32 v31, v30;
	[tilespmem:s19+$0x20] =	vst v37  }
0x164: {  	v28 =	vmul.f32 v26, v28;
	v31 =	vmul.f32 $2.000000030e-01, v24;
	v27 =	vadd.f32 v38, v33;
	v25 =	vld [tilespmem:s17+$0x130]  }
0x165: {  	v26 =	vadd.f32 v39, v32;
	v32 =	vmul.f32 $2.000000030e-01, v29;
	v30 =	vmul.f32 v35, v34;
	[tilespmem:s19+$0xFFFFFF20] =	vst v36  }
0x166: {  	_ = 	snop  }
0x167: {  	v37 =	vmul.f32 $2.000000030e-01, v27;
	v29 =	vmax.f32 v29, v32  }
0x168: {  	v24 =	vmax.f32 v24, v31;
	v38 =	vmul.f32 $2.000000030e-01, v26;
	v29 =	vsub.f32 v29, v6  }
0x169: {  	v24 =	vsub.f32 v24, v6;
	v27 =	vmax.f32 v27, v37  }
0x16a: {  	v27 =	vsub.f32 v27, v6;
	v26 =	vmax.f32 v26, v38;
	v29 =	vmul.f32 $1.442695020e+00, v29  }
0x16b: {  	v24 =	vmul.f32 $1.442695020e+00, v24;
	v6 =	vsub.f32 v26, v6  }
0x16c: {  	v39 =	vmul.f32 $1.442695020e+00, v27;
	(erf) = vpow2.f32 v29  }
0x16d: {  	v6 =	vmul.f32 $1.442695020e+00, v6;
	(erf) = vpow2.f32 v24  }
0x16e: {  	(erf) = vpow2.f32 v39  }
0x16f: {  	(erf) = vpow2.f32 v6  }
0x170: {  	[tilespmem:s19+$0xFFFFFFA0] =	vst v28;
	v6 =	vmul.f32 v23, v20  }
0x171: {  	v16 =	vmul.f32 v17, v16;
	[tilespmem:s18+$0x0] =	vst v30  }
0x172: {  	v40 =	vmul.f32 v22, v19;
	[tilespmem:s18+$0x80] =	vst v6;
	v6 =	vmul.f32 v25, v15  }
0x173: {  	[tilespmem:s19+$0xA0] =	vst v16  }
0x174: {  	v42 =	vld [tilespmem:s17+$0x30];
	[tilespmem:s18+$0xFFFFFF80] =	vst v40  }
0x175: {  	s20 =	sadd.s32 $0x200, s18;
	v41 =	vld [tilespmem:s17+$0xB0];
	[tilespmem:s19+$0x30] =	vst v6;
	v16 =	vpop (erf)  }
0x176: {  	v43 =	vld [tilespmem:s17+$0x1B0];
	v6 =	vpop (erf);
	[tilespmem:s20+$0x40] =	vst v16  }
0x177: {  	v20 =	vpop (erf);
	v44 =	vld [tilespmem:s16+$0x100];
	[tilespmem:s20+$0xC0] =	vst v6  }
0x178: {  	v18 =	vmul.f32 v21, v18;
	v23 =	vpop (erf);
	[tilespmem:s20+$0xFFFFFFC0] =	vst v20;
	v48 =	vld [tilespmem:s16+$0x180]  }
0x179: {  	v12 =	vmul.f32 v42, v12;
	[tilespmem:s20+$0xFFFFFF40] =	vst v23;
	v45 =	vld [tilespmem:s16+$0x80]  }
0x17a: {  	[tilespmem:s18+$0xFFFFFF00] =	vst v18;
	v14 =	vmul.f32 v41, v14;
	v47 =	vperm.xlane v16, v2;
	v46 =	vld [tilespmem:s16+$0x0]  }
0x17b: {  	v49 =	vld [tilespmem:s15+$0x110];
	[tilespmem:s19+$0xFFFFFF30] =	vst v12;
	v11 =	vmul.f32 v43, v11;
	v54 =	vperm.xlane v6, v2  }
0x17c: {  	[tilespmem:s19+$0xFFFFFFB0] =	vst v14;
	v55 =	vld [tilespmem:s15+$0x190];
	v50 =	vperm.xlane v20, v2;
	v17 =	vmul.f32 v44, v47  }
0x17d: {  	v51 =	vld [tilespmem:s15+$0x90];
	[tilespmem:s19+$0xB0] =	vst v11;
	v52 =	vperm.xlane v23, v2;
	v11 =	vmul.f32 v48, v54  }
0x17e: {  	v56 =	vperm.xlane v8, v3;
	v53 =	vld [tilespmem:s15+$0x10];
	v14 =	vmul.f32 v45, v50;
	[tilespmem:s20+$0x0] =	vst v17  }
0x17f: {  	v61 =	vperm.xlane v7, v3;
	v12 =	vmul.f32 v46, v52;
	v57 =	vld [tilespmem:s16+$0x110];
	[tilespmem:s20+$0x80] =	vst v11  }
0x180: {  	v59 =	vmul.f32 v49, v56;
	[tilespmem:s20+$0xFFFFFF80] =	vst v14;
	v63 =	vld [tilespmem:s16+$0x190]  }
0x181: {  	v58 =	vperm.xlane v10, v3;
	v18 =	vmul.f32 v55, v61;
	[tilespmem:s20+$0xFFFFFF00] =	vst v12;
	v60 =	vld [tilespmem:s16+$0x90]  }
0x182: {  	v13 =	vmul.f32 v51, v13;
	[tilespmem:s18+$0x10] =	vst v59;
	v28 =	vperm.xlane v16, v3;
	v62 =	vld [tilespmem:s16+$0x10]  }
0x183: {  	v29 =	vld [tilespmem:s15+$0x120];
	v34 =	vperm.xlane v6, v3;
	[tilespmem:s18+$0x90] =	vst v18;
	v14 =	vmul.f32 v53, v58  }
0x184: {  	[tilespmem:s18+$0xFFFFFF90] =	vst v13;
	v30 =	vperm.xlane v20, v3;
	v35 =	vld [tilespmem:s15+$0x1A0];
	v15 =	vmul.f32 v57, v28  }
0x185: {  	v31 =	vld [tilespmem:s15+$0xA0];
	v32 =	vperm.xlane v23, v3;
	[tilespmem:s18+$0xFFFFFF10] =	vst v14;
	v17 =	vmul.f32 v63, v34  }
0x186: {  	v36 =	vperm.xlane v8, v4;
	v33 =	vld [tilespmem:s15+$0x20];
	v12 =	vmul.f32 v60, v30;
	[tilespmem:s20+$0x10] =	vst v15  }
0x187: {  	v41 =	vperm.xlane v7, v4;
	v11 =	vmul.f32 v62, v32;
	v38 =	vld [tilespmem:s16+$0x120];
	[tilespmem:s20+$0x90] =	vst v17  }
0x188: {  	v37 =	vperm.xlane v9, v4;
	v13 =	vmul.f32 v29, v36;
	[tilespmem:s20+$0xFFFFFF90] =	vst v12;
	v44 =	vld [tilespmem:s16+$0x1A0]  }
0x189: {  	v39 =	vperm.xlane v10, v4;
	v47 =	vmul.f32 v35, v41;
	[tilespmem:s20+$0xFFFFFF10] =	vst v11;
	v40 =	vld [tilespmem:s16+$0xA0]  }
0x18a: {  	[tilespmem:s18+$0x20] =	vst v13;
	v45 =	vperm.xlane v16, v4;
	v14 =	vmul.f32 v31, v37;
	v42 =	vld [tilespmem:s16+$0x20]  }
0x18b: {  	v46 =	vld [tilespmem:s15+$0x130];
	v52 =	vperm.xlane v6, v4;
	[tilespmem:s18+$0xA0] =	vst v47;
	v43 =	vmul.f32 v33, v39  }
0x18c: {  	v48 =	vperm.xlane v20, v4;
	v54 =	vld [tilespmem:s15+$0x1B0];
	[tilespmem:s18+$0xFFFFFFA0] =	vst v14;
	v12 =	vmul.f32 v38, v45  }
0x18d: {  	v50 =	vperm.xlane v23, v4;
	v49 =	vld [tilespmem:s15+$0xB0];
	[tilespmem:s18+$0xFFFFFF20] =	vst v43;
	v56 =	vmul.f32 v44, v52  }
0x18e: {  	v53 =	vperm.xlane v8, v5;
	v51 =	vld [tilespmem:s15+$0x30];
	v11 =	vmul.f32 v40, v48;
	[tilespmem:s20+$0x20] =	vst v12  }
0x18f: {  	v7 =	vperm.xlane v7, v5;
	v15 =	vmul.f32 v42, v50;
	v12 =	vld [tilespmem:s16+$0x130];
	[tilespmem:s20+$0xA0] =	vst v56  }
0x190: {  	v55 =	vperm.xlane v9, v5;
	v8 =	vmul.f32 v46, v53;
	[tilespmem:s20+$0xFFFFFFA0] =	vst v11;
	v11 =	vld [tilespmem:s16+$0x1B0]  }
0x191: {  	v57 =	vperm.xlane v10, v5;
	v7 =	vmul.f32 v54, v7;
	[tilespmem:s20+$0xFFFFFF20] =	vst v15;
	v58 =	vld [tilespmem:s16+$0xB0]  }
0x192: {  	v61 =	vperm.xlane v16, v5;
	[tilespmem:s18+$0x30] =	vst v8;
	v9 =	vmul.f32 v49, v55;
	v59 =	vld [tilespmem:s16+$0x30]  }
0x193: {  	v6 =	vperm.xlane v6, v5;
	[tilespmem:s18+$0xB0] =	vst v7;
	v60 =	vmul.f32 v51, v57  }
0x194: {  	v62 =	vperm.xlane v20, v5;
	[tilespmem:s18+$0xFFFFFFB0] =	vst v9;
	v10 =	vmul.f32 v12, v61  }
0x195: {  	v63 =	vperm.xlane v23, v5;
	[tilespmem:s18+$0xFFFFFF30] =	vst v60;
	v6 =	vmul.f32 v11, v6  }
0x196: {  	v7 =	vmul.f32 v58, v62;
	[tilespmem:s20+$0x30] =	vst v10  }
0x197: {  	s14 =	sadd.s32 $0x1, s14;
	v8 =	vmul.f32 v59, v63;
	[tilespmem:s20+$0xB0] =	vst v6  }
0x198: {  	p0 =	sne.s32 s14, $0x6C;
	[tilespmem:s20+$0xFFFFFFB0] =	vst v7  }
.Ltmp3:
0x199: {  	[tilespmem:s20+$0xFFFFFF30] =	vst v8;
	(pc) =	sbr.rel @p0 .LBB2_4-.Ltmp3, $4  }
0x19a: {  	[spmem:s2] =	stream.indirect.scatter.add.f32 [tilespmem:s28], [sflag:$0x3], $0x80, s3, s9, $0xb8;
	[tilespmem:$0x1BA00] =	vst v63  }
0x19b: {  	_ =	swait.ge [sflag:s29], $0x1800  }
0x19c: {  	[sflag:s29] =	ssyncset.done $0x0  }
0x19d: {  	[sflag:s29] =	ssyncadd.s32 $0xFFFFE800  }
0x19e: {  	s14 =	stileid.u32  }
0x19f: {  	[bflag:$0x0] =	sbarrier.arrive $0xFFFF;
	s14 =	sshll.u32 s14, $0x6  }
0x1a0: {  	s15 =	sshrl.u32 s11, $0x3;
	s16 =	rddreg [dreg:$0x5];
	s14 =	sor.u32 $0x1C03, s14  }
0x1a1: {  	[hbm:s16], [sflag:s14] =	dma.local [spmem:s15], $0x2800  }
0x1a2: {  	_ =	swait.ge [sflag:s29], $0x2800  }
0x1a3: {  	s13 =	sadd.s32 $0x1, s13;
	s22 =	rddreg [dreg:$0x6]  }
0x1a4: {  	p0 =	sne.s32 s13, s22  }
.Ltmp4:
0x1a5: {  	_ = 	snop;
	(pc) =	sbr.rel @p0 .LBB2_1-.Ltmp4, $3  }
0x1a6: {  	_ =	sdelay $0x1  }
0x1a7: {  	[sflag:s29] =	ssyncset.done $0x0  }
0x1a8: {  	[sflag:s29] =	ssyncadd.s32 $0xFFFFD800  }
0x1a9: {  	_ =	sfence.sel $0x180000  }
0x1aa: {  	[bflag:$0x0] =	sbarrier.arrive $0xFFFF  }
0x1ab: {  	_ =	strace $0x9000004A  }
0x1ac: {  	s0 =	stileid.u32;
	[bflag:$0x2] =	sbarrier.arrive $0xFFFF  }
0x1ad: {  	p0 =	sne.s32 s0, $0x0;
	s0 =	rddreg [dreg:$0x3]  }
0x1ae: {  	s0 =	sadd.s32 @!p0 $0x100000, s0  }
0x1af: {  	[sflag:s0] =	ssyncadd.tile.s32 @!p0 $0x1;
	_ =	shalt  }
.Lfunc_end2:
_tile_overlayer_lowered:
.L_overlay_start_2:
0x1b0: {  	(tag) =	ssettag $0x2  }
0x1b1: {  	s0 =	rddreg [dreg:$0x0];
	s2 =	stileid.u32  }
0x1b2: {  	s1 =	rddreg [dreg:$0x1];
	p0 =	sne.s32 s2, $0x0  }
0x1b3: {  	s3 =	rddreg [dreg:$0x2];
	[bflag:$0x3] =	sbarrier.arrive $0xFFFF;
	s2 =	simm.s32 @!p0 $0x1C03  }
0x1b4: {  	[timem:s3], [sflag:s2] =	dma.local @!p0 [hbm:s0], s1  }
0x1b5: {  	s0 =	simm.s32 @!p0 $0x3  }
0x1b6: {  	_ =	swait.ge @!p0 [sflag:s0], s1  }
0x1b7: {  	s1 =	ssub.s32 @!p0 $0x0, s1;
	[sflag:s0] =	ssyncset.done @!p0 $0x0  }
0x1b8: {  	[sflag:s0] =	ssyncadd.s32 @!p0 s1  }
0x1b9: {  	[bflag:$0x3] =	sbarrier.arrive $0xFFFF  }
0x1ba: {  	_ =	shalt  }

// kernel: kernel.18.cloned.1.call-start
scs
__scs_entry_jumppad:
0x0: {  	(pc) =	sbr.rel $0x88, $3  }
0x1: {  	(tag) =	ssettag $0x0;
	lr =	simm.s32 $0x1  }
0x2: {  	[smem:$0x3F87] =	sst lr;
	_ =	strace $0xD0000000  }
0x3: {  	_ = 	snop  }
0x4: {  	_ = 	snop  }
0x5: {  	_ = 	snop  }
0x6: {  	_ = 	snop  }
0x7: {  	_ = 	snop  }
__scs_overlays_trampoline_lowered:
0x8: {  	[smem:$0x3F96] =	sst s0  }
0x9: {  	[smem:$0x3F97] =	sst s1  }
0xa: {  	[smem:$0x3F98] =	sst s2  }
0xb: {  	[smem:$0x3F99] =	sst s3  }
0xc: {  	[smem:$0x3F9A] =	sst s4  }
0xd: {  	[smem:$0x3F9B] =	sst s5  }
0xe: {  	[smem:$0x3F9C] =	sst s6  }
0xf: {  	[smem:$0x3F9D] =	sst s7  }
0x10: {  	[smem:$0x3F9E] =	sst s8  }
0x11: {  	[smem:$0x3F9F] =	sst s9;
	s0 =	simm.s32 @!p0 $0x0  }
0x12: {  	s1 =	sld [smem:$0x3F85];
	s0 =	simm.s32 @p0 $0x1  }
0x13: {  	[smem:$0x3FA0] =	sst s0;
	s0 =	simm.s32 @!p1 $0x0  }
0x14: {  	s2 =	sld [smem:$0x3F84];
	s0 =	simm.s32 @p1 $0x1  }
0x15: {  	[smem:$0x3FA1] =	sst s0;
	s0 =	simm.s32 @!p2 $0x0  }
0x16: {  	s3 =	sld [smem:$0x3FDB];
	s0 =	simm.s32 @p2 $0x1  }
0x17: {  	s4 =	simm.s32 $0x1BF5;
	[smem:$0x3FA3] =	sst s0  }
0x18: {  	s0 =	sld [smem:$0x3F86];
	_ =	swait.ge [sflag:s4], $0x0  }
0x19: {  	s7 =	sld [smem:$0x3F87]  }
0x1a: {  	s8 =	sadd.s32 $0xFFFFE003, lr  }
0x1b: {  	s9 =	sadd.s32 $0xFFFFFEF7, lr;
	s5 =	simm.s32 $0xFFFFFFFF;
	p2 =	slt.u32 s8, $0xFFFFF086  }
0x1c: {  	p1 =	slt.u32 s9, $0xF7A;
	s5 =	simm.s32 @!p2 $0x0  }
0x1d: {  	s5 =	simm.s32 @p1 $0x1;
	p0 =	seq.s32 s7, s2  }
0x1e: {  	s7 =	smul.u32 @!p0 $0xF7A, s2;
	p2 =	seq.s32 @!p0 s5, $0x0  }
0x1f: {  	s9 =	smul.u32 $0xF7A, s1;
	s8 =	simm.s32 @!p0 $0x1BF5;
	p2 =	por !p2, p0  }
0x20: {  	[sflag:s8] =	ssyncset.s32 @!p0 $0xFFFFF086;
	s6 =	sadd.s32 @!p0 s3, s7;
	s7 =	simm.s32 @!p0 $0x108  }
0x21: {  	s3 =	sadd.s32 s3, s9;
	s6 =	sadd.s32 @!p0 $0x88, s6;
	s7 =	simm.s32 @p2 $0x1082  }
0x22: {  	[simem:s7], [sflag:s8] =	dma.local @!p0 [hbm:s6], $0xF7A  }
0x23: {  	s9 =	sor.u32 $0xD0000000, s2;
	s6 =	simm.s32 $0x108;
	_ =	swait.ge @!p0 [sflag:s8], $0x0  }
0x24: {  	s3 =	sadd.s32 $0x88, s3;
	s6 =	simm.s32 @!p1 $0x1082;
	[sflag:s4] =	ssyncset.s32 $0xFFFFF086  }
0x25: {  	[simem:s6], [sflag:s4] =	dma.local [hbm:s3], $0xF7A  }
0x26: {  	[smem:$0x3F87] =	sst s1;
	(tag) =	ssettag s2;
	_ =	strace s9  }
0x27: {  	s1 =	sld [smem:$0x3F97]  }
0x28: {  	s2 =	sld [smem:$0x3F98]  }
0x29: {  	s4 =	sld [smem:$0x3F9A]  }
0x2a: {  	p0 =	seq.s32 s5, $0x0;
	s5 =	sld [smem:$0x3F9B]  }
0x2b: {  	s6 =	sld [smem:$0x3F9C]  }
0x2c: {  	s7 =	sld [smem:$0x3F9D]  }
0x2d: {  	s3 =	simm.s32 $0x108;
	s8 =	sld [smem:$0x3F9E]  }
0x2e: {  	s3 =	simm.s32 @!p0 $0x1082;
	s9 =	sld [smem:$0x3F9F]  }
0x2f: {  	lr =	sadd.s32 s0, s3;
	s0 =	sld [smem:$0x3F96]  }
0x30: {  	s3 =	sld [smem:$0x3F99]  }
0x31: {  	[smem:$0x3FA2] =	sst s10  }
0x32: {  	s10 =	sld [smem:$0x3FA0];
	_ =	sdelay $0x3  }
0x33: {  	p0 =	seq.s32 s10, $0x1;
	s10 =	sld [smem:$0x3FA2];
	_ =	sdelay $0x3  }
0x34: {  	[smem:$0x3FA2] =	sst s10  }
0x35: {  	s10 =	sld [smem:$0x3FA1];
	_ =	sdelay $0x3  }
0x36: {  	p1 =	seq.s32 s10, $0x1;
	s10 =	sld [smem:$0x3FA2];
	_ =	sdelay $0x3  }
0x37: {  	[smem:$0x3FA2] =	sst s10  }
0x38: {  	s10 =	sld [smem:$0x3FA3]  }
0x39: {  	_ = 	snop;
	(pc) =	sbr.ind lr, $3  }
0x3a: {  	_ = 	snop  }
0x3b: {  	_ = 	snop  }
0x3c: {  	p2 =	seq.s32 s10, $0x1;
	s10 =	sld [smem:$0x3FA2]  }
0x3d: {  	_ =	shalt  }
0x3e: {  	_ =	shalt  }
0x3f: {  	_ =	shalt  }
0x40: {  	_ =	shalt  }
0x41: {  	_ =	shalt  }
0x42: {  	_ =	shalt  }
0x43: {  	_ =	shalt  }
0x44: {  	_ =	shalt  }
0x45: {  	_ =	shalt  }
0x46: {  	_ =	shalt  }
0x47: {  	_ =	shalt  }
0x48: {  	_ =	shalt  }
0x49: {  	_ =	shalt  }
0x4a: {  	_ =	shalt  }
0x4b: {  	_ =	shalt  }
0x4c: {  	_ =	shalt  }
0x4d: {  	_ =	shalt  }
0x4e: {  	_ =	shalt  }
0x4f: {  	_ =	shalt  }
0x50: {  	_ =	shalt  }
0x51: {  	_ =	shalt  }
0x52: {  	_ =	shalt  }
0x53: {  	_ =	shalt  }
0x54: {  	_ =	shalt  }
0x55: {  	_ =	shalt  }
0x56: {  	_ =	shalt  }
0x57: {  	_ =	shalt  }
0x58: {  	_ =	shalt  }
0x59: {  	_ =	shalt  }
0x5a: {  	_ =	shalt  }
0x5b: {  	_ =	shalt  }
0x5c: {  	_ =	shalt  }
0x5d: {  	_ =	shalt  }
0x5e: {  	_ =	shalt  }
0x5f: {  	_ =	shalt  }
0x60: {  	_ =	shalt  }
0x61: {  	_ =	shalt  }
0x62: {  	_ =	shalt  }
0x63: {  	_ =	shalt  }
0x64: {  	_ =	shalt  }
0x65: {  	_ =	shalt  }
0x66: {  	_ =	shalt  }
0x67: {  	_ =	shalt  }
0x68: {  	_ =	shalt  }
0x69: {  	_ =	shalt  }
0x6a: {  	_ =	shalt  }
0x6b: {  	_ =	shalt  }
0x6c: {  	_ =	shalt  }
0x6d: {  	_ =	shalt  }
0x6e: {  	_ =	shalt  }
0x6f: {  	_ =	shalt  }
0x70: {  	_ =	shalt  }
0x71: {  	_ =	shalt  }
0x72: {  	_ =	shalt  }
0x73: {  	_ =	shalt  }
0x74: {  	_ =	shalt  }
0x75: {  	_ =	shalt  }
0x76: {  	_ =	shalt  }
0x77: {  	_ =	shalt  }
0x78: {  	_ =	shalt  }
0x79: {  	_ =	shalt  }
0x7a: {  	_ =	shalt  }
0x7b: {  	_ =	shalt  }
0x7c: {  	_ =	shalt  }
0x7d: {  	_ =	shalt  }
0x7e: {  	_ =	shalt  }
0x7f: {  	_ =	shalt  }
0x80: {  	_ =	shalt  }
0x81: {  	_ =	shalt  }
0x82: {  	_ =	shalt  }
0x83: {  	_ =	shalt  }
0x84: {  	_ =	shalt  }
0x85: {  	_ =	shalt  }
0x86: {  	_ =	shalt  }
0x87: {  	_ =	shalt  }
.Lfunc_end0:
.L_simem_size_0:
called_computation.2_lowered:
.L_overlay_start_0:
0x88: {  	s2 =	sld [smem:$0x3FD9]  }
0x89: {  	s3 =	sld [smem:$0x3FFE];
	_ =	sdelay $0x1  }
0x8a: {  	s1 =	srdreg.scid  }
0x8b: {  	s0 =	sand.u32 $0x1, s1  }
0x8c: {  	s17 =	sshll.u32 s0, $0xA;
	s2 =	sadd.s32 s3, s2  }
0x8d: {  	s2 =	sadd.s32 s2, s17  }
0x8e: {  	[smem:$0x3FAE] =	sst s2  }
0x8f: {  	_ = 	snop  }
0x90: {  	s2 =	sld [smem:$0x3FD0];
	(tm) =	ssettm $0x1  }
0x91: {  	s18 =	sld [smem:$0x3FFB];
	_ =	sdelay $0x3  }
0x92: {  	_ =	strace s18  }
0x93: {  	s3 =	sld [smem:$0x3FFC];
	_ =	sdelay $0x3  }
0x94: {  	_ =	strace s3  }
0x95: {  	s3 =	sld [smem:$0x3FFD];
	_ =	sdelay $0x3  }
0x96: {  	_ =	strace s3  }
0x97: {  	_ =	strace $0x8FFFFFFF  }
0x98: {  	s19 =	sld [smem:$0x3FDB];
	_ =	sdelay $0x1  }
0x99: {  	s4 =	simm.s32 $_scs_section_size  }
0x9a: {  	s5 =	simm.s32 $_size__tile_overlayer_lowered;
	s6 =	simm.s32 $_tile_overlayer_lowered  }
0x9b: {  	s22 =	simm.s32 $0x1BFF;
	s21 =	sshll.u32 s6, $0x1;
	s3 =	sadd.s32 s4, s19  }
0x9c: {  	s7 =	simm.s32 $0x0;
	s20 =	sshll.u32 s5, $0x1;
	s5 =	sadd.s32 s21, s3  }
0x9d: {  	[timem:s7], [sflag:s22] =	dma.local [hbm:s5], s20  }
0x9e: {  	_ =	swait.ge [sflag:s22], s20  }
0x9f: {  	s4 =	ssub.s32 $0x0, s20;
	[sflag:s22] =	ssyncset.done $0x0  }
0xa0: {  	[sflag:s22] =	ssyncadd.s32 s4;
	_ =	sdelay $0x1  }
0xa1: {  	s23 =	simm.s32 $0x1B8B  }
0xa2: {  	_ =	swait.ge [sflag:s23], $0x1  }
0xa3: {  	[sflag:s23] =	ssyncset.done $0x0  }
0xa4: {  	s25 =	simm.s32 $0x1B8E;
	s24 =	sld [smem:$0x3FFE];
	[sflag:s23] =	ssyncadd.s32 $0xFFFFFFFF  }
0xa5: {  	s26 =	simm.s32 $execute0_lowered;
	[smem:$0x3FD2] =	sst s25  }
0xa6: {  	s5 =	sshll.u32 s26, $0x1;
	_ =	strace $0x8000004C;
	[dreg:$0x1] =	wrdreg $0xFFFFFFFF  }
0xa7: {  	s28 =	simm.s32 $_size_execute0_lowered;
	s3 =	sadd.s32 s3, s5;
	[dreg:$0x0] =	wrdreg $0x0  }
0xa8: {  	s5 =	sshll.u32 s28, $0x1;
	[dreg:$0x2] =	wrdreg s3  }
0xa9: {  	[dreg:$0x3] =	wrdreg s5  }
0xaa: {  	[dreg:$0x4] =	wrdreg $0xC0  }
0xab: {  	_ =	task [dreg:s7], $0x5FFFF  }
0xac: {  	[dreg:$0x1] =	wrdreg $0xFFFFFFFF  }
0xad: {  	[dreg:$0x0] =	wrdreg $0x60  }
0xae: {  	[dreg:$0x2] =	wrdreg s24  }
0xaf: {  	[dreg:$0x3] =	wrdreg s2  }
0xb0: {  	[dreg:$0x4] =	wrdreg $0x7A000  }
0xb1: {  	[dreg:$0x5] =	wrdreg $0x9  }
0xb2: {  	_ =	task.clear_ibuf [dreg:s7], $0x6FFFF;
	_ =	strace $0x9000004C  }
0xb3: {  	s29 =	simm.s32 $0x9;
	_ =	strace $0x8000004E  }
0xb4: {  	_ =	swait.ge [sflag:s29], $0x1  }
0xb5: {  	[sflag:s29] =	ssyncadd.s32 $0xFFFFFFFF  }
0xb6: {  	_ =	strace $0x9000004E  }
0xb7: {  	_ =	sfence  }
0xb8: {  	s30 =	sld [smem:$0x0];
	_ =	sdelay $0x2  }
0xb9: {  	s31 =	sshll.u32 s1, $0xD;
	s1 =	sshrl.u32 s1, $0x2  }
0xba: {  	s3 =	sand.u32 $0x4000, s31;
	s1 =	sadd.s32 s1, s30  }
0xbb: {  	s0 =	sor.u32 s3, s0;
	s1 =	sshll.u32 s1, $0x11  }
0xbc: {  	s0 =	sor.u32 s1, s0  }
0xbd: {  	s0 =	sadd.s32 $0x8F2B, s0  }
0xbe: {  	[sflag:s0] =	ssyncadd.remote.s32 $0x1  }
0xbf: {  	_ =	sfence.sel $0xFFFF  }
0xc0: {  	[dreg:$0x0] =	wrdreg $0xFFFFFFFF;
	(pc) =	sbr.abs _section_cstart, $3  }
0xc1: {  	[dreg:$0x1] =	wrdreg $0xFFFFFFFF  }
0xc2: {  	_ =	task.clear_ibuf [dreg:s7], $0x2FFFF;
	_ =	strace $0x9FFFFFFF  }
0xc3: {  	(tm) =	ssettm $0x7FFFFFFF  }
tec
execute0_lowered:
.L_overlay_start_1:
0x0: {  	(tag) =	ssettag $0x1  }
0x1: {  	s0 =	rddreg [dreg:$0x0]  }
0x2: {  	s2 =	rddreg [dreg:$0x2]  }
0x3: {  	s4 =	simm.s32 $0x0;
	s1 =	srdreg.scid;
	s11 =	stileid.u32  }
0x4: {  	s28 =	simm.s32 $0x6180;
	s29 =	simm.s32 $0x3;
	s31 =	simm.s32 $0x60  }
0x5: {  	s30 =	simm.s32 $0x80;
	s13 =	simm.s32 $0x0;
	s3 =	smul.u32 $0x280, s11  }
0x6: {  	s1 =	sand.u32 $0x1, s1;
	s6 =	sshll.u32 s11, $0x1;
	s11 =	smul.u32 $0x50000, s11  }
0x7: {  	[smem:$0x7FF] =	sst s4;
	s8 =	smul.u32 $0x2800, s1;
	s9 =	sor.u32 s1, s6  }
0x8: {  	s5 =	sadd.s32 $0x22800, s0;
	s1 =	ssub.s32 $0x2, s1;
	s10 =	smul.u32 $0xA20, s9  }
0x9: {  	_ =	strace $0x8000004D;
	s6 =	sadd.s32 $0x4200, s0;
	s12 =	sshrl.u32 s1, $0x1  }
0xa: {  	s15 =	sshrl.u32 s11, $0x2;
	s1 =	ssub.s32 s1, s12;
	s16 =	sadd.s32 s6, s10  }
0xb: {  	s11 =	sadd.s32 s15, s2;
	s17 =	smax.u32 s1, $0x1;
	[dreg:$0x4] =	wrdreg s16  }
0xc: {  	s7 =	sadd.s32 $0x18600, s0;
	s18 =	sadd.s32 $0x1800, s11;
	[dreg:$0x6] =	wrdreg s17  }
0xd: {  	s3 =	sadd.s32 s3, s8;
	s19 =	sadd.s32 $0x3000, s11;
	[dreg:$0x7] =	wrdreg s18  }
0xe: {  	s8 =	smul.u32 $0xD8, s9;
	s20 =	sadd.s32 $0x4800, s11;
	[dreg:$0x8] =	wrdreg s19  }
0xf: {  	s9 =	simm.s32 $0x30;
	s21 =	sadd.s32 $0x6000, s11;
	[dreg:$0x9] =	wrdreg s20  }
0x10: {  	v0 =	vimm.s32 $0xFEDCBA98;
	s12 =	simm.s32 $0x2;
	s22 =	sadd.s32 $0x7800, s11;
	[dreg:$0xa] =	wrdreg s21  }
0x11: {  	v1 =	vimm.s32 $0x76543210;
	v0 =	vunpack.c.l.s4.s8 v0;
	s3 =	sshll.u32 s3, $0x4;
	s23 =	sadd.s32 $0x9000, s11;
	[dreg:$0xb] =	wrdreg s22  }
0x12: {  	v1 =	vunpack.c.l.s4.s8 v1;
	s24 =	sadd.s32 $0xA800, s11;
	s25 =	sadd.s32 $0xC000, s11;
	[dreg:$0xc] =	wrdreg s23  }
0x13: {  	v0 =	vunpack.c.0.s8.s32 v0;
	s26 =	sadd.s32 $0xD800, s11;
	s1 =	simm.s32 $0x1;
	[dreg:$0xd] =	wrdreg s24  }
0x14: {  	v1 =	vunpack.c.0.s8.s32 v1;
	s0 =	sadd.s32 s3, s0;
	s10 =	sor.u32 $0x2, s8;
	[dreg:$0xe] =	wrdreg s25  }
0x15: {  	v3 =	vlaneseq.u32;
	v2 =	vand.u32 $0xF, v0;
	[dreg:$0xf] =	wrdreg s26;
	s23 =	sadd.s32 $0xF000, s11;
	s24 =	sadd.s32 $0x10800, s11  }
0x16: {  	v0 =	vimm.f32 $0.0e+00;
	s25 =	sadd.s32 $0x12000, s11;
	s26 =	sadd.s32 $0x13800, s11;
	v1 =	vcombine.low v2, v1;
	v2 =	vshrl.u32 v3, $0x3;
	s0 =	sadd.s32 $0x49A00, s0  }
0x17: {  	s3 =	simm.s32 $0x100;
	v3 =	vor.u32 $0x2, v2;
	v4 =	vor.u32 $0x4, v2;
	v5 =	vor.u32 $0x6, v2;
	[dreg:$0x5] =	wrdreg s0;
	s0 =	simm.s32 $0x3180  }
.LBB2_1:
0x18: {  	s14 =	simm.s32 $0x70;
	s15 =	simm.s32 $0x3C0  }
.LBB2_2:
0x19: {  	p0 =	sne.s32 s15, $0x5FC0;
	[tilespmem:s14+$0x6180] =	vst v0  }
0x1a: {  	[tilespmem:s14+$0x6110] =	vst v0  }
0x1b: {  	[tilespmem:s14+$0x6120] =	vst v0  }
.Ltmp0:
0x1c: {  	[tilespmem:s14+$0x6130] =	vst v0;
	(pc) =	sbr.rel @p0 .LBB2_2-.Ltmp0, $4  }
0x1d: {  	[tilespmem:s14+$0x6140] =	vst v0  }
0x1e: {  	[tilespmem:s14+$0x6150] =	vst v0  }
0x1f: {  	[tilespmem:s14+$0x6160] =	vst v0  }
0x20: {  	[tilespmem:s14+$0x6170] =	vst v0;
	s14 =	sshra.s32 s15, $0x2;
	s15 =	sadd.s32 $0x200, s15  }
0x21: {  	[tilespmem:s14+$0x6180] =	vst v0  }
0x22: {  	[tilespmem:s14+$0x6110] =	vst v0  }
0x23: {  	[tilespmem:s14+$0x6120] =	vst v0  }
0x24: {  	[tilespmem:s14+$0x6130] =	vst v0  }
0x25: {  	[tilespmem:s14+$0x6140] =	vst v0  }
0x26: {  	[tilespmem:s14+$0x6150] =	vst v0  }
0x27: {  	[tilespmem:s14+$0x6160] =	vst v0  }
0x28: {  	[tilespmem:s14+$0x6170] =	vst v0  }
0x29: {  	[spmem:s11] =	stream.linear.scatter [tilespmem:s28], [sflag:$0x3], $0x1800, $0x38;
	[tilespmem:$0x1BA00] =	vst v63  }
0x2a: {  	_ =	swait.ge [sflag:s29], $0x1800  }
0x2b: {  	[sflag:s29] =	ssyncset.done $0x0  }
0x2c: {  	s20 =	rddreg [dreg:$0x7];
	[sflag:s29] =	ssyncadd.s32 $0xFFFFE800  }
0x2d: {  	[spmem:s20] =	stream.linear.scatter [tilespmem:s28], [sflag:$0x3], $0x1800, $0x38;
	[tilespmem:$0x1BA00] =	vst v63  }
0x2e: {  	_ =	swait.ge [sflag:s29], $0x1800  }
0x2f: {  	[sflag:s29] =	ssyncset.done $0x0  }
0x30: {  	s21 =	rddreg [dreg:$0x8];
	[sflag:s29] =	ssyncadd.s32 $0xFFFFE800  }
0x31: {  	[spmem:s21] =	stream.linear.scatter [tilespmem:s28], [sflag:$0x3], $0x1800, $0x38;
	[tilespmem:$0x1BA00] =	vst v63  }
0x32: {  	_ =	swait.ge [sflag:s29], $0x1800  }
0x33: {  	[sflag:s29] =	ssyncset.done $0x0  }
0x34: {  	s22 =	rddreg [dreg:$0x9];
	[sflag:s29] =	ssyncadd.s32 $0xFFFFE800  }
0x35: {  	[spmem:s22] =	stream.linear.scatter [tilespmem:s28], [sflag:$0x3], $0x1800, $0x38;
	[tilespmem:$0x1BA00] =	vst v63  }
0x36: {  	_ =	swait.ge [sflag:s29], $0x1800  }
0x37: {  	[sflag:s29] =	ssyncset.done $0x0  }
0x38: {  	s15 =	rddreg [dreg:$0xa];
	[sflag:s29] =	ssyncadd.s32 $0xFFFFE800  }
0x39: {  	[spmem:s15] =	stream.linear.scatter [tilespmem:s28], [sflag:$0x3], $0x1800, $0x38;
	[tilespmem:$0x1BA00] =	vst v63  }
0x3a: {  	_ =	swait.ge [sflag:s29], $0x1800  }
0x3b: {  	[sflag:s29] =	ssyncset.done $0x0  }
0x3c: {  	s16 =	rddreg [dreg:$0xb];
	[sflag:s29] =	ssyncadd.s32 $0xFFFFE800  }
0x3d: {  	[spmem:s16] =	stream.linear.scatter [tilespmem:s28], [sflag:$0x3], $0x1800, $0x38;
	[tilespmem:$0x1BA00] =	vst v63  }
0x3e: {  	_ =	swait.ge [sflag:s29], $0x1800  }
0x3f: {  	[sflag:s29] =	ssyncset.done $0x0  }
0x40: {  	s17 =	rddreg [dreg:$0xc];
	[sflag:s29] =	ssyncadd.s32 $0xFFFFE800  }
0x41: {  	[spmem:s17] =	stream.linear.scatter [tilespmem:s28], [sflag:$0x3], $0x1800, $0x38;
	[tilespmem:$0x1BA00] =	vst v63  }
0x42: {  	_ =	swait.ge [sflag:s29], $0x1800  }
0x43: {  	[sflag:s29] =	ssyncset.done $0x0  }
0x44: {  	s18 =	rddreg [dreg:$0xd];
	[sflag:s29] =	ssyncadd.s32 $0xFFFFE800  }
0x45: {  	[spmem:s18] =	stream.linear.scatter [tilespmem:s28], [sflag:$0x3], $0x1800, $0x38;
	[tilespmem:$0x1BA00] =	vst v63  }
0x46: {  	_ =	swait.ge [sflag:s29], $0x1800  }
0x47: {  	[sflag:s29] =	ssyncset.done $0x0  }
0x48: {  	s19 =	rddreg [dreg:$0xe];
	[sflag:s29] =	ssyncadd.s32 $0xFFFFE800  }
0x49: {  	[spmem:s19] =	stream.linear.scatter [tilespmem:s28], [sflag:$0x3], $0x1800, $0x38;
	[tilespmem:$0x1BA00] =	vst v63  }
0x4a: {  	_ =	swait.ge [sflag:s29], $0x1800  }
0x4b: {  	[sflag:s29] =	ssyncset.done $0x0  }
0x4c: {  	s20 =	rddreg [dreg:$0xf];
	[sflag:s29] =	ssyncadd.s32 $0xFFFFE800  }
0x4d: {  	[spmem:s20] =	stream.linear.scatter [tilespmem:s28], [sflag:$0x3], $0x1800, $0x38;
	[tilespmem:$0x1BA00] =	vst v63  }
0x4e: {  	_ =	swait.ge [sflag:s29], $0x1800  }
0x4f: {  	[sflag:s29] =	ssyncset.done $0x0  }
0x50: {  	[sflag:s29] =	ssyncadd.s32 $0xFFFFE800  }
0x51: {  	[spmem:s23] =	stream.linear.scatter [tilespmem:s28], [sflag:$0x3], $0x1800, $0x38;
	[tilespmem:$0x1BA00] =	vst v63  }
0x52: {  	_ =	swait.ge [sflag:s29], $0x1800  }
0x53: {  	[sflag:s29] =	ssyncset.done $0x0  }
0x54: {  	[sflag:s29] =	ssyncadd.s32 $0xFFFFE800  }
0x55: {  	[spmem:s24] =	stream.linear.scatter [tilespmem:s28], [sflag:$0x3], $0x1800, $0x38;
	[tilespmem:$0x1BA00] =	vst v63  }
0x56: {  	_ =	swait.ge [sflag:s29], $0x1800  }
0x57: {  	[sflag:s29] =	ssyncset.done $0x0  }
0x58: {  	[sflag:s29] =	ssyncadd.s32 $0xFFFFE800  }
0x59: {  	[spmem:s25] =	stream.linear.scatter [tilespmem:s28], [sflag:$0x3], $0x1800, $0x38;
	[tilespmem:$0x1BA00] =	vst v63  }
0x5a: {  	_ =	swait.ge [sflag:s29], $0x1800  }
0x5b: {  	[sflag:s29] =	ssyncset.done $0x0  }
0x5c: {  	[sflag:s29] =	ssyncadd.s32 $0xFFFFE800  }
0x5d: {  	[spmem:s26] =	stream.linear.scatter [tilespmem:s28], [sflag:$0x3], $0x1800, $0x38;
	[tilespmem:$0x1BA00] =	vst v63  }
0x5e: {  	_ =	swait.ge [sflag:s29], $0x1800  }
0x5f: {  	[sflag:s29] =	ssyncset.done $0x0  }
0x60: {  	[sflag:s29] =	ssyncadd.s32 $0xFFFFE800  }
0x61: {  	s14 =	simm.s32 $0x0;
	s16 =	simm.s32 $0x7980;
	s15 =	rddreg [dreg:$0x1]  }
0x62: {  	[tilespmem:s16], [sflag:$0x3] =	stream.linear.gather [hbm4b:s15+s14], $0x80, $0x38;
	[tilespmem:$0x1BA00] =	vst v63  }
0x63: {  	_ =	swait.ge [sflag:s29], $0x80  }
0x64: {  	[sflag:s29] =	ssyncset.done $0x0  }
0x65: {  	[sflag:s29] =	ssyncadd.s32 $0xFFFFFF80  }
0x66: {  	[bflag:$0x0] =	sbarrier.arrive $0xFFFF  }
0x67: {  	s21 =	rddreg [dreg:$0x4]  }
0x68: {  	[tilespmem:s14], [sflag:$0x3] =	stream.linear.gather [hbm4b:s21+s14], $0x60, $0x38;
	[tilespmem:$0x1BA00] =	vst v63  }
0x69: {  	_ =	swait.ge [sflag:s29], $0x60  }
0x6a: {  	[sflag:s29] =	ssyncset.done $0x0  }
0x6b: {  	s22 =	simm.s32 $0x180;
	[sflag:s29] =	ssyncadd.s32 $0xFFFFFFA0  }
0x6c: {  	[tilespmem:s22], [sflag:$0x1] =	stream.indirect.gather [hbm4b:s5+s31], $0x80, s14, s31, $0xb8;
	[tilespmem:$0x1BA00] =	vst v63  }
.LBB2_4:
0x6d: {  	s16 =	sshll.u32 s14, $0x1  }
0x6e: {  	s17 =	sadd.s32 s8, s16  }
0x6f: {  	s15 =	sadd.s32 $0x1, s17  }
0x70: {  	_ =	swait.ge [sflag:s1], $0x3000;
	s18 =	smul.u32 $0xC, s15  }
0x71: {  	[sflag:s1] =	ssyncset.done $0x0  }
0x72: {  	[sflag:s1] =	ssyncadd.s32 $0xFFFFD000;
	s18 =	sadd.s32 s6, s18  }
0x73: {  	[tilespmem:s30], [sflag:$0x3] =	stream.linear.gather [hbm4b:s18+s4], $0x60, $0x38;
	[tilespmem:$0x1BA00] =	vst v63  }
0x74: {  	_ =	swait.ge [sflag:s29], $0x60  }
0x75: {  	[sflag:s29] =	ssyncset.done $0x0  }
0x76: {  	s17 =	smul.u32 $0x6, s17;
	[sflag:s29] =	ssyncadd.s32 $0xFFFFFFA0  }
0x77: {  	[tilespmem:s0], [sflag:$0x2] =	stream.indirect.gather [hbm4b:s5+s31], $0x80, s30, s31, $0xb8;
	[tilespmem:$0x1BA00] =	vst v63  }
0x78: {  	s17 =	sadd.s32 s7, s17  }
0x79: {  	[tilespmem:s3], [sflag:$0x3] =	stream.linear.gather [hbm4b:s17+s4], $0x30, $0x38;
	[tilespmem:$0x1BA00] =	vst v63  }
0x7a: {  	_ =	swait.ge [sflag:s29], $0x30  }
0x7b: {  	[sflag:s29] =	ssyncset.done $0x0  }
0x7c: {  	s19 =	simm.s32 $0x180;
	[sflag:s29] =	ssyncadd.s32 $0xFFFFFFD0  }
0x7d: {  	v8 =	vld [tilespmem:s19+$0x18C0]  }
0x7e: {  	v6 =	vld [tilespmem:s19+$0x1940]  }
0x7f: {  	v9 =	vld [tilespmem:s19+$0x19C0]  }
0x80: {  	v10 =	vld [tilespmem:s19+$0x140]  }
0x81: {  	v11 =	vld [tilespmem:s19+$0x1C0]  }
0x82: {  	v7 =	vld [tilespmem:s19+$0x1840]  }
0x83: {  	v12 =	vld [tilespmem:s19+$0xC0];
	v14 =	vperm.xlane v6, v1  }
0x84: {  	v13 =	vld [tilespmem:s19+$0x40];
	v9 =	vperm.xlane v9, v1  }
0x85: {  	v6 =	vld [tilespmem:$0x7980];
	v10 =	vadd.f32 v14, v10  }
0x86: {  	v8 =	vperm.xlane v8, v1;
	v9 =	vadd.f32 v9, v11  }
0x87: {  	v7 =	vperm.xlane v7, v1;
	v11 =	vmul.f32 $2.000000030e-01, v10  }
0x88: {  	v8 =	vadd.f32 v8, v12;
	v12 =	vmul.f32 $2.000000030e-01, v9  }
0x89: {  	v7 =	vadd.f32 v7, v13;
	v10 =	vmax.f32 v10, v11  }
0x8a: {  	v13 =	vmul.f32 $2.000000030e-01, v8;
	v9 =	vmax.f32 v9, v12;
	v10 =	vsub.f32 v10, v6  }
0x8b: {  	v11 =	vmul.f32 $2.000000030e-01, v7;
	v9 =	vsub.f32 v9, v6  }
0x8c: {  	v8 =	vmax.f32 v8, v13;
	v10 =	vmul.f32 $1.442695020e+00, v10  }
0x8d: {  	s17 =	simm.s32 $0x380;
	v8 =	vsub.f32 v8, v6;
	v7 =	vmax.f32 v7, v11;
	v9 =	vmul.f32 $1.442695020e+00, v9  }
0x8e: {  	v14 =	vld [tilespmem:s17+$0xC0];
	v7 =	vsub.f32 v7, v6;
	(erf) = vpow2.f32 v10  }
0x8f: {  	v12 =	vld [tilespmem:s17+$0x140];
	v8 =	vmul.f32 $1.442695020e+00, v8;
	(erf) = vpow2.f32 v9  }
0x90: {  	v7 =	vmul.f32 $1.442695020e+00, v7;
	v10 =	vld [tilespmem:s17+$0x1940]  }
0x91: {  	v11 =	vld [tilespmem:s17+$0x18C0];
	(erf) = vpow2.f32 v8  }
0x92: {  	v9 =	vld [tilespmem:s17+$0x19C0];
	(erf) = vpow2.f32 v7  }
0x93: {  	v13 =	vld [tilespmem:s17+$0x1840]  }
0x94: {  	v7 =	vld [tilespmem:s17+$0x1C0]  }
0x95: {  	v10 =	vperm.xlane v10, v1  }
0x96: {  	v8 =	vld [tilespmem:s17+$0x40];
	v11 =	vperm.xlane v11, v1  }
0x97: {  	s21 =	simm.s32 $0x6280;
	v9 =	vperm.xlane v9, v1;
	v10 =	vadd.f32 v10, v12;
	v17 =	vpop (erf)  }
0x98: {  	v11 =	vadd.f32 v11, v14;
	v16 =	vpop (erf);
	[tilespmem:s21+$0x40] =	vst v17  }
0x99: {  	v12 =	vperm.xlane v13, v1;
	v7 =	vadd.f32 v9, v7;
	v14 =	vmul.f32 $2.000000030e-01, v10;
	v15 =	vld [tilespmem:s19+$0x100];
	[tilespmem:s21+$0xC0] =	vst v16  }
0x9a: {  	v18 =	vpop (erf);
	v21 =	vld [tilespmem:s19+$0x180]  }
0x9b: {  	v8 =	vadd.f32 v12, v8;
	v24 =	vmul.f32 $2.000000030e-01, v7;
	v10 =	vmax.f32 v10, v14;
	v20 =	vpop (erf);
	[tilespmem:s21+$0xFFFFFFC0] =	vst v18  }
0x9c: {  	v9 =	vperm.xlane v17, v2;
	v19 =	vperm.xlane v16, v2;
	v10 =	vsub.f32 v10, v6;
	[tilespmem:s21+$0xFFFFFF40] =	vst v20;
	v23 =	vld [tilespmem:s19+$0x80]  }
0x9d: {  	v22 =	vperm.xlane v18, v2;
	v7 =	vmax.f32 v7, v24;
	v25 =	vperm.xlane v20, v2;
	v13 =	vld [tilespmem:s19+$0x0]  }
0x9e: {  	s18 =	simm.s32 $0x580;
	v7 =	vsub.f32 v7, v6;
	v10 =	vmul.f32 $1.442695020e+00, v10;
	v9 =	vmul.f32 v15, v9  }
0x9f: {  	v26 =	vld [tilespmem:s18+$0x40];
	v15 =	vmul.f32 $2.000000030e-01, v11;
	v12 =	vmul.f32 v21, v19  }
0xa0: {  	v27 =	vld [tilespmem:s18+$0x140];
	v7 =	vmul.f32 $1.442695020e+00, v7;
	[tilespmem:s21+$0x0] =	vst v9;
	v9 =	vmul.f32 $2.000000030e-01, v8  }
0xa1: {  	(erf) = vpow2.f32 v10;
	v21 =	vld [tilespmem:s18+$0x1840];
	v14 =	vmul.f32 v23, v22;
	v11 =	vmax.f32 v11, v15;
	[tilespmem:s21+$0x80] =	vst v12  }
0xa2: {  	v12 =	vmul.f32 v13, v25;
	v11 =	vsub.f32 v11, v6;
	v13 =	vld [tilespmem:s19+$0x190];
	v8 =	vmax.f32 v8, v9  }
0xa3: {  	v30 =	vperm.xlane v18, v4;
	(erf) = vpow2.f32 v7;
	v19 =	vld [tilespmem:s19+$0x110];
	[tilespmem:s21+$0xFFFFFF80] =	vst v14;
	v8 =	vsub.f32 v8, v6  }
0xa4: {  	v9 =	vperm.xlane v18, v3;
	v11 =	vmul.f32 $1.442695020e+00, v11;
	[tilespmem:s21+$0xFFFFFF00] =	vst v12;
	v10 =	vld [tilespmem:s19+$0x90]  }
0xa5: {  	v12 =	vperm.xlane v16, v3;
	v7 =	vld [tilespmem:s19+$0x10];
	v8 =	vmul.f32 $1.442695020e+00, v8  }
0xa6: {  	v23 =	vld [tilespmem:s18+$0x1940];
	(erf) = vpow2.f32 v11;
	v11 =	vperm.xlane v17, v3  }
0xa7: {  	v25 =	vld [tilespmem:s18+$0x18C0];
	(erf) = vpow2.f32 v8;
	v13 =	vmul.f32 v13, v12  }
0xa8: {  	v8 =	vld [tilespmem:s18+$0x19C0];
	v12 =	vperm.xlane v20, v3;
	v14 =	vmul.f32 v19, v11  }
0xa9: {  	v33 =	vld [tilespmem:s18+$0xC0];
	v31 =	vperm.xlane v20, v4;
	v9 =	vmul.f32 v10, v9  }
0xaa: {  	v22 =	vld [tilespmem:s18+$0x1C0];
	v15 =	vperm.xlane v17, v5;
	v7 =	vmul.f32 v7, v12;
	[tilespmem:s21+$0x10] =	vst v14  }
0xab: {  	v38 =	vperm.xlane v21, v1;
	v36 =	vperm.xlane v23, v1;
	[tilespmem:s21+$0xFFFFFF90] =	vst v9;
	v24 =	vld [tilespmem:s19+$0x120]  }
0xac: {  	v25 =	vperm.xlane v25, v1;
	v11 =	vperm.xlane v16, v5;
	[tilespmem:s21+$0xFFFFFF10] =	vst v7;
	v28 =	vld [tilespmem:s19+$0xA0]  }
0xad: {  	s20 =	simm.s32 $0x6480;
	v16 =	vperm.xlane v16, v4;
	[tilespmem:s21+$0x90] =	vst v13;
	v29 =	vperm.xlane v8, v1;
	v8 =	vpop (erf);
	v32 =	vld [tilespmem:s19+$0x20]  }
0xae: {  	v14 =	vperm.xlane v18, v5;
	v18 =	vperm.xlane v17, v4;
	v17 =	vld [tilespmem:s19+$0x1A0];
	v7 =	vpop (erf);
	[tilespmem:s20+$0x40] =	vst v8  }
0xaf: {  	v12 =	vperm.xlane v20, v5;
	v34 =	vperm.xlane v8, v2;
	v9 =	vpop (erf);
	v35 =	vld [tilespmem:s17+$0x100];
	[tilespmem:s20+$0xC0] =	vst v7  }
0xb0: {  	v20 =	vperm.xlane v7, v2;
	v37 =	vmul.f32 v24, v18;
	[tilespmem:s20+$0xFFFFFFC0] =	vst v9;
	v23 =	vld [tilespmem:s17+$0x180];
	v10 =	vpop (erf)  }
0xb1: {  	v19 =	vperm.xlane v9, v2;
	v13 =	vperm.xlane v9, v3;
	v24 =	vadd.f32 v29, v22;
	v22 =	vld [tilespmem:s17+$0x80];
	[tilespmem:s20+$0xFFFFFF40] =	vst v10  }
0xb2: {  	v29 =	vadd.f32 v36, v27;
	v28 =	vmul.f32 v28, v30;
	v63 =	vmul.f32 v32, v31;
	[tilespmem:s21+$0x20] =	vst v37;
	v21 =	vld [tilespmem:s17+$0x0]  }
0xb3: {  	v27 =	vadd.f32 v25, v33;
	v18 =	vperm.xlane v10, v2;
	v31 =	vmul.f32 $2.000000030e-01, v24;
	v25 =	vld [tilespmem:s19+$0x130]  }
0xb4: {  	s22 =	simm.s32 $0x8;
	v26 =	vadd.f32 v38, v26;
	v32 =	vmul.f32 $2.000000030e-01, v29;
	v30 =	vmul.f32 v35, v34;
	[tilespmem:s21+$0xFFFFFF20] =	vst v63  }
.LBB2_5:
0xb5: {  	s22 =	sadd.s32 $0x4, s22;
	v24 =	vmax.f32 v24, v31;
	v20 =	vmul.f32 v23, v20;
	v23 =	vld [tilespmem:s19+$0x30];
	[tilespmem:s21+$0xFFFFFFA0] =	vst v28;
	v16 =	vmul.f32 v17, v16  }
0xb6: {  	v17 =	vmul.f32 $2.000000030e-01, v27;
	p0 =	slt.u32 s22, $0x2C;
	v28 =	vmax.f32 v29, v32;
	v19 =	vmul.f32 v22, v19;
	[tilespmem:s20+$0x0] =	vst v30;
	v22 =	vld [tilespmem:s19+$0xB0]  }
0xb7: {  	v29 =	vmul.f32 $2.000000030e-01, v26;
	v24 =	vsub.f32 v24, v6;
	v28 =	vsub.f32 v28, v6;
	v30 =	vld [tilespmem:s17+$0x110];
	[tilespmem:s20+$0x80] =	vst v20  }
0xb8: {  	v17 =	vmax.f32 v27, v17;
	v18 =	vmul.f32 v21, v18;
	v20 =	vld [tilespmem:s17+$0x190];
	v15 =	vmul.f32 v25, v15;
	[tilespmem:s21+$0xA0] =	vst v16  }
0xb9: {  	v16 =	vsub.f32 v17, v6;
	v17 =	vmul.f32 $1.442695020e+00, v28;
	[tilespmem:s20+$0xFFFFFF80] =	vst v19;
	v19 =	vperm.xlane v7, v3;
	v21 =	vld [tilespmem:s19+$0x1B0];
	s19 =	smov.u32 s17;
	s17 =	smov.u32 s18;
	s18 =	sadd.s32 $0x200, s18  }
0xba: {  	v25 =	vmax.f32 v26, v29;
	v24 =	vmul.f32 $1.442695020e+00, v24;
	v26 =	vperm.xlane v8, v3;
	v32 =	vld [tilespmem:s18+$0x40];
	[tilespmem:s21+$0x30] =	vst v15  }
0xbb: {  	v15 =	vsub.f32 v25, v6;
	v16 =	vmul.f32 $1.442695020e+00, v16;
	v27 =	vld [tilespmem:s18+$0x1840];
	[tilespmem:s20+$0xFFFFFF00] =	vst v18;
	v14 =	vmul.f32 v22, v14  }
0xbc: {  	v12 =	vmul.f32 v23, v12;
	(erf) = vpow2.f32 v17;
	v17 =	vld [tilespmem:s19+$0x90]  }
0xbd: {  	v15 =	vmul.f32 $1.442695020e+00, v15;
	(erf) = vpow2.f32 v24;
	v18 =	vld [tilespmem:s19+$0x10];
	[tilespmem:s21+$0xFFFFFFB0] =	vst v14  }
0xbe: {  	v22 =	vld [tilespmem:s18+$0x1C0];
	(erf) = vpow2.f32 v16;
	[tilespmem:s21+$0xFFFFFF30] =	vst v12;
	v11 =	vmul.f32 v21, v11  }
0xbf: {  	v12 =	vmul.f32 v20, v19;
	v21 =	vld [tilespmem:s18+$0x18C0];
	(erf) = vpow2.f32 v15  }
0xc0: {  	v14 =	vperm.xlane v10, v3;
	v15 =	vmul.f32 v30, v26;
	v19 =	vld [tilespmem:s18+$0x19C0];
	[tilespmem:s21+$0xB0] =	vst v11;
	s21 =	smov.u32 s20  }
0xc1: {  	v25 =	vld [tilespmem:s18+$0x140];
	v13 =	vmul.f32 v17, v13;
	[tilespmem:s20+$0x90] =	vst v12  }
0xc2: {  	v11 =	vperm.xlane v7, v5;
	v23 =	vld [tilespmem:s18+$0x1940];
	v16 =	vmul.f32 v18, v14;
	[tilespmem:s20+$0x10] =	vst v15  }
0xc3: {  	v12 =	vperm.xlane v10, v5;
	v14 =	vperm.xlane v9, v5;
	s20 =	sadd.s32 $0x200, s20;
	[tilespmem:s21+$0xFFFFFF90] =	vst v13;
	v18 =	vld [tilespmem:s19+$0x120]  }
0xc4: {  	v15 =	vperm.xlane v8, v5;
	[tilespmem:s21+$0xFFFFFF10] =	vst v16;
	v26 =	vld [tilespmem:s19+$0xA0];
	v16 =	vperm.xlane v7, v4  }
0xc5: {  	v28 =	vperm.xlane v9, v4;
	v13 =	vperm.xlane v19, v1;
	v19 =	vpop (erf);
	v17 =	vld [tilespmem:s19+$0x1A0]  }
0xc6: {  	v29 =	vperm.xlane v8, v4;
	v30 =	vperm.xlane v10, v4;
	v7 =	vpop (erf);
	v31 =	vld [tilespmem:s19+$0x20];
	v8 =	vmov v19  }
0xc7: {  	v33 =	vld [tilespmem:s18+$0xC0];
	v24 =	vadd.f32 v13, v22;
	[tilespmem:s20+$0x40] =	vst v8;
	v34 =	vperm.xlane v8, v2;
	v20 =	vperm.xlane v7, v2;
	v9 =	vpop (erf)  }
0xc8: {  	v19 =	vperm.xlane v9, v2;
	v13 =	vperm.xlane v9, v3;
	v35 =	vld [tilespmem:s17+$0x100];
	[tilespmem:s20+$0xC0] =	vst v7;
	v10 =	vpop (erf)  }
.Ltmp1:
0xc9: {  	v36 =	vperm.xlane v23, v1;
	v37 =	vmul.f32 v18, v29;
	[tilespmem:s20+$0xFFFFFFC0] =	vst v9;
	v23 =	vld [tilespmem:s17+$0x180];
	(pc) =	sbr.rel @p0 .LBB2_5-.Ltmp1, $4  }
0xca: {  	v38 =	vperm.xlane v21, v1;
	v18 =	vperm.xlane v10, v2;
	[tilespmem:s20+$0xFFFFFF40] =	vst v10;
	v22 =	vld [tilespmem:s17+$0x80]  }
0xcb: {  	v39 =	vperm.xlane v27, v1;
	v29 =	vadd.f32 v36, v25;
	v21 =	vld [tilespmem:s17+$0x0];
	v36 =	vmul.f32 v31, v30;
	[tilespmem:s21+$0x20] =	vst v37  }
0xcc: {  	v28 =	vmul.f32 v26, v28;
	v31 =	vmul.f32 $2.000000030e-01, v24;
	v27 =	vadd.f32 v38, v33;
	v25 =	vld [tilespmem:s19+$0x130]  }
0xcd: {  	v26 =	vadd.f32 v39, v32;
	v32 =	vmul.f32 $2.000000030e-01, v29;
	v30 =	vmul.f32 v35, v34;
	[tilespmem:s21+$0xFFFFFF20] =	vst v36  }
0xce: {  	_ = 	snop  }
0xcf: {  	v33 =	vmul.f32 $2.000000030e-01, v27;
	v29 =	vmax.f32 v29, v32  }
0xd0: {  	v24 =	vmax.f32 v24, v31;
	v31 =	vmul.f32 $2.000000030e-01, v26;
	v29 =	vsub.f32 v29, v6  }
0xd1: {  	v24 =	vsub.f32 v24, v6;
	v27 =	vmax.f32 v27, v33  }
0xd2: {  	v27 =	vsub.f32 v27, v6;
	v26 =	vmax.f32 v26, v31;
	v29 =	vmul.f32 $1.442695020e+00, v29  }
0xd3: {  	v24 =	vmul.f32 $1.442695020e+00, v24;
	v6 =	vsub.f32 v26, v6  }
0xd4: {  	v26 =	vmul.f32 $1.442695020e+00, v27;
	(erf) = vpow2.f32 v29  }
0xd5: {  	v6 =	vmul.f32 $1.442695020e+00, v6;
	(erf) = vpow2.f32 v24  }
0xd6: {  	(erf) = vpow2.f32 v26  }
0xd7: {  	(erf) = vpow2.f32 v6  }
0xd8: {  	v6 =	vmul.f32 v23, v20  }
0xd9: {  	[tilespmem:s21+$0xFFFFFFA0] =	vst v28;
	v16 =	vmul.f32 v17, v16  }
0xda: {  	[tilespmem:s20+$0x80] =	vst v6;
	v6 =	vmul.f32 v25, v15  }
0xdb: {  	[tilespmem:s20+$0x0] =	vst v30;
	v17 =	vmul.f32 v22, v19  }
0xdc: {  	[tilespmem:s21+$0xA0] =	vst v16  }
0xdd: {  	[tilespmem:s20+$0xFFFFFF80] =	vst v17;
	v15 =	vld [tilespmem:s19+$0xB0];
	v16 =	vpop (erf)  }
0xde: {  	s22 =	sadd.s32 $0x200, s20;
	v17 =	vld [tilespmem:s19+$0x30];
	[tilespmem:s21+$0x30] =	vst v6;
	v6 =	vpop (erf)  }
0xdf: {  	v19 =	vld [tilespmem:s19+$0x1B0];
	[tilespmem:s22+$0x40] =	vst v16;
	v20 =	vpop (erf)  }
0xe0: {  	v22 =	vld [tilespmem:s18+$0x100];
	v23 =	vpop (erf);
	[tilespmem:s22+$0xFFFFFFC0] =	vst v20  }
0xe1: {  	v18 =	vmul.f32 v21, v18;
	[tilespmem:s22+$0xFFFFFF40] =	vst v23;
	v21 =	vld [tilespmem:s18+$0x80]  }
0xe2: {  	v14 =	vmul.f32 v15, v14;
	[tilespmem:s22+$0xC0] =	vst v6;
	v15 =	vld [tilespmem:s18+$0x0]  }
0xe3: {  	[tilespmem:s20+$0xFFFFFF00] =	vst v18;
	v12 =	vmul.f32 v17, v12;
	v17 =	vperm.xlane v16, v2;
	v18 =	vld [tilespmem:s18+$0x180]  }
0xe4: {  	v24 =	vld [tilespmem:s17+$0x110];
	v11 =	vmul.f32 v19, v11;
	[tilespmem:s21+$0xFFFFFFB0] =	vst v14;
	v14 =	vperm.xlane v20, v2  }
0xe5: {  	v19 =	vld [tilespmem:s17+$0x90];
	[tilespmem:s21+$0xFFFFFF30] =	vst v12;
	v12 =	vperm.xlane v23, v2;
	v17 =	vmul.f32 v22, v17  }
0xe6: {  	[tilespmem:s21+$0xB0] =	vst v11;
	v11 =	vperm.xlane v6, v2;
	v22 =	vld [tilespmem:s17+$0x10];
	v14 =	vmul.f32 v21, v14  }
0xe7: {  	v25 =	vperm.xlane v8, v3;
	v21 =	vld [tilespmem:s17+$0x190];
	[tilespmem:s22+$0x0] =	vst v17;
	v12 =	vmul.f32 v15, v12  }
0xe8: {  	v11 =	vmul.f32 v18, v11;
	v15 =	vld [tilespmem:s18+$0x110];
	[tilespmem:s22+$0xFFFFFF80] =	vst v14  }
0xe9: {  	v17 =	vmul.f32 v24, v25;
	v14 =	vperm.xlane v10, v3;
	[tilespmem:s22+$0xFFFFFF00] =	vst v12;
	v12 =	vld [tilespmem:s18+$0x90]  }
0xea: {  	v13 =	vmul.f32 v19, v13;
	v18 =	vperm.xlane v7, v3;
	[tilespmem:s22+$0x80] =	vst v11;
	v11 =	vld [tilespmem:s18+$0x10]  }
0xeb: {  	v19 =	vperm.xlane v16, v3;
	[tilespmem:s20+$0x10] =	vst v17;
	v17 =	vld [tilespmem:s18+$0x190];
	v14 =	vmul.f32 v22, v14  }
0xec: {  	[tilespmem:s20+$0xFFFFFF90] =	vst v13;
	v13 =	vld [tilespmem:s17+$0x120];
	v18 =	vmul.f32 v21, v18;
	v21 =	vperm.xlane v20, v3  }
0xed: {  	v22 =	vperm.xlane v23, v3;
	[tilespmem:s20+$0xFFFFFF10] =	vst v14;
	v14 =	vld [tilespmem:s17+$0xA0];
	v15 =	vmul.f32 v15, v19  }
0xee: {  	v19 =	vperm.xlane v6, v3;
	[tilespmem:s20+$0x90] =	vst v18;
	v18 =	vld [tilespmem:s17+$0x20];
	v12 =	vmul.f32 v12, v21  }
0xef: {  	v24 =	vperm.xlane v8, v4;
	v21 =	vld [tilespmem:s17+$0x1A0];
	[tilespmem:s22+$0x10] =	vst v15;
	v11 =	vmul.f32 v11, v22  }
0xf0: {  	v15 =	vperm.xlane v9, v4;
	v17 =	vmul.f32 v17, v19;
	[tilespmem:s22+$0xFFFFFF90] =	vst v12;
	v12 =	vld [tilespmem:s18+$0x120]  }
0xf1: {  	v19 =	vperm.xlane v10, v4;
	v13 =	vmul.f32 v13, v24;
	[tilespmem:s22+$0xFFFFFF10] =	vst v11;
	v11 =	vld [tilespmem:s18+$0xA0]  }
0xf2: {  	v22 =	vperm.xlane v7, v4;
	[tilespmem:s22+$0x90] =	vst v17;
	v14 =	vmul.f32 v14, v15;
	v15 =	vld [tilespmem:s18+$0x20]  }
0xf3: {  	[tilespmem:s20+$0x20] =	vst v13;
	v13 =	vld [tilespmem:s18+$0x1A0];
	v17 =	vmul.f32 v18, v19;
	v18 =	vperm.xlane v16, v4  }
0xf4: {  	v19 =	vld [tilespmem:s17+$0x130];
	[tilespmem:s20+$0xFFFFFFA0] =	vst v14;
	v14 =	vmul.f32 v21, v22;
	v21 =	vperm.xlane v20, v4  }
0xf5: {  	v22 =	vperm.xlane v23, v4;
	[tilespmem:s20+$0xFFFFFF20] =	vst v17;
	v17 =	vld [tilespmem:s17+$0xB0];
	v12 =	vmul.f32 v12, v18  }
0xf6: {  	v18 =	vld [tilespmem:s17+$0x30];
	[tilespmem:s20+$0xA0] =	vst v14;
	v14 =	vperm.xlane v6, v4;
	v11 =	vmul.f32 v11, v21  }
0xf7: {  	v8 =	vperm.xlane v8, v5;
	v21 =	vld [tilespmem:s17+$0x1B0];
	v15 =	vmul.f32 v15, v22;
	[tilespmem:s22+$0x20] =	vst v12  }
0xf8: {  	v9 =	vperm.xlane v9, v5;
	v12 =	vld [tilespmem:s18+$0x130];
	[tilespmem:s22+$0xFFFFFFA0] =	vst v11;
	v11 =	vmul.f32 v13, v14  }
0xf9: {  	v10 =	vperm.xlane v10, v5;
	v8 =	vmul.f32 v19, v8;
	[tilespmem:s22+$0xFFFFFF20] =	vst v15;
	v13 =	vld [tilespmem:s18+$0xB0]  }
0xfa: {  	v7 =	vperm.xlane v7, v5;
	v9 =	vmul.f32 v17, v9;
	v14 =	vld [tilespmem:s18+$0x30];
	[tilespmem:s22+$0xA0] =	vst v11  }
0xfb: {  	[tilespmem:s20+$0x30] =	vst v8;
	v8 =	vmul.f32 v18, v10;
	v10 =	vperm.xlane v16, v5;
	v11 =	vld [tilespmem:s18+$0x1B0]  }
0xfc: {  	[tilespmem:s20+$0xFFFFFFB0] =	vst v9;
	v7 =	vmul.f32 v21, v7;
	v9 =	vperm.xlane v20, v5  }
0xfd: {  	[tilespmem:s20+$0xFFFFFF30] =	vst v8;
	v8 =	vperm.xlane v23, v5;
	v10 =	vmul.f32 v12, v10  }
0xfe: {  	v6 =	vperm.xlane v6, v5;
	[tilespmem:s20+$0xB0] =	vst v7;
	v7 =	vmul.f32 v13, v9  }
0xff: {  	[tilespmem:s22+$0x30] =	vst v10;
	v8 =	vmul.f32 v14, v8  }
0x100: {  	[tilespmem:s22+$0xFFFFFFB0] =	vst v7;
	v6 =	vmul.f32 v11, v6  }
0x101: {  	[tilespmem:s22+$0xFFFFFF30] =	vst v8  }
0x102: {  	[tilespmem:s22+$0xB0] =	vst v6  }
0x103: {  	[spmem:s2] =	stream.indirect.scatter.add.f32 [tilespmem:s28], [sflag:$0x3], $0x80, s3, s9, $0xb8;
	[tilespmem:$0x1BA00] =	vst v63  }
0x104: {  	_ =	swait.ge [sflag:s29], $0x1800  }
0x105: {  	p0 =	seq.s32 s14, $0x6B;
	[sflag:s29] =	ssyncset.done $0x0  }
0x106: {  	s16 =	sadd.s32 @!p0 s10, s16;
	[sflag:s29] =	ssyncadd.s32 $0xFFFFE800  }
0x107: {  	s16 =	smul.u32 @!p0 $0xC, s16;
	_ =	swait.ge [sflag:s12], $0x3000  }
0x108: {  	[sflag:s12] =	ssyncset.done $0x0  }
0x109: {  	s16 =	sadd.s32 @!p0 s6, s16;
	s17 =	simm.s32 @!p0 $0x0;
	[sflag:s12] =	ssyncadd.s32 $0xFFFFD000  }
0x10a: {  	[tilespmem:s17], [sflag:$0x3] =	stream.linear.gather @!p0 [hbm4b:s16+s17], $0x60, $0x38;
	[tilespmem:$0x1BA00] =	vst v63  }
0x10b: {  	s16 =	simm.s32 @!p0 $0x3  }
0x10c: {  	_ =	swait.ge @!p0 [sflag:s16], $0x60  }
0x10d: {  	s15 =	smul.u32 $0x6, s15;
	[sflag:s16] =	ssyncset.done @!p0 $0x0  }
0x10e: {  	s18 =	simm.s32 @!p0 $0x180;
	[sflag:s16] =	ssyncadd.s32 @!p0 $0xFFFFFFA0;
	s16 =	simm.s32 @!p0 $0x60  }
0x10f: {  	[tilespmem:s18], [sflag:$0x1] =	stream.indirect.gather @!p0 [hbm4b:s5+s16], $0x80, s17, s16, $0xb8;
	[tilespmem:$0x1BA00] =	vst v63  }
0x110: {  	s15 =	sadd.s32 s7, s15  }
0x111: {  	[tilespmem:s3], [sflag:$0x3] =	stream.linear.gather [hbm4b:s15+s4], $0x30, $0x38;
	[tilespmem:$0x1BA00] =	vst v63  }
0x112: {  	_ =	swait.ge [sflag:s29], $0x30  }
0x113: {  	[sflag:s29] =	ssyncset.done $0x0  }
0x114: {  	s17 =	simm.s32 $0x3180;
	[sflag:s29] =	ssyncadd.s32 $0xFFFFFFD0  }
0x115: {  	v8 =	vld [tilespmem:s17+$0x18C0]  }
0x116: {  	v6 =	vld [tilespmem:s17+$0x1940]  }
0x117: {  	v9 =	vld [tilespmem:s17+$0x19C0]  }
0x118: {  	v10 =	vld [tilespmem:s17+$0x140]  }
0x119: {  	v11 =	vld [tilespmem:s17+$0x1C0]  }
0x11a: {  	v7 =	vld [tilespmem:s17+$0x1840]  }
0x11b: {  	v12 =	vld [tilespmem:s17+$0xC0];
	v14 =	vperm.xlane v6, v1  }
0x11c: {  	v13 =	vld [tilespmem:s17+$0x40];
	v9 =	vperm.xlane v9, v1  }
0x11d: {  	v6 =	vld [tilespmem:$0x7980];
	v10 =	vadd.f32 v14, v10  }
0x11e: {  	v8 =	vperm.xlane v8, v1;
	v9 =	vadd.f32 v9, v11  }
0x11f: {  	v7 =	vperm.xlane v7, v1;
	v11 =	vmul.f32 $2.000000030e-01, v10  }
0x120: {  	v8 =	vadd.f32 v8, v12;
	v12 =	vmul.f32 $2.000000030e-01, v9  }
0x121: {  	v7 =	vadd.f32 v7, v13;
	v10 =	vmax.f32 v10, v11  }
0x122: {  	v13 =	vmul.f32 $2.000000030e-01, v8;
	v9 =	vmax.f32 v9, v12;
	v10 =	vsub.f32 v10, v6  }
0x123: {  	v11 =	vmul.f32 $2.000000030e-01, v7;
	v9 =	vsub.f32 v9, v6  }
0x124: {  	v8 =	vmax.f32 v8, v13;
	v10 =	vmul.f32 $1.442695020e+00, v10  }
0x125: {  	s15 =	simm.s32 $0x3380;
	v8 =	vsub.f32 v8, v6;
	v7 =	vmax.f32 v7, v11;
	v9 =	vmul.f32 $1.442695020e+00, v9  }
0x126: {  	v14 =	vld [tilespmem:s15+$0xC0];
	v7 =	vsub.f32 v7, v6;
	(erf) = vpow2.f32 v10  }
0x127: {  	v12 =	vld [tilespmem:s15+$0x140];
	v8 =	vmul.f32 $1.442695020e+00, v8;
	(erf) = vpow2.f32 v9  }
0x128: {  	v7 =	vmul.f32 $1.442695020e+00, v7;
	v10 =	vld [tilespmem:s15+$0x1940]  }
0x129: {  	v11 =	vld [tilespmem:s15+$0x18C0];
	(erf) = vpow2.f32 v8  }
0x12a: {  	v9 =	vld [tilespmem:s15+$0x19C0];
	(erf) = vpow2.f32 v7  }
0x12b: {  	v13 =	vld [tilespmem:s15+$0x1840]  }
0x12c: {  	v7 =	vld [tilespmem:s15+$0x1C0]  }
0x12d: {  	v10 =	vperm.xlane v10, v1  }
0x12e: {  	v8 =	vld [tilespmem:s15+$0x40];
	v11 =	vperm.xlane v11, v1  }
0x12f: {  	s19 =	simm.s32 $0x6280;
	v9 =	vperm.xlane v9, v1;
	v10 =	vadd.f32 v10, v12;
	v17 =	vpop (erf)  }
0x130: {  	v11 =	vadd.f32 v11, v14;
	v16 =	vpop (erf);
	[tilespmem:s19+$0x40] =	vst v17  }
0x131: {  	v12 =	vperm.xlane v13, v1;
	v7 =	vadd.f32 v9, v7;
	v14 =	vmul.f32 $2.000000030e-01, v10;
	v15 =	vld [tilespmem:s17+$0x100];
	[tilespmem:s19+$0xC0] =	vst v16  }
0x132: {  	v18 =	vpop (erf);
	v21 =	vld [tilespmem:s17+$0x180]  }
0x133: {  	v8 =	vadd.f32 v12, v8;
	v24 =	vmul.f32 $2.000000030e-01, v7;
	v10 =	vmax.f32 v10, v14;
	v20 =	vpop (erf);
	[tilespmem:s19+$0xFFFFFFC0] =	vst v18  }
0x134: {  	v9 =	vperm.xlane v17, v2;
	v19 =	vperm.xlane v16, v2;
	v10 =	vsub.f32 v10, v6;
	[tilespmem:s19+$0xFFFFFF40] =	vst v20;
	v23 =	vld [tilespmem:s17+$0x80]  }
0x135: {  	v22 =	vperm.xlane v18, v2;
	v7 =	vmax.f32 v7, v24;
	v25 =	vperm.xlane v20, v2;
	v13 =	vld [tilespmem:s17+$0x0]  }
0x136: {  	s16 =	simm.s32 $0x3580;
	v7 =	vsub.f32 v7, v6;
	v10 =	vmul.f32 $1.442695020e+00, v10;
	v9 =	vmul.f32 v15, v9  }
0x137: {  	v26 =	vld [tilespmem:s16+$0x40];
	v15 =	vmul.f32 $2.000000030e-01, v11;
	v12 =	vmul.f32 v21, v19  }
0x138: {  	v27 =	vld [tilespmem:s16+$0x140];
	v7 =	vmul.f32 $1.442695020e+00, v7;
	[tilespmem:s19+$0x0] =	vst v9;
	v9 =	vmul.f32 $2.000000030e-01, v8  }
0x139: {  	(erf) = vpow2.f32 v10;
	v21 =	vld [tilespmem:s16+$0x1840];
	v14 =	vmul.f32 v23, v22;
	v11 =	vmax.f32 v11, v15;
	[tilespmem:s19+$0x80] =	vst v12  }
0x13a: {  	v12 =	vmul.f32 v13, v25;
	v11 =	vsub.f32 v11, v6;
	v13 =	vld [tilespmem:s17+$0x190];
	v8 =	vmax.f32 v8, v9  }
0x13b: {  	v30 =	vperm.xlane v18, v4;
	(erf) = vpow2.f32 v7;
	v19 =	vld [tilespmem:s17+$0x110];
	[tilespmem:s19+$0xFFFFFF80] =	vst v14;
	v8 =	vsub.f32 v8, v6  }
0x13c: {  	v9 =	vperm.xlane v18, v3;
	v11 =	vmul.f32 $1.442695020e+00, v11;
	[tilespmem:s19+$0xFFFFFF00] =	vst v12;
	v10 =	vld [tilespmem:s17+$0x90]  }
0x13d: {  	v12 =	vperm.xlane v16, v3;
	v7 =	vld [tilespmem:s17+$0x10];
	v8 =	vmul.f32 $1.442695020e+00, v8  }
0x13e: {  	v23 =	vld [tilespmem:s16+$0x1940];
	(erf) = vpow2.f32 v11;
	v11 =	vperm.xlane v17, v3  }
0x13f: {  	v25 =	vld [tilespmem:s16+$0x18C0];
	(erf) = vpow2.f32 v8;
	v13 =	vmul.f32 v13, v12  }
0x140: {  	v8 =	vld [tilespmem:s16+$0x19C0];
	v12 =	vperm.xlane v20, v3;
	v14 =	vmul.f32 v19, v11  }
0x141: {  	v62 =	vld [tilespmem:s16+$0xC0];
	v31 =	vperm.xlane v20, v4;
	v9 =	vmul.f32 v10, v9  }
0x142: {  	v22 =	vld [tilespmem:s16+$0x1C0];
	v15 =	vperm.xlane v17, v5;
	v7 =	vmul.f32 v7, v12;
	[tilespmem:s19+$0x10] =	vst v14  }
0x143: {  	v38 =	vperm.xlane v21, v1;
	v36 =	vperm.xlane v23, v1;
	[tilespmem:s19+$0xFFFFFF90] =	vst v9;
	v24 =	vld [tilespmem:s17+$0x120]  }
0x144: {  	v25 =	vperm.xlane v25, v1;
	v11 =	vperm.xlane v16, v5;
	[tilespmem:s19+$0xFFFFFF10] =	vst v7;
	v28 =	vld [tilespmem:s17+$0xA0]  }
0x145: {  	s18 =	simm.s32 $0x6480;
	v16 =	vperm.xlane v16, v4;
	[tilespmem:s19+$0x90] =	vst v13;
	v29 =	vperm.xlane v8, v1;
	v8 =	vpop (erf);
	v61 =	vld [tilespmem:s17+$0x20]  }
0x146: {  	v14 =	vperm.xlane v18, v5;
	v18 =	vperm.xlane v17, v4;
	v17 =	vld [tilespmem:s17+$0x1A0];
	v7 =	vpop (erf);
	[tilespmem:s18+$0x40] =	vst v8  }
0x147: {  	v12 =	vperm.xlane v20, v5;
	v34 =	vperm.xlane v8, v2;
	v9 =	vpop (erf);
	v35 =	vld [tilespmem:s15+$0x100];
	[tilespmem:s18+$0xC0] =	vst v7  }
0x148: {  	v20 =	vperm.xlane v7, v2;
	v37 =	vmul.f32 v24, v18;
	[tilespmem:s18+$0xFFFFFFC0] =	vst v9;
	v23 =	vld [tilespmem:s15+$0x180];
	v10 =	vpop (erf)  }
0x149: {  	v19 =	vperm.xlane v9, v2;
	v13 =	vperm.xlane v9, v3;
	v24 =	vadd.f32 v29, v22;
	v22 =	vld [tilespmem:s15+$0x80];
	[tilespmem:s18+$0xFFFFFF40] =	vst v10  }
0x14a: {  	v29 =	vadd.f32 v36, v27;
	v28 =	vmul.f32 v28, v30;
	v63 =	vmul.f32 v61, v31;
	[tilespmem:s19+$0x20] =	vst v37;
	v21 =	vld [tilespmem:s15+$0x0]  }
0x14b: {  	v27 =	vadd.f32 v25, v62;
	v18 =	vperm.xlane v10, v2;
	v31 =	vmul.f32 $2.000000030e-01, v24;
	v25 =	vld [tilespmem:s17+$0x130]  }
0x14c: {  	s20 =	simm.s32 $0x8;
	v26 =	vadd.f32 v38, v26;
	v32 =	vmul.f32 $2.000000030e-01, v29;
	v30 =	vmul.f32 v35, v34;
	[tilespmem:s19+$0xFFFFFF20] =	vst v63  }
.LBB2_7:
0x14d: {  	s20 =	sadd.s32 $0x4, s20;
	v24 =	vmax.f32 v24, v31;
	v20 =	vmul.f32 v23, v20;
	v23 =	vld [tilespmem:s17+$0x30];
	[tilespmem:s19+$0xFFFFFFA0] =	vst v28;
	v16 =	vmul.f32 v17, v16  }
0x14e: {  	v17 =	vmul.f32 $2.000000030e-01, v27;
	p0 =	slt.u32 s20, $0x2C;
	v28 =	vmax.f32 v29, v32;
	v19 =	vmul.f32 v22, v19;
	[tilespmem:s18+$0x0] =	vst v30;
	v22 =	vld [tilespmem:s17+$0xB0]  }
0x14f: {  	v29 =	vmul.f32 $2.000000030e-01, v26;
	v24 =	vsub.f32 v24, v6;
	v28 =	vsub.f32 v28, v6;
	v30 =	vld [tilespmem:s15+$0x110];
	[tilespmem:s18+$0x80] =	vst v20  }
0x150: {  	v17 =	vmax.f32 v27, v17;
	v18 =	vmul.f32 v21, v18;
	v20 =	vld [tilespmem:s15+$0x190];
	v15 =	vmul.f32 v25, v15;
	[tilespmem:s19+$0xA0] =	vst v16  }
0x151: {  	v16 =	vsub.f32 v17, v6;
	v17 =	vmul.f32 $1.442695020e+00, v28;
	[tilespmem:s18+$0xFFFFFF80] =	vst v19;
	v19 =	vperm.xlane v7, v3;
	v21 =	vld [tilespmem:s17+$0x1B0];
	s17 =	smov.u32 s15;
	s15 =	smov.u32 s16;
	s16 =	sadd.s32 $0x200, s16  }
0x152: {  	v25 =	vmax.f32 v26, v29;
	v24 =	vmul.f32 $1.442695020e+00, v24;
	v26 =	vperm.xlane v8, v3;
	v32 =	vld [tilespmem:s16+$0x40];
	[tilespmem:s19+$0x30] =	vst v15  }
0x153: {  	v15 =	vsub.f32 v25, v6;
	v16 =	vmul.f32 $1.442695020e+00, v16;
	v27 =	vld [tilespmem:s16+$0x1840];
	[tilespmem:s18+$0xFFFFFF00] =	vst v18;
	v14 =	vmul.f32 v22, v14  }
0x154: {  	v12 =	vmul.f32 v23, v12;
	(erf) = vpow2.f32 v17;
	v17 =	vld [tilespmem:s17+$0x90]  }
0x155: {  	v15 =	vmul.f32 $1.442695020e+00, v15;
	(erf) = vpow2.f32 v24;
	v18 =	vld [tilespmem:s17+$0x10];
	[tilespmem:s19+$0xFFFFFFB0] =	vst v14  }
0x156: {  	v22 =	vld [tilespmem:s16+$0x1C0];
	(erf) = vpow2.f32 v16;
	[tilespmem:s19+$0xFFFFFF30] =	vst v12;
	v11 =	vmul.f32 v21, v11  }
0x157: {  	v12 =	vmul.f32 v20, v19;
	v21 =	vld [tilespmem:s16+$0x18C0];
	(erf) = vpow2.f32 v15  }
0x158: {  	v14 =	vperm.xlane v10, v3;
	v15 =	vmul.f32 v30, v26;
	v19 =	vld [tilespmem:s16+$0x19C0];
	[tilespmem:s19+$0xB0] =	vst v11;
	s19 =	smov.u32 s18  }
0x159: {  	v25 =	vld [tilespmem:s16+$0x140];
	v13 =	vmul.f32 v17, v13;
	[tilespmem:s18+$0x90] =	vst v12  }
0x15a: {  	v11 =	vperm.xlane v7, v5;
	v23 =	vld [tilespmem:s16+$0x1940];
	v16 =	vmul.f32 v18, v14;
	[tilespmem:s18+$0x10] =	vst v15  }
0x15b: {  	v12 =	vperm.xlane v10, v5;
	v14 =	vperm.xlane v9, v5;
	s18 =	sadd.s32 $0x200, s18;
	[tilespmem:s19+$0xFFFFFF90] =	vst v13;
	v18 =	vld [tilespmem:s17+$0x120]  }
0x15c: {  	v15 =	vperm.xlane v8, v5;
	[tilespmem:s19+$0xFFFFFF10] =	vst v16;
	v26 =	vld [tilespmem:s17+$0xA0];
	v16 =	vperm.xlane v7, v4  }
0x15d: {  	v28 =	vperm.xlane v9, v4;
	v13 =	vperm.xlane v19, v1;
	v19 =	vpop (erf);
	v17 =	vld [tilespmem:s17+$0x1A0]  }
0x15e: {  	v29 =	vperm.xlane v8, v4;
	v30 =	vperm.xlane v10, v4;
	v7 =	vpop (erf);
	v31 =	vld [tilespmem:s17+$0x20];
	v8 =	vmov v19  }
0x15f: {  	v33 =	vld [tilespmem:s16+$0xC0];
	v24 =	vadd.f32 v13, v22;
	[tilespmem:s18+$0x40] =	vst v8;
	v34 =	vperm.xlane v8, v2;
	v20 =	vperm.xlane v7, v2;
	v9 =	vpop (erf)  }
0x160: {  	v19 =	vperm.xlane v9, v2;
	v13 =	vperm.xlane v9, v3;
	v35 =	vld [tilespmem:s15+$0x100];
	[tilespmem:s18+$0xC0] =	vst v7;
	v10 =	vpop (erf)  }
.Ltmp2:
0x161: {  	v36 =	vperm.xlane v23, v1;
	v37 =	vmul.f32 v18, v29;
	[tilespmem:s18+$0xFFFFFFC0] =	vst v9;
	v23 =	vld [tilespmem:s15+$0x180];
	(pc) =	sbr.rel @p0 .LBB2_7-.Ltmp2, $4  }
0x162: {  	v38 =	vperm.xlane v21, v1;
	v18 =	vperm.xlane v10, v2;
	[tilespmem:s18+$0xFFFFFF40] =	vst v10;
	v22 =	vld [tilespmem:s15+$0x80]  }
0x163: {  	v39 =	vperm.xlane v27, v1;
	v29 =	vadd.f32 v36, v25;
	v21 =	vld [tilespmem:s15+$0x0];
	v36 =	vmul.f32 v31, v30;
	[tilespmem:s19+$0x20] =	vst v37  }
0x164: {  	v28 =	vmul.f32 v26, v28;
	v31 =	vmul.f32 $2.000000030e-01, v24;
	v27 =	vadd.f32 v38, v33;
	v25 =	vld [tilespmem:s17+$0x130]  }
0x165: {  	v26 =	vadd.f32 v39, v32;
	v32 =	vmul.f32 $2.000000030e-01, v29;
	v30 =	vmul.f32 v35, v34;
	[tilespmem:s19+$0xFFFFFF20] =	vst v36  }
0x166: {  	_ = 	snop  }
0x167: {  	v37 =	vmul.f32 $2.000000030e-01, v27;
	v29 =	vmax.f32 v29, v32  }
0x168: {  	v24 =	vmax.f32 v24, v31;
	v38 =	vmul.f32 $2.000000030e-01, v26;
	v29 =	vsub.f32 v29, v6  }
0x169: {  	v24 =	vsub.f32 v24, v6;
	v27 =	vmax.f32 v27, v37  }
0x16a: {  	v27 =	vsub.f32 v27, v6;
	v26 =	vmax.f32 v26, v38;
	v29 =	vmul.f32 $1.442695020e+00, v29  }
0x16b: {  	v24 =	vmul.f32 $1.442695020e+00, v24;
	v6 =	vsub.f32 v26, v6  }
0x16c: {  	v39 =	vmul.f32 $1.442695020e+00, v27;
	(erf) = vpow2.f32 v29  }
0x16d: {  	v6 =	vmul.f32 $1.442695020e+00, v6;
	(erf) = vpow2.f32 v24  }
0x16e: {  	(erf) = vpow2.f32 v39  }
0x16f: {  	(erf) = vpow2.f32 v6  }
0x170: {  	[tilespmem:s19+$0xFFFFFFA0] =	vst v28;
	v6 =	vmul.f32 v23, v20  }
0x171: {  	v16 =	vmul.f32 v17, v16;
	[tilespmem:s18+$0x0] =	vst v30  }
0x172: {  	v40 =	vmul.f32 v22, v19;
	[tilespmem:s18+$0x80] =	vst v6;
	v6 =	vmul.f32 v25, v15  }
0x173: {  	[tilespmem:s19+$0xA0] =	vst v16  }
0x174: {  	v42 =	vld [tilespmem:s17+$0x30];
	[tilespmem:s18+$0xFFFFFF80] =	vst v40  }
0x175: {  	s20 =	sadd.s32 $0x200, s18;
	v41 =	vld [tilespmem:s17+$0xB0];
	[tilespmem:s19+$0x30] =	vst v6;
	v16 =	vpop (erf)  }
0x176: {  	v43 =	vld [tilespmem:s17+$0x1B0];
	v6 =	vpop (erf);
	[tilespmem:s20+$0x40] =	vst v16  }
0x177: {  	v20 =	vpop (erf);
	v44 =	vld [tilespmem:s16+$0x100];
	[tilespmem:s20+$0xC0] =	vst v6  }
0x178: {  	v18 =	vmul.f32 v21, v18;
	v23 =	vpop (erf);
	[tilespmem:s20+$0xFFFFFFC0] =	vst v20;
	v48 =	vld [tilespmem:s16+$0x180]  }
0x179: {  	v12 =	vmul.f32 v42, v12;
	[tilespmem:s20+$0xFFFFFF40] =	vst v23;
	v45 =	vld [tilespmem:s16+$0x80]  }
0x17a: {  	[tilespmem:s18+$0xFFFFFF00] =	vst v18;
	v14 =	vmul.f32 v41, v14;
	v47 =	vperm.xlane v16, v2;
	v46 =	vld [tilespmem:s16+$0x0]  }
0x17b: {  	v49 =	vld [tilespmem:s15+$0x110];
	[tilespmem:s19+$0xFFFFFF30] =	vst v12;
	v11 =	vmul.f32 v43, v11;
	v54 =	vperm.xlane v6, v2  }
0x17c: {  	[tilespmem:s19+$0xFFFFFFB0] =	vst v14;
	v55 =	vld [tilespmem:s15+$0x190];
	v50 =	vperm.xlane v20, v2;
	v17 =	vmul.f32 v44, v47  }
0x17d: {  	v51 =	vld [tilespmem:s15+$0x90];
	[tilespmem:s19+$0xB0] =	vst v11;
	v52 =	vperm.xlane v23, v2;
	v11 =	vmul.f32 v48, v54  }
0x17e: {  	v56 =	vperm.xlane v8, v3;
	v53 =	vld [tilespmem:s15+$0x10];
	v14 =	vmul.f32 v45, v50;
	[tilespmem:s20+$0x0] =	vst v17  }
0x17f: {  	v61 =	vperm.xlane v7, v3;
	v12 =	vmul.f32 v46, v52;
	v57 =	vld [tilespmem:s16+$0x110];
	[tilespmem:s20+$0x80] =	vst v11  }
0x180: {  	v59 =	vmul.f32 v49, v56;
	[tilespmem:s20+$0xFFFFFF80] =	vst v14;
	v63 =	vld [tilespmem:s16+$0x190]  }
0x181: {  	v58 =	vperm.xlane v10, v3;
	v18 =	vmul.f32 v55, v61;
	[tilespmem:s20+$0xFFFFFF00] =	vst v12;
	v60 =	vld [tilespmem:s16+$0x90]  }
0x182: {  	v13 =	vmul.f32 v51, v13;
	[tilespmem:s18+$0x10] =	vst v59;
	v28 =	vperm.xlane v16, v3;
	v62 =	vld [tilespmem:s16+$0x10]  }
0x183: {  	v29 =	vld [tilespmem:s15+$0x120];
	v34 =	vperm.xlane v6, v3;
	[tilespmem:s18+$0x90] =	vst v18;
	v14 =	vmul.f32 v53, v58  }
0x184: {  	[tilespmem:s18+$0xFFFFFF90] =	vst v13;
	v30 =	vperm.xlane v20, v3;
	v35 =	vld [tilespmem:s15+$0x1A0];
	v15 =	vmul.f32 v57, v28  }
0x185: {  	v31 =	vld [tilespmem:s15+$0xA0];
	v32 =	vperm.xlane v23, v3;
	[tilespmem:s18+$0xFFFFFF10] =	vst v14;
	v17 =	vmul.f32 v63, v34  }
0x186: {  	v36 =	vperm.xlane v8, v4;
	v33 =	vld [tilespmem:s15+$0x20];
	v12 =	vmul.f32 v60, v30;
	[tilespmem:s20+$0x10] =	vst v15  }
0x187: {  	v41 =	vperm.xlane v7, v4;
	v11 =	vmul.f32 v62, v32;
	v38 =	vld [tilespmem:s16+$0x120];
	[tilespmem:s20+$0x90] =	vst v17  }
0x188: {  	v37 =	vperm.xlane v9, v4;
	v13 =	vmul.f32 v29, v36;
	[tilespmem:s20+$0xFFFFFF90] =	vst v12;
	v44 =	vld [tilespmem:s16+$0x1A0]  }
0x189: {  	v39 =	vperm.xlane v10, v4;
	v47 =	vmul.f32 v35, v41;
	[tilespmem:s20+$0xFFFFFF10] =	vst v11;
	v40 =	vld [tilespmem:s16+$0xA0]  }
0x18a: {  	[tilespmem:s18+$0x20] =	vst v13;
	v45 =	vperm.xlane v16, v4;
	v14 =	vmul.f32 v31, v37;
	v42 =	vld [tilespmem:s16+$0x20]  }
0x18b: {  	v46 =	vld [tilespmem:s15+$0x130];
	v52 =	vperm.xlane v6, v4;
	[tilespmem:s18+$0xA0] =	vst v47;
	v43 =	vmul.f32 v33, v39  }
0x18c: {  	v48 =	vperm.xlane v20, v4;
	v54 =	vld [tilespmem:s15+$0x1B0];
	[tilespmem:s18+$0xFFFFFFA0] =	vst v14;
	v12 =	vmul.f32 v38, v45  }
0x18d: {  	v50 =	vperm.xlane v23, v4;
	v49 =	vld [tilespmem:s15+$0xB0];
	[tilespmem:s18+$0xFFFFFF20] =	vst v43;
	v56 =	vmul.f32 v44, v52  }
0x18e: {  	v53 =	vperm.xlane v8, v5;
	v51 =	vld [tilespmem:s15+$0x30];
	v11 =	vmul.f32 v40, v48;
	[tilespmem:s20+$0x20] =	vst v12  }
0x18f: {  	v7 =	vperm.xlane v7, v5;
	v15 =	vmul.f32 v42, v50;
	v12 =	vld [tilespmem:s16+$0x130];
	[tilespmem:s20+$0xA0] =	vst v56  }
0x190: {  	v55 =	vperm.xlane v9, v5;
	v8 =	vmul.f32 v46, v53;
	[tilespmem:s20+$0xFFFFFFA0] =	vst v11;
	v11 =	vld [tilespmem:s16+$0x1B0]  }
0x191: {  	v57 =	vperm.xlane v10, v5;
	v7 =	vmul.f32 v54, v7;
	[tilespmem:s20+$0xFFFFFF20] =	vst v15;
	v58 =	vld [tilespmem:s16+$0xB0]  }
0x192: {  	v61 =	vperm.xlane v16, v5;
	[tilespmem:s18+$0x30] =	vst v8;
	v9 =	vmul.f32 v49, v55;
	v59 =	vld [tilespmem:s16+$0x30]  }
0x193: {  	v6 =	vperm.xlane v6, v5;
	[tilespmem:s18+$0xB0] =	vst v7;
	v60 =	vmul.f32 v51, v57  }
0x194: {  	v62 =	vperm.xlane v20, v5;
	[tilespmem:s18+$0xFFFFFFB0] =	vst v9;
	v10 =	vmul.f32 v12, v61  }
0x195: {  	v63 =	vperm.xlane v23, v5;
	[tilespmem:s18+$0xFFFFFF30] =	vst v60;
	v6 =	vmul.f32 v11, v6  }
0x196: {  	v7 =	vmul.f32 v58, v62;
	[tilespmem:s20+$0x30] =	vst v10  }
0x197: {  	s14 =	sadd.s32 $0x1, s14;
	v8 =	vmul.f32 v59, v63;
	[tilespmem:s20+$0xB0] =	vst v6  }
0x198: {  	p0 =	sne.s32 s14, $0x6C;
	[tilespmem:s20+$0xFFFFFFB0] =	vst v7  }
.Ltmp3:
0x199: {  	[tilespmem:s20+$0xFFFFFF30] =	vst v8;
	(pc) =	sbr.rel @p0 .LBB2_4-.Ltmp3, $4  }
0x19a: {  	[spmem:s2] =	stream.indirect.scatter.add.f32 [tilespmem:s28], [sflag:$0x3], $0x80, s3, s9, $0xb8;
	[tilespmem:$0x1BA00] =	vst v63  }
0x19b: {  	_ =	swait.ge [sflag:s29], $0x1800  }
0x19c: {  	[sflag:s29] =	ssyncset.done $0x0  }
0x19d: {  	[sflag:s29] =	ssyncadd.s32 $0xFFFFE800  }
0x19e: {  	s14 =	stileid.u32  }
0x19f: {  	[bflag:$0x0] =	sbarrier.arrive $0xFFFF;
	s14 =	sshll.u32 s14, $0x6  }
0x1a0: {  	s15 =	sshrl.u32 s11, $0x3;
	s16 =	rddreg [dreg:$0x5];
	s14 =	sor.u32 $0x1C03, s14  }
0x1a1: {  	[hbm:s16], [sflag:s14] =	dma.local [spmem:s15], $0x2800  }
0x1a2: {  	_ =	swait.ge [sflag:s29], $0x2800  }
0x1a3: {  	s13 =	sadd.s32 $0x1, s13;
	s22 =	rddreg [dreg:$0x6]  }
0x1a4: {  	p0 =	sne.s32 s13, s22  }
.Ltmp4:
0x1a5: {  	_ = 	snop;
	(pc) =	sbr.rel @p0 .LBB2_1-.Ltmp4, $3  }
0x1a6: {  	_ =	sdelay $0x1  }
0x1a7: {  	[sflag:s29] =	ssyncset.done $0x0  }
0x1a8: {  	[sflag:s29] =	ssyncadd.s32 $0xFFFFD800  }
0x1a9: {  	_ =	sfence.sel $0x180000  }
0x1aa: {  	[bflag:$0x0] =	sbarrier.arrive $0xFFFF  }
0x1ab: {  	_ =	strace $0x9000004D  }
0x1ac: {  	s0 =	stileid.u32;
	[bflag:$0x2] =	sbarrier.arrive $0xFFFF  }
0x1ad: {  	p0 =	sne.s32 s0, $0x0;
	s0 =	rddreg [dreg:$0x3]  }
0x1ae: {  	s0 =	sadd.s32 @!p0 $0x100000, s0  }
0x1af: {  	[sflag:s0] =	ssyncadd.tile.s32 @!p0 $0x1;
	_ =	shalt  }
.Lfunc_end2:
_tile_overlayer_lowered:
.L_overlay_start_2:
0x1b0: {  	(tag) =	ssettag $0x2  }
0x1b1: {  	s0 =	rddreg [dreg:$0x0];
	s2 =	stileid.u32  }
0x1b2: {  	s1 =	rddreg [dreg:$0x1];
	p0 =	sne.s32 s2, $0x0  }
0x1b3: {  	s3 =	rddreg [dreg:$0x2];
	[bflag:$0x3] =	sbarrier.arrive $0xFFFF;
	s2 =	simm.s32 @!p0 $0x1C03  }
0x1b4: {  	[timem:s3], [sflag:s2] =	dma.local @!p0 [hbm:s0], s1  }
0x1b5: {  	s0 =	simm.s32 @!p0 $0x3  }
0x1b6: {  	_ =	swait.ge @!p0 [sflag:s0], s1  }
0x1b7: {  	s1 =	ssub.s32 @!p0 $0x0, s1;
	[sflag:s0] =	ssyncset.done @!p0 $0x0  }
0x1b8: {  	[sflag:s0] =	ssyncadd.s32 @!p0 s1  }
0x1b9: {  	[bflag:$0x3] =	sbarrier.arrive $0xFFFF  }
0x1ba: {  	_ =	shalt  }

</sc_bundles>
